<compile_context>
chip_gen: v7x
topology: tpu7x:2x2x1
jax: 0.10.2.dev20260603
libtpu: 0.0.44.dev20260713+nightly
codegen_flags: <defaults>
</compile_context>

<pallas_src>
import dataclasses
import functools

import jax
import jax.numpy as jnp
from jax import lax
from jax.experimental import pallas as pl
from jax.experimental.pallas import tpu as pltpu
from jax.experimental.pallas import tpu_sc as plsc

F32 = jnp.float32
_NC = 2
_NS = 16
_CH = 128
_IG = 40
_G = 64


def _sc_mesh():
    return plsc.VectorSubcoreMesh(core_axis_name="c", subcore_axis_name="s")


def _sc_vector_params():
    cp = pltpu.CompilerParams()
    if "needs_layout_passes" in pltpu.CompilerParams.__dataclass_fields__:
        cp = dataclasses.replace(cp, needs_layout_passes=False)
    return cp


@functools.cache
def _make_deg_kernel(n_pad: int, p: int):
    assert n_pad <= 128 * 128

    @functools.partial(
        pl.kernel,
        mesh=_sc_mesh(),
        out_type=jax.ShapeDtypeStruct((_NC * 128, 128), F32),
        compiler_params=_sc_vector_params(),
        scratch_types=[
            pltpu.VMEM((p, _CH), jnp.int32),
            pltpu.VMEM((128, 128), F32),
            pltpu.VMEM((1, 128), jnp.int32),
            pltpu.VMEM_SHARED((128, 128), F32),
        ],
    )
    def deg_kernel(dst_hbm, out_hbm, idxd, tbl, idxrow, acc):
        c = lax.axis_index("c")
        s = lax.axis_index("s")
        wid = c * _NS + s

        @pl.loop(0, 128)
        def _(r):
            for l in range(8):
                tbl[r, pl.ds(l * 16, 16)] = jnp.zeros((16,), F32)

        for k in range(8):
            idxrow[0, pl.ds(k * 16, 16)] = lax.iota(jnp.int32, 16) + 16 * k

        pltpu.sync_copy(tbl.at[pl.ds(0, 8)], acc.at[pl.ds(s * 8, 8)])
        pltpu.sync_copy(dst_hbm.at[pl.ds(wid * p, p)], idxd)
        ones_v = jnp.ones((16,), F32)

        @pl.loop(0, p)
        def _(j):
            for k in range(8):
                idx = idxd[j, pl.ds(k * 16, 16)]
                hi = lax.shift_right_logical(idx, 7)
                lo = jnp.bitwise_and(idx, 127)
                plsc.addupdate_scatter(tbl, [hi, lo], ones_v)

        plsc.subcore_barrier()
        pltpu.sync_copy(tbl, acc.at[idxrow.at[0]], add=True)
        plsc.subcore_barrier()
        pltpu.sync_copy(acc.at[pl.ds(s * 8, 8)],
                        out_hbm.at[pl.ds(c * 128 + s * 8, 8)])

    return deg_kernel


@functools.cache
def _make_agg_kernel(n_pad: int, p0: int, p1: int, d: int):
    rps = n_pad // _NS

    @functools.partial(
        pl.kernel,
        mesh=_sc_mesh(),
        out_type=jax.ShapeDtypeStruct((_NC * n_pad, d), F32),
        compiler_params=_sc_vector_params(),
        scratch_types=[
            pltpu.VMEM((_IG, _CH), jnp.int32),
            pltpu.VMEM((_IG, _CH), jnp.int32),
            pltpu.VMEM((_CH, d), F32),
            pltpu.VMEM((_CH, d), F32),
            pltpu.VMEM_SHARED((n_pad, d), F32),
            pltpu.SemaphoreType.DMA,
            pltpu.SemaphoreType.DMA,
        ],
    )
    def agg_kernel(y_hbm, src_hbm, dst_hbm, out_hbm,
                   idxs, idxd, rows0, rows1, acc, sem0, sem1):
        c = lax.axis_index("c")
        s = lax.axis_index("s")
        r0 = s * rps

        @pl.loop(0, _CH)
        def _(r):
            for l in range(d // 16):
                rows0[r, pl.ds(l * 16, 16)] = jnp.zeros((16,), F32)

        off = 0
        while off < rps:
            step = min(_CH, rps - off)
            pltpu.sync_copy(rows0.at[pl.ds(0, step)],
                            acc.at[pl.ds(r0 + off, step)])
            off += step
        plsc.subcore_barrier()

        my_base = jnp.where(c == 0, s * p0, _NS * p0 + s * p1)
        n_groups = jnp.where(c == 0, p0 // _IG, p1 // _IG)

        @pl.loop(0, n_groups)
        def _(g):
            base = my_base + g * _IG
            pltpu.sync_copy(src_hbm.at[pl.ds(base, _IG)], idxs)
            pltpu.sync_copy(dst_hbm.at[pl.ds(base, _IG)], idxd)
            pltpu.async_copy(y_hbm.at[idxs.at[0]], rows0, sem0)

            @pl.loop(0, _IG // 2)
            def _(t):
                j = 2 * t
                pltpu.async_copy(y_hbm.at[idxs.at[j + 1]], rows1, sem1)
                pltpu.make_async_copy(y_hbm.at[idxs.at[j]], rows0, sem0).wait()
                pltpu.sync_copy(rows0, acc.at[idxd.at[j]], add=True)

                @pl.when(t + 1 < _IG // 2)
                def _():
                    pltpu.async_copy(y_hbm.at[idxs.at[j + 2]], rows0, sem0)

                pltpu.make_async_copy(y_hbm.at[idxs.at[j + 1]], rows1, sem1).wait()
                pltpu.sync_copy(rows1, acc.at[idxd.at[j + 1]], add=True)

        plsc.subcore_barrier()
        pltpu.sync_copy(acc.at[pl.ds(r0, rps)],
                        out_hbm.at[pl.ds(c * n_pad + r0, rps)])

    return agg_kernel


def _matmul_body(x_ref, w_ref, o_ref):
    o_ref[...] = jnp.dot(x_ref[...], w_ref[...],
                         precision=lax.Precision.DEFAULT,
                         preferred_element_type=F32)


def _scale_body(n_pad, xw_ref, degp_ref, y_ref, dis_ref):
    degp = degp_ref[...]
    dis2d = lax.rsqrt(1.0 + degp[:128, :] + degp[128:, :])
    eye = (lax.broadcasted_iota(jnp.int32, (128, 128), 0)
           == lax.broadcasted_iota(jnp.int32, (128, 128), 1)).astype(F32)
    dis_t = lax.dot_general(eye, dis2d, (((1,), (1,)), ((), ())),
                            precision=lax.Precision.DEFAULT,
                            preferred_element_type=F32)
    for b in range(n_pad // 128):
        dcol = dis_t[:, b:b + 1]
        y_ref[pl.ds(b * 128, 128), :] = xw_ref[pl.ds(b * 128, 128), :] * dcol
        dis_ref[pl.ds(b * 128, 128), :] = jnp.broadcast_to(dcol, (128, 16))


def _layer2_body(n_pad, y1_ref, s_ref, dis_ref, b1_ref, w2_ref, y2_ref):
    dis = dis_ref[...][:, :1]
    z = (y1_ref[...] + s_ref[:n_pad, :] + s_ref[n_pad:, :]) * dis + b1_ref[...]
    h1 = jnp.maximum(z, 0.0)
    y2_ref[...] = jnp.dot(h1, w2_ref[...],
                          precision=lax.Precision.DEFAULT,
                          preferred_element_type=F32) * dis


def _final_body(n_pad, y2_ref, s_ref, dis_ref, b2_ref, batch_ref, wp_ref,
                bp_ref, o_ref):
    dis = dis_ref[...][:, :1]
    h2 = (y2_ref[...] + s_ref[:n_pad, :] + s_ref[n_pad:, :]) * dis + b2_ref[...]
    gids = lax.broadcasted_iota(jnp.int32, (1, _G), 1)
    onehot = (batch_ref[...] == gids).astype(F32)
    dn = (((0,), (0,)), ((), ()))
    sums = lax.dot_general(onehot, h2, dn,
                           precision=lax.Precision.DEFAULT,
                           preferred_element_type=F32)
    counts = lax.dot_general(onehot, jnp.ones((n_pad, 1), F32), dn,
                             precision=lax.Precision.DEFAULT,
                             preferred_element_type=F32)
    pooled = sums / jnp.maximum(counts, 1.0)
    o_ref[...] = jnp.dot(pooled, wp_ref[...],
                         precision=lax.Precision.DEFAULT,
                         preferred_element_type=F32) + bp_ref[...]


def kernel(x, edge_index, batch, W1, b1, W2, b2, Wp, bp):
    n, d_in = x.shape
    d_hid = W1.shape[1]
    d_out = Wp.shape[1]
    e = edge_index.shape[1]

    n_pad = ((n // 128) + 1) * 128
    block = _NC * _NS * _CH * 8
    e_pad = ((e + block - 1) // block) * block
    n_chunks = e_pad // _CH
    p = n_chunks // (_NC * _NS)
    pt = n_chunks // _NS
    p0 = pt // 2
    p1 = pt - p0

    assert e % _CH == 0
    e3 = edge_index.reshape(2, e // _CH, _CH)
    ar = jnp.arange((n_chunks - e // _CH) * _CH, dtype=jnp.int32)
    pad_block = (n + ar % (n_pad - n)).reshape(-1, _CH)
    src = jnp.concatenate([e3[0], pad_block], axis=0)
    dst = jnp.concatenate([e3[1], pad_block], axis=0)
    xp = jnp.pad(x, ((0, n_pad - n), (0, 0)))
    batch_p = jnp.concatenate(
        [batch, jnp.full((n_pad - n,), _G, jnp.int32)]).reshape(n_pad, 1)

    deg_k = _make_deg_kernel(n_pad, p)
    agg_k = _make_agg_kernel(n_pad, p0, p1, d_hid)

    degp = deg_k(dst)

    xw1 = pl.pallas_call(
        _matmul_body,
        out_shape=jax.ShapeDtypeStruct((n_pad, d_hid), F32),
    )(xp, W1)

    y1, dis = pl.pallas_call(
        functools.partial(_scale_body, n_pad),
        out_shape=[jax.ShapeDtypeStruct((n_pad, d_hid), F32),
                   jax.ShapeDtypeStruct((n_pad, 16), F32)],
    )(xw1, degp)

    s1 = agg_k(y1, src, dst)

    y2 = pl.pallas_call(
        functools.partial(_layer2_body, n_pad),
        out_shape=jax.ShapeDtypeStruct((n_pad, d_hid), F32),
    )(y1, s1, dis, b1.reshape(1, -1), W2)

    s2 = agg_k(y2, src, dst)

    out = pl.pallas_call(
        functools.partial(_final_body, n_pad),
        out_shape=jax.ShapeDtypeStruct((_G, d_out), F32),
    )(y2, s2, dis, b2.reshape(1, -1), batch_p, Wp, bp.reshape(1, -1))

    return out

# --- scband reference (transcript-rebuilt; emitter-appended) ---
"""Pipeline reference for scband-multi-layer-gcn-59115929862863 (READ-ONLY COPY).

The authoritative reference and input builder live on the scoring server;
editing this copy changes nothing except your own understanding.
"""

import jax, jax.numpy as jnp
import numpy as np

N = 10000
E = 320000
D_IN = 128
D_HID = 128
D_OUT = 64
NUM_GRAPHS = 64


def setup_inputs(seed: int = 0) -> dict:
    key = jax.random.key(seed)
    ks = jax.random.split(key, 8)
    x = jax.random.normal(ks[0], (N, D_IN), dtype=jnp.float32)
    edge_index = jax.random.randint(ks[1], (2, E), 0, N, dtype=jnp.int32)
    batch = jnp.sort(jax.random.randint(ks[2], (N,), 0, NUM_GRAPHS, dtype=jnp.int32))
    W1 = jax.random.normal(ks[3], (D_IN, D_HID), dtype=jnp.float32) * (1.0 / np.sqrt(D_IN))
    b1 = jnp.zeros((D_HID,), dtype=jnp.float32)
    W2 = jax.random.normal(ks[4], (D_HID, D_HID), dtype=jnp.float32) * (1.0 / np.sqrt(D_HID))
    b2 = jnp.zeros((D_HID,), dtype=jnp.float32)
    Wp = jax.random.normal(ks[5], (D_HID, D_OUT), dtype=jnp.float32) * (1.0 / np.sqrt(D_HID))
    bp = jnp.zeros((D_OUT,), dtype=jnp.float32)
    return {"x": x, "edge_index": edge_index, "batch": batch, "W1": W1, "b1": b1, "W2": W2, "b2": b2, "Wp": Wp, "bp": bp}


def _gcn_conv(x, src, dst, W, b, n):
    # GCNConv: x' = D^{-1/2} (A + I) D^{-1/2} X W + b  (self-loops already in src/dst)
    xw = x @ W
    deg = jnp.zeros((n,), jnp.float32).at[dst].add(1.0)
    deg_inv_sqrt = jnp.where(deg > 0, jax.lax.rsqrt(jnp.maximum(deg, 1e-12)), 0.0)
    norm = deg_inv_sqrt[src] * deg_inv_sqrt[dst]
    msg = xw[src] * norm[:, None]
    out = jnp.zeros((n, W.shape[1]), jnp.float32).at[dst].add(msg)
    return out + b


def reference(x, edge_index, batch, W1, b1, W2, b2, Wp, bp):
    n = x.shape[0]
    loop = jnp.arange(n, dtype=edge_index.dtype)
    src = jnp.concatenate([edge_index[0], loop])
    dst = jnp.concatenate([edge_index[1], loop])
    # layer 1 + relu (dropout p=0.0 is identity)
    h = jax.nn.relu(_gcn_conv(x, src, dst, W1, b1, n))
    # layer 2 (last layer, no relu)
    h = _gcn_conv(h, src, dst, W2, b2, n)
    # global mean pool over batch assignment
    ones = jnp.ones((n,), jnp.float32)
    counts = jax.ops.segment_sum(ones, batch, num_segments=NUM_GRAPHS)
    sums = jax.ops.segment_sum(h, batch, num_segments=NUM_GRAPHS)
    pooled = sums / jnp.maximum(counts, 1.0)[:, None]
    # prediction head
    return pooled @ Wp + bp

if __name__ == "__main__":
    import jax
    _d = setup_inputs()
    print(jax.jit(kernel)(*tuple(_d.values())))

</pallas_src>

<mosaic_0001>
#map = affine_map<(d0, d1) -> (0, 0)>
module attributes {stable_mosaic.version = 14 : i64} {
  func.func @deg_kernel(%arg0: i32, %arg1: i32, %arg2: memref<2560x128xi32, #tpu.memory_space<hbm>>, %arg3: memref<256x128xf32, #tpu.memory_space<hbm>>, %arg4: memref<80x128xi32, #tpu.memory_space<vmem>>, %arg5: memref<128x128xf32, #tpu.memory_space<vmem>>, %arg6: memref<1x128xi32, #tpu.memory_space<vmem>>, %arg7: memref<128x128xf32, #tpu.memory_space<vmem_shared>>) attributes {dimension_semantics = [#tpu.dimension_semantics<core_parallel>, #tpu.dimension_semantics<subcore_parallel>], iteration_bounds = array<i64: 2, 16>, scalar_prefetch = 0 : i64, scratch_operands = 4 : i64, tpu.core_type = #tpu.core_type<sc_vector_subcore>, window_params = [{transform_indices = #map}, {transform_indices = #map}]} {
    %mul3A = arith.constant 16 : i32
    %mul3A_0 = arith.muli %arg0, %mul3A : i32
    %add3A = arith.addi %mul3A_0, %arg1 : i32
    %scan3A = arith.constant 0 : i32
    %scan3A_1 = arith.constant 128 : i32
    %scan3A_2 = arith.addi %scan3A, %scan3A_1 : i32
    %scan3A_3 = arith.constant 1 : i32
    scf.for %scan3A_85 = %scan3A to %scan3A_2 step %scan3A_3  : i32 {
      %mul3A_86 = arith.constant 1 : i32
      %mul3A_87 = arith.muli %scan3A_85, %mul3A_86 : i32
      %add3A_88 = arith.constant 0 : i32
      %add3A_89 = arith.addi %add3A_88, %mul3A_87 : i32
      %broadcast_in_dim3A_90 = arith.constant 0.000000e+00 : f32
      %broadcast_in_dim3A_91 = vector.broadcast %broadcast_in_dim3A_90 : f32 to vector<16xf32>
      %swap3A_92 = arith.index_cast %add3A_89 : i32 to index
      %swap3A_93 = arith.constant 0 : index
      %swap3A_94 = tpu.vector_load %arg5[%swap3A_92, %swap3A_93] {strides = array<i32>} : memref<128x128xf32, #tpu.memory_space<vmem>>, vector<16xf32>,
      tpu.vector_store %arg5[%swap3A_92, %swap3A_93], %broadcast_in_dim3A_91 {strides = array<i32>} : memref<128x128xf32, #tpu.memory_space<vmem>>, vector<16xf32>,
      %broadcast_in_dim3A_95 = arith.constant 0.000000e+00 : f32
      %broadcast_in_dim3A_96 = vector.broadcast %broadcast_in_dim3A_95 : f32 to vector<16xf32>
      %swap3A_97 = arith.index_cast %add3A_89 : i32 to index
      %swap3A_98 = arith.constant 16 : index
      %swap3A_99 = tpu.vector_load %arg5[%swap3A_97, %swap3A_98] {strides = array<i32>} : memref<128x128xf32, #tpu.memory_space<vmem>>, vector<16xf32>,
      tpu.vector_store %arg5[%swap3A_97, %swap3A_98], %broadcast_in_dim3A_96 {strides = array<i32>} : memref<128x128xf32, #tpu.memory_space<vmem>>, vector<16xf32>,
      %broadcast_in_dim3A_100 = arith.constant 0.000000e+00 : f32
      %broadcast_in_dim3A_101 = vector.broadcast %broadcast_in_dim3A_100 : f32 to vector<16xf32>
      %swap3A_102 = arith.index_cast %add3A_89 : i32 to index
      %swap3A_103 = arith.constant 32 : index
      %swap3A_104 = tpu.vector_load %arg5[%swap3A_102, %swap3A_103] {strides = array<i32>} : memref<128x128xf32, #tpu.memory_space<vmem>>, vector<16xf32>,
      tpu.vector_store %arg5[%swap3A_102, %swap3A_103], %broadcast_in_dim3A_101 {strides = array<i32>} : memref<128x128xf32, #tpu.memory_space<vmem>>, vector<16xf32>,
      %broadcast_in_dim3A_105 = arith.constant 0.000000e+00 : f32
      %broadcast_in_dim3A_106 = vector.broadcast %broadcast_in_dim3A_105 : f32 to vector<16xf32>
      %swap3A_107 = arith.index_cast %add3A_89 : i32 to index
      %swap3A_108 = arith.constant 48 : index
      %swap3A_109 = tpu.vector_load %arg5[%swap3A_107, %swap3A_108] {strides = array<i32>} : memref<128x128xf32, #tpu.memory_space<vmem>>, vector<16xf32>,
      tpu.vector_store %arg5[%swap3A_107, %swap3A_108], %broadcast_in_dim3A_106 {strides = array<i32>} : memref<128x128xf32, #tpu.memory_space<vmem>>, vector<16xf32>,
      %broadcast_in_dim3A_110 = arith.constant 0.000000e+00 : f32
      %broadcast_in_dim3A_111 = vector.broadcast %broadcast_in_dim3A_110 : f32 to vector<16xf32>
      %swap3A_112 = arith.index_cast %add3A_89 : i32 to index
      %swap3A_113 = arith.constant 64 : index
      %swap3A_114 = tpu.vector_load %arg5[%swap3A_112, %swap3A_113] {strides = array<i32>} : memref<128x128xf32, #tpu.memory_space<vmem>>, vector<16xf32>,
      tpu.vector_store %arg5[%swap3A_112, %swap3A_113], %broadcast_in_dim3A_111 {strides = array<i32>} : memref<128x128xf32, #tpu.memory_space<vmem>>, vector<16xf32>,
      %broadcast_in_dim3A_115 = arith.constant 0.000000e+00 : f32
      %broadcast_in_dim3A_116 = vector.broadcast %broadcast_in_dim3A_115 : f32 to vector<16xf32>
      %swap3A_117 = arith.index_cast %add3A_89 : i32 to index
      %swap3A_118 = arith.constant 80 : index
      %swap3A_119 = tpu.vector_load %arg5[%swap3A_117, %swap3A_118] {strides = array<i32>} : memref<128x128xf32, #tpu.memory_space<vmem>>, vector<16xf32>,
      tpu.vector_store %arg5[%swap3A_117, %swap3A_118], %broadcast_in_dim3A_116 {strides = array<i32>} : memref<128x128xf32, #tpu.memory_space<vmem>>, vector<16xf32>,
      %broadcast_in_dim3A_120 = arith.constant 0.000000e+00 : f32
      %broadcast_in_dim3A_121 = vector.broadcast %broadcast_in_dim3A_120 : f32 to vector<16xf32>
      %swap3A_122 = arith.index_cast %add3A_89 : i32 to index
      %swap3A_123 = arith.constant 96 : index
      %swap3A_124 = tpu.vector_load %arg5[%swap3A_122, %swap3A_123] {strides = array<i32>} : memref<128x128xf32, #tpu.memory_space<vmem>>, vector<16xf32>,
      tpu.vector_store %arg5[%swap3A_122, %swap3A_123], %broadcast_in_dim3A_121 {strides = array<i32>} : memref<128x128xf32, #tpu.memory_space<vmem>>, vector<16xf32>,
      %broadcast_in_dim3A_125 = arith.constant 0.000000e+00 : f32
      %broadcast_in_dim3A_126 = vector.broadcast %broadcast_in_dim3A_125 : f32 to vector<16xf32>
      %swap3A_127 = arith.index_cast %add3A_89 : i32 to index
      %swap3A_128 = arith.constant 112 : index
      %swap3A_129 = tpu.vector_load %arg5[%swap3A_127, %swap3A_128] {strides = array<i32>} : memref<128x128xf32, #tpu.memory_space<vmem>>, vector<16xf32>,
      tpu.vector_store %arg5[%swap3A_127, %swap3A_128], %broadcast_in_dim3A_126 {strides = array<i32>} : memref<128x128xf32, #tpu.memory_space<vmem>>, vector<16xf32>,
    }
    %scan3A_4 = arith.constant 128 : i32
    %iota3A = tpu.iota {dimensions = array<i32: 0>} : vector<16xi32>
    %add3A_5 = arith.constant 0 : i32
    %add3A_6 = vector.broadcast %add3A_5 : i32 to vector<16xi32>
    %add3A_7 = arith.addi %iota3A, %add3A_6 : vector<16xi32>
    %swap3A = arith.constant 0 : i32
    %swap3A_8 = arith.index_cast %swap3A : i32 to index
    %swap3A_9 = arith.constant 0 : index
    %swap3A_10 = tpu.vector_load %arg6[%swap3A_8, %swap3A_9] {strides = array<i32>} : memref<1x128xi32, #tpu.memory_space<vmem>>, vector<16xi32>,
    tpu.vector_store %arg6[%swap3A_8, %swap3A_9], %add3A_7 {strides = array<i32>} : memref<1x128xi32, #tpu.memory_space<vmem>>, vector<16xi32>,
    %iota3A_11 = tpu.iota {dimensions = array<i32: 0>} : vector<16xi32>
    %add3A_12 = arith.constant 16 : i32
    %add3A_13 = vector.broadcast %add3A_12 : i32 to vector<16xi32>
    %add3A_14 = arith.addi %iota3A_11, %add3A_13 : vector<16xi32>
    %swap3A_15 = arith.constant 0 : i32
    %swap3A_16 = arith.index_cast %swap3A_15 : i32 to index
    %swap3A_17 = arith.constant 16 : index
    %swap3A_18 = tpu.vector_load %arg6[%swap3A_16, %swap3A_17] {strides = array<i32>} : memref<1x128xi32, #tpu.memory_space<vmem>>, vector<16xi32>,
    tpu.vector_store %arg6[%swap3A_16, %swap3A_17], %add3A_14 {strides = array<i32>} : memref<1x128xi32, #tpu.memory_space<vmem>>, vector<16xi32>,
    %iota3A_19 = tpu.iota {dimensions = array<i32: 0>} : vector<16xi32>
    %add3A_20 = arith.constant 32 : i32
    %add3A_21 = vector.broadcast %add3A_20 : i32 to vector<16xi32>
    %add3A_22 = arith.addi %iota3A_19, %add3A_21 : vector<16xi32>
    %swap3A_23 = arith.constant 0 : i32
    %swap3A_24 = arith.index_cast %swap3A_23 : i32 to index
    %swap3A_25 = arith.constant 32 : index
    %swap3A_26 = tpu.vector_load %arg6[%swap3A_24, %swap3A_25] {strides = array<i32>} : memref<1x128xi32, #tpu.memory_space<vmem>>, vector<16xi32>,
    tpu.vector_store %arg6[%swap3A_24, %swap3A_25], %add3A_22 {strides = array<i32>} : memref<1x128xi32, #tpu.memory_space<vmem>>, vector<16xi32>,
    %iota3A_27 = tpu.iota {dimensions = array<i32: 0>} : vector<16xi32>
    %add3A_28 = arith.constant 48 : i32
    %add3A_29 = vector.broadcast %add3A_28 : i32 to vector<16xi32>
    %add3A_30 = arith.addi %iota3A_27, %add3A_29 : vector<16xi32>
    %swap3A_31 = arith.constant 0 : i32
    %swap3A_32 = arith.index_cast %swap3A_31 : i32 to index
    %swap3A_33 = arith.constant 48 : index
    %swap3A_34 = tpu.vector_load %arg6[%swap3A_32, %swap3A_33] {strides = array<i32>} : memref<1x128xi32, #tpu.memory_space<vmem>>, vector<16xi32>,
    tpu.vector_store %arg6[%swap3A_32, %swap3A_33], %add3A_30 {strides = array<i32>} : memref<1x128xi32, #tpu.memory_space<vmem>>, vector<16xi32>,
    %iota3A_35 = tpu.iota {dimensions = array<i32: 0>} : vector<16xi32>
    %add3A_36 = arith.constant 64 : i32
    %add3A_37 = vector.broadcast %add3A_36 : i32 to vector<16xi32>
    %add3A_38 = arith.addi %iota3A_35, %add3A_37 : vector<16xi32>
    %swap3A_39 = arith.constant 0 : i32
    %swap3A_40 = arith.index_cast %swap3A_39 : i32 to index
    %swap3A_41 = arith.constant 64 : index
    %swap3A_42 = tpu.vector_load %arg6[%swap3A_40, %swap3A_41] {strides = array<i32>} : memref<1x128xi32, #tpu.memory_space<vmem>>, vector<16xi32>,
    tpu.vector_store %arg6[%swap3A_40, %swap3A_41], %add3A_38 {strides = array<i32>} : memref<1x128xi32, #tpu.memory_space<vmem>>, vector<16xi32>,
    %iota3A_43 = tpu.iota {dimensions = array<i32: 0>} : vector<16xi32>
    %add3A_44 = arith.constant 80 : i32
    %add3A_45 = vector.broadcast %add3A_44 : i32 to vector<16xi32>
    %add3A_46 = arith.addi %iota3A_43, %add3A_45 : vector<16xi32>
    %swap3A_47 = arith.constant 0 : i32
    %swap3A_48 = arith.index_cast %swap3A_47 : i32 to index
    %swap3A_49 = arith.constant 80 : index
    %swap3A_50 = tpu.vector_load %arg6[%swap3A_48, %swap3A_49] {strides = array<i32>} : memref<1x128xi32, #tpu.memory_space<vmem>>, vector<16xi32>,
    tpu.vector_store %arg6[%swap3A_48, %swap3A_49], %add3A_46 {strides = array<i32>} : memref<1x128xi32, #tpu.memory_space<vmem>>, vector<16xi32>,
    %iota3A_51 = tpu.iota {dimensions = array<i32: 0>} : vector<16xi32>
    %add3A_52 = arith.constant 96 : i32
    %add3A_53 = vector.broadcast %add3A_52 : i32 to vector<16xi32>
    %add3A_54 = arith.addi %iota3A_51, %add3A_53 : vector<16xi32>
    %swap3A_55 = arith.constant 0 : i32
    %swap3A_56 = arith.index_cast %swap3A_55 : i32 to index
    %swap3A_57 = arith.constant 96 : index
    %swap3A_58 = tpu.vector_load %arg6[%swap3A_56, %swap3A_57] {strides = array<i32>} : memref<1x128xi32, #tpu.memory_space<vmem>>, vector<16xi32>,
    tpu.vector_store %arg6[%swap3A_56, %swap3A_57], %add3A_54 {strides = array<i32>} : memref<1x128xi32, #tpu.memory_space<vmem>>, vector<16xi32>,
    %iota3A_59 = tpu.iota {dimensions = array<i32: 0>} : vector<16xi32>
    %add3A_60 = arith.constant 112 : i32
    %add3A_61 = vector.broadcast %add3A_60 : i32 to vector<16xi32>
    %add3A_62 = arith.addi %iota3A_59, %add3A_61 : vector<16xi32>
    %swap3A_63 = arith.constant 0 : i32
    %swap3A_64 = arith.index_cast %swap3A_63 : i32 to index
    %swap3A_65 = arith.constant 112 : index
    %swap3A_66 = tpu.vector_load %arg6[%swap3A_64, %swap3A_65] {strides = array<i32>} : memref<1x128xi32, #tpu.memory_space<vmem>>, vector<16xi32>,
    tpu.vector_store %arg6[%swap3A_64, %swap3A_65], %add3A_62 {strides = array<i32>} : memref<1x128xi32, #tpu.memory_space<vmem>>, vector<16xi32>,
    %mul3A_67 = arith.constant 8 : i32
    %mul3A_68 = arith.muli %arg1, %mul3A_67 : i32
    "tpu.region"() ({
      %run_scoped3A_85 = tpu.sem_alloc : memref<!tpu.dma_semaphore, #tpu.memory_space<semaphore_mem>>
      %dma_start3A = arith.constant 0 : i32
      %dma_start3A_86 = arith.constant 0 : i32
      %dma_start3A_87 = tpu.memref_slice %arg5[%dma_start3A, %dma_start3A_86] : memref<128x128xf32, #tpu.memory_space<vmem>> -> memref<8x128xf32, #tpu.memory_space<vmem>>
      %dma_start3A_88 = arith.constant 0 : i32
      %dma_start3A_89 = tpu.memref_slice %arg7[%mul3A_68, %dma_start3A_88] : memref<128x128xf32, #tpu.memory_space<vmem_shared>> -> memref<8x128xf32, #tpu.memory_space<vmem_shared>>
      %dma_start3A_90 = arith.constant 0 : i32
      %dma_start3A_91 = tpu.memref_slice %arg7[%mul3A_68, %dma_start3A_90] : memref<128x128xf32, #tpu.memory_space<vmem_shared>> -> memref<8x128xf32, #tpu.memory_space<vmem_shared>>
      %dma_start3A_92 = arith.constant 0 : i32
      %dma_start3A_93 = arith.constant 0 : i32
      %dma_start3A_94 = tpu.memref_slice %arg5[%dma_start3A_92, %dma_start3A_93] : memref<128x128xf32, #tpu.memory_space<vmem>> -> memref<8x128xf32, #tpu.memory_space<vmem>>
      tpu.enqueue_dma source(%dma_start3A_94 : memref<8x128xf32, #tpu.memory_space<vmem>>) target(%dma_start3A_91 : memref<8x128xf32, #tpu.memory_space<vmem_shared>>) target_semaphore(%run_scoped3A_85 : memref<!tpu.dma_semaphore, #tpu.memory_space<semaphore_mem>>)
      %dma_wait3A = arith.constant 0 : i32
      %dma_wait3A_95 = arith.constant 0 : i32
      %dma_wait3A_96 = tpu.memref_slice %arg5[%dma_wait3A, %dma_wait3A_95] : memref<128x128xf32, #tpu.memory_space<vmem>> -> memref<8x128xf32, #tpu.memory_space<vmem>>
      %dma_wait3A_97 = arith.constant 0 : i32
      %dma_wait3A_98 = tpu.memref_slice %arg7[%mul3A_68, %dma_wait3A_97] : memref<128x128xf32, #tpu.memory_space<vmem_shared>> -> memref<8x128xf32, #tpu.memory_space<vmem_shared>>
      %dma_wait3A_99 = arith.constant 0 : i32
      %dma_wait3A_100 = tpu.memref_slice %arg7[%mul3A_68, %dma_wait3A_99] : memref<128x128xf32, #tpu.memory_space<vmem_shared>> -> memref<8x128xf32, #tpu.memory_space<vmem_shared>>
      %dma_wait3A_101 = arith.constant 0 : i32
      %dma_wait3A_102 = arith.constant 0 : i32
      %dma_wait3A_103 = tpu.memref_slice %arg5[%dma_wait3A_101, %dma_wait3A_102] : memref<128x128xf32, #tpu.memory_space<vmem>> -> memref<8x128xf32, #tpu.memory_space<vmem>>
      tpu.wait_dma2 semaphore(%run_scoped3A_85 : memref<!tpu.dma_semaphore, #tpu.memory_space<semaphore_mem>>) src(%dma_wait3A_103 : memref<8x128xf32, #tpu.memory_space<vmem>>) dst(%dma_wait3A_100 : memref<8x128xf32, #tpu.memory_space<vmem_shared>>)
      tpu.yield
    }) : () -> ()
    %mul3A_69 = arith.constant 80 : i32
    %mul3A_70 = arith.muli %add3A, %mul3A_69 : i32
    "tpu.region"() ({
      %run_scoped3A_85 = tpu.sem_alloc : memref<!tpu.dma_semaphore, #tpu.memory_space<semaphore_mem>>
      %dma_start3A = arith.constant 0 : i32
      %dma_start3A_86 = tpu.memref_slice %arg2[%mul3A_70, %dma_start3A] : memref<2560x128xi32, #tpu.memory_space<hbm>> -> memref<80x128xi32, #tpu.memory_space<hbm>>
      %dma_start3A_87 = arith.constant 0 : i32
      %dma_start3A_88 = tpu.memref_slice %arg2[%mul3A_70, %dma_start3A_87] : memref<2560x128xi32, #tpu.memory_space<hbm>> -> memref<80x128xi32, #tpu.memory_space<hbm>>
      tpu.enqueue_dma source(%dma_start3A_88 : memref<80x128xi32, #tpu.memory_space<hbm>>) target(%arg4 : memref<80x128xi32, #tpu.memory_space<vmem>>) target_semaphore(%run_scoped3A_85 : memref<!tpu.dma_semaphore, #tpu.memory_space<semaphore_mem>>)
      %dma_wait3A = arith.constant 0 : i32
      %dma_wait3A_89 = tpu.memref_slice %arg2[%mul3A_70, %dma_wait3A] : memref<2560x128xi32, #tpu.memory_space<hbm>> -> memref<80x128xi32, #tpu.memory_space<hbm>>
      %dma_wait3A_90 = arith.constant 0 : i32
      %dma_wait3A_91 = tpu.memref_slice %arg2[%mul3A_70, %dma_wait3A_90] : memref<2560x128xi32, #tpu.memory_space<hbm>> -> memref<80x128xi32, #tpu.memory_space<hbm>>
      tpu.wait_dma2 semaphore(%run_scoped3A_85 : memref<!tpu.dma_semaphore, #tpu.memory_space<semaphore_mem>>) src(%dma_wait3A_91 : memref<80x128xi32, #tpu.memory_space<hbm>>) dst(%arg4 : memref<80x128xi32, #tpu.memory_space<vmem>>)
      tpu.yield
    }) : () -> ()
    %broadcast_in_dim3A = arith.constant 1.000000e+00 : f32
    %broadcast_in_dim3A_71 = vector.broadcast %broadcast_in_dim3A : f32 to vector<16xf32>
    %scan3A_72 = arith.constant 0 : i32
    %scan3A_73 = arith.constant 80 : i32
    %scan3A_74 = arith.addi %scan3A_72, %scan3A_73 : i32
    %scan3A_75 = arith.constant 1 : i32
    scf.for %scan3A_85 = %scan3A_72 to %scan3A_74 step %scan3A_75  : i32 {
      %mul3A_86 = arith.constant 1 : i32
      %mul3A_87 = arith.muli %scan3A_85, %mul3A_86 : i32
      %add3A_88 = arith.constant 0 : i32
      %add3A_89 = arith.addi %add3A_88, %mul3A_87 : i32
      %get3A = arith.index_cast %add3A_89 : i32 to index
      %get3A_90 = arith.constant 0 : index
      %get3A_91 = tpu.vector_load %arg4[%get3A, %get3A_90] {strides = array<i32>} : memref<80x128xi32, #tpu.memory_space<vmem>>, vector<16xi32>,
      %shift_right_logical3A = arith.constant 7 : i32
      %shift_right_logical3A_92 = vector.broadcast %shift_right_logical3A : i32 to vector<16xi32>
      %shift_right_logical3A_93 = arith.shrui %get3A_91, %shift_right_logical3A_92 : vector<16xi32>
      %and3A = arith.constant 127 : i32
      %and3A_94 = vector.broadcast %and3A : i32 to vector<16xi32>
      %and3A_95 = arith.andi %get3A_91, %and3A_94 : vector<16xi32>
      tpu.vector_store_idx %arg5[%shift_right_logical3A_93, %and3A_95], %broadcast_in_dim3A_71 {add = true} : memref<128x128xf32, #tpu.memory_space<vmem>>[vector<16xi32>, vector<16xi32>], vector<16xf32>,
      %get3A_96 = arith.index_cast %add3A_89 : i32 to index
      %get3A_97 = arith.constant 16 : index
      %get3A_98 = tpu.vector_load %arg4[%get3A_96, %get3A_97] {strides = array<i32>} : memref<80x128xi32, #tpu.memory_space<vmem>>, vector<16xi32>,
      %shift_right_logical3A_99 = arith.constant 7 : i32
      %shift_right_logical3A_100 = vector.broadcast %shift_right_logical3A_99 : i32 to vector<16xi32>
      %shift_right_logical3A_101 = arith.shrui %get3A_98, %shift_right_logical3A_100 : vector<16xi32>
      %and3A_102 = arith.constant 127 : i32
      %and3A_103 = vector.broadcast %and3A_102 : i32 to vector<16xi32>
      %and3A_104 = arith.andi %get3A_98, %and3A_103 : vector<16xi32>
      tpu.vector_store_idx %arg5[%shift_right_logical3A_101, %and3A_104], %broadcast_in_dim3A_71 {add = true} : memref<128x128xf32, #tpu.memory_space<vmem>>[vector<16xi32>, vector<16xi32>], vector<16xf32>,
      %get3A_105 = arith.index_cast %add3A_89 : i32 to index
      %get3A_106 = arith.constant 32 : index
      %get3A_107 = tpu.vector_load %arg4[%get3A_105, %get3A_106] {strides = array<i32>} : memref<80x128xi32, #tpu.memory_space<vmem>>, vector<16xi32>,
      %shift_right_logical3A_108 = arith.constant 7 : i32
      %shift_right_logical3A_109 = vector.broadcast %shift_right_logical3A_108 : i32 to vector<16xi32>
      %shift_right_logical3A_110 = arith.shrui %get3A_107, %shift_right_logical3A_109 : vector<16xi32>
      %and3A_111 = arith.constant 127 : i32
      %and3A_112 = vector.broadcast %and3A_111 : i32 to vector<16xi32>
      %and3A_113 = arith.andi %get3A_107, %and3A_112 : vector<16xi32>
      tpu.vector_store_idx %arg5[%shift_right_logical3A_110, %and3A_113], %broadcast_in_dim3A_71 {add = true} : memref<128x128xf32, #tpu.memory_space<vmem>>[vector<16xi32>, vector<16xi32>], vector<16xf32>,
      %get3A_114 = arith.index_cast %add3A_89 : i32 to index
      %get3A_115 = arith.constant 48 : index
      %get3A_116 = tpu.vector_load %arg4[%get3A_114, %get3A_115] {strides = array<i32>} : memref<80x128xi32, #tpu.memory_space<vmem>>, vector<16xi32>,
      %shift_right_logical3A_117 = arith.constant 7 : i32
      %shift_right_logical3A_118 = vector.broadcast %shift_right_logical3A_117 : i32 to vector<16xi32>
      %shift_right_logical3A_119 = arith.shrui %get3A_116, %shift_right_logical3A_118 : vector<16xi32>
      %and3A_120 = arith.constant 127 : i32
      %and3A_121 = vector.broadcast %and3A_120 : i32 to vector<16xi32>
      %and3A_122 = arith.andi %get3A_116, %and3A_121 : vector<16xi32>
      tpu.vector_store_idx %arg5[%shift_right_logical3A_119, %and3A_122], %broadcast_in_dim3A_71 {add = true} : memref<128x128xf32, #tpu.memory_space<vmem>>[vector<16xi32>, vector<16xi32>], vector<16xf32>,
      %get3A_123 = arith.index_cast %add3A_89 : i32 to index
      %get3A_124 = arith.constant 64 : index
      %get3A_125 = tpu.vector_load %arg4[%get3A_123, %get3A_124] {strides = array<i32>} : memref<80x128xi32, #tpu.memory_space<vmem>>, vector<16xi32>,
      %shift_right_logical3A_126 = arith.constant 7 : i32
      %shift_right_logical3A_127 = vector.broadcast %shift_right_logical3A_126 : i32 to vector<16xi32>
      %shift_right_logical3A_128 = arith.shrui %get3A_125, %shift_right_logical3A_127 : vector<16xi32>
      %and3A_129 = arith.constant 127 : i32
      %and3A_130 = vector.broadcast %and3A_129 : i32 to vector<16xi32>
      %and3A_131 = arith.andi %get3A_125, %and3A_130 : vector<16xi32>
      tpu.vector_store_idx %arg5[%shift_right_logical3A_128, %and3A_131], %broadcast_in_dim3A_71 {add = true} : memref<128x128xf32, #tpu.memory_space<vmem>>[vector<16xi32>, vector<16xi32>], vector<16xf32>,
      %get3A_132 = arith.index_cast %add3A_89 : i32 to index
      %get3A_133 = arith.constant 80 : index
      %get3A_134 = tpu.vector_load %arg4[%get3A_132, %get3A_133] {strides = array<i32>} : memref<80x128xi32, #tpu.memory_space<vmem>>, vector<16xi32>,
      %shift_right_logical3A_135 = arith.constant 7 : i32
      %shift_right_logical3A_136 = vector.broadcast %shift_right_logical3A_135 : i32 to vector<16xi32>
      %shift_right_logical3A_137 = arith.shrui %get3A_134, %shift_right_logical3A_136 : vector<16xi32>
      %and3A_138 = arith.constant 127 : i32
      %and3A_139 = vector.broadcast %and3A_138 : i32 to vector<16xi32>
      %and3A_140 = arith.andi %get3A_134, %and3A_139 : vector<16xi32>
      tpu.vector_store_idx %arg5[%shift_right_logical3A_137, %and3A_140], %broadcast_in_dim3A_71 {add = true} : memref<128x128xf32, #tpu.memory_space<vmem>>[vector<16xi32>, vector<16xi32>], vector<16xf32>,
      %get3A_141 = arith.index_cast %add3A_89 : i32 to index
      %get3A_142 = arith.constant 96 : index
      %get3A_143 = tpu.vector_load %arg4[%get3A_141, %get3A_142] {strides = array<i32>} : memref<80x128xi32, #tpu.memory_space<vmem>>, vector<16xi32>,
      %shift_right_logical3A_144 = arith.constant 7 : i32
      %shift_right_logical3A_145 = vector.broadcast %shift_right_logical3A_144 : i32 to vector<16xi32>
      %shift_right_logical3A_146 = arith.shrui %get3A_143, %shift_right_logical3A_145 : vector<16xi32>
      %and3A_147 = arith.constant 127 : i32
      %and3A_148 = vector.broadcast %and3A_147 : i32 to vector<16xi32>
      %and3A_149 = arith.andi %get3A_143, %and3A_148 : vector<16xi32>
      tpu.vector_store_idx %arg5[%shift_right_logical3A_146, %and3A_149], %broadcast_in_dim3A_71 {add = true} : memref<128x128xf32, #tpu.memory_space<vmem>>[vector<16xi32>, vector<16xi32>], vector<16xf32>,
      %get3A_150 = arith.index_cast %add3A_89 : i32 to index
      %get3A_151 = arith.constant 112 : index
      %get3A_152 = tpu.vector_load %arg4[%get3A_150, %get3A_151] {strides = array<i32>} : memref<80x128xi32, #tpu.memory_space<vmem>>, vector<16xi32>,
      %shift_right_logical3A_153 = arith.constant 7 : i32
      %shift_right_logical3A_154 = vector.broadcast %shift_right_logical3A_153 : i32 to vector<16xi32>
      %shift_right_logical3A_155 = arith.shrui %get3A_152, %shift_right_logical3A_154 : vector<16xi32>
      %and3A_156 = arith.constant 127 : i32
      %and3A_157 = vector.broadcast %and3A_156 : i32 to vector<16xi32>
      %and3A_158 = arith.andi %get3A_152, %and3A_157 : vector<16xi32>
      tpu.vector_store_idx %arg5[%shift_right_logical3A_155, %and3A_158], %broadcast_in_dim3A_71 {add = true} : memref<128x128xf32, #tpu.memory_space<vmem>>[vector<16xi32>, vector<16xi32>], vector<16xf32>,
    }
    %scan3A_76 = arith.constant 80 : i32
    %barrier3A = arith.constant 0 : index
    tpu.barrier barrier_id(%barrier3A)
    %run_scoped3A = arith.constant 0 : i32
    "tpu.region"() ({
      %run_scoped3A_85 = tpu.sem_alloc : memref<!tpu.dma_semaphore, #tpu.memory_space<semaphore_mem>>
      %dma_start3A = arith.constant 0 : i32
      %dma_start3A_86 = tpu.memref_slice %arg6[%run_scoped3A, %dma_start3A] : memref<1x128xi32, #tpu.memory_space<vmem>> -> memref<1x128xi32, #tpu.memory_space<vmem>>
      %dma_start3A_87 = tpu.memref_squeeze %dma_start3A_86 : memref<1x128xi32, #tpu.memory_space<vmem>> -> memref<128xi32, #tpu.memory_space<vmem>>
      %dma_start3A_88 = arith.constant 0 : i32
      %dma_start3A_89 = arith.constant 0 : i32
      %dma_start3A_90 = tpu.memref_slice %arg7[%dma_start3A_88, %dma_start3A_89] : memref<128x128xf32, #tpu.memory_space<vmem_shared>> -> memref<128x128xf32, #tpu.memory_space<vmem_shared>>
      tpu.enqueue_indirect_dma source(%arg5 : memref<128x128xf32, #tpu.memory_space<vmem>>) target(%dma_start3A_90 : memref<128x128xf32, #tpu.memory_space<vmem_shared>>) offsets(%dma_start3A_87 : memref<128xi32, #tpu.memory_space<vmem>>) semaphore(%run_scoped3A_85 : memref<!tpu.dma_semaphore, #tpu.memory_space<semaphore_mem>>) {add = true}
      %dma_wait3A = arith.constant 0 : i32
      %dma_wait3A_91 = tpu.memref_slice %arg6[%run_scoped3A, %dma_wait3A] : memref<1x128xi32, #tpu.memory_space<vmem>> -> memref<1x128xi32, #tpu.memory_space<vmem>>
      %dma_wait3A_92 = tpu.memref_squeeze %dma_wait3A_91 : memref<1x128xi32, #tpu.memory_space<vmem>> -> memref<128xi32, #tpu.memory_space<vmem>>
      %dma_wait3A_93 = arith.constant 0 : i32
      %dma_wait3A_94 = arith.constant 0 : i32
      %dma_wait3A_95 = tpu.memref_slice %arg7[%dma_wait3A_93, %dma_wait3A_94] : memref<128x128xf32, #tpu.memory_space<vmem_shared>> -> memref<128x128xf32, #tpu.memory_space<vmem_shared>>
      tpu.wait_indirect_dma semaphore(%run_scoped3A_85 : memref<!tpu.dma_semaphore, #tpu.memory_space<semaphore_mem>>) src(%arg5 : memref<128x128xf32, #tpu.memory_space<vmem>>) dst(%dma_wait3A_95 : memref<128x128xf32, #tpu.memory_space<vmem_shared>>)
      tpu.yield
    }) : () -> ()
    %barrier3A_77 = arith.constant 0 : index
    tpu.barrier barrier_id(%barrier3A_77)
    %mul3A_78 = arith.constant 8 : i32
    %mul3A_79 = arith.muli %arg1, %mul3A_78 : i32
    %mul3A_80 = arith.constant 128 : i32
    %mul3A_81 = arith.muli %arg0, %mul3A_80 : i32
    %mul3A_82 = arith.constant 8 : i32
    %mul3A_83 = arith.muli %arg1, %mul3A_82 : i32
    %add3A_84 = arith.addi %mul3A_81, %mul3A_83 : i32
    "tpu.region"() ({
      %run_scoped3A_85 = tpu.sem_alloc : memref<!tpu.dma_semaphore, #tpu.memory_space<semaphore_mem>>
      %dma_start3A = arith.constant 0 : i32
      %dma_start3A_86 = tpu.memref_slice %arg3[%add3A_84, %dma_start3A] : memref<256x128xf32, #tpu.memory_space<hbm>> -> memref<8x128xf32, #tpu.memory_space<hbm>>
      %dma_start3A_87 = arith.constant 0 : i32
      %dma_start3A_88 = tpu.memref_slice %arg7[%mul3A_79, %dma_start3A_87] : memref<128x128xf32, #tpu.memory_space<vmem_shared>> -> memref<8x128xf32, #tpu.memory_space<vmem_shared>>
      tpu.enqueue_dma source(%dma_start3A_88 : memref<8x128xf32, #tpu.memory_space<vmem_shared>>) target(%dma_start3A_86 : memref<8x128xf32, #tpu.memory_space<hbm>>) target_semaphore(%run_scoped3A_85 : memref<!tpu.dma_semaphore, #tpu.memory_space<semaphore_mem>>)
      %dma_wait3A = arith.constant 0 : i32
      %dma_wait3A_89 = tpu.memref_slice %arg3[%add3A_84, %dma_wait3A] : memref<256x128xf32, #tpu.memory_space<hbm>> -> memref<8x128xf32, #tpu.memory_space<hbm>>
      %dma_wait3A_90 = arith.constant 0 : i32
      %dma_wait3A_91 = tpu.memref_slice %arg7[%mul3A_79, %dma_wait3A_90] : memref<128x128xf32, #tpu.memory_space<vmem_shared>> -> memref<8x128xf32, #tpu.memory_space<vmem_shared>>
      tpu.wait_dma2 semaphore(%run_scoped3A_85 : memref<!tpu.dma_semaphore, #tpu.memory_space<semaphore_mem>>) src(%dma_wait3A_91 : memref<8x128xf32, #tpu.memory_space<vmem_shared>>) dst(%dma_wait3A_89 : memref<8x128xf32, #tpu.memory_space<hbm>>)
      tpu.yield
    }) : () -> ()
    return
  }
}

#map = affine_map<(d0, d1) -> (0, 0)>
module attributes {stable_mosaic.version = 14 : i64} {
  func.func @agg_kernel(%arg0: i32, %arg1: i32, %arg2: memref<10112x128xf32, #tpu.memory_space<hbm>>, %arg3: memref<2560x128xi32, #tpu.memory_space<hbm>>, %arg4: memref<2560x128xi32, #tpu.memory_space<hbm>>, %arg5: memref<20224x128xf32, #tpu.memory_space<hbm>>, %arg6: memref<40x128xi32, #tpu.memory_space<vmem>>, %arg7: memref<40x128xi32, #tpu.memory_space<vmem>>, %arg8: memref<128x128xf32, #tpu.memory_space<vmem>>, %arg9: memref<128x128xf32, #tpu.memory_space<vmem>>, %arg10: memref<10112x128xf32, #tpu.memory_space<vmem_shared>>, %arg11: memref<!tpu.dma_semaphore, #tpu.memory_space<semaphore_mem>>, %arg12: memref<!tpu.dma_semaphore, #tpu.memory_space<semaphore_mem>>) attributes {dimension_semantics = [#tpu.dimension_semantics<core_parallel>, #tpu.dimension_semantics<subcore_parallel>], iteration_bounds = array<i64: 2, 16>, scalar_prefetch = 0 : i64, scratch_operands = 7 : i64, tpu.core_type = #tpu.core_type<sc_vector_subcore>, window_params = [{transform_indices = #map}, {transform_indices = #map}, {transform_indices = #map}, {transform_indices = #map}]} {
    %mul3A = arith.constant 632 : i32
    %mul3A_0 = arith.muli %arg1, %mul3A : i32
    %scan3A = arith.constant 0 : i32
    %scan3A_1 = arith.constant 128 : i32
    %scan3A_2 = arith.addi %scan3A, %scan3A_1 : i32
    %scan3A_3 = arith.constant 1 : i32
    scf.for %scan3A_45 = %scan3A to %scan3A_2 step %scan3A_3  : i32 {
      %mul3A_46 = arith.constant 1 : i32
      %mul3A_47 = arith.muli %scan3A_45, %mul3A_46 : i32
      %add3A_48 = arith.constant 0 : i32
      %add3A_49 = arith.addi %add3A_48, %mul3A_47 : i32
      %broadcast_in_dim3A = arith.constant 0.000000e+00 : f32
      %broadcast_in_dim3A_50 = vector.broadcast %broadcast_in_dim3A : f32 to vector<16xf32>
      %swap3A = arith.index_cast %add3A_49 : i32 to index
      %swap3A_51 = arith.constant 0 : index
      %swap3A_52 = tpu.vector_load %arg8[%swap3A, %swap3A_51] {strides = array<i32>} : memref<128x128xf32, #tpu.memory_space<vmem>>, vector<16xf32>,
      tpu.vector_store %arg8[%swap3A, %swap3A_51], %broadcast_in_dim3A_50 {strides = array<i32>} : memref<128x128xf32, #tpu.memory_space<vmem>>, vector<16xf32>,
      %broadcast_in_dim3A_53 = arith.constant 0.000000e+00 : f32
      %broadcast_in_dim3A_54 = vector.broadcast %broadcast_in_dim3A_53 : f32 to vector<16xf32>
      %swap3A_55 = arith.index_cast %add3A_49 : i32 to index
      %swap3A_56 = arith.constant 16 : index
      %swap3A_57 = tpu.vector_load %arg8[%swap3A_55, %swap3A_56] {strides = array<i32>} : memref<128x128xf32, #tpu.memory_space<vmem>>, vector<16xf32>,
      tpu.vector_store %arg8[%swap3A_55, %swap3A_56], %broadcast_in_dim3A_54 {strides = array<i32>} : memref<128x128xf32, #tpu.memory_space<vmem>>, vector<16xf32>,
      %broadcast_in_dim3A_58 = arith.constant 0.000000e+00 : f32
      %broadcast_in_dim3A_59 = vector.broadcast %broadcast_in_dim3A_58 : f32 to vector<16xf32>
      %swap3A_60 = arith.index_cast %add3A_49 : i32 to index
      %swap3A_61 = arith.constant 32 : index
      %swap3A_62 = tpu.vector_load %arg8[%swap3A_60, %swap3A_61] {strides = array<i32>} : memref<128x128xf32, #tpu.memory_space<vmem>>, vector<16xf32>,
      tpu.vector_store %arg8[%swap3A_60, %swap3A_61], %broadcast_in_dim3A_59 {strides = array<i32>} : memref<128x128xf32, #tpu.memory_space<vmem>>, vector<16xf32>,
      %broadcast_in_dim3A_63 = arith.constant 0.000000e+00 : f32
      %broadcast_in_dim3A_64 = vector.broadcast %broadcast_in_dim3A_63 : f32 to vector<16xf32>
      %swap3A_65 = arith.index_cast %add3A_49 : i32 to index
      %swap3A_66 = arith.constant 48 : index
      %swap3A_67 = tpu.vector_load %arg8[%swap3A_65, %swap3A_66] {strides = array<i32>} : memref<128x128xf32, #tpu.memory_space<vmem>>, vector<16xf32>,
      tpu.vector_store %arg8[%swap3A_65, %swap3A_66], %broadcast_in_dim3A_64 {strides = array<i32>} : memref<128x128xf32, #tpu.memory_space<vmem>>, vector<16xf32>,
      %broadcast_in_dim3A_68 = arith.constant 0.000000e+00 : f32
      %broadcast_in_dim3A_69 = vector.broadcast %broadcast_in_dim3A_68 : f32 to vector<16xf32>
      %swap3A_70 = arith.index_cast %add3A_49 : i32 to index
      %swap3A_71 = arith.constant 64 : index
      %swap3A_72 = tpu.vector_load %arg8[%swap3A_70, %swap3A_71] {strides = array<i32>} : memref<128x128xf32, #tpu.memory_space<vmem>>, vector<16xf32>,
      tpu.vector_store %arg8[%swap3A_70, %swap3A_71], %broadcast_in_dim3A_69 {strides = array<i32>} : memref<128x128xf32, #tpu.memory_space<vmem>>, vector<16xf32>,
      %broadcast_in_dim3A_73 = arith.constant 0.000000e+00 : f32
      %broadcast_in_dim3A_74 = vector.broadcast %broadcast_in_dim3A_73 : f32 to vector<16xf32>
      %swap3A_75 = arith.index_cast %add3A_49 : i32 to index
      %swap3A_76 = arith.constant 80 : index
      %swap3A_77 = tpu.vector_load %arg8[%swap3A_75, %swap3A_76] {strides = array<i32>} : memref<128x128xf32, #tpu.memory_space<vmem>>, vector<16xf32>,
      tpu.vector_store %arg8[%swap3A_75, %swap3A_76], %broadcast_in_dim3A_74 {strides = array<i32>} : memref<128x128xf32, #tpu.memory_space<vmem>>, vector<16xf32>,
      %broadcast_in_dim3A_78 = arith.constant 0.000000e+00 : f32
      %broadcast_in_dim3A_79 = vector.broadcast %broadcast_in_dim3A_78 : f32 to vector<16xf32>
      %swap3A_80 = arith.index_cast %add3A_49 : i32 to index
      %swap3A_81 = arith.constant 96 : index
      %swap3A_82 = tpu.vector_load %arg8[%swap3A_80, %swap3A_81] {strides = array<i32>} : memref<128x128xf32, #tpu.memory_space<vmem>>, vector<16xf32>,
      tpu.vector_store %arg8[%swap3A_80, %swap3A_81], %broadcast_in_dim3A_79 {strides = array<i32>} : memref<128x128xf32, #tpu.memory_space<vmem>>, vector<16xf32>,
      %broadcast_in_dim3A_83 = arith.constant 0.000000e+00 : f32
      %broadcast_in_dim3A_84 = vector.broadcast %broadcast_in_dim3A_83 : f32 to vector<16xf32>
      %swap3A_85 = arith.index_cast %add3A_49 : i32 to index
      %swap3A_86 = arith.constant 112 : index
      %swap3A_87 = tpu.vector_load %arg8[%swap3A_85, %swap3A_86] {strides = array<i32>} : memref<128x128xf32, #tpu.memory_space<vmem>>, vector<16xf32>,
      tpu.vector_store %arg8[%swap3A_85, %swap3A_86], %broadcast_in_dim3A_84 {strides = array<i32>} : memref<128x128xf32, #tpu.memory_space<vmem>>, vector<16xf32>,
    }
    %scan3A_4 = arith.constant 128 : i32
    %add3A = arith.constant 0 : i32
    %add3A_5 = arith.addi %mul3A_0, %add3A : i32
    "tpu.region"() ({
      %run_scoped3A = tpu.sem_alloc : memref<!tpu.dma_semaphore, #tpu.memory_space<semaphore_mem>>
      %dma_start3A = arith.constant 0 : i32
      %dma_start3A_45 = arith.constant 0 : i32
      %dma_start3A_46 = tpu.memref_slice %arg8[%dma_start3A, %dma_start3A_45] : memref<128x128xf32, #tpu.memory_space<vmem>> -> memref<128x128xf32, #tpu.memory_space<vmem>>
      %dma_start3A_47 = arith.constant 0 : i32
      %dma_start3A_48 = tpu.memref_slice %arg10[%add3A_5, %dma_start3A_47] : memref<10112x128xf32, #tpu.memory_space<vmem_shared>> -> memref<128x128xf32, #tpu.memory_space<vmem_shared>>
      %dma_start3A_49 = arith.constant 0 : i32
      %dma_start3A_50 = tpu.memref_slice %arg10[%add3A_5, %dma_start3A_49] : memref<10112x128xf32, #tpu.memory_space<vmem_shared>> -> memref<128x128xf32, #tpu.memory_space<vmem_shared>>
      %dma_start3A_51 = arith.constant 0 : i32
      %dma_start3A_52 = arith.constant 0 : i32
      %dma_start3A_53 = tpu.memref_slice %arg8[%dma_start3A_51, %dma_start3A_52] : memref<128x128xf32, #tpu.memory_space<vmem>> -> memref<128x128xf32, #tpu.memory_space<vmem>>
      tpu.enqueue_dma source(%dma_start3A_53 : memref<128x128xf32, #tpu.memory_space<vmem>>) target(%dma_start3A_50 : memref<128x128xf32, #tpu.memory_space<vmem_shared>>) target_semaphore(%run_scoped3A : memref<!tpu.dma_semaphore, #tpu.memory_space<semaphore_mem>>)
      %dma_wait3A = arith.constant 0 : i32
      %dma_wait3A_54 = arith.constant 0 : i32
      %dma_wait3A_55 = tpu.memref_slice %arg8[%dma_wait3A, %dma_wait3A_54] : memref<128x128xf32, #tpu.memory_space<vmem>> -> memref<128x128xf32, #tpu.memory_space<vmem>>
      %dma_wait3A_56 = arith.constant 0 : i32
      %dma_wait3A_57 = tpu.memref_slice %arg10[%add3A_5, %dma_wait3A_56] : memref<10112x128xf32, #tpu.memory_space<vmem_shared>> -> memref<128x128xf32, #tpu.memory_space<vmem_shared>>
      %dma_wait3A_58 = arith.constant 0 : i32
      %dma_wait3A_59 = tpu.memref_slice %arg10[%add3A_5, %dma_wait3A_58] : memref<10112x128xf32, #tpu.memory_space<vmem_shared>> -> memref<128x128xf32, #tpu.memory_space<vmem_shared>>
      %dma_wait3A_60 = arith.constant 0 : i32
      %dma_wait3A_61 = arith.constant 0 : i32
      %dma_wait3A_62 = tpu.memref_slice %arg8[%dma_wait3A_60, %dma_wait3A_61] : memref<128x128xf32, #tpu.memory_space<vmem>> -> memref<128x128xf32, #tpu.memory_space<vmem>>
      tpu.wait_dma2 semaphore(%run_scoped3A : memref<!tpu.dma_semaphore, #tpu.memory_space<semaphore_mem>>) src(%dma_wait3A_62 : memref<128x128xf32, #tpu.memory_space<vmem>>) dst(%dma_wait3A_59 : memref<128x128xf32, #tpu.memory_space<vmem_shared>>)
      tpu.yield
    }) : () -> ()
    %add3A_6 = arith.constant 128 : i32
    %add3A_7 = arith.addi %mul3A_0, %add3A_6 : i32
    "tpu.region"() ({
      %run_scoped3A = tpu.sem_alloc : memref<!tpu.dma_semaphore, #tpu.memory_space<semaphore_mem>>
      %dma_start3A = arith.constant 0 : i32
      %dma_start3A_45 = arith.constant 0 : i32
      %dma_start3A_46 = tpu.memref_slice %arg8[%dma_start3A, %dma_start3A_45] : memref<128x128xf32, #tpu.memory_space<vmem>> -> memref<128x128xf32, #tpu.memory_space<vmem>>
      %dma_start3A_47 = arith.constant 0 : i32
      %dma_start3A_48 = tpu.memref_slice %arg10[%add3A_7, %dma_start3A_47] : memref<10112x128xf32, #tpu.memory_space<vmem_shared>> -> memref<128x128xf32, #tpu.memory_space<vmem_shared>>
      %dma_start3A_49 = arith.constant 0 : i32
      %dma_start3A_50 = tpu.memref_slice %arg10[%add3A_7, %dma_start3A_49] : memref<10112x128xf32, #tpu.memory_space<vmem_shared>> -> memref<128x128xf32, #tpu.memory_space<vmem_shared>>
      %dma_start3A_51 = arith.constant 0 : i32
      %dma_start3A_52 = arith.constant 0 : i32
      %dma_start3A_53 = tpu.memref_slice %arg8[%dma_start3A_51, %dma_start3A_52] : memref<128x128xf32, #tpu.memory_space<vmem>> -> memref<128x128xf32, #tpu.memory_space<vmem>>
      tpu.enqueue_dma source(%dma_start3A_53 : memref<128x128xf32, #tpu.memory_space<vmem>>) target(%dma_start3A_50 : memref<128x128xf32, #tpu.memory_space<vmem_shared>>) target_semaphore(%run_scoped3A : memref<!tpu.dma_semaphore, #tpu.memory_space<semaphore_mem>>)
      %dma_wait3A = arith.constant 0 : i32
      %dma_wait3A_54 = arith.constant 0 : i32
      %dma_wait3A_55 = tpu.memref_slice %arg8[%dma_wait3A, %dma_wait3A_54] : memref<128x128xf32, #tpu.memory_space<vmem>> -> memref<128x128xf32, #tpu.memory_space<vmem>>
      %dma_wait3A_56 = arith.constant 0 : i32
      %dma_wait3A_57 = tpu.memref_slice %arg10[%add3A_7, %dma_wait3A_56] : memref<10112x128xf32, #tpu.memory_space<vmem_shared>> -> memref<128x128xf32, #tpu.memory_space<vmem_shared>>
      %dma_wait3A_58 = arith.constant 0 : i32
      %dma_wait3A_59 = tpu.memref_slice %arg10[%add3A_7, %dma_wait3A_58] : memref<10112x128xf32, #tpu.memory_space<vmem_shared>> -> memref<128x128xf32, #tpu.memory_space<vmem_shared>>
      %dma_wait3A_60 = arith.constant 0 : i32
      %dma_wait3A_61 = arith.constant 0 : i32
      %dma_wait3A_62 = tpu.memref_slice %arg8[%dma_wait3A_60, %dma_wait3A_61] : memref<128x128xf32, #tpu.memory_space<vmem>> -> memref<128x128xf32, #tpu.memory_space<vmem>>
      tpu.wait_dma2 semaphore(%run_scoped3A : memref<!tpu.dma_semaphore, #tpu.memory_space<semaphore_mem>>) src(%dma_wait3A_62 : memref<128x128xf32, #tpu.memory_space<vmem>>) dst(%dma_wait3A_59 : memref<128x128xf32, #tpu.memory_space<vmem_shared>>)
      tpu.yield
    }) : () -> ()
    %add3A_8 = arith.constant 256 : i32
    %add3A_9 = arith.addi %mul3A_0, %add3A_8 : i32
    "tpu.region"() ({
      %run_scoped3A = tpu.sem_alloc : memref<!tpu.dma_semaphore, #tpu.memory_space<semaphore_mem>>
      %dma_start3A = arith.constant 0 : i32
      %dma_start3A_45 = arith.constant 0 : i32
      %dma_start3A_46 = tpu.memref_slice %arg8[%dma_start3A, %dma_start3A_45] : memref<128x128xf32, #tpu.memory_space<vmem>> -> memref<128x128xf32, #tpu.memory_space<vmem>>
      %dma_start3A_47 = arith.constant 0 : i32
      %dma_start3A_48 = tpu.memref_slice %arg10[%add3A_9, %dma_start3A_47] : memref<10112x128xf32, #tpu.memory_space<vmem_shared>> -> memref<128x128xf32, #tpu.memory_space<vmem_shared>>
      %dma_start3A_49 = arith.constant 0 : i32
      %dma_start3A_50 = tpu.memref_slice %arg10[%add3A_9, %dma_start3A_49] : memref<10112x128xf32, #tpu.memory_space<vmem_shared>> -> memref<128x128xf32, #tpu.memory_space<vmem_shared>>
      %dma_start3A_51 = arith.constant 0 : i32
      %dma_start3A_52 = arith.constant 0 : i32
      %dma_start3A_53 = tpu.memref_slice %arg8[%dma_start3A_51, %dma_start3A_52] : memref<128x128xf32, #tpu.memory_space<vmem>> -> memref<128x128xf32, #tpu.memory_space<vmem>>
      tpu.enqueue_dma source(%dma_start3A_53 : memref<128x128xf32, #tpu.memory_space<vmem>>) target(%dma_start3A_50 : memref<128x128xf32, #tpu.memory_space<vmem_shared>>) target_semaphore(%run_scoped3A : memref<!tpu.dma_semaphore, #tpu.memory_space<semaphore_mem>>)
      %dma_wait3A = arith.constant 0 : i32
      %dma_wait3A_54 = arith.constant 0 : i32
      %dma_wait3A_55 = tpu.memref_slice %arg8[%dma_wait3A, %dma_wait3A_54] : memref<128x128xf32, #tpu.memory_space<vmem>> -> memref<128x128xf32, #tpu.memory_space<vmem>>
      %dma_wait3A_56 = arith.constant 0 : i32
      %dma_wait3A_57 = tpu.memref_slice %arg10[%add3A_9, %dma_wait3A_56] : memref<10112x128xf32, #tpu.memory_space<vmem_shared>> -> memref<128x128xf32, #tpu.memory_space<vmem_shared>>
      %dma_wait3A_58 = arith.constant 0 : i32
      %dma_wait3A_59 = tpu.memref_slice %arg10[%add3A_9, %dma_wait3A_58] : memref<10112x128xf32, #tpu.memory_space<vmem_shared>> -> memref<128x128xf32, #tpu.memory_space<vmem_shared>>
      %dma_wait3A_60 = arith.constant 0 : i32
      %dma_wait3A_61 = arith.constant 0 : i32
      %dma_wait3A_62 = tpu.memref_slice %arg8[%dma_wait3A_60, %dma_wait3A_61] : memref<128x128xf32, #tpu.memory_space<vmem>> -> memref<128x128xf32, #tpu.memory_space<vmem>>
      tpu.wait_dma2 semaphore(%run_scoped3A : memref<!tpu.dma_semaphore, #tpu.memory_space<semaphore_mem>>) src(%dma_wait3A_62 : memref<128x128xf32, #tpu.memory_space<vmem>>) dst(%dma_wait3A_59 : memref<128x128xf32, #tpu.memory_space<vmem_shared>>)
      tpu.yield
    }) : () -> ()
    %add3A_10 = arith.constant 384 : i32
    %add3A_11 = arith.addi %mul3A_0, %add3A_10 : i32
    "tpu.region"() ({
      %run_scoped3A = tpu.sem_alloc : memref<!tpu.dma_semaphore, #tpu.memory_space<semaphore_mem>>
      %dma_start3A = arith.constant 0 : i32
      %dma_start3A_45 = arith.constant 0 : i32
      %dma_start3A_46 = tpu.memref_slice %arg8[%dma_start3A, %dma_start3A_45] : memref<128x128xf32, #tpu.memory_space<vmem>> -> memref<128x128xf32, #tpu.memory_space<vmem>>
      %dma_start3A_47 = arith.constant 0 : i32
      %dma_start3A_48 = tpu.memref_slice %arg10[%add3A_11, %dma_start3A_47] : memref<10112x128xf32, #tpu.memory_space<vmem_shared>> -> memref<128x128xf32, #tpu.memory_space<vmem_shared>>
      %dma_start3A_49 = arith.constant 0 : i32
      %dma_start3A_50 = tpu.memref_slice %arg10[%add3A_11, %dma_start3A_49] : memref<10112x128xf32, #tpu.memory_space<vmem_shared>> -> memref<128x128xf32, #tpu.memory_space<vmem_shared>>
      %dma_start3A_51 = arith.constant 0 : i32
      %dma_start3A_52 = arith.constant 0 : i32
      %dma_start3A_53 = tpu.memref_slice %arg8[%dma_start3A_51, %dma_start3A_52] : memref<128x128xf32, #tpu.memory_space<vmem>> -> memref<128x128xf32, #tpu.memory_space<vmem>>
      tpu.enqueue_dma source(%dma_start3A_53 : memref<128x128xf32, #tpu.memory_space<vmem>>) target(%dma_start3A_50 : memref<128x128xf32, #tpu.memory_space<vmem_shared>>) target_semaphore(%run_scoped3A : memref<!tpu.dma_semaphore, #tpu.memory_space<semaphore_mem>>)
      %dma_wait3A = arith.constant 0 : i32
      %dma_wait3A_54 = arith.constant 0 : i32
      %dma_wait3A_55 = tpu.memref_slice %arg8[%dma_wait3A, %dma_wait3A_54] : memref<128x128xf32, #tpu.memory_space<vmem>> -> memref<128x128xf32, #tpu.memory_space<vmem>>
      %dma_wait3A_56 = arith.constant 0 : i32
      %dma_wait3A_57 = tpu.memref_slice %arg10[%add3A_11, %dma_wait3A_56] : memref<10112x128xf32, #tpu.memory_space<vmem_shared>> -> memref<128x128xf32, #tpu.memory_space<vmem_shared>>
      %dma_wait3A_58 = arith.constant 0 : i32
      %dma_wait3A_59 = tpu.memref_slice %arg10[%add3A_11, %dma_wait3A_58] : memref<10112x128xf32, #tpu.memory_space<vmem_shared>> -> memref<128x128xf32, #tpu.memory_space<vmem_shared>>
      %dma_wait3A_60 = arith.constant 0 : i32
      %dma_wait3A_61 = arith.constant 0 : i32
      %dma_wait3A_62 = tpu.memref_slice %arg8[%dma_wait3A_60, %dma_wait3A_61] : memref<128x128xf32, #tpu.memory_space<vmem>> -> memref<128x128xf32, #tpu.memory_space<vmem>>
      tpu.wait_dma2 semaphore(%run_scoped3A : memref<!tpu.dma_semaphore, #tpu.memory_space<semaphore_mem>>) src(%dma_wait3A_62 : memref<128x128xf32, #tpu.memory_space<vmem>>) dst(%dma_wait3A_59 : memref<128x128xf32, #tpu.memory_space<vmem_shared>>)
      tpu.yield
    }) : () -> ()
    %add3A_12 = arith.constant 512 : i32
    %add3A_13 = arith.addi %mul3A_0, %add3A_12 : i32
    "tpu.region"() ({
      %run_scoped3A = tpu.sem_alloc : memref<!tpu.dma_semaphore, #tpu.memory_space<semaphore_mem>>
      %dma_start3A = arith.constant 0 : i32
      %dma_start3A_45 = arith.constant 0 : i32
      %dma_start3A_46 = tpu.memref_slice %arg8[%dma_start3A, %dma_start3A_45] : memref<128x128xf32, #tpu.memory_space<vmem>> -> memref<120x128xf32, #tpu.memory_space<vmem>>
      %dma_start3A_47 = arith.constant 0 : i32
      %dma_start3A_48 = tpu.memref_slice %arg10[%add3A_13, %dma_start3A_47] : memref<10112x128xf32, #tpu.memory_space<vmem_shared>> -> memref<120x128xf32, #tpu.memory_space<vmem_shared>>
      %dma_start3A_49 = arith.constant 0 : i32
      %dma_start3A_50 = tpu.memref_slice %arg10[%add3A_13, %dma_start3A_49] : memref<10112x128xf32, #tpu.memory_space<vmem_shared>> -> memref<120x128xf32, #tpu.memory_space<vmem_shared>>
      %dma_start3A_51 = arith.constant 0 : i32
      %dma_start3A_52 = arith.constant 0 : i32
      %dma_start3A_53 = tpu.memref_slice %arg8[%dma_start3A_51, %dma_start3A_52] : memref<128x128xf32, #tpu.memory_space<vmem>> -> memref<120x128xf32, #tpu.memory_space<vmem>>
      tpu.enqueue_dma source(%dma_start3A_53 : memref<120x128xf32, #tpu.memory_space<vmem>>) target(%dma_start3A_50 : memref<120x128xf32, #tpu.memory_space<vmem_shared>>) target_semaphore(%run_scoped3A : memref<!tpu.dma_semaphore, #tpu.memory_space<semaphore_mem>>)
      %dma_wait3A = arith.constant 0 : i32
      %dma_wait3A_54 = arith.constant 0 : i32
      %dma_wait3A_55 = tpu.memref_slice %arg8[%dma_wait3A, %dma_wait3A_54] : memref<128x128xf32, #tpu.memory_space<vmem>> -> memref<120x128xf32, #tpu.memory_space<vmem>>
      %dma_wait3A_56 = arith.constant 0 : i32
      %dma_wait3A_57 = tpu.memref_slice %arg10[%add3A_13, %dma_wait3A_56] : memref<10112x128xf32, #tpu.memory_space<vmem_shared>> -> memref<120x128xf32, #tpu.memory_space<vmem_shared>>
      %dma_wait3A_58 = arith.constant 0 : i32
      %dma_wait3A_59 = tpu.memref_slice %arg10[%add3A_13, %dma_wait3A_58] : memref<10112x128xf32, #tpu.memory_space<vmem_shared>> -> memref<120x128xf32, #tpu.memory_space<vmem_shared>>
      %dma_wait3A_60 = arith.constant 0 : i32
      %dma_wait3A_61 = arith.constant 0 : i32
      %dma_wait3A_62 = tpu.memref_slice %arg8[%dma_wait3A_60, %dma_wait3A_61] : memref<128x128xf32, #tpu.memory_space<vmem>> -> memref<120x128xf32, #tpu.memory_space<vmem>>
      tpu.wait_dma2 semaphore(%run_scoped3A : memref<!tpu.dma_semaphore, #tpu.memory_space<semaphore_mem>>) src(%dma_wait3A_62 : memref<120x128xf32, #tpu.memory_space<vmem>>) dst(%dma_wait3A_59 : memref<120x128xf32, #tpu.memory_space<vmem_shared>>)
      tpu.yield
    }) : () -> ()
    %barrier3A = arith.constant 0 : index
    tpu.barrier barrier_id(%barrier3A)
    %eq3A = arith.constant 0 : i32
    %eq3A_14 = arith.cmpi eq, %arg0, %eq3A : i32
    %mul3A_15 = arith.constant 80 : i32
    %mul3A_16 = arith.muli %arg1, %mul3A_15 : i32
    %mul3A_17 = arith.constant 80 : i32
    %mul3A_18 = arith.muli %arg1, %mul3A_17 : i32
    %add3A_19 = arith.constant 1280 : i32
    %add3A_20 = arith.addi %add3A_19, %mul3A_18 : i32
    %select_n3A = arith.select %eq3A_14, %mul3A_16, %add3A_20 : i32
    %eq3A_21 = arith.constant 0 : i32
    %eq3A_22 = arith.cmpi eq, %arg0, %eq3A_21 : i32
    %jit3A = arith.constant 2 : i32
    %jit3A_23 = arith.constant 2 : i32
    %select_n3A_24 = arith.select %eq3A_22, %jit3A, %jit3A_23 : i32
    %sub3A = arith.constant 0 : i32
    %sub3A_25 = arith.subi %select_n3A_24, %sub3A : i32
    %sub3A_26 = arith.constant 1 : i32
    %sub3A_27 = arith.constant 1 : i32
    %sub3A_28 = arith.subi %sub3A_26, %sub3A_27 : i32
    %add3A_29 = arith.addi %sub3A_25, %sub3A_28 : i32
    %div3A = arith.constant 1 : i32
    %div3A_30 = arith.divsi %add3A_29, %div3A : i32
    %while3A = arith.constant 1 : i32
    %while3A_31 = arith.constant 0 : i32
    %while3A_32 = arith.constant 0 : i32
    %while3A_33 = arith.subi %div3A_30, %while3A_32 : i32
    %while3A_34 = arith.addi %while3A_32, %while3A_33 : i32
    %while3A_35 = arith.constant 1 : i32
    %while3A_36 = arith.divsi %while3A_33, %while3A_35 : i32
    %while3A_37 = arith.muli %while3A_36, %while3A_35 : i32
    %while3A_38 = arith.addi %while3A_32, %while3A_37 : i32
    %while3A_39 = arith.constant 1 : i32
    scf.for %while3A_45 = %while3A_32 to %while3A_38 step %while3A_39  : i32 {
      %mul3A_46 = arith.muli %while3A_45, %while3A : i32
      %add3A_47 = arith.addi %while3A_31, %mul3A_46 : i32
      %mul3A_48 = arith.constant 40 : i32
      %mul3A_49 = arith.muli %add3A_47, %mul3A_48 : i32
      %add3A_50 = arith.addi %select_n3A, %mul3A_49 : i32
      "tpu.region"() ({
        %run_scoped3A = tpu.sem_alloc : memref<!tpu.dma_semaphore, #tpu.memory_space<semaphore_mem>>
        %dma_start3A_62 = arith.constant 0 : i32
        %dma_start3A_63 = tpu.memref_slice %arg3[%add3A_50, %dma_start3A_62] : memref<2560x128xi32, #tpu.memory_space<hbm>> -> memref<40x128xi32, #tpu.memory_space<hbm>>
        %dma_start3A_64 = arith.constant 0 : i32
        %dma_start3A_65 = tpu.memref_slice %arg3[%add3A_50, %dma_start3A_64] : memref<2560x128xi32, #tpu.memory_space<hbm>> -> memref<40x128xi32, #tpu.memory_space<hbm>>
        tpu.enqueue_dma source(%dma_start3A_65 : memref<40x128xi32, #tpu.memory_space<hbm>>) target(%arg6 : memref<40x128xi32, #tpu.memory_space<vmem>>) target_semaphore(%run_scoped3A : memref<!tpu.dma_semaphore, #tpu.memory_space<semaphore_mem>>)
        %dma_wait3A = arith.constant 0 : i32
        %dma_wait3A_66 = tpu.memref_slice %arg3[%add3A_50, %dma_wait3A] : memref<2560x128xi32, #tpu.memory_space<hbm>> -> memref<40x128xi32, #tpu.memory_space<hbm>>
        %dma_wait3A_67 = arith.constant 0 : i32
        %dma_wait3A_68 = tpu.memref_slice %arg3[%add3A_50, %dma_wait3A_67] : memref<2560x128xi32, #tpu.memory_space<hbm>> -> memref<40x128xi32, #tpu.memory_space<hbm>>
        tpu.wait_dma2 semaphore(%run_scoped3A : memref<!tpu.dma_semaphore, #tpu.memory_space<semaphore_mem>>) src(%dma_wait3A_68 : memref<40x128xi32, #tpu.memory_space<hbm>>) dst(%arg6 : memref<40x128xi32, #tpu.memory_space<vmem>>)
        tpu.yield
      }) : () -> ()
      "tpu.region"() ({
        %run_scoped3A = tpu.sem_alloc : memref<!tpu.dma_semaphore, #tpu.memory_space<semaphore_mem>>
        %dma_start3A_62 = arith.constant 0 : i32
        %dma_start3A_63 = tpu.memref_slice %arg4[%add3A_50, %dma_start3A_62] : memref<2560x128xi32, #tpu.memory_space<hbm>> -> memref<40x128xi32, #tpu.memory_space<hbm>>
        %dma_start3A_64 = arith.constant 0 : i32
        %dma_start3A_65 = tpu.memref_slice %arg4[%add3A_50, %dma_start3A_64] : memref<2560x128xi32, #tpu.memory_space<hbm>> -> memref<40x128xi32, #tpu.memory_space<hbm>>
        tpu.enqueue_dma source(%dma_start3A_65 : memref<40x128xi32, #tpu.memory_space<hbm>>) target(%arg7 : memref<40x128xi32, #tpu.memory_space<vmem>>) target_semaphore(%run_scoped3A : memref<!tpu.dma_semaphore, #tpu.memory_space<semaphore_mem>>)
        %dma_wait3A = arith.constant 0 : i32
        %dma_wait3A_66 = tpu.memref_slice %arg4[%add3A_50, %dma_wait3A] : memref<2560x128xi32, #tpu.memory_space<hbm>> -> memref<40x128xi32, #tpu.memory_space<hbm>>
        %dma_wait3A_67 = arith.constant 0 : i32
        %dma_wait3A_68 = tpu.memref_slice %arg4[%add3A_50, %dma_wait3A_67] : memref<2560x128xi32, #tpu.memory_space<hbm>> -> memref<40x128xi32, #tpu.memory_space<hbm>>
        tpu.wait_dma2 semaphore(%run_scoped3A : memref<!tpu.dma_semaphore, #tpu.memory_space<semaphore_mem>>) src(%dma_wait3A_68 : memref<40x128xi32, #tpu.memory_space<hbm>>) dst(%arg7 : memref<40x128xi32, #tpu.memory_space<vmem>>)
        tpu.yield
      }) : () -> ()
      %dma_start3A = arith.constant 0 : i32
      %dma_start3A_51 = arith.constant 0 : i32
      %dma_start3A_52 = tpu.memref_slice %arg6[%dma_start3A, %dma_start3A_51] : memref<40x128xi32, #tpu.memory_space<vmem>> -> memref<1x128xi32, #tpu.memory_space<vmem>>
      %dma_start3A_53 = tpu.memref_squeeze %dma_start3A_52 : memref<1x128xi32, #tpu.memory_space<vmem>> -> memref<128xi32, #tpu.memory_space<vmem>>
      %dma_start3A_54 = arith.constant 0 : i32
      %dma_start3A_55 = arith.constant 0 : i32
      %dma_start3A_56 = tpu.memref_slice %arg2[%dma_start3A_54, %dma_start3A_55] : memref<10112x128xf32, #tpu.memory_space<hbm>> -> memref<10112x128xf32, #tpu.memory_space<hbm>>
      tpu.enqueue_indirect_dma source(%dma_start3A_56 : memref<10112x128xf32, #tpu.memory_space<hbm>>) target(%arg8 : memref<128x128xf32, #tpu.memory_space<vmem>>) offsets(%dma_start3A_53 : memref<128xi32, #tpu.memory_space<vmem>>) semaphore(%arg11 : memref<!tpu.dma_semaphore, #tpu.memory_space<semaphore_mem>>)
      %scan3A_57 = arith.constant 0 : i32
      %scan3A_58 = arith.constant 20 : i32
      %scan3A_59 = arith.addi %scan3A_57, %scan3A_58 : i32
      %scan3A_60 = arith.constant 1 : i32
      scf.for %scan3A_62 = %scan3A_57 to %scan3A_59 step %scan3A_60  : i32 {
        %mul3A_63 = arith.constant 1 : i32
        %mul3A_64 = arith.muli %scan3A_62, %mul3A_63 : i32
        %add3A_65 = arith.constant 0 : i32
        %add3A_66 = arith.addi %add3A_65, %mul3A_64 : i32
        %mul3A_67 = arith.constant 2 : i32
        %mul3A_68 = arith.muli %mul3A_67, %add3A_66 : i32
        %add3A_69 = arith.constant 1 : i32
        %add3A_70 = arith.addi %mul3A_68, %add3A_69 : i32
        %dma_start3A_71 = arith.constant 0 : i32
        %dma_start3A_72 = tpu.memref_slice %arg6[%add3A_70, %dma_start3A_71] : memref<40x128xi32, #tpu.memory_space<vmem>> -> memref<1x128xi32, #tpu.memory_space<vmem>>
        %dma_start3A_73 = tpu.memref_squeeze %dma_start3A_72 : memref<1x128xi32, #tpu.memory_space<vmem>> -> memref<128xi32, #tpu.memory_space<vmem>>
        %dma_start3A_74 = arith.constant 0 : i32
        %dma_start3A_75 = arith.constant 0 : i32
        %dma_start3A_76 = tpu.memref_slice %arg2[%dma_start3A_74, %dma_start3A_75] : memref<10112x128xf32, #tpu.memory_space<hbm>> -> memref<10112x128xf32, #tpu.memory_space<hbm>>
        tpu.enqueue_indirect_dma source(%dma_start3A_76 : memref<10112x128xf32, #tpu.memory_space<hbm>>) target(%arg9 : memref<128x128xf32, #tpu.memory_space<vmem>>) offsets(%dma_start3A_73 : memref<128xi32, #tpu.memory_space<vmem>>) semaphore(%arg12 : memref<!tpu.dma_semaphore, #tpu.memory_space<semaphore_mem>>)
        %dma_wait3A = arith.constant 0 : i32
        %dma_wait3A_77 = tpu.memref_slice %arg6[%mul3A_68, %dma_wait3A] : memref<40x128xi32, #tpu.memory_space<vmem>> -> memref<1x128xi32, #tpu.memory_space<vmem>>
        %dma_wait3A_78 = tpu.memref_squeeze %dma_wait3A_77 : memref<1x128xi32, #tpu.memory_space<vmem>> -> memref<128xi32, #tpu.memory_space<vmem>>
        %dma_wait3A_79 = arith.constant 0 : i32
        %dma_wait3A_80 = arith.constant 0 : i32
        %dma_wait3A_81 = tpu.memref_slice %arg2[%dma_wait3A_79, %dma_wait3A_80] : memref<10112x128xf32, #tpu.memory_space<hbm>> -> memref<10112x128xf32, #tpu.memory_space<hbm>>
        tpu.wait_indirect_dma semaphore(%arg11 : memref<!tpu.dma_semaphore, #tpu.memory_space<semaphore_mem>>) src(%dma_wait3A_81 : memref<10112x128xf32, #tpu.memory_space<hbm>>) dst(%arg8 : memref<128x128xf32, #tpu.memory_space<vmem>>)
        "tpu.region"() ({
          %run_scoped3A = tpu.sem_alloc : memref<!tpu.dma_semaphore, #tpu.memory_space<semaphore_mem>>
          %dma_start3A_96 = arith.constant 0 : i32
          %dma_start3A_97 = tpu.memref_slice %arg7[%mul3A_68, %dma_start3A_96] : memref<40x128xi32, #tpu.memory_space<vmem>> -> memref<1x128xi32, #tpu.memory_space<vmem>>
          %dma_start3A_98 = tpu.memref_squeeze %dma_start3A_97 : memref<1x128xi32, #tpu.memory_space<vmem>> -> memref<128xi32, #tpu.memory_space<vmem>>
          %dma_start3A_99 = arith.constant 0 : i32
          %dma_start3A_100 = arith.constant 0 : i32
          %dma_start3A_101 = tpu.memref_slice %arg10[%dma_start3A_99, %dma_start3A_100] : memref<10112x128xf32, #tpu.memory_space<vmem_shared>> -> memref<10112x128xf32, #tpu.memory_space<vmem_shared>>
          tpu.enqueue_indirect_dma source(%arg8 : memref<128x128xf32, #tpu.memory_space<vmem>>) target(%dma_start3A_101 : memref<10112x128xf32, #tpu.memory_space<vmem_shared>>) offsets(%dma_start3A_98 : memref<128xi32, #tpu.memory_space<vmem>>) semaphore(%run_scoped3A : memref<!tpu.dma_semaphore, #tpu.memory_space<semaphore_mem>>) {add = true}
          %dma_wait3A_102 = arith.constant 0 : i32
          %dma_wait3A_103 = tpu.memref_slice %arg7[%mul3A_68, %dma_wait3A_102] : memref<40x128xi32, #tpu.memory_space<vmem>> -> memref<1x128xi32, #tpu.memory_space<vmem>>
          %dma_wait3A_104 = tpu.memref_squeeze %dma_wait3A_103 : memref<1x128xi32, #tpu.memory_space<vmem>> -> memref<128xi32, #tpu.memory_space<vmem>>
          %dma_wait3A_105 = arith.constant 0 : i32
          %dma_wait3A_106 = arith.constant 0 : i32
          %dma_wait3A_107 = tpu.memref_slice %arg10[%dma_wait3A_105, %dma_wait3A_106] : memref<10112x128xf32, #tpu.memory_space<vmem_shared>> -> memref<10112x128xf32, #tpu.memory_space<vmem_shared>>
          tpu.wait_indirect_dma semaphore(%run_scoped3A : memref<!tpu.dma_semaphore, #tpu.memory_space<semaphore_mem>>) src(%arg8 : memref<128x128xf32, #tpu.memory_space<vmem>>) dst(%dma_wait3A_107 : memref<10112x128xf32, #tpu.memory_space<vmem_shared>>)
          tpu.yield
        }) : () -> ()
        %add3A_82 = arith.constant 1 : i32
        %add3A_83 = arith.addi %add3A_66, %add3A_82 : i32
        %lt3A = arith.constant 20 : i32
        %lt3A_84 = arith.cmpi slt, %add3A_83, %lt3A : i32
        %convert_element_type3A = arith.extui %lt3A_84 : i1 to i32
        %cond3A = arith.constant 0 : i32
        %cond3A_85 = arith.cmpi ne, %convert_element_type3A, %cond3A : i32
        scf.if %cond3A_85 {
          %add3A_96 = arith.constant 2 : i32
          %add3A_97 = arith.addi %mul3A_68, %add3A_96 : i32
          %dma_start3A_98 = arith.constant 0 : i32
          %dma_start3A_99 = tpu.memref_slice %arg6[%add3A_97, %dma_start3A_98] : memref<40x128xi32, #tpu.memory_space<vmem>> -> memref<1x128xi32, #tpu.memory_space<vmem>>
          %dma_start3A_100 = tpu.memref_squeeze %dma_start3A_99 : memref<1x128xi32, #tpu.memory_space<vmem>> -> memref<128xi32, #tpu.memory_space<vmem>>
          %dma_start3A_101 = arith.constant 0 : i32
          %dma_start3A_102 = arith.constant 0 : i32
          %dma_start3A_103 = tpu.memref_slice %arg2[%dma_start3A_101, %dma_start3A_102] : memref<10112x128xf32, #tpu.memory_space<hbm>> -> memref<10112x128xf32, #tpu.memory_space<hbm>>
          tpu.enqueue_indirect_dma source(%dma_start3A_103 : memref<10112x128xf32, #tpu.memory_space<hbm>>) target(%arg8 : memref<128x128xf32, #tpu.memory_space<vmem>>) offsets(%dma_start3A_100 : memref<128xi32, #tpu.memory_space<vmem>>) semaphore(%arg11 : memref<!tpu.dma_semaphore, #tpu.memory_space<semaphore_mem>>)
        } else {
        }
        %add3A_86 = arith.constant 1 : i32
        %add3A_87 = arith.addi %mul3A_68, %add3A_86 : i32
        %dma_wait3A_88 = arith.constant 0 : i32
        %dma_wait3A_89 = tpu.memref_slice %arg6[%add3A_87, %dma_wait3A_88] : memref<40x128xi32, #tpu.memory_space<vmem>> -> memref<1x128xi32, #tpu.memory_space<vmem>>
        %dma_wait3A_90 = tpu.memref_squeeze %dma_wait3A_89 : memref<1x128xi32, #tpu.memory_space<vmem>> -> memref<128xi32, #tpu.memory_space<vmem>>
        %dma_wait3A_91 = arith.constant 0 : i32
        %dma_wait3A_92 = arith.constant 0 : i32
        %dma_wait3A_93 = tpu.memref_slice %arg2[%dma_wait3A_91, %dma_wait3A_92] : memref<10112x128xf32, #tpu.memory_space<hbm>> -> memref<10112x128xf32, #tpu.memory_space<hbm>>
        tpu.wait_indirect_dma semaphore(%arg12 : memref<!tpu.dma_semaphore, #tpu.memory_space<semaphore_mem>>) src(%dma_wait3A_93 : memref<10112x128xf32, #tpu.memory_space<hbm>>) dst(%arg9 : memref<128x128xf32, #tpu.memory_space<vmem>>)
        %add3A_94 = arith.constant 1 : i32
        %add3A_95 = arith.addi %mul3A_68, %add3A_94 : i32
        "tpu.region"() ({
          %run_scoped3A = tpu.sem_alloc : memref<!tpu.dma_semaphore, #tpu.memory_space<semaphore_mem>>
          %dma_start3A_96 = arith.constant 0 : i32
          %dma_start3A_97 = tpu.memref_slice %arg7[%add3A_95, %dma_start3A_96] : memref<40x128xi32, #tpu.memory_space<vmem>> -> memref<1x128xi32, #tpu.memory_space<vmem>>
          %dma_start3A_98 = tpu.memref_squeeze %dma_start3A_97 : memref<1x128xi32, #tpu.memory_space<vmem>> -> memref<128xi32, #tpu.memory_space<vmem>>
          %dma_start3A_99 = arith.constant 0 : i32
          %dma_start3A_100 = arith.constant 0 : i32
          %dma_start3A_101 = tpu.memref_slice %arg10[%dma_start3A_99, %dma_start3A_100] : memref<10112x128xf32, #tpu.memory_space<vmem_shared>> -> memref<10112x128xf32, #tpu.memory_space<vmem_shared>>
          tpu.enqueue_indirect_dma source(%arg9 : memref<128x128xf32, #tpu.memory_space<vmem>>) target(%dma_start3A_101 : memref<10112x128xf32, #tpu.memory_space<vmem_shared>>) offsets(%dma_start3A_98 : memref<128xi32, #tpu.memory_space<vmem>>) semaphore(%run_scoped3A : memref<!tpu.dma_semaphore, #tpu.memory_space<semaphore_mem>>) {add = true}
          %dma_wait3A_102 = arith.constant 0 : i32
          %dma_wait3A_103 = tpu.memref_slice %arg7[%add3A_95, %dma_wait3A_102] : memref<40x128xi32, #tpu.memory_space<vmem>> -> memref<1x128xi32, #tpu.memory_space<vmem>>
          %dma_wait3A_104 = tpu.memref_squeeze %dma_wait3A_103 : memref<1x128xi32, #tpu.memory_space<vmem>> -> memref<128xi32, #tpu.memory_space<vmem>>
          %dma_wait3A_105 = arith.constant 0 : i32
          %dma_wait3A_106 = arith.constant 0 : i32
          %dma_wait3A_107 = tpu.memref_slice %arg10[%dma_wait3A_105, %dma_wait3A_106] : memref<10112x128xf32, #tpu.memory_space<vmem_shared>> -> memref<10112x128xf32, #tpu.memory_space<vmem_shared>>
          tpu.wait_indirect_dma semaphore(%run_scoped3A : memref<!tpu.dma_semaphore, #tpu.memory_space<semaphore_mem>>) src(%arg9 : memref<128x128xf32, #tpu.memory_space<vmem>>) dst(%dma_wait3A_107 : memref<10112x128xf32, #tpu.memory_space<vmem_shared>>)
          tpu.yield
        }) : () -> ()
      }
      %scan3A_61 = arith.constant 20 : i32
    }
    %while3A_40 = arith.constant 1 : i32
    scf.for %while3A_45 = %while3A_38 to %while3A_34 step %while3A_40  : i32 {
      %mul3A_46 = arith.muli %while3A_45, %while3A : i32
      %add3A_47 = arith.addi %while3A_31, %mul3A_46 : i32
      %mul3A_48 = arith.constant 40 : i32
      %mul3A_49 = arith.muli %add3A_47, %mul3A_48 : i32
      %add3A_50 = arith.addi %select_n3A, %mul3A_49 : i32
      "tpu.region"() ({
        %run_scoped3A = tpu.sem_alloc : memref<!tpu.dma_semaphore, #tpu.memory_space<semaphore_mem>>
        %dma_start3A_62 = arith.constant 0 : i32
        %dma_start3A_63 = tpu.memref_slice %arg3[%add3A_50, %dma_start3A_62] : memref<2560x128xi32, #tpu.memory_space<hbm>> -> memref<40x128xi32, #tpu.memory_space<hbm>>
        %dma_start3A_64 = arith.constant 0 : i32
        %dma_start3A_65 = tpu.memref_slice %arg3[%add3A_50, %dma_start3A_64] : memref<2560x128xi32, #tpu.memory_space<hbm>> -> memref<40x128xi32, #tpu.memory_space<hbm>>
        tpu.enqueue_dma source(%dma_start3A_65 : memref<40x128xi32, #tpu.memory_space<hbm>>) target(%arg6 : memref<40x128xi32, #tpu.memory_space<vmem>>) target_semaphore(%run_scoped3A : memref<!tpu.dma_semaphore, #tpu.memory_space<semaphore_mem>>)
        %dma_wait3A = arith.constant 0 : i32
        %dma_wait3A_66 = tpu.memref_slice %arg3[%add3A_50, %dma_wait3A] : memref<2560x128xi32, #tpu.memory_space<hbm>> -> memref<40x128xi32, #tpu.memory_space<hbm>>
        %dma_wait3A_67 = arith.constant 0 : i32
        %dma_wait3A_68 = tpu.memref_slice %arg3[%add3A_50, %dma_wait3A_67] : memref<2560x128xi32, #tpu.memory_space<hbm>> -> memref<40x128xi32, #tpu.memory_space<hbm>>
        tpu.wait_dma2 semaphore(%run_scoped3A : memref<!tpu.dma_semaphore, #tpu.memory_space<semaphore_mem>>) src(%dma_wait3A_68 : memref<40x128xi32, #tpu.memory_space<hbm>>) dst(%arg6 : memref<40x128xi32, #tpu.memory_space<vmem>>)
        tpu.yield
      }) : () -> ()
      "tpu.region"() ({
        %run_scoped3A = tpu.sem_alloc : memref<!tpu.dma_semaphore, #tpu.memory_space<semaphore_mem>>
        %dma_start3A_62 = arith.constant 0 : i32
        %dma_start3A_63 = tpu.memref_slice %arg4[%add3A_50, %dma_start3A_62] : memref<2560x128xi32, #tpu.memory_space<hbm>> -> memref<40x128xi32, #tpu.memory_space<hbm>>
        %dma_start3A_64 = arith.constant 0 : i32
        %dma_start3A_65 = tpu.memref_slice %arg4[%add3A_50, %dma_start3A_64] : memref<2560x128xi32, #tpu.memory_space<hbm>> -> memref<40x128xi32, #tpu.memory_space<hbm>>
        tpu.enqueue_dma source(%dma_start3A_65 : memref<40x128xi32, #tpu.memory_space<hbm>>) target(%arg7 : memref<40x128xi32, #tpu.memory_space<vmem>>) target_semaphore(%run_scoped3A : memref<!tpu.dma_semaphore, #tpu.memory_space<semaphore_mem>>)
        %dma_wait3A = arith.constant 0 : i32
        %dma_wait3A_66 = tpu.memref_slice %arg4[%add3A_50, %dma_wait3A] : memref<2560x128xi32, #tpu.memory_space<hbm>> -> memref<40x128xi32, #tpu.memory_space<hbm>>
        %dma_wait3A_67 = arith.constant 0 : i32
        %dma_wait3A_68 = tpu.memref_slice %arg4[%add3A_50, %dma_wait3A_67] : memref<2560x128xi32, #tpu.memory_space<hbm>> -> memref<40x128xi32, #tpu.memory_space<hbm>>
        tpu.wait_dma2 semaphore(%run_scoped3A : memref<!tpu.dma_semaphore, #tpu.memory_space<semaphore_mem>>) src(%dma_wait3A_68 : memref<40x128xi32, #tpu.memory_space<hbm>>) dst(%arg7 : memref<40x128xi32, #tpu.memory_space<vmem>>)
        tpu.yield
      }) : () -> ()
      %dma_start3A = arith.constant 0 : i32
      %dma_start3A_51 = arith.constant 0 : i32
      %dma_start3A_52 = tpu.memref_slice %arg6[%dma_start3A, %dma_start3A_51] : memref<40x128xi32, #tpu.memory_space<vmem>> -> memref<1x128xi32, #tpu.memory_space<vmem>>
      %dma_start3A_53 = tpu.memref_squeeze %dma_start3A_52 : memref<1x128xi32, #tpu.memory_space<vmem>> -> memref<128xi32, #tpu.memory_space<vmem>>
      %dma_start3A_54 = arith.constant 0 : i32
      %dma_start3A_55 = arith.constant 0 : i32
      %dma_start3A_56 = tpu.memref_slice %arg2[%dma_start3A_54, %dma_start3A_55] : memref<10112x128xf32, #tpu.memory_space<hbm>> -> memref<10112x128xf32, #tpu.memory_space<hbm>>
      tpu.enqueue_indirect_dma source(%dma_start3A_56 : memref<10112x128xf32, #tpu.memory_space<hbm>>) target(%arg8 : memref<128x128xf32, #tpu.memory_space<vmem>>) offsets(%dma_start3A_53 : memref<128xi32, #tpu.memory_space<vmem>>) semaphore(%arg11 : memref<!tpu.dma_semaphore, #tpu.memory_space<semaphore_mem>>)
      %scan3A_57 = arith.constant 0 : i32
      %scan3A_58 = arith.constant 20 : i32
      %scan3A_59 = arith.addi %scan3A_57, %scan3A_58 : i32
      %scan3A_60 = arith.constant 1 : i32
      scf.for %scan3A_62 = %scan3A_57 to %scan3A_59 step %scan3A_60  : i32 {
        %mul3A_63 = arith.constant 1 : i32
        %mul3A_64 = arith.muli %scan3A_62, %mul3A_63 : i32
        %add3A_65 = arith.constant 0 : i32
        %add3A_66 = arith.addi %add3A_65, %mul3A_64 : i32
        %mul3A_67 = arith.constant 2 : i32
        %mul3A_68 = arith.muli %mul3A_67, %add3A_66 : i32
        %add3A_69 = arith.constant 1 : i32
        %add3A_70 = arith.addi %mul3A_68, %add3A_69 : i32
        %dma_start3A_71 = arith.constant 0 : i32
        %dma_start3A_72 = tpu.memref_slice %arg6[%add3A_70, %dma_start3A_71] : memref<40x128xi32, #tpu.memory_space<vmem>> -> memref<1x128xi32, #tpu.memory_space<vmem>>
        %dma_start3A_73 = tpu.memref_squeeze %dma_start3A_72 : memref<1x128xi32, #tpu.memory_space<vmem>> -> memref<128xi32, #tpu.memory_space<vmem>>
        %dma_start3A_74 = arith.constant 0 : i32
        %dma_start3A_75 = arith.constant 0 : i32
        %dma_start3A_76 = tpu.memref_slice %arg2[%dma_start3A_74, %dma_start3A_75] : memref<10112x128xf32, #tpu.memory_space<hbm>> -> memref<10112x128xf32, #tpu.memory_space<hbm>>
        tpu.enqueue_indirect_dma source(%dma_start3A_76 : memref<10112x128xf32, #tpu.memory_space<hbm>>) target(%arg9 : memref<128x128xf32, #tpu.memory_space<vmem>>) offsets(%dma_start3A_73 : memref<128xi32, #tpu.memory_space<vmem>>) semaphore(%arg12 : memref<!tpu.dma_semaphore, #tpu.memory_space<semaphore_mem>>)
        %dma_wait3A = arith.constant 0 : i32
        %dma_wait3A_77 = tpu.memref_slice %arg6[%mul3A_68, %dma_wait3A] : memref<40x128xi32, #tpu.memory_space<vmem>> -> memref<1x128xi32, #tpu.memory_space<vmem>>
        %dma_wait3A_78 = tpu.memref_squeeze %dma_wait3A_77 : memref<1x128xi32, #tpu.memory_space<vmem>> -> memref<128xi32, #tpu.memory_space<vmem>>
        %dma_wait3A_79 = arith.constant 0 : i32
        %dma_wait3A_80 = arith.constant 0 : i32
        %dma_wait3A_81 = tpu.memref_slice %arg2[%dma_wait3A_79, %dma_wait3A_80] : memref<10112x128xf32, #tpu.memory_space<hbm>> -> memref<10112x128xf32, #tpu.memory_space<hbm>>
        tpu.wait_indirect_dma semaphore(%arg11 : memref<!tpu.dma_semaphore, #tpu.memory_space<semaphore_mem>>) src(%dma_wait3A_81 : memref<10112x128xf32, #tpu.memory_space<hbm>>) dst(%arg8 : memref<128x128xf32, #tpu.memory_space<vmem>>)
        "tpu.region"() ({
          %run_scoped3A = tpu.sem_alloc : memref<!tpu.dma_semaphore, #tpu.memory_space<semaphore_mem>>
          %dma_start3A_96 = arith.constant 0 : i32
          %dma_start3A_97 = tpu.memref_slice %arg7[%mul3A_68, %dma_start3A_96] : memref<40x128xi32, #tpu.memory_space<vmem>> -> memref<1x128xi32, #tpu.memory_space<vmem>>
          %dma_start3A_98 = tpu.memref_squeeze %dma_start3A_97 : memref<1x128xi32, #tpu.memory_space<vmem>> -> memref<128xi32, #tpu.memory_space<vmem>>
          %dma_start3A_99 = arith.constant 0 : i32
          %dma_start3A_100 = arith.constant 0 : i32
          %dma_start3A_101 = tpu.memref_slice %arg10[%dma_start3A_99, %dma_start3A_100] : memref<10112x128xf32, #tpu.memory_space<vmem_shared>> -> memref<10112x128xf32, #tpu.memory_space<vmem_shared>>
          tpu.enqueue_indirect_dma source(%arg8 : memref<128x128xf32, #tpu.memory_space<vmem>>) target(%dma_start3A_101 : memref<10112x128xf32, #tpu.memory_space<vmem_shared>>) offsets(%dma_start3A_98 : memref<128xi32, #tpu.memory_space<vmem>>) semaphore(%run_scoped3A : memref<!tpu.dma_semaphore, #tpu.memory_space<semaphore_mem>>) {add = true}
          %dma_wait3A_102 = arith.constant 0 : i32
          %dma_wait3A_103 = tpu.memref_slice %arg7[%mul3A_68, %dma_wait3A_102] : memref<40x128xi32, #tpu.memory_space<vmem>> -> memref<1x128xi32, #tpu.memory_space<vmem>>
          %dma_wait3A_104 = tpu.memref_squeeze %dma_wait3A_103 : memref<1x128xi32, #tpu.memory_space<vmem>> -> memref<128xi32, #tpu.memory_space<vmem>>
          %dma_wait3A_105 = arith.constant 0 : i32
          %dma_wait3A_106 = arith.constant 0 : i32
          %dma_wait3A_107 = tpu.memref_slice %arg10[%dma_wait3A_105, %dma_wait3A_106] : memref<10112x128xf32, #tpu.memory_space<vmem_shared>> -> memref<10112x128xf32, #tpu.memory_space<vmem_shared>>
          tpu.wait_indirect_dma semaphore(%run_scoped3A : memref<!tpu.dma_semaphore, #tpu.memory_space<semaphore_mem>>) src(%arg8 : memref<128x128xf32, #tpu.memory_space<vmem>>) dst(%dma_wait3A_107 : memref<10112x128xf32, #tpu.memory_space<vmem_shared>>)
          tpu.yield
        }) : () -> ()
        %add3A_82 = arith.constant 1 : i32
        %add3A_83 = arith.addi %add3A_66, %add3A_82 : i32
        %lt3A = arith.constant 20 : i32
        %lt3A_84 = arith.cmpi slt, %add3A_83, %lt3A : i32
        %convert_element_type3A = arith.extui %lt3A_84 : i1 to i32
        %cond3A = arith.constant 0 : i32
        %cond3A_85 = arith.cmpi ne, %convert_element_type3A, %cond3A : i32
        scf.if %cond3A_85 {
          %add3A_96 = arith.constant 2 : i32
          %add3A_97 = arith.addi %mul3A_68, %add3A_96 : i32
          %dma_start3A_98 = arith.constant 0 : i32
          %dma_start3A_99 = tpu.memref_slice %arg6[%add3A_97, %dma_start3A_98] : memref<40x128xi32, #tpu.memory_space<vmem>> -> memref<1x128xi32, #tpu.memory_space<vmem>>
          %dma_start3A_100 = tpu.memref_squeeze %dma_start3A_99 : memref<1x128xi32, #tpu.memory_space<vmem>> -> memref<128xi32, #tpu.memory_space<vmem>>
          %dma_start3A_101 = arith.constant 0 : i32
          %dma_start3A_102 = arith.constant 0 : i32
          %dma_start3A_103 = tpu.memref_slice %arg2[%dma_start3A_101, %dma_start3A_102] : memref<10112x128xf32, #tpu.memory_space<hbm>> -> memref<10112x128xf32, #tpu.memory_space<hbm>>
          tpu.enqueue_indirect_dma source(%dma_start3A_103 : memref<10112x128xf32, #tpu.memory_space<hbm>>) target(%arg8 : memref<128x128xf32, #tpu.memory_space<vmem>>) offsets(%dma_start3A_100 : memref<128xi32, #tpu.memory_space<vmem>>) semaphore(%arg11 : memref<!tpu.dma_semaphore, #tpu.memory_space<semaphore_mem>>)
        } else {
        }
        %add3A_86 = arith.constant 1 : i32
        %add3A_87 = arith.addi %mul3A_68, %add3A_86 : i32
        %dma_wait3A_88 = arith.constant 0 : i32
        %dma_wait3A_89 = tpu.memref_slice %arg6[%add3A_87, %dma_wait3A_88] : memref<40x128xi32, #tpu.memory_space<vmem>> -> memref<1x128xi32, #tpu.memory_space<vmem>>
        %dma_wait3A_90 = tpu.memref_squeeze %dma_wait3A_89 : memref<1x128xi32, #tpu.memory_space<vmem>> -> memref<128xi32, #tpu.memory_space<vmem>>
        %dma_wait3A_91 = arith.constant 0 : i32
        %dma_wait3A_92 = arith.constant 0 : i32
        %dma_wait3A_93 = tpu.memref_slice %arg2[%dma_wait3A_91, %dma_wait3A_92] : memref<10112x128xf32, #tpu.memory_space<hbm>> -> memref<10112x128xf32, #tpu.memory_space<hbm>>
        tpu.wait_indirect_dma semaphore(%arg12 : memref<!tpu.dma_semaphore, #tpu.memory_space<semaphore_mem>>) src(%dma_wait3A_93 : memref<10112x128xf32, #tpu.memory_space<hbm>>) dst(%arg9 : memref<128x128xf32, #tpu.memory_space<vmem>>)
        %add3A_94 = arith.constant 1 : i32
        %add3A_95 = arith.addi %mul3A_68, %add3A_94 : i32
        "tpu.region"() ({
          %run_scoped3A = tpu.sem_alloc : memref<!tpu.dma_semaphore, #tpu.memory_space<semaphore_mem>>
          %dma_start3A_96 = arith.constant 0 : i32
          %dma_start3A_97 = tpu.memref_slice %arg7[%add3A_95, %dma_start3A_96] : memref<40x128xi32, #tpu.memory_space<vmem>> -> memref<1x128xi32, #tpu.memory_space<vmem>>
          %dma_start3A_98 = tpu.memref_squeeze %dma_start3A_97 : memref<1x128xi32, #tpu.memory_space<vmem>> -> memref<128xi32, #tpu.memory_space<vmem>>
          %dma_start3A_99 = arith.constant 0 : i32
          %dma_start3A_100 = arith.constant 0 : i32
          %dma_start3A_101 = tpu.memref_slice %arg10[%dma_start3A_99, %dma_start3A_100] : memref<10112x128xf32, #tpu.memory_space<vmem_shared>> -> memref<10112x128xf32, #tpu.memory_space<vmem_shared>>
          tpu.enqueue_indirect_dma source(%arg9 : memref<128x128xf32, #tpu.memory_space<vmem>>) target(%dma_start3A_101 : memref<10112x128xf32, #tpu.memory_space<vmem_shared>>) offsets(%dma_start3A_98 : memref<128xi32, #tpu.memory_space<vmem>>) semaphore(%run_scoped3A : memref<!tpu.dma_semaphore, #tpu.memory_space<semaphore_mem>>) {add = true}
          %dma_wait3A_102 = arith.constant 0 : i32
          %dma_wait3A_103 = tpu.memref_slice %arg7[%add3A_95, %dma_wait3A_102] : memref<40x128xi32, #tpu.memory_space<vmem>> -> memref<1x128xi32, #tpu.memory_space<vmem>>
          %dma_wait3A_104 = tpu.memref_squeeze %dma_wait3A_103 : memref<1x128xi32, #tpu.memory_space<vmem>> -> memref<128xi32, #tpu.memory_space<vmem>>
          %dma_wait3A_105 = arith.constant 0 : i32
          %dma_wait3A_106 = arith.constant 0 : i32
          %dma_wait3A_107 = tpu.memref_slice %arg10[%dma_wait3A_105, %dma_wait3A_106] : memref<10112x128xf32, #tpu.memory_space<vmem_shared>> -> memref<10112x128xf32, #tpu.memory_space<vmem_shared>>
          tpu.wait_indirect_dma semaphore(%run_scoped3A : memref<!tpu.dma_semaphore, #tpu.memory_space<semaphore_mem>>) src(%arg9 : memref<128x128xf32, #tpu.memory_space<vmem>>) dst(%dma_wait3A_107 : memref<10112x128xf32, #tpu.memory_space<vmem_shared>>)
          tpu.yield
        }) : () -> ()
      }
      %scan3A_61 = arith.constant 20 : i32
    }
    %barrier3A_41 = arith.constant 0 : index
    tpu.barrier barrier_id(%barrier3A_41)
    %mul3A_42 = arith.constant 10112 : i32
    %mul3A_43 = arith.muli %arg0, %mul3A_42 : i32
    %add3A_44 = arith.addi %mul3A_43, %mul3A_0 : i32
    "tpu.region"() ({
      %run_scoped3A = tpu.sem_alloc : memref<!tpu.dma_semaphore, #tpu.memory_space<semaphore_mem>>
      %dma_start3A = arith.constant 0 : i32
      %dma_start3A_45 = tpu.memref_slice %arg5[%add3A_44, %dma_start3A] : memref<20224x128xf32, #tpu.memory_space<hbm>> -> memref<632x128xf32, #tpu.memory_space<hbm>>
      %dma_start3A_46 = arith.constant 0 : i32
      %dma_start3A_47 = tpu.memref_slice %arg10[%mul3A_0, %dma_start3A_46] : memref<10112x128xf32, #tpu.memory_space<vmem_shared>> -> memref<632x128xf32, #tpu.memory_space<vmem_shared>>
      tpu.enqueue_dma source(%dma_start3A_47 : memref<632x128xf32, #tpu.memory_space<vmem_shared>>) target(%dma_start3A_45 : memref<632x128xf32, #tpu.memory_space<hbm>>) target_semaphore(%run_scoped3A : memref<!tpu.dma_semaphore, #tpu.memory_space<semaphore_mem>>)
      %dma_wait3A = arith.constant 0 : i32
      %dma_wait3A_48 = tpu.memref_slice %arg5[%add3A_44, %dma_wait3A] : memref<20224x128xf32, #tpu.memory_space<hbm>> -> memref<632x128xf32, #tpu.memory_space<hbm>>
      %dma_wait3A_49 = arith.constant 0 : i32
      %dma_wait3A_50 = tpu.memref_slice %arg10[%mul3A_0, %dma_wait3A_49] : memref<10112x128xf32, #tpu.memory_space<vmem_shared>> -> memref<632x128xf32, #tpu.memory_space<vmem_shared>>
      tpu.wait_dma2 semaphore(%run_scoped3A : memref<!tpu.dma_semaphore, #tpu.memory_space<semaphore_mem>>) src(%dma_wait3A_50 : memref<632x128xf32, #tpu.memory_space<vmem_shared>>) dst(%dma_wait3A_48 : memref<632x128xf32, #tpu.memory_space<hbm>>)
      tpu.yield
    }) : () -> ()
    return
  }
}

#map = affine_map<(d0, d1) -> (0, 0)>
module attributes {stable_mosaic.version = 14 : i64} {
  func.func @agg_kernel(%arg0: i32, %arg1: i32, %arg2: memref<10112x128xf32, #tpu.memory_space<hbm>>, %arg3: memref<2560x128xi32, #tpu.memory_space<hbm>>, %arg4: memref<2560x128xi32, #tpu.memory_space<hbm>>, %arg5: memref<20224x128xf32, #tpu.memory_space<hbm>>, %arg6: memref<40x128xi32, #tpu.memory_space<vmem>>, %arg7: memref<40x128xi32, #tpu.memory_space<vmem>>, %arg8: memref<128x128xf32, #tpu.memory_space<vmem>>, %arg9: memref<128x128xf32, #tpu.memory_space<vmem>>, %arg10: memref<10112x128xf32, #tpu.memory_space<vmem_shared>>, %arg11: memref<!tpu.dma_semaphore, #tpu.memory_space<semaphore_mem>>, %arg12: memref<!tpu.dma_semaphore, #tpu.memory_space<semaphore_mem>>) attributes {dimension_semantics = [#tpu.dimension_semantics<core_parallel>, #tpu.dimension_semantics<subcore_parallel>], iteration_bounds = array<i64: 2, 16>, scalar_prefetch = 0 : i64, scratch_operands = 7 : i64, tpu.core_type = #tpu.core_type<sc_vector_subcore>, window_params = [{transform_indices = #map}, {transform_indices = #map}, {transform_indices = #map}, {transform_indices = #map}]} {
    %mul3A = arith.constant 632 : i32
    %mul3A_0 = arith.muli %arg1, %mul3A : i32
    %scan3A = arith.constant 0 : i32
    %scan3A_1 = arith.constant 128 : i32
    %scan3A_2 = arith.addi %scan3A, %scan3A_1 : i32
    %scan3A_3 = arith.constant 1 : i32
    scf.for %scan3A_45 = %scan3A to %scan3A_2 step %scan3A_3  : i32 {
      %mul3A_46 = arith.constant 1 : i32
      %mul3A_47 = arith.muli %scan3A_45, %mul3A_46 : i32
      %add3A_48 = arith.constant 0 : i32
      %add3A_49 = arith.addi %add3A_48, %mul3A_47 : i32
      %broadcast_in_dim3A = arith.constant 0.000000e+00 : f32
      %broadcast_in_dim3A_50 = vector.broadcast %broadcast_in_dim3A : f32 to vector<16xf32>
      %swap3A = arith.index_cast %add3A_49 : i32 to index
      %swap3A_51 = arith.constant 0 : index
      %swap3A_52 = tpu.vector_load %arg8[%swap3A, %swap3A_51] {strides = array<i32>} : memref<128x128xf32, #tpu.memory_space<vmem>>, vector<16xf32>,
      tpu.vector_store %arg8[%swap3A, %swap3A_51], %broadcast_in_dim3A_50 {strides = array<i32>} : memref<128x128xf32, #tpu.memory_space<vmem>>, vector<16xf32>,
      %broadcast_in_dim3A_53 = arith.constant 0.000000e+00 : f32
      %broadcast_in_dim3A_54 = vector.broadcast %broadcast_in_dim3A_53 : f32 to vector<16xf32>
      %swap3A_55 = arith.index_cast %add3A_49 : i32 to index
      %swap3A_56 = arith.constant 16 : index
      %swap3A_57 = tpu.vector_load %arg8[%swap3A_55, %swap3A_56] {strides = array<i32>} : memref<128x128xf32, #tpu.memory_space<vmem>>, vector<16xf32>,
      tpu.vector_store %arg8[%swap3A_55, %swap3A_56], %broadcast_in_dim3A_54 {strides = array<i32>} : memref<128x128xf32, #tpu.memory_space<vmem>>, vector<16xf32>,
      %broadcast_in_dim3A_58 = arith.constant 0.000000e+00 : f32
      %broadcast_in_dim3A_59 = vector.broadcast %broadcast_in_dim3A_58 : f32 to vector<16xf32>
      %swap3A_60 = arith.index_cast %add3A_49 : i32 to index
      %swap3A_61 = arith.constant 32 : index
      %swap3A_62 = tpu.vector_load %arg8[%swap3A_60, %swap3A_61] {strides = array<i32>} : memref<128x128xf32, #tpu.memory_space<vmem>>, vector<16xf32>,
      tpu.vector_store %arg8[%swap3A_60, %swap3A_61], %broadcast_in_dim3A_59 {strides = array<i32>} : memref<128x128xf32, #tpu.memory_space<vmem>>, vector<16xf32>,
      %broadcast_in_dim3A_63 = arith.constant 0.000000e+00 : f32
      %broadcast_in_dim3A_64 = vector.broadcast %broadcast_in_dim3A_63 : f32 to vector<16xf32>
      %swap3A_65 = arith.index_cast %add3A_49 : i32 to index
      %swap3A_66 = arith.constant 48 : index
      %swap3A_67 = tpu.vector_load %arg8[%swap3A_65, %swap3A_66] {strides = array<i32>} : memref<128x128xf32, #tpu.memory_space<vmem>>, vector<16xf32>,
      tpu.vector_store %arg8[%swap3A_65, %swap3A_66], %broadcast_in_dim3A_64 {strides = array<i32>} : memref<128x128xf32, #tpu.memory_space<vmem>>, vector<16xf32>,
      %broadcast_in_dim3A_68 = arith.constant 0.000000e+00 : f32
      %broadcast_in_dim3A_69 = vector.broadcast %broadcast_in_dim3A_68 : f32 to vector<16xf32>
      %swap3A_70 = arith.index_cast %add3A_49 : i32 to index
      %swap3A_71 = arith.constant 64 : index
      %swap3A_72 = tpu.vector_load %arg8[%swap3A_70, %swap3A_71] {strides = array<i32>} : memref<128x128xf32, #tpu.memory_space<vmem>>, vector<16xf32>,
      tpu.vector_store %arg8[%swap3A_70, %swap3A_71], %broadcast_in_dim3A_69 {strides = array<i32>} : memref<128x128xf32, #tpu.memory_space<vmem>>, vector<16xf32>,
      %broadcast_in_dim3A_73 = arith.constant 0.000000e+00 : f32
      %broadcast_in_dim3A_74 = vector.broadcast %broadcast_in_dim3A_73 : f32 to vector<16xf32>
      %swap3A_75 = arith.index_cast %add3A_49 : i32 to index
      %swap3A_76 = arith.constant 80 : index
      %swap3A_77 = tpu.vector_load %arg8[%swap3A_75, %swap3A_76] {strides = array<i32>} : memref<128x128xf32, #tpu.memory_space<vmem>>, vector<16xf32>,
      tpu.vector_store %arg8[%swap3A_75, %swap3A_76], %broadcast_in_dim3A_74 {strides = array<i32>} : memref<128x128xf32, #tpu.memory_space<vmem>>, vector<16xf32>,
      %broadcast_in_dim3A_78 = arith.constant 0.000000e+00 : f32
      %broadcast_in_dim3A_79 = vector.broadcast %broadcast_in_dim3A_78 : f32 to vector<16xf32>
      %swap3A_80 = arith.index_cast %add3A_49 : i32 to index
      %swap3A_81 = arith.constant 96 : index
      %swap3A_82 = tpu.vector_load %arg8[%swap3A_80, %swap3A_81] {strides = array<i32>} : memref<128x128xf32, #tpu.memory_space<vmem>>, vector<16xf32>,
      tpu.vector_store %arg8[%swap3A_80, %swap3A_81], %broadcast_in_dim3A_79 {strides = array<i32>} : memref<128x128xf32, #tpu.memory_space<vmem>>, vector<16xf32>,
      %broadcast_in_dim3A_83 = arith.constant 0.000000e+00 : f32
      %broadcast_in_dim3A_84 = vector.broadcast %broadcast_in_dim3A_83 : f32 to vector<16xf32>
      %swap3A_85 = arith.index_cast %add3A_49 : i32 to index
      %swap3A_86 = arith.constant 112 : index
      %swap3A_87 = tpu.vector_load %arg8[%swap3A_85, %swap3A_86] {strides = array<i32>} : memref<128x128xf32, #tpu.memory_space<vmem>>, vector<16xf32>,
      tpu.vector_store %arg8[%swap3A_85, %swap3A_86], %broadcast_in_dim3A_84 {strides = array<i32>} : memref<128x128xf32, #tpu.memory_space<vmem>>, vector<16xf32>,
    }
    %scan3A_4 = arith.constant 128 : i32
    %add3A = arith.constant 0 : i32
    %add3A_5 = arith.addi %mul3A_0, %add3A : i32
    "tpu.region"() ({
      %run_scoped3A = tpu.sem_alloc : memref<!tpu.dma_semaphore, #tpu.memory_space<semaphore_mem>>
      %dma_start3A = arith.constant 0 : i32
      %dma_start3A_45 = arith.constant 0 : i32
      %dma_start3A_46 = tpu.memref_slice %arg8[%dma_start3A, %dma_start3A_45] : memref<128x128xf32, #tpu.memory_space<vmem>> -> memref<128x128xf32, #tpu.memory_space<vmem>>
      %dma_start3A_47 = arith.constant 0 : i32
      %dma_start3A_48 = tpu.memref_slice %arg10[%add3A_5, %dma_start3A_47] : memref<10112x128xf32, #tpu.memory_space<vmem_shared>> -> memref<128x128xf32, #tpu.memory_space<vmem_shared>>
      %dma_start3A_49 = arith.constant 0 : i32
      %dma_start3A_50 = tpu.memref_slice %arg10[%add3A_5, %dma_start3A_49] : memref<10112x128xf32, #tpu.memory_space<vmem_shared>> -> memref<128x128xf32, #tpu.memory_space<vmem_shared>>
      %dma_start3A_51 = arith.constant 0 : i32
      %dma_start3A_52 = arith.constant 0 : i32
      %dma_start3A_53 = tpu.memref_slice %arg8[%dma_start3A_51, %dma_start3A_52] : memref<128x128xf32, #tpu.memory_space<vmem>> -> memref<128x128xf32, #tpu.memory_space<vmem>>
      tpu.enqueue_dma source(%dma_start3A_53 : memref<128x128xf32, #tpu.memory_space<vmem>>) target(%dma_start3A_50 : memref<128x128xf32, #tpu.memory_space<vmem_shared>>) target_semaphore(%run_scoped3A : memref<!tpu.dma_semaphore, #tpu.memory_space<semaphore_mem>>)
      %dma_wait3A = arith.constant 0 : i32
      %dma_wait3A_54 = arith.constant 0 : i32
      %dma_wait3A_55 = tpu.memref_slice %arg8[%dma_wait3A, %dma_wait3A_54] : memref<128x128xf32, #tpu.memory_space<vmem>> -> memref<128x128xf32, #tpu.memory_space<vmem>>
      %dma_wait3A_56 = arith.constant 0 : i32
      %dma_wait3A_57 = tpu.memref_slice %arg10[%add3A_5, %dma_wait3A_56] : memref<10112x128xf32, #tpu.memory_space<vmem_shared>> -> memref<128x128xf32, #tpu.memory_space<vmem_shared>>
      %dma_wait3A_58 = arith.constant 0 : i32
      %dma_wait3A_59 = tpu.memref_slice %arg10[%add3A_5, %dma_wait3A_58] : memref<10112x128xf32, #tpu.memory_space<vmem_shared>> -> memref<128x128xf32, #tpu.memory_space<vmem_shared>>
      %dma_wait3A_60 = arith.constant 0 : i32
      %dma_wait3A_61 = arith.constant 0 : i32
      %dma_wait3A_62 = tpu.memref_slice %arg8[%dma_wait3A_60, %dma_wait3A_61] : memref<128x128xf32, #tpu.memory_space<vmem>> -> memref<128x128xf32, #tpu.memory_space<vmem>>
      tpu.wait_dma2 semaphore(%run_scoped3A : memref<!tpu.dma_semaphore, #tpu.memory_space<semaphore_mem>>) src(%dma_wait3A_62 : memref<128x128xf32, #tpu.memory_space<vmem>>) dst(%dma_wait3A_59 : memref<128x128xf32, #tpu.memory_space<vmem_shared>>)
      tpu.yield
    }) : () -> ()
    %add3A_6 = arith.constant 128 : i32
    %add3A_7 = arith.addi %mul3A_0, %add3A_6 : i32
    "tpu.region"() ({
      %run_scoped3A = tpu.sem_alloc : memref<!tpu.dma_semaphore, #tpu.memory_space<semaphore_mem>>
      %dma_start3A = arith.constant 0 : i32
      %dma_start3A_45 = arith.constant 0 : i32
      %dma_start3A_46 = tpu.memref_slice %arg8[%dma_start3A, %dma_start3A_45] : memref<128x128xf32, #tpu.memory_space<vmem>> -> memref<128x128xf32, #tpu.memory_space<vmem>>
      %dma_start3A_47 = arith.constant 0 : i32
      %dma_start3A_48 = tpu.memref_slice %arg10[%add3A_7, %dma_start3A_47] : memref<10112x128xf32, #tpu.memory_space<vmem_shared>> -> memref<128x128xf32, #tpu.memory_space<vmem_shared>>
      %dma_start3A_49 = arith.constant 0 : i32
      %dma_start3A_50 = tpu.memref_slice %arg10[%add3A_7, %dma_start3A_49] : memref<10112x128xf32, #tpu.memory_space<vmem_shared>> -> memref<128x128xf32, #tpu.memory_space<vmem_shared>>
      %dma_start3A_51 = arith.constant 0 : i32
      %dma_start3A_52 = arith.constant 0 : i32
      %dma_start3A_53 = tpu.memref_slice %arg8[%dma_start3A_51, %dma_start3A_52] : memref<128x128xf32, #tpu.memory_space<vmem>> -> memref<128x128xf32, #tpu.memory_space<vmem>>
      tpu.enqueue_dma source(%dma_start3A_53 : memref<128x128xf32, #tpu.memory_space<vmem>>) target(%dma_start3A_50 : memref<128x128xf32, #tpu.memory_space<vmem_shared>>) target_semaphore(%run_scoped3A : memref<!tpu.dma_semaphore, #tpu.memory_space<semaphore_mem>>)
      %dma_wait3A = arith.constant 0 : i32
      %dma_wait3A_54 = arith.constant 0 : i32
      %dma_wait3A_55 = tpu.memref_slice %arg8[%dma_wait3A, %dma_wait3A_54] : memref<128x128xf32, #tpu.memory_space<vmem>> -> memref<128x128xf32, #tpu.memory_space<vmem>>
      %dma_wait3A_56 = arith.constant 0 : i32
      %dma_wait3A_57 = tpu.memref_slice %arg10[%add3A_7, %dma_wait3A_56] : memref<10112x128xf32, #tpu.memory_space<vmem_shared>> -> memref<128x128xf32, #tpu.memory_space<vmem_shared>>
      %dma_wait3A_58 = arith.constant 0 : i32
      %dma_wait3A_59 = tpu.memref_slice %arg10[%add3A_7, %dma_wait3A_58] : memref<10112x128xf32, #tpu.memory_space<vmem_shared>> -> memref<128x128xf32, #tpu.memory_space<vmem_shared>>
      %dma_wait3A_60 = arith.constant 0 : i32
      %dma_wait3A_61 = arith.constant 0 : i32
      %dma_wait3A_62 = tpu.memref_slice %arg8[%dma_wait3A_60, %dma_wait3A_61] : memref<128x128xf32, #tpu.memory_space<vmem>> -> memref<128x128xf32, #tpu.memory_space<vmem>>
      tpu.wait_dma2 semaphore(%run_scoped3A : memref<!tpu.dma_semaphore, #tpu.memory_space<semaphore_mem>>) src(%dma_wait3A_62 : memref<128x128xf32, #tpu.memory_space<vmem>>) dst(%dma_wait3A_59 : memref<128x128xf32, #tpu.memory_space<vmem_shared>>)
      tpu.yield
    }) : () -> ()
    %add3A_8 = arith.constant 256 : i32
    %add3A_9 = arith.addi %mul3A_0, %add3A_8 : i32
    "tpu.region"() ({
      %run_scoped3A = tpu.sem_alloc : memref<!tpu.dma_semaphore, #tpu.memory_space<semaphore_mem>>
      %dma_start3A = arith.constant 0 : i32
      %dma_start3A_45 = arith.constant 0 : i32
      %dma_start3A_46 = tpu.memref_slice %arg8[%dma_start3A, %dma_start3A_45] : memref<128x128xf32, #tpu.memory_space<vmem>> -> memref<128x128xf32, #tpu.memory_space<vmem>>
      %dma_start3A_47 = arith.constant 0 : i32
      %dma_start3A_48 = tpu.memref_slice %arg10[%add3A_9, %dma_start3A_47] : memref<10112x128xf32, #tpu.memory_space<vmem_shared>> -> memref<128x128xf32, #tpu.memory_space<vmem_shared>>
      %dma_start3A_49 = arith.constant 0 : i32
      %dma_start3A_50 = tpu.memref_slice %arg10[%add3A_9, %dma_start3A_49] : memref<10112x128xf32, #tpu.memory_space<vmem_shared>> -> memref<128x128xf32, #tpu.memory_space<vmem_shared>>
      %dma_start3A_51 = arith.constant 0 : i32
      %dma_start3A_52 = arith.constant 0 : i32
      %dma_start3A_53 = tpu.memref_slice %arg8[%dma_start3A_51, %dma_start3A_52] : memref<128x128xf32, #tpu.memory_space<vmem>> -> memref<128x128xf32, #tpu.memory_space<vmem>>
      tpu.enqueue_dma source(%dma_start3A_53 : memref<128x128xf32, #tpu.memory_space<vmem>>) target(%dma_start3A_50 : memref<128x128xf32, #tpu.memory_space<vmem_shared>>) target_semaphore(%run_scoped3A : memref<!tpu.dma_semaphore, #tpu.memory_space<semaphore_mem>>)
      %dma_wait3A = arith.constant 0 : i32
      %dma_wait3A_54 = arith.constant 0 : i32
      %dma_wait3A_55 = tpu.memref_slice %arg8[%dma_wait3A, %dma_wait3A_54] : memref<128x128xf32, #tpu.memory_space<vmem>> -> memref<128x128xf32, #tpu.memory_space<vmem>>
      %dma_wait3A_56 = arith.constant 0 : i32
      %dma_wait3A_57 = tpu.memref_slice %arg10[%add3A_9, %dma_wait3A_56] : memref<10112x128xf32, #tpu.memory_space<vmem_shared>> -> memref<128x128xf32, #tpu.memory_space<vmem_shared>>
      %dma_wait3A_58 = arith.constant 0 : i32
      %dma_wait3A_59 = tpu.memref_slice %arg10[%add3A_9, %dma_wait3A_58] : memref<10112x128xf32, #tpu.memory_space<vmem_shared>> -> memref<128x128xf32, #tpu.memory_space<vmem_shared>>
      %dma_wait3A_60 = arith.constant 0 : i32
      %dma_wait3A_61 = arith.constant 0 : i32
      %dma_wait3A_62 = tpu.memref_slice %arg8[%dma_wait3A_60, %dma_wait3A_61] : memref<128x128xf32, #tpu.memory_space<vmem>> -> memref<128x128xf32, #tpu.memory_space<vmem>>
      tpu.wait_dma2 semaphore(%run_scoped3A : memref<!tpu.dma_semaphore, #tpu.memory_space<semaphore_mem>>) src(%dma_wait3A_62 : memref<128x128xf32, #tpu.memory_space<vmem>>) dst(%dma_wait3A_59 : memref<128x128xf32, #tpu.memory_space<vmem_shared>>)
      tpu.yield
    }) : () -> ()
    %add3A_10 = arith.constant 384 : i32
    %add3A_11 = arith.addi %mul3A_0, %add3A_10 : i32
    "tpu.region"() ({
      %run_scoped3A = tpu.sem_alloc : memref<!tpu.dma_semaphore, #tpu.memory_space<semaphore_mem>>
      %dma_start3A = arith.constant 0 : i32
      %dma_start3A_45 = arith.constant 0 : i32
      %dma_start3A_46 = tpu.memref_slice %arg8[%dma_start3A, %dma_start3A_45] : memref<128x128xf32, #tpu.memory_space<vmem>> -> memref<128x128xf32, #tpu.memory_space<vmem>>
      %dma_start3A_47 = arith.constant 0 : i32
      %dma_start3A_48 = tpu.memref_slice %arg10[%add3A_11, %dma_start3A_47] : memref<10112x128xf32, #tpu.memory_space<vmem_shared>> -> memref<128x128xf32, #tpu.memory_space<vmem_shared>>
      %dma_start3A_49 = arith.constant 0 : i32
      %dma_start3A_50 = tpu.memref_slice %arg10[%add3A_11, %dma_start3A_49] : memref<10112x128xf32, #tpu.memory_space<vmem_shared>> -> memref<128x128xf32, #tpu.memory_space<vmem_shared>>
      %dma_start3A_51 = arith.constant 0 : i32
      %dma_start3A_52 = arith.constant 0 : i32
      %dma_start3A_53 = tpu.memref_slice %arg8[%dma_start3A_51, %dma_start3A_52] : memref<128x128xf32, #tpu.memory_space<vmem>> -> memref<128x128xf32, #tpu.memory_space<vmem>>
      tpu.enqueue_dma source(%dma_start3A_53 : memref<128x128xf32, #tpu.memory_space<vmem>>) target(%dma_start3A_50 : memref<128x128xf32, #tpu.memory_space<vmem_shared>>) target_semaphore(%run_scoped3A : memref<!tpu.dma_semaphore, #tpu.memory_space<semaphore_mem>>)
      %dma_wait3A = arith.constant 0 : i32
      %dma_wait3A_54 = arith.constant 0 : i32
      %dma_wait3A_55 = tpu.memref_slice %arg8[%dma_wait3A, %dma_wait3A_54] : memref<128x128xf32, #tpu.memory_space<vmem>> -> memref<128x128xf32, #tpu.memory_space<vmem>>
      %dma_wait3A_56 = arith.constant 0 : i32
      %dma_wait3A_57 = tpu.memref_slice %arg10[%add3A_11, %dma_wait3A_56] : memref<10112x128xf32, #tpu.memory_space<vmem_shared>> -> memref<128x128xf32, #tpu.memory_space<vmem_shared>>
      %dma_wait3A_58 = arith.constant 0 : i32
      %dma_wait3A_59 = tpu.memref_slice %arg10[%add3A_11, %dma_wait3A_58] : memref<10112x128xf32, #tpu.memory_space<vmem_shared>> -> memref<128x128xf32, #tpu.memory_space<vmem_shared>>
      %dma_wait3A_60 = arith.constant 0 : i32
      %dma_wait3A_61 = arith.constant 0 : i32
      %dma_wait3A_62 = tpu.memref_slice %arg8[%dma_wait3A_60, %dma_wait3A_61] : memref<128x128xf32, #tpu.memory_space<vmem>> -> memref<128x128xf32, #tpu.memory_space<vmem>>
      tpu.wait_dma2 semaphore(%run_scoped3A : memref<!tpu.dma_semaphore, #tpu.memory_space<semaphore_mem>>) src(%dma_wait3A_62 : memref<128x128xf32, #tpu.memory_space<vmem>>) dst(%dma_wait3A_59 : memref<128x128xf32, #tpu.memory_space<vmem_shared>>)
      tpu.yield
    }) : () -> ()
    %add3A_12 = arith.constant 512 : i32
    %add3A_13 = arith.addi %mul3A_0, %add3A_12 : i32
    "tpu.region"() ({
      %run_scoped3A = tpu.sem_alloc : memref<!tpu.dma_semaphore, #tpu.memory_space<semaphore_mem>>
      %dma_start3A = arith.constant 0 : i32
      %dma_start3A_45 = arith.constant 0 : i32
      %dma_start3A_46 = tpu.memref_slice %arg8[%dma_start3A, %dma_start3A_45] : memref<128x128xf32, #tpu.memory_space<vmem>> -> memref<120x128xf32, #tpu.memory_space<vmem>>
      %dma_start3A_47 = arith.constant 0 : i32
      %dma_start3A_48 = tpu.memref_slice %arg10[%add3A_13, %dma_start3A_47] : memref<10112x128xf32, #tpu.memory_space<vmem_shared>> -> memref<120x128xf32, #tpu.memory_space<vmem_shared>>
      %dma_start3A_49 = arith.constant 0 : i32
      %dma_start3A_50 = tpu.memref_slice %arg10[%add3A_13, %dma_start3A_49] : memref<10112x128xf32, #tpu.memory_space<vmem_shared>> -> memref<120x128xf32, #tpu.memory_space<vmem_shared>>
      %dma_start3A_51 = arith.constant 0 : i32
      %dma_start3A_52 = arith.constant 0 : i32
      %dma_start3A_53 = tpu.memref_slice %arg8[%dma_start3A_51, %dma_start3A_52] : memref<128x128xf32, #tpu.memory_space<vmem>> -> memref<120x128xf32, #tpu.memory_space<vmem>>
      tpu.enqueue_dma source(%dma_start3A_53 : memref<120x128xf32, #tpu.memory_space<vmem>>) target(%dma_start3A_50 : memref<120x128xf32, #tpu.memory_space<vmem_shared>>) target_semaphore(%run_scoped3A : memref<!tpu.dma_semaphore, #tpu.memory_space<semaphore_mem>>)
      %dma_wait3A = arith.constant 0 : i32
      %dma_wait3A_54 = arith.constant 0 : i32
      %dma_wait3A_55 = tpu.memref_slice %arg8[%dma_wait3A, %dma_wait3A_54] : memref<128x128xf32, #tpu.memory_space<vmem>> -> memref<120x128xf32, #tpu.memory_space<vmem>>
      %dma_wait3A_56 = arith.constant 0 : i32
      %dma_wait3A_57 = tpu.memref_slice %arg10[%add3A_13, %dma_wait3A_56] : memref<10112x128xf32, #tpu.memory_space<vmem_shared>> -> memref<120x128xf32, #tpu.memory_space<vmem_shared>>
      %dma_wait3A_58 = arith.constant 0 : i32
      %dma_wait3A_59 = tpu.memref_slice %arg10[%add3A_13, %dma_wait3A_58] : memref<10112x128xf32, #tpu.memory_space<vmem_shared>> -> memref<120x128xf32, #tpu.memory_space<vmem_shared>>
      %dma_wait3A_60 = arith.constant 0 : i32
      %dma_wait3A_61 = arith.constant 0 : i32
      %dma_wait3A_62 = tpu.memref_slice %arg8[%dma_wait3A_60, %dma_wait3A_61] : memref<128x128xf32, #tpu.memory_space<vmem>> -> memref<120x128xf32, #tpu.memory_space<vmem>>
      tpu.wait_dma2 semaphore(%run_scoped3A : memref<!tpu.dma_semaphore, #tpu.memory_space<semaphore_mem>>) src(%dma_wait3A_62 : memref<120x128xf32, #tpu.memory_space<vmem>>) dst(%dma_wait3A_59 : memref<120x128xf32, #tpu.memory_space<vmem_shared>>)
      tpu.yield
    }) : () -> ()
    %barrier3A = arith.constant 0 : index
    tpu.barrier barrier_id(%barrier3A)
    %eq3A = arith.constant 0 : i32
    %eq3A_14 = arith.cmpi eq, %arg0, %eq3A : i32
    %mul3A_15 = arith.constant 80 : i32
    %mul3A_16 = arith.muli %arg1, %mul3A_15 : i32
    %mul3A_17 = arith.constant 80 : i32
    %mul3A_18 = arith.muli %arg1, %mul3A_17 : i32
    %add3A_19 = arith.constant 1280 : i32
    %add3A_20 = arith.addi %add3A_19, %mul3A_18 : i32
    %select_n3A = arith.select %eq3A_14, %mul3A_16, %add3A_20 : i32
    %eq3A_21 = arith.constant 0 : i32
    %eq3A_22 = arith.cmpi eq, %arg0, %eq3A_21 : i32
    %jit3A = arith.constant 2 : i32
    %jit3A_23 = arith.constant 2 : i32
    %select_n3A_24 = arith.select %eq3A_22, %jit3A, %jit3A_23 : i32
    %sub3A = arith.constant 0 : i32
    %sub3A_25 = arith.subi %select_n3A_24, %sub3A : i32
    %sub3A_26 = arith.constant 1 : i32
    %sub3A_27 = arith.constant 1 : i32
    %sub3A_28 = arith.subi %sub3A_26, %sub3A_27 : i32
    %add3A_29 = arith.addi %sub3A_25, %sub3A_28 : i32
    %div3A = arith.constant 1 : i32
    %div3A_30 = arith.divsi %add3A_29, %div3A : i32
    %while3A = arith.constant 1 : i32
    %while3A_31 = arith.constant 0 : i32
    %while3A_32 = arith.constant 0 : i32
    %while3A_33 = arith.subi %div3A_30, %while3A_32 : i32
    %while3A_34 = arith.addi %while3A_32, %while3A_33 : i32
    %while3A_35 = arith.constant 1 : i32
    %while3A_36 = arith.divsi %while3A_33, %while3A_35 : i32
    %while3A_37 = arith.muli %while3A_36, %while3A_35 : i32
    %while3A_38 = arith.addi %while3A_32, %while3A_37 : i32
    %while3A_39 = arith.constant 1 : i32
    scf.for %while3A_45 = %while3A_32 to %while3A_38 step %while3A_39  : i32 {
      %mul3A_46 = arith.muli %while3A_45, %while3A : i32
      %add3A_47 = arith.addi %while3A_31, %mul3A_46 : i32
      %mul3A_48 = arith.constant 40 : i32
      %mul3A_49 = arith.muli %add3A_47, %mul3A_48 : i32
      %add3A_50 = arith.addi %select_n3A, %mul3A_49 : i32
      "tpu.region"() ({
        %run_scoped3A = tpu.sem_alloc : memref<!tpu.dma_semaphore, #tpu.memory_space<semaphore_mem>>
        %dma_start3A_62 = arith.constant 0 : i32
        %dma_start3A_63 = tpu.memref_slice %arg3[%add3A_50, %dma_start3A_62] : memref<2560x128xi32, #tpu.memory_space<hbm>> -> memref<40x128xi32, #tpu.memory_space<hbm>>
        %dma_start3A_64 = arith.constant 0 : i32
        %dma_start3A_65 = tpu.memref_slice %arg3[%add3A_50, %dma_start3A_64] : memref<2560x128xi32, #tpu.memory_space<hbm>> -> memref<40x128xi32, #tpu.memory_space<hbm>>
        tpu.enqueue_dma source(%dma_start3A_65 : memref<40x128xi32, #tpu.memory_space<hbm>>) target(%arg6 : memref<40x128xi32, #tpu.memory_space<vmem>>) target_semaphore(%run_scoped3A : memref<!tpu.dma_semaphore, #tpu.memory_space<semaphore_mem>>)
        %dma_wait3A = arith.constant 0 : i32
        %dma_wait3A_66 = tpu.memref_slice %arg3[%add3A_50, %dma_wait3A] : memref<2560x128xi32, #tpu.memory_space<hbm>> -> memref<40x128xi32, #tpu.memory_space<hbm>>
        %dma_wait3A_67 = arith.constant 0 : i32
        %dma_wait3A_68 = tpu.memref_slice %arg3[%add3A_50, %dma_wait3A_67] : memref<2560x128xi32, #tpu.memory_space<hbm>> -> memref<40x128xi32, #tpu.memory_space<hbm>>
        tpu.wait_dma2 semaphore(%run_scoped3A : memref<!tpu.dma_semaphore, #tpu.memory_space<semaphore_mem>>) src(%dma_wait3A_68 : memref<40x128xi32, #tpu.memory_space<hbm>>) dst(%arg6 : memref<40x128xi32, #tpu.memory_space<vmem>>)
        tpu.yield
      }) : () -> ()
      "tpu.region"() ({
        %run_scoped3A = tpu.sem_alloc : memref<!tpu.dma_semaphore, #tpu.memory_space<semaphore_mem>>
        %dma_start3A_62 = arith.constant 0 : i32
        %dma_start3A_63 = tpu.memref_slice %arg4[%add3A_50, %dma_start3A_62] : memref<2560x128xi32, #tpu.memory_space<hbm>> -> memref<40x128xi32, #tpu.memory_space<hbm>>
        %dma_start3A_64 = arith.constant 0 : i32
        %dma_start3A_65 = tpu.memref_slice %arg4[%add3A_50, %dma_start3A_64] : memref<2560x128xi32, #tpu.memory_space<hbm>> -> memref<40x128xi32, #tpu.memory_space<hbm>>
        tpu.enqueue_dma source(%dma_start3A_65 : memref<40x128xi32, #tpu.memory_space<hbm>>) target(%arg7 : memref<40x128xi32, #tpu.memory_space<vmem>>) target_semaphore(%run_scoped3A : memref<!tpu.dma_semaphore, #tpu.memory_space<semaphore_mem>>)
        %dma_wait3A = arith.constant 0 : i32
        %dma_wait3A_66 = tpu.memref_slice %arg4[%add3A_50, %dma_wait3A] : memref<2560x128xi32, #tpu.memory_space<hbm>> -> memref<40x128xi32, #tpu.memory_space<hbm>>
        %dma_wait3A_67 = arith.constant 0 : i32
        %dma_wait3A_68 = tpu.memref_slice %arg4[%add3A_50, %dma_wait3A_67] : memref<2560x128xi32, #tpu.memory_space<hbm>> -> memref<40x128xi32, #tpu.memory_space<hbm>>
        tpu.wait_dma2 semaphore(%run_scoped3A : memref<!tpu.dma_semaphore, #tpu.memory_space<semaphore_mem>>) src(%dma_wait3A_68 : memref<40x128xi32, #tpu.memory_space<hbm>>) dst(%arg7 : memref<40x128xi32, #tpu.memory_space<vmem>>)
        tpu.yield
      }) : () -> ()
      %dma_start3A = arith.constant 0 : i32
      %dma_start3A_51 = arith.constant 0 : i32
      %dma_start3A_52 = tpu.memref_slice %arg6[%dma_start3A, %dma_start3A_51] : memref<40x128xi32, #tpu.memory_space<vmem>> -> memref<1x128xi32, #tpu.memory_space<vmem>>
      %dma_start3A_53 = tpu.memref_squeeze %dma_start3A_52 : memref<1x128xi32, #tpu.memory_space<vmem>> -> memref<128xi32, #tpu.memory_space<vmem>>
      %dma_start3A_54 = arith.constant 0 : i32
      %dma_start3A_55 = arith.constant 0 : i32
      %dma_start3A_56 = tpu.memref_slice %arg2[%dma_start3A_54, %dma_start3A_55] : memref<10112x128xf32, #tpu.memory_space<hbm>> -> memref<10112x128xf32, #tpu.memory_space<hbm>>
      tpu.enqueue_indirect_dma source(%dma_start3A_56 : memref<10112x128xf32, #tpu.memory_space<hbm>>) target(%arg8 : memref<128x128xf32, #tpu.memory_space<vmem>>) offsets(%dma_start3A_53 : memref<128xi32, #tpu.memory_space<vmem>>) semaphore(%arg11 : memref<!tpu.dma_semaphore, #tpu.memory_space<semaphore_mem>>)
      %scan3A_57 = arith.constant 0 : i32
      %scan3A_58 = arith.constant 20 : i32
      %scan3A_59 = arith.addi %scan3A_57, %scan3A_58 : i32
      %scan3A_60 = arith.constant 1 : i32
      scf.for %scan3A_62 = %scan3A_57 to %scan3A_59 step %scan3A_60  : i32 {
        %mul3A_63 = arith.constant 1 : i32
        %mul3A_64 = arith.muli %scan3A_62, %mul3A_63 : i32
        %add3A_65 = arith.constant 0 : i32
        %add3A_66 = arith.addi %add3A_65, %mul3A_64 : i32
        %mul3A_67 = arith.constant 2 : i32
        %mul3A_68 = arith.muli %mul3A_67, %add3A_66 : i32
        %add3A_69 = arith.constant 1 : i32
        %add3A_70 = arith.addi %mul3A_68, %add3A_69 : i32
        %dma_start3A_71 = arith.constant 0 : i32
        %dma_start3A_72 = tpu.memref_slice %arg6[%add3A_70, %dma_start3A_71] : memref<40x128xi32, #tpu.memory_space<vmem>> -> memref<1x128xi32, #tpu.memory_space<vmem>>
        %dma_start3A_73 = tpu.memref_squeeze %dma_start3A_72 : memref<1x128xi32, #tpu.memory_space<vmem>> -> memref<128xi32, #tpu.memory_space<vmem>>
        %dma_start3A_74 = arith.constant 0 : i32
        %dma_start3A_75 = arith.constant 0 : i32
        %dma_start3A_76 = tpu.memref_slice %arg2[%dma_start3A_74, %dma_start3A_75] : memref<10112x128xf32, #tpu.memory_space<hbm>> -> memref<10112x128xf32, #tpu.memory_space<hbm>>
        tpu.enqueue_indirect_dma source(%dma_start3A_76 : memref<10112x128xf32, #tpu.memory_space<hbm>>) target(%arg9 : memref<128x128xf32, #tpu.memory_space<vmem>>) offsets(%dma_start3A_73 : memref<128xi32, #tpu.memory_space<vmem>>) semaphore(%arg12 : memref<!tpu.dma_semaphore, #tpu.memory_space<semaphore_mem>>)
        %dma_wait3A = arith.constant 0 : i32
        %dma_wait3A_77 = tpu.memref_slice %arg6[%mul3A_68, %dma_wait3A] : memref<40x128xi32, #tpu.memory_space<vmem>> -> memref<1x128xi32, #tpu.memory_space<vmem>>
        %dma_wait3A_78 = tpu.memref_squeeze %dma_wait3A_77 : memref<1x128xi32, #tpu.memory_space<vmem>> -> memref<128xi32, #tpu.memory_space<vmem>>
        %dma_wait3A_79 = arith.constant 0 : i32
        %dma_wait3A_80 = arith.constant 0 : i32
        %dma_wait3A_81 = tpu.memref_slice %arg2[%dma_wait3A_79, %dma_wait3A_80] : memref<10112x128xf32, #tpu.memory_space<hbm>> -> memref<10112x128xf32, #tpu.memory_space<hbm>>
        tpu.wait_indirect_dma semaphore(%arg11 : memref<!tpu.dma_semaphore, #tpu.memory_space<semaphore_mem>>) src(%dma_wait3A_81 : memref<10112x128xf32, #tpu.memory_space<hbm>>) dst(%arg8 : memref<128x128xf32, #tpu.memory_space<vmem>>)
        "tpu.region"() ({
          %run_scoped3A = tpu.sem_alloc : memref<!tpu.dma_semaphore, #tpu.memory_space<semaphore_mem>>
          %dma_start3A_96 = arith.constant 0 : i32
          %dma_start3A_97 = tpu.memref_slice %arg7[%mul3A_68, %dma_start3A_96] : memref<40x128xi32, #tpu.memory_space<vmem>> -> memref<1x128xi32, #tpu.memory_space<vmem>>
          %dma_start3A_98 = tpu.memref_squeeze %dma_start3A_97 : memref<1x128xi32, #tpu.memory_space<vmem>> -> memref<128xi32, #tpu.memory_space<vmem>>
          %dma_start3A_99 = arith.constant 0 : i32
          %dma_start3A_100 = arith.constant 0 : i32
          %dma_start3A_101 = tpu.memref_slice %arg10[%dma_start3A_99, %dma_start3A_100] : memref<10112x128xf32, #tpu.memory_space<vmem_shared>> -> memref<10112x128xf32, #tpu.memory_space<vmem_shared>>
          tpu.enqueue_indirect_dma source(%arg8 : memref<128x128xf32, #tpu.memory_space<vmem>>) target(%dma_start3A_101 : memref<10112x128xf32, #tpu.memory_space<vmem_shared>>) offsets(%dma_start3A_98 : memref<128xi32, #tpu.memory_space<vmem>>) semaphore(%run_scoped3A : memref<!tpu.dma_semaphore, #tpu.memory_space<semaphore_mem>>) {add = true}
          %dma_wait3A_102 = arith.constant 0 : i32
          %dma_wait3A_103 = tpu.memref_slice %arg7[%mul3A_68, %dma_wait3A_102] : memref<40x128xi32, #tpu.memory_space<vmem>> -> memref<1x128xi32, #tpu.memory_space<vmem>>
          %dma_wait3A_104 = tpu.memref_squeeze %dma_wait3A_103 : memref<1x128xi32, #tpu.memory_space<vmem>> -> memref<128xi32, #tpu.memory_space<vmem>>
          %dma_wait3A_105 = arith.constant 0 : i32
          %dma_wait3A_106 = arith.constant 0 : i32
          %dma_wait3A_107 = tpu.memref_slice %arg10[%dma_wait3A_105, %dma_wait3A_106] : memref<10112x128xf32, #tpu.memory_space<vmem_shared>> -> memref<10112x128xf32, #tpu.memory_space<vmem_shared>>
          tpu.wait_indirect_dma semaphore(%run_scoped3A : memref<!tpu.dma_semaphore, #tpu.memory_space<semaphore_mem>>) src(%arg8 : memref<128x128xf32, #tpu.memory_space<vmem>>) dst(%dma_wait3A_107 : memref<10112x128xf32, #tpu.memory_space<vmem_shared>>)
          tpu.yield
        }) : () -> ()
        %add3A_82 = arith.constant 1 : i32
        %add3A_83 = arith.addi %add3A_66, %add3A_82 : i32
        %lt3A = arith.constant 20 : i32
        %lt3A_84 = arith.cmpi slt, %add3A_83, %lt3A : i32
        %convert_element_type3A = arith.extui %lt3A_84 : i1 to i32
        %cond3A = arith.constant 0 : i32
        %cond3A_85 = arith.cmpi ne, %convert_element_type3A, %cond3A : i32
        scf.if %cond3A_85 {
          %add3A_96 = arith.constant 2 : i32
          %add3A_97 = arith.addi %mul3A_68, %add3A_96 : i32
          %dma_start3A_98 = arith.constant 0 : i32
          %dma_start3A_99 = tpu.memref_slice %arg6[%add3A_97, %dma_start3A_98] : memref<40x128xi32, #tpu.memory_space<vmem>> -> memref<1x128xi32, #tpu.memory_space<vmem>>
          %dma_start3A_100 = tpu.memref_squeeze %dma_start3A_99 : memref<1x128xi32, #tpu.memory_space<vmem>> -> memref<128xi32, #tpu.memory_space<vmem>>
          %dma_start3A_101 = arith.constant 0 : i32
          %dma_start3A_102 = arith.constant 0 : i32
          %dma_start3A_103 = tpu.memref_slice %arg2[%dma_start3A_101, %dma_start3A_102] : memref<10112x128xf32, #tpu.memory_space<hbm>> -> memref<10112x128xf32, #tpu.memory_space<hbm>>
          tpu.enqueue_indirect_dma source(%dma_start3A_103 : memref<10112x128xf32, #tpu.memory_space<hbm>>) target(%arg8 : memref<128x128xf32, #tpu.memory_space<vmem>>) offsets(%dma_start3A_100 : memref<128xi32, #tpu.memory_space<vmem>>) semaphore(%arg11 : memref<!tpu.dma_semaphore, #tpu.memory_space<semaphore_mem>>)
        } else {
        }
        %add3A_86 = arith.constant 1 : i32
        %add3A_87 = arith.addi %mul3A_68, %add3A_86 : i32
        %dma_wait3A_88 = arith.constant 0 : i32
        %dma_wait3A_89 = tpu.memref_slice %arg6[%add3A_87, %dma_wait3A_88] : memref<40x128xi32, #tpu.memory_space<vmem>> -> memref<1x128xi32, #tpu.memory_space<vmem>>
        %dma_wait3A_90 = tpu.memref_squeeze %dma_wait3A_89 : memref<1x128xi32, #tpu.memory_space<vmem>> -> memref<128xi32, #tpu.memory_space<vmem>>
        %dma_wait3A_91 = arith.constant 0 : i32
        %dma_wait3A_92 = arith.constant 0 : i32
        %dma_wait3A_93 = tpu.memref_slice %arg2[%dma_wait3A_91, %dma_wait3A_92] : memref<10112x128xf32, #tpu.memory_space<hbm>> -> memref<10112x128xf32, #tpu.memory_space<hbm>>
        tpu.wait_indirect_dma semaphore(%arg12 : memref<!tpu.dma_semaphore, #tpu.memory_space<semaphore_mem>>) src(%dma_wait3A_93 : memref<10112x128xf32, #tpu.memory_space<hbm>>) dst(%arg9 : memref<128x128xf32, #tpu.memory_space<vmem>>)
        %add3A_94 = arith.constant 1 : i32
        %add3A_95 = arith.addi %mul3A_68, %add3A_94 : i32
        "tpu.region"() ({
          %run_scoped3A = tpu.sem_alloc : memref<!tpu.dma_semaphore, #tpu.memory_space<semaphore_mem>>
          %dma_start3A_96 = arith.constant 0 : i32
          %dma_start3A_97 = tpu.memref_slice %arg7[%add3A_95, %dma_start3A_96] : memref<40x128xi32, #tpu.memory_space<vmem>> -> memref<1x128xi32, #tpu.memory_space<vmem>>
          %dma_start3A_98 = tpu.memref_squeeze %dma_start3A_97 : memref<1x128xi32, #tpu.memory_space<vmem>> -> memref<128xi32, #tpu.memory_space<vmem>>
          %dma_start3A_99 = arith.constant 0 : i32
          %dma_start3A_100 = arith.constant 0 : i32
          %dma_start3A_101 = tpu.memref_slice %arg10[%dma_start3A_99, %dma_start3A_100] : memref<10112x128xf32, #tpu.memory_space<vmem_shared>> -> memref<10112x128xf32, #tpu.memory_space<vmem_shared>>
          tpu.enqueue_indirect_dma source(%arg9 : memref<128x128xf32, #tpu.memory_space<vmem>>) target(%dma_start3A_101 : memref<10112x128xf32, #tpu.memory_space<vmem_shared>>) offsets(%dma_start3A_98 : memref<128xi32, #tpu.memory_space<vmem>>) semaphore(%run_scoped3A : memref<!tpu.dma_semaphore, #tpu.memory_space<semaphore_mem>>) {add = true}
          %dma_wait3A_102 = arith.constant 0 : i32
          %dma_wait3A_103 = tpu.memref_slice %arg7[%add3A_95, %dma_wait3A_102] : memref<40x128xi32, #tpu.memory_space<vmem>> -> memref<1x128xi32, #tpu.memory_space<vmem>>
          %dma_wait3A_104 = tpu.memref_squeeze %dma_wait3A_103 : memref<1x128xi32, #tpu.memory_space<vmem>> -> memref<128xi32, #tpu.memory_space<vmem>>
          %dma_wait3A_105 = arith.constant 0 : i32
          %dma_wait3A_106 = arith.constant 0 : i32
          %dma_wait3A_107 = tpu.memref_slice %arg10[%dma_wait3A_105, %dma_wait3A_106] : memref<10112x128xf32, #tpu.memory_space<vmem_shared>> -> memref<10112x128xf32, #tpu.memory_space<vmem_shared>>
          tpu.wait_indirect_dma semaphore(%run_scoped3A : memref<!tpu.dma_semaphore, #tpu.memory_space<semaphore_mem>>) src(%arg9 : memref<128x128xf32, #tpu.memory_space<vmem>>) dst(%dma_wait3A_107 : memref<10112x128xf32, #tpu.memory_space<vmem_shared>>)
          tpu.yield
        }) : () -> ()
      }
      %scan3A_61 = arith.constant 20 : i32
    }
    %while3A_40 = arith.constant 1 : i32
    scf.for %while3A_45 = %while3A_38 to %while3A_34 step %while3A_40  : i32 {
      %mul3A_46 = arith.muli %while3A_45, %while3A : i32
      %add3A_47 = arith.addi %while3A_31, %mul3A_46 : i32
      %mul3A_48 = arith.constant 40 : i32
      %mul3A_49 = arith.muli %add3A_47, %mul3A_48 : i32
      %add3A_50 = arith.addi %select_n3A, %mul3A_49 : i32
      "tpu.region"() ({
        %run_scoped3A = tpu.sem_alloc : memref<!tpu.dma_semaphore, #tpu.memory_space<semaphore_mem>>
        %dma_start3A_62 = arith.constant 0 : i32
        %dma_start3A_63 = tpu.memref_slice %arg3[%add3A_50, %dma_start3A_62] : memref<2560x128xi32, #tpu.memory_space<hbm>> -> memref<40x128xi32, #tpu.memory_space<hbm>>
        %dma_start3A_64 = arith.constant 0 : i32
        %dma_start3A_65 = tpu.memref_slice %arg3[%add3A_50, %dma_start3A_64] : memref<2560x128xi32, #tpu.memory_space<hbm>> -> memref<40x128xi32, #tpu.memory_space<hbm>>
        tpu.enqueue_dma source(%dma_start3A_65 : memref<40x128xi32, #tpu.memory_space<hbm>>) target(%arg6 : memref<40x128xi32, #tpu.memory_space<vmem>>) target_semaphore(%run_scoped3A : memref<!tpu.dma_semaphore, #tpu.memory_space<semaphore_mem>>)
        %dma_wait3A = arith.constant 0 : i32
        %dma_wait3A_66 = tpu.memref_slice %arg3[%add3A_50, %dma_wait3A] : memref<2560x128xi32, #tpu.memory_space<hbm>> -> memref<40x128xi32, #tpu.memory_space<hbm>>
        %dma_wait3A_67 = arith.constant 0 : i32
        %dma_wait3A_68 = tpu.memref_slice %arg3[%add3A_50, %dma_wait3A_67] : memref<2560x128xi32, #tpu.memory_space<hbm>> -> memref<40x128xi32, #tpu.memory_space<hbm>>
        tpu.wait_dma2 semaphore(%run_scoped3A : memref<!tpu.dma_semaphore, #tpu.memory_space<semaphore_mem>>) src(%dma_wait3A_68 : memref<40x128xi32, #tpu.memory_space<hbm>>) dst(%arg6 : memref<40x128xi32, #tpu.memory_space<vmem>>)
        tpu.yield
      }) : () -> ()
      "tpu.region"() ({
        %run_scoped3A = tpu.sem_alloc : memref<!tpu.dma_semaphore, #tpu.memory_space<semaphore_mem>>
        %dma_start3A_62 = arith.constant 0 : i32
        %dma_start3A_63 = tpu.memref_slice %arg4[%add3A_50, %dma_start3A_62] : memref<2560x128xi32, #tpu.memory_space<hbm>> -> memref<40x128xi32, #tpu.memory_space<hbm>>
        %dma_start3A_64 = arith.constant 0 : i32
        %dma_start3A_65 = tpu.memref_slice %arg4[%add3A_50, %dma_start3A_64] : memref<2560x128xi32, #tpu.memory_space<hbm>> -> memref<40x128xi32, #tpu.memory_space<hbm>>
        tpu.enqueue_dma source(%dma_start3A_65 : memref<40x128xi32, #tpu.memory_space<hbm>>) target(%arg7 : memref<40x128xi32, #tpu.memory_space<vmem>>) target_semaphore(%run_scoped3A : memref<!tpu.dma_semaphore, #tpu.memory_space<semaphore_mem>>)
        %dma_wait3A = arith.constant 0 : i32
        %dma_wait3A_66 = tpu.memref_slice %arg4[%add3A_50, %dma_wait3A] : memref<2560x128xi32, #tpu.memory_space<hbm>> -> memref<40x128xi32, #tpu.memory_space<hbm>>
        %dma_wait3A_67 = arith.constant 0 : i32
        %dma_wait3A_68 = tpu.memref_slice %arg4[%add3A_50, %dma_wait3A_67] : memref<2560x128xi32, #tpu.memory_space<hbm>> -> memref<40x128xi32, #tpu.memory_space<hbm>>
        tpu.wait_dma2 semaphore(%run_scoped3A : memref<!tpu.dma_semaphore, #tpu.memory_space<semaphore_mem>>) src(%dma_wait3A_68 : memref<40x128xi32, #tpu.memory_space<hbm>>) dst(%arg7 : memref<40x128xi32, #tpu.memory_space<vmem>>)
        tpu.yield
      }) : () -> ()
      %dma_start3A = arith.constant 0 : i32
      %dma_start3A_51 = arith.constant 0 : i32
      %dma_start3A_52 = tpu.memref_slice %arg6[%dma_start3A, %dma_start3A_51] : memref<40x128xi32, #tpu.memory_space<vmem>> -> memref<1x128xi32, #tpu.memory_space<vmem>>
      %dma_start3A_53 = tpu.memref_squeeze %dma_start3A_52 : memref<1x128xi32, #tpu.memory_space<vmem>> -> memref<128xi32, #tpu.memory_space<vmem>>
      %dma_start3A_54 = arith.constant 0 : i32
      %dma_start3A_55 = arith.constant 0 : i32
      %dma_start3A_56 = tpu.memref_slice %arg2[%dma_start3A_54, %dma_start3A_55] : memref<10112x128xf32, #tpu.memory_space<hbm>> -> memref<10112x128xf32, #tpu.memory_space<hbm>>
      tpu.enqueue_indirect_dma source(%dma_start3A_56 : memref<10112x128xf32, #tpu.memory_space<hbm>>) target(%arg8 : memref<128x128xf32, #tpu.memory_space<vmem>>) offsets(%dma_start3A_53 : memref<128xi32, #tpu.memory_space<vmem>>) semaphore(%arg11 : memref<!tpu.dma_semaphore, #tpu.memory_space<semaphore_mem>>)
      %scan3A_57 = arith.constant 0 : i32
      %scan3A_58 = arith.constant 20 : i32
      %scan3A_59 = arith.addi %scan3A_57, %scan3A_58 : i32
      %scan3A_60 = arith.constant 1 : i32
      scf.for %scan3A_62 = %scan3A_57 to %scan3A_59 step %scan3A_60  : i32 {
        %mul3A_63 = arith.constant 1 : i32
        %mul3A_64 = arith.muli %scan3A_62, %mul3A_63 : i32
        %add3A_65 = arith.constant 0 : i32
        %add3A_66 = arith.addi %add3A_65, %mul3A_64 : i32
        %mul3A_67 = arith.constant 2 : i32
        %mul3A_68 = arith.muli %mul3A_67, %add3A_66 : i32
        %add3A_69 = arith.constant 1 : i32
        %add3A_70 = arith.addi %mul3A_68, %add3A_69 : i32
        %dma_start3A_71 = arith.constant 0 : i32
        %dma_start3A_72 = tpu.memref_slice %arg6[%add3A_70, %dma_start3A_71] : memref<40x128xi32, #tpu.memory_space<vmem>> -> memref<1x128xi32, #tpu.memory_space<vmem>>
        %dma_start3A_73 = tpu.memref_squeeze %dma_start3A_72 : memref<1x128xi32, #tpu.memory_space<vmem>> -> memref<128xi32, #tpu.memory_space<vmem>>
        %dma_start3A_74 = arith.constant 0 : i32
        %dma_start3A_75 = arith.constant 0 : i32
        %dma_start3A_76 = tpu.memref_slice %arg2[%dma_start3A_74, %dma_start3A_75] : memref<10112x128xf32, #tpu.memory_space<hbm>> -> memref<10112x128xf32, #tpu.memory_space<hbm>>
        tpu.enqueue_indirect_dma source(%dma_start3A_76 : memref<10112x128xf32, #tpu.memory_space<hbm>>) target(%arg9 : memref<128x128xf32, #tpu.memory_space<vmem>>) offsets(%dma_start3A_73 : memref<128xi32, #tpu.memory_space<vmem>>) semaphore(%arg12 : memref<!tpu.dma_semaphore, #tpu.memory_space<semaphore_mem>>)
        %dma_wait3A = arith.constant 0 : i32
        %dma_wait3A_77 = tpu.memref_slice %arg6[%mul3A_68, %dma_wait3A] : memref<40x128xi32, #tpu.memory_space<vmem>> -> memref<1x128xi32, #tpu.memory_space<vmem>>
        %dma_wait3A_78 = tpu.memref_squeeze %dma_wait3A_77 : memref<1x128xi32, #tpu.memory_space<vmem>> -> memref<128xi32, #tpu.memory_space<vmem>>
        %dma_wait3A_79 = arith.constant 0 : i32
        %dma_wait3A_80 = arith.constant 0 : i32
        %dma_wait3A_81 = tpu.memref_slice %arg2[%dma_wait3A_79, %dma_wait3A_80] : memref<10112x128xf32, #tpu.memory_space<hbm>> -> memref<10112x128xf32, #tpu.memory_space<hbm>>
        tpu.wait_indirect_dma semaphore(%arg11 : memref<!tpu.dma_semaphore, #tpu.memory_space<semaphore_mem>>) src(%dma_wait3A_81 : memref<10112x128xf32, #tpu.memory_space<hbm>>) dst(%arg8 : memref<128x128xf32, #tpu.memory_space<vmem>>)
        "tpu.region"() ({
          %run_scoped3A = tpu.sem_alloc : memref<!tpu.dma_semaphore, #tpu.memory_space<semaphore_mem>>
          %dma_start3A_96 = arith.constant 0 : i32
          %dma_start3A_97 = tpu.memref_slice %arg7[%mul3A_68, %dma_start3A_96] : memref<40x128xi32, #tpu.memory_space<vmem>> -> memref<1x128xi32, #tpu.memory_space<vmem>>
          %dma_start3A_98 = tpu.memref_squeeze %dma_start3A_97 : memref<1x128xi32, #tpu.memory_space<vmem>> -> memref<128xi32, #tpu.memory_space<vmem>>
          %dma_start3A_99 = arith.constant 0 : i32
          %dma_start3A_100 = arith.constant 0 : i32
          %dma_start3A_101 = tpu.memref_slice %arg10[%dma_start3A_99, %dma_start3A_100] : memref<10112x128xf32, #tpu.memory_space<vmem_shared>> -> memref<10112x128xf32, #tpu.memory_space<vmem_shared>>
          tpu.enqueue_indirect_dma source(%arg8 : memref<128x128xf32, #tpu.memory_space<vmem>>) target(%dma_start3A_101 : memref<10112x128xf32, #tpu.memory_space<vmem_shared>>) offsets(%dma_start3A_98 : memref<128xi32, #tpu.memory_space<vmem>>) semaphore(%run_scoped3A : memref<!tpu.dma_semaphore, #tpu.memory_space<semaphore_mem>>) {add = true}
          %dma_wait3A_102 = arith.constant 0 : i32
          %dma_wait3A_103 = tpu.memref_slice %arg7[%mul3A_68, %dma_wait3A_102] : memref<40x128xi32, #tpu.memory_space<vmem>> -> memref<1x128xi32, #tpu.memory_space<vmem>>
          %dma_wait3A_104 = tpu.memref_squeeze %dma_wait3A_103 : memref<1x128xi32, #tpu.memory_space<vmem>> -> memref<128xi32, #tpu.memory_space<vmem>>
          %dma_wait3A_105 = arith.constant 0 : i32
          %dma_wait3A_106 = arith.constant 0 : i32
          %dma_wait3A_107 = tpu.memref_slice %arg10[%dma_wait3A_105, %dma_wait3A_106] : memref<10112x128xf32, #tpu.memory_space<vmem_shared>> -> memref<10112x128xf32, #tpu.memory_space<vmem_shared>>
          tpu.wait_indirect_dma semaphore(%run_scoped3A : memref<!tpu.dma_semaphore, #tpu.memory_space<semaphore_mem>>) src(%arg8 : memref<128x128xf32, #tpu.memory_space<vmem>>) dst(%dma_wait3A_107 : memref<10112x128xf32, #tpu.memory_space<vmem_shared>>)
          tpu.yield
        }) : () -> ()
        %add3A_82 = arith.constant 1 : i32
        %add3A_83 = arith.addi %add3A_66, %add3A_82 : i32
        %lt3A = arith.constant 20 : i32
        %lt3A_84 = arith.cmpi slt, %add3A_83, %lt3A : i32
        %convert_element_type3A = arith.extui %lt3A_84 : i1 to i32
        %cond3A = arith.constant 0 : i32
        %cond3A_85 = arith.cmpi ne, %convert_element_type3A, %cond3A : i32
        scf.if %cond3A_85 {
          %add3A_96 = arith.constant 2 : i32
          %add3A_97 = arith.addi %mul3A_68, %add3A_96 : i32
          %dma_start3A_98 = arith.constant 0 : i32
          %dma_start3A_99 = tpu.memref_slice %arg6[%add3A_97, %dma_start3A_98] : memref<40x128xi32, #tpu.memory_space<vmem>> -> memref<1x128xi32, #tpu.memory_space<vmem>>
          %dma_start3A_100 = tpu.memref_squeeze %dma_start3A_99 : memref<1x128xi32, #tpu.memory_space<vmem>> -> memref<128xi32, #tpu.memory_space<vmem>>
          %dma_start3A_101 = arith.constant 0 : i32
          %dma_start3A_102 = arith.constant 0 : i32
          %dma_start3A_103 = tpu.memref_slice %arg2[%dma_start3A_101, %dma_start3A_102] : memref<10112x128xf32, #tpu.memory_space<hbm>> -> memref<10112x128xf32, #tpu.memory_space<hbm>>
          tpu.enqueue_indirect_dma source(%dma_start3A_103 : memref<10112x128xf32, #tpu.memory_space<hbm>>) target(%arg8 : memref<128x128xf32, #tpu.memory_space<vmem>>) offsets(%dma_start3A_100 : memref<128xi32, #tpu.memory_space<vmem>>) semaphore(%arg11 : memref<!tpu.dma_semaphore, #tpu.memory_space<semaphore_mem>>)
        } else {
        }
        %add3A_86 = arith.constant 1 : i32
        %add3A_87 = arith.addi %mul3A_68, %add3A_86 : i32
        %dma_wait3A_88 = arith.constant 0 : i32
        %dma_wait3A_89 = tpu.memref_slice %arg6[%add3A_87, %dma_wait3A_88] : memref<40x128xi32, #tpu.memory_space<vmem>> -> memref<1x128xi32, #tpu.memory_space<vmem>>
        %dma_wait3A_90 = tpu.memref_squeeze %dma_wait3A_89 : memref<1x128xi32, #tpu.memory_space<vmem>> -> memref<128xi32, #tpu.memory_space<vmem>>
        %dma_wait3A_91 = arith.constant 0 : i32
        %dma_wait3A_92 = arith.constant 0 : i32
        %dma_wait3A_93 = tpu.memref_slice %arg2[%dma_wait3A_91, %dma_wait3A_92] : memref<10112x128xf32, #tpu.memory_space<hbm>> -> memref<10112x128xf32, #tpu.memory_space<hbm>>
        tpu.wait_indirect_dma semaphore(%arg12 : memref<!tpu.dma_semaphore, #tpu.memory_space<semaphore_mem>>) src(%dma_wait3A_93 : memref<10112x128xf32, #tpu.memory_space<hbm>>) dst(%arg9 : memref<128x128xf32, #tpu.memory_space<vmem>>)
        %add3A_94 = arith.constant 1 : i32
        %add3A_95 = arith.addi %mul3A_68, %add3A_94 : i32
        "tpu.region"() ({
          %run_scoped3A = tpu.sem_alloc : memref<!tpu.dma_semaphore, #tpu.memory_space<semaphore_mem>>
          %dma_start3A_96 = arith.constant 0 : i32
          %dma_start3A_97 = tpu.memref_slice %arg7[%add3A_95, %dma_start3A_96] : memref<40x128xi32, #tpu.memory_space<vmem>> -> memref<1x128xi32, #tpu.memory_space<vmem>>
          %dma_start3A_98 = tpu.memref_squeeze %dma_start3A_97 : memref<1x128xi32, #tpu.memory_space<vmem>> -> memref<128xi32, #tpu.memory_space<vmem>>
          %dma_start3A_99 = arith.constant 0 : i32
          %dma_start3A_100 = arith.constant 0 : i32
          %dma_start3A_101 = tpu.memref_slice %arg10[%dma_start3A_99, %dma_start3A_100] : memref<10112x128xf32, #tpu.memory_space<vmem_shared>> -> memref<10112x128xf32, #tpu.memory_space<vmem_shared>>
          tpu.enqueue_indirect_dma source(%arg9 : memref<128x128xf32, #tpu.memory_space<vmem>>) target(%dma_start3A_101 : memref<10112x128xf32, #tpu.memory_space<vmem_shared>>) offsets(%dma_start3A_98 : memref<128xi32, #tpu.memory_space<vmem>>) semaphore(%run_scoped3A : memref<!tpu.dma_semaphore, #tpu.memory_space<semaphore_mem>>) {add = true}
          %dma_wait3A_102 = arith.constant 0 : i32
          %dma_wait3A_103 = tpu.memref_slice %arg7[%add3A_95, %dma_wait3A_102] : memref<40x128xi32, #tpu.memory_space<vmem>> -> memref<1x128xi32, #tpu.memory_space<vmem>>
          %dma_wait3A_104 = tpu.memref_squeeze %dma_wait3A_103 : memref<1x128xi32, #tpu.memory_space<vmem>> -> memref<128xi32, #tpu.memory_space<vmem>>
          %dma_wait3A_105 = arith.constant 0 : i32
          %dma_wait3A_106 = arith.constant 0 : i32
          %dma_wait3A_107 = tpu.memref_slice %arg10[%dma_wait3A_105, %dma_wait3A_106] : memref<10112x128xf32, #tpu.memory_space<vmem_shared>> -> memref<10112x128xf32, #tpu.memory_space<vmem_shared>>
          tpu.wait_indirect_dma semaphore(%run_scoped3A : memref<!tpu.dma_semaphore, #tpu.memory_space<semaphore_mem>>) src(%arg9 : memref<128x128xf32, #tpu.memory_space<vmem>>) dst(%dma_wait3A_107 : memref<10112x128xf32, #tpu.memory_space<vmem_shared>>)
          tpu.yield
        }) : () -> ()
      }
      %scan3A_61 = arith.constant 20 : i32
    }
    %barrier3A_41 = arith.constant 0 : index
    tpu.barrier barrier_id(%barrier3A_41)
    %mul3A_42 = arith.constant 10112 : i32
    %mul3A_43 = arith.muli %arg0, %mul3A_42 : i32
    %add3A_44 = arith.addi %mul3A_43, %mul3A_0 : i32
    "tpu.region"() ({
      %run_scoped3A = tpu.sem_alloc : memref<!tpu.dma_semaphore, #tpu.memory_space<semaphore_mem>>
      %dma_start3A = arith.constant 0 : i32
      %dma_start3A_45 = tpu.memref_slice %arg5[%add3A_44, %dma_start3A] : memref<20224x128xf32, #tpu.memory_space<hbm>> -> memref<632x128xf32, #tpu.memory_space<hbm>>
      %dma_start3A_46 = arith.constant 0 : i32
      %dma_start3A_47 = tpu.memref_slice %arg10[%mul3A_0, %dma_start3A_46] : memref<10112x128xf32, #tpu.memory_space<vmem_shared>> -> memref<632x128xf32, #tpu.memory_space<vmem_shared>>
      tpu.enqueue_dma source(%dma_start3A_47 : memref<632x128xf32, #tpu.memory_space<vmem_shared>>) target(%dma_start3A_45 : memref<632x128xf32, #tpu.memory_space<hbm>>) target_semaphore(%run_scoped3A : memref<!tpu.dma_semaphore, #tpu.memory_space<semaphore_mem>>)
      %dma_wait3A = arith.constant 0 : i32
      %dma_wait3A_48 = tpu.memref_slice %arg5[%add3A_44, %dma_wait3A] : memref<20224x128xf32, #tpu.memory_space<hbm>> -> memref<632x128xf32, #tpu.memory_space<hbm>>
      %dma_wait3A_49 = arith.constant 0 : i32
      %dma_wait3A_50 = tpu.memref_slice %arg10[%mul3A_0, %dma_wait3A_49] : memref<10112x128xf32, #tpu.memory_space<vmem_shared>> -> memref<632x128xf32, #tpu.memory_space<vmem_shared>>
      tpu.wait_dma2 semaphore(%run_scoped3A : memref<!tpu.dma_semaphore, #tpu.memory_space<semaphore_mem>>) src(%dma_wait3A_50 : memref<632x128xf32, #tpu.memory_space<vmem_shared>>) dst(%dma_wait3A_48 : memref<632x128xf32, #tpu.memory_space<hbm>>)
      tpu.yield
    }) : () -> ()
    return
  }
}

module attributes {stable_mosaic.version = 14 : i64} {
  func.func @_matmul_body(%arg0: memref<10112x128xf32, #tpu.memory_space<vmem>>, %arg1: memref<128x128xf32, #tpu.memory_space<vmem>>, %arg2: memref<10112x128xf32, #tpu.memory_space<vmem>>) attributes {dimension_semantics = [], scalar_prefetch = 0 : i64, scratch_operands = 0 : i64, tpu.core_type = #tpu.core_type<tc>} {
    %get3A = arith.constant 0 : index
    %get3A_0 = arith.constant 0 : index
    %get3A_1 = vector.load %arg0[%get3A, %get3A_0] : memref<10112x128xf32, #tpu.memory_space<vmem>>, vector<10112x128xf32>
    %get3A_2 = arith.constant 0 : index
    %get3A_3 = arith.constant 0 : index
    %get3A_4 = vector.load %arg1[%get3A_2, %get3A_3] : memref<128x128xf32, #tpu.memory_space<vmem>>, vector<128x128xf32>
    %dot_general3A = arith.constant dense<0.000000e+00> : vector<10112x128xf32>
    %dot_general3A_5 = tpu.matmul %get3A_1, %get3A_4, %dot_general3A {dimension_numbers = #tpu.dot_dimension_numbers<[1], [0], [0], [1], [0, 0, 1, 1], [], []>, transpose_lhs_hint = false} : vector<10112x128xf32>, vector<128x128xf32>, vector<10112x128xf32> -> vector<10112x128xf32>
    %swap3A = arith.constant 0 : index
    %swap3A_6 = arith.constant 0 : index
    %swap3A_7 = vector.load %arg2[%swap3A, %swap3A_6] : memref<10112x128xf32, #tpu.memory_space<vmem>>, vector<10112x128xf32>
    tpu.vector_store %arg2[%swap3A, %swap3A_6], %dot_general3A_5 {strides = array<i32>} : memref<10112x128xf32, #tpu.memory_space<vmem>>, vector<10112x128xf32>,
    return
  }
}

module attributes {stable_mosaic.version = 14 : i64} {
  func.func @_scale_body(%arg0: memref<10112x128xf32, #tpu.memory_space<vmem>>, %arg1: memref<256x128xf32, #tpu.memory_space<vmem>>, %arg2: memref<10112x128xf32, #tpu.memory_space<vmem>>, %arg3: memref<10112x16xf32, #tpu.memory_space<vmem>>) attributes {dimension_semantics = [], scalar_prefetch = 0 : i64, scratch_operands = 0 : i64, tpu.core_type = #tpu.core_type<tc>} {
    %get3A = arith.constant 0 : index
    %get3A_0 = arith.constant 0 : index
    %get3A_1 = vector.load %arg1[%get3A, %get3A_0] : memref<256x128xf32, #tpu.memory_space<vmem>>, vector<256x128xf32>
    %slice3A = vector.extract_strided_slice %get3A_1 {offsets = [0, 0], sizes = [128, 128], strides = [1, 1]} : vector<256x128xf32> to vector<128x128xf32>
    %add3A = arith.constant 1.000000e+00 : f32
    %add3A_2 = vector.broadcast %add3A : f32 to vector<128x128xf32>
    %add3A_3 = arith.addf %add3A_2, %slice3A : vector<128x128xf32>
    %slice3A_4 = vector.extract_strided_slice %get3A_1 {offsets = [128, 0], sizes = [128, 128], strides = [1, 1]} : vector<256x128xf32> to vector<128x128xf32>
    %add3A_5 = arith.addf %add3A_3, %slice3A_4 : vector<128x128xf32>
    %rsqrt3A = math.rsqrt %add3A_5 : vector<128x128xf32>
    %iota3A = tpu.iota {dimensions = array<i32: 0>} : vector<128x128xi32>
    %iota3A_6 = tpu.iota {dimensions = array<i32: 1>} : vector<128x128xi32>
    %eq3A = arith.cmpi eq, %iota3A, %iota3A_6 : vector<128x128xi32>
    %convert_element_type3A = arith.extui %eq3A : vector<128x128xi1> to vector<128x128xi32>
    %convert_element_type3A_7 = arith.sitofp %convert_element_type3A : vector<128x128xi32> to vector<128x128xf32>
    %dot_general3A = arith.constant dense<0.000000e+00> : vector<128x128xf32>
    %dot_general3A_8 = tpu.matmul %convert_element_type3A_7, %rsqrt3A, %dot_general3A {dimension_numbers = #tpu.dot_dimension_numbers<[1], [1], [0], [0], [0, 0, 1, 0], [], []>, transpose_lhs_hint = false} : vector<128x128xf32>, vector<128x128xf32>, vector<128x128xf32> -> vector<128x128xf32>
    %slice3A_9 = vector.extract_strided_slice %dot_general3A_8 {offsets = [0, 0], sizes = [128, 1], strides = [1, 1]} : vector<128x128xf32> to vector<128x1xf32>
    %get3A_10 = arith.constant 0 : index
    %get3A_11 = arith.constant 0 : index
    %get3A_12 = vector.load %arg0[%get3A_10, %get3A_11] : memref<10112x128xf32, #tpu.memory_space<vmem>>, vector<128x128xf32>
    %mul3A = vector.broadcast %slice3A_9 : vector<128x1xf32> to vector<128x128xf32>
    %mul3A_13 = arith.mulf %get3A_12, %mul3A : vector<128x128xf32>
    %swap3A = arith.constant 0 : index
    %swap3A_14 = arith.constant 0 : index
    %swap3A_15 = vector.load %arg2[%swap3A, %swap3A_14] : memref<10112x128xf32, #tpu.memory_space<vmem>>, vector<128x128xf32>
    tpu.vector_store %arg2[%swap3A, %swap3A_14], %mul3A_13 {strides = array<i32>} : memref<10112x128xf32, #tpu.memory_space<vmem>>, vector<128x128xf32>,
    %broadcast_in_dim3A = vector.shape_cast %slice3A_9 : vector<128x1xf32> to vector<128x1xf32>
    %broadcast_in_dim3A_16 = vector.broadcast %broadcast_in_dim3A : vector<128x1xf32> to vector<128x16xf32>
    %swap3A_17 = arith.constant 0 : index
    %swap3A_18 = arith.constant 0 : index
    %swap3A_19 = vector.load %arg3[%swap3A_17, %swap3A_18] : memref<10112x16xf32, #tpu.memory_space<vmem>>, vector<128x16xf32>
    tpu.vector_store %arg3[%swap3A_17, %swap3A_18], %broadcast_in_dim3A_16 {strides = array<i32>} : memref<10112x16xf32, #tpu.memory_space<vmem>>, vector<128x16xf32>,
    %slice3A_20 = vector.extract_strided_slice %dot_general3A_8 {offsets = [0, 1], sizes = [128, 1], strides = [1, 1]} : vector<128x128xf32> to vector<128x1xf32>
    %get3A_21 = arith.constant 128 : index
    %get3A_22 = arith.constant 0 : index
    %get3A_23 = vector.load %arg0[%get3A_21, %get3A_22] : memref<10112x128xf32, #tpu.memory_space<vmem>>, vector<128x128xf32>
    %mul3A_24 = vector.broadcast %slice3A_20 : vector<128x1xf32> to vector<128x128xf32>
    %mul3A_25 = arith.mulf %get3A_23, %mul3A_24 : vector<128x128xf32>
    %swap3A_26 = arith.constant 128 : index
    %swap3A_27 = arith.constant 0 : index
    %swap3A_28 = vector.load %arg2[%swap3A_26, %swap3A_27] : memref<10112x128xf32, #tpu.memory_space<vmem>>, vector<128x128xf32>
    tpu.vector_store %arg2[%swap3A_26, %swap3A_27], %mul3A_25 {strides = array<i32>} : memref<10112x128xf32, #tpu.memory_space<vmem>>, vector<128x128xf32>,
    %broadcast_in_dim3A_29 = vector.shape_cast %slice3A_20 : vector<128x1xf32> to vector<128x1xf32>
    %broadcast_in_dim3A_30 = vector.broadcast %broadcast_in_dim3A_29 : vector<128x1xf32> to vector<128x16xf32>
    %swap3A_31 = arith.constant 128 : index
    %swap3A_32 = arith.constant 0 : index
    %swap3A_33 = vector.load %arg3[%swap3A_31, %swap3A_32] : memref<10112x16xf32, #tpu.memory_space<vmem>>, vector<128x16xf32>
    tpu.vector_store %arg3[%swap3A_31, %swap3A_32], %broadcast_in_dim3A_30 {strides = array<i32>} : memref<10112x16xf32, #tpu.memory_space<vmem>>, vector<128x16xf32>,
    %slice3A_34 = vector.extract_strided_slice %dot_general3A_8 {offsets = [0, 2], sizes = [128, 1], strides = [1, 1]} : vector<128x128xf32> to vector<128x1xf32>
    %get3A_35 = arith.constant 256 : index
    %get3A_36 = arith.constant 0 : index
    %get3A_37 = vector.load %arg0[%get3A_35, %get3A_36] : memref<10112x128xf32, #tpu.memory_space<vmem>>, vector<128x128xf32>
    %mul3A_38 = vector.broadcast %slice3A_34 : vector<128x1xf32> to vector<128x128xf32>
    %mul3A_39 = arith.mulf %get3A_37, %mul3A_38 : vector<128x128xf32>
    %swap3A_40 = arith.constant 256 : index
    %swap3A_41 = arith.constant 0 : index
    %swap3A_42 = vector.load %arg2[%swap3A_40, %swap3A_41] : memref<10112x128xf32, #tpu.memory_space<vmem>>, vector<128x128xf32>
    tpu.vector_store %arg2[%swap3A_40, %swap3A_41], %mul3A_39 {strides = array<i32>} : memref<10112x128xf32, #tpu.memory_space<vmem>>, vector<128x128xf32>,
    %broadcast_in_dim3A_43 = vector.shape_cast %slice3A_34 : vector<128x1xf32> to vector<128x1xf32>
    %broadcast_in_dim3A_44 = vector.broadcast %broadcast_in_dim3A_43 : vector<128x1xf32> to vector<128x16xf32>
    %swap3A_45 = arith.constant 256 : index
    %swap3A_46 = arith.constant 0 : index
    %swap3A_47 = vector.load %arg3[%swap3A_45, %swap3A_46] : memref<10112x16xf32, #tpu.memory_space<vmem>>, vector<128x16xf32>
    tpu.vector_store %arg3[%swap3A_45, %swap3A_46], %broadcast_in_dim3A_44 {strides = array<i32>} : memref<10112x16xf32, #tpu.memory_space<vmem>>, vector<128x16xf32>,
    %slice3A_48 = vector.extract_strided_slice %dot_general3A_8 {offsets = [0, 3], sizes = [128, 1], strides = [1, 1]} : vector<128x128xf32> to vector<128x1xf32>
    %get3A_49 = arith.constant 384 : index
    %get3A_50 = arith.constant 0 : index
    %get3A_51 = vector.load %arg0[%get3A_49, %get3A_50] : memref<10112x128xf32, #tpu.memory_space<vmem>>, vector<128x128xf32>
    %mul3A_52 = vector.broadcast %slice3A_48 : vector<128x1xf32> to vector<128x128xf32>
    %mul3A_53 = arith.mulf %get3A_51, %mul3A_52 : vector<128x128xf32>
    %swap3A_54 = arith.constant 384 : index
    %swap3A_55 = arith.constant 0 : index
    %swap3A_56 = vector.load %arg2[%swap3A_54, %swap3A_55] : memref<10112x128xf32, #tpu.memory_space<vmem>>, vector<128x128xf32>
    tpu.vector_store %arg2[%swap3A_54, %swap3A_55], %mul3A_53 {strides = array<i32>} : memref<10112x128xf32, #tpu.memory_space<vmem>>, vector<128x128xf32>,
    %broadcast_in_dim3A_57 = vector.shape_cast %slice3A_48 : vector<128x1xf32> to vector<128x1xf32>
    %broadcast_in_dim3A_58 = vector.broadcast %broadcast_in_dim3A_57 : vector<128x1xf32> to vector<128x16xf32>
    %swap3A_59 = arith.constant 384 : index
    %swap3A_60 = arith.constant 0 : index
    %swap3A_61 = vector.load %arg3[%swap3A_59, %swap3A_60] : memref<10112x16xf32, #tpu.memory_space<vmem>>, vector<128x16xf32>
    tpu.vector_store %arg3[%swap3A_59, %swap3A_60], %broadcast_in_dim3A_58 {strides = array<i32>} : memref<10112x16xf32, #tpu.memory_space<vmem>>, vector<128x16xf32>,
    %slice3A_62 = vector.extract_strided_slice %dot_general3A_8 {offsets = [0, 4], sizes = [128, 1], strides = [1, 1]} : vector<128x128xf32> to vector<128x1xf32>
    %get3A_63 = arith.constant 512 : index
    %get3A_64 = arith.constant 0 : index
    %get3A_65 = vector.load %arg0[%get3A_63, %get3A_64] : memref<10112x128xf32, #tpu.memory_space<vmem>>, vector<128x128xf32>
    %mul3A_66 = vector.broadcast %slice3A_62 : vector<128x1xf32> to vector<128x128xf32>
    %mul3A_67 = arith.mulf %get3A_65, %mul3A_66 : vector<128x128xf32>
    %swap3A_68 = arith.constant 512 : index
    %swap3A_69 = arith.constant 0 : index
    %swap3A_70 = vector.load %arg2[%swap3A_68, %swap3A_69] : memref<10112x128xf32, #tpu.memory_space<vmem>>, vector<128x128xf32>
    tpu.vector_store %arg2[%swap3A_68, %swap3A_69], %mul3A_67 {strides = array<i32>} : memref<10112x128xf32, #tpu.memory_space<vmem>>, vector<128x128xf32>,
    %broadcast_in_dim3A_71 = vector.shape_cast %slice3A_62 : vector<128x1xf32> to vector<128x1xf32>
    %broadcast_in_dim3A_72 = vector.broadcast %broadcast_in_dim3A_71 : vector<128x1xf32> to vector<128x16xf32>
    %swap3A_73 = arith.constant 512 : index
    %swap3A_74 = arith.constant 0 : index
    %swap3A_75 = vector.load %arg3[%swap3A_73, %swap3A_74] : memref<10112x16xf32, #tpu.memory_space<vmem>>, vector<128x16xf32>
    tpu.vector_store %arg3[%swap3A_73, %swap3A_74], %broadcast_in_dim3A_72 {strides = array<i32>} : memref<10112x16xf32, #tpu.memory_space<vmem>>, vector<128x16xf32>,
    %slice3A_76 = vector.extract_strided_slice %dot_general3A_8 {offsets = [0, 5], sizes = [128, 1], strides = [1, 1]} : vector<128x128xf32> to vector<128x1xf32>
    %get3A_77 = arith.constant 640 : index
    %get3A_78 = arith.constant 0 : index
    %get3A_79 = vector.load %arg0[%get3A_77, %get3A_78] : memref<10112x128xf32, #tpu.memory_space<vmem>>, vector<128x128xf32>
    %mul3A_80 = vector.broadcast %slice3A_76 : vector<128x1xf32> to vector<128x128xf32>
    %mul3A_81 = arith.mulf %get3A_79, %mul3A_80 : vector<128x128xf32>
    %swap3A_82 = arith.constant 640 : index
    %swap3A_83 = arith.constant 0 : index
    %swap3A_84 = vector.load %arg2[%swap3A_82, %swap3A_83] : memref<10112x128xf32, #tpu.memory_space<vmem>>, vector<128x128xf32>
    tpu.vector_store %arg2[%swap3A_82, %swap3A_83], %mul3A_81 {strides = array<i32>} : memref<10112x128xf32, #tpu.memory_space<vmem>>, vector<128x128xf32>,
    %broadcast_in_dim3A_85 = vector.shape_cast %slice3A_76 : vector<128x1xf32> to vector<128x1xf32>
    %broadcast_in_dim3A_86 = vector.broadcast %broadcast_in_dim3A_85 : vector<128x1xf32> to vector<128x16xf32>
    %swap3A_87 = arith.constant 640 : index
    %swap3A_88 = arith.constant 0 : index
    %swap3A_89 = vector.load %arg3[%swap3A_87, %swap3A_88] : memref<10112x16xf32, #tpu.memory_space<vmem>>, vector<128x16xf32>
    tpu.vector_store %arg3[%swap3A_87, %swap3A_88], %broadcast_in_dim3A_86 {strides = array<i32>} : memref<10112x16xf32, #tpu.memory_space<vmem>>, vector<128x16xf32>,
    %slice3A_90 = vector.extract_strided_slice %dot_general3A_8 {offsets = [0, 6], sizes = [128, 1], strides = [1, 1]} : vector<128x128xf32> to vector<128x1xf32>
    %get3A_91 = arith.constant 768 : index
    %get3A_92 = arith.constant 0 : index
    %get3A_93 = vector.load %arg0[%get3A_91, %get3A_92] : memref<10112x128xf32, #tpu.memory_space<vmem>>, vector<128x128xf32>
    %mul3A_94 = vector.broadcast %slice3A_90 : vector<128x1xf32> to vector<128x128xf32>
    %mul3A_95 = arith.mulf %get3A_93, %mul3A_94 : vector<128x128xf32>
    %swap3A_96 = arith.constant 768 : index
    %swap3A_97 = arith.constant 0 : index
    %swap3A_98 = vector.load %arg2[%swap3A_96, %swap3A_97] : memref<10112x128xf32, #tpu.memory_space<vmem>>, vector<128x128xf32>
    tpu.vector_store %arg2[%swap3A_96, %swap3A_97], %mul3A_95 {strides = array<i32>} : memref<10112x128xf32, #tpu.memory_space<vmem>>, vector<128x128xf32>,
    %broadcast_in_dim3A_99 = vector.shape_cast %slice3A_90 : vector<128x1xf32> to vector<128x1xf32>
    %broadcast_in_dim3A_100 = vector.broadcast %broadcast_in_dim3A_99 : vector<128x1xf32> to vector<128x16xf32>
    %swap3A_101 = arith.constant 768 : index
    %swap3A_102 = arith.constant 0 : index
    %swap3A_103 = vector.load %arg3[%swap3A_101, %swap3A_102] : memref<10112x16xf32, #tpu.memory_space<vmem>>, vector<128x16xf32>
    tpu.vector_store %arg3[%swap3A_101, %swap3A_102], %broadcast_in_dim3A_100 {strides = array<i32>} : memref<10112x16xf32, #tpu.memory_space<vmem>>, vector<128x16xf32>,
    %slice3A_104 = vector.extract_strided_slice %dot_general3A_8 {offsets = [0, 7], sizes = [128, 1], strides = [1, 1]} : vector<128x128xf32> to vector<128x1xf32>
    %get3A_105 = arith.constant 896 : index
    %get3A_106 = arith.constant 0 : index
    %get3A_107 = vector.load %arg0[%get3A_105, %get3A_106] : memref<10112x128xf32, #tpu.memory_space<vmem>>, vector<128x128xf32>
    %mul3A_108 = vector.broadcast %slice3A_104 : vector<128x1xf32> to vector<128x128xf32>
    %mul3A_109 = arith.mulf %get3A_107, %mul3A_108 : vector<128x128xf32>
    %swap3A_110 = arith.constant 896 : index
    %swap3A_111 = arith.constant 0 : index
    %swap3A_112 = vector.load %arg2[%swap3A_110, %swap3A_111] : memref<10112x128xf32, #tpu.memory_space<vmem>>, vector<128x128xf32>
    tpu.vector_store %arg2[%swap3A_110, %swap3A_111], %mul3A_109 {strides = array<i32>} : memref<10112x128xf32, #tpu.memory_space<vmem>>, vector<128x128xf32>,
    %broadcast_in_dim3A_113 = vector.shape_cast %slice3A_104 : vector<128x1xf32> to vector<128x1xf32>
    %broadcast_in_dim3A_114 = vector.broadcast %broadcast_in_dim3A_113 : vector<128x1xf32> to vector<128x16xf32>
    %swap3A_115 = arith.constant 896 : index
    %swap3A_116 = arith.constant 0 : index
    %swap3A_117 = vector.load %arg3[%swap3A_115, %swap3A_116] : memref<10112x16xf32, #tpu.memory_space<vmem>>, vector<128x16xf32>
    tpu.vector_store %arg3[%swap3A_115, %swap3A_116], %broadcast_in_dim3A_114 {strides = array<i32>} : memref<10112x16xf32, #tpu.memory_space<vmem>>, vector<128x16xf32>,
    %slice3A_118 = vector.extract_strided_slice %dot_general3A_8 {offsets = [0, 8], sizes = [128, 1], strides = [1, 1]} : vector<128x128xf32> to vector<128x1xf32>
    %get3A_119 = arith.constant 1024 : index
    %get3A_120 = arith.constant 0 : index
    %get3A_121 = vector.load %arg0[%get3A_119, %get3A_120] : memref<10112x128xf32, #tpu.memory_space<vmem>>, vector<128x128xf32>
    %mul3A_122 = vector.broadcast %slice3A_118 : vector<128x1xf32> to vector<128x128xf32>
    %mul3A_123 = arith.mulf %get3A_121, %mul3A_122 : vector<128x128xf32>
    %swap3A_124 = arith.constant 1024 : index
    %swap3A_125 = arith.constant 0 : index
    %swap3A_126 = vector.load %arg2[%swap3A_124, %swap3A_125] : memref<10112x128xf32, #tpu.memory_space<vmem>>, vector<128x128xf32>
    tpu.vector_store %arg2[%swap3A_124, %swap3A_125], %mul3A_123 {strides = array<i32>} : memref<10112x128xf32, #tpu.memory_space<vmem>>, vector<128x128xf32>,
    %broadcast_in_dim3A_127 = vector.shape_cast %slice3A_118 : vector<128x1xf32> to vector<128x1xf32>
    %broadcast_in_dim3A_128 = vector.broadcast %broadcast_in_dim3A_127 : vector<128x1xf32> to vector<128x16xf32>
    %swap3A_129 = arith.constant 1024 : index
    %swap3A_130 = arith.constant 0 : index
    %swap3A_131 = vector.load %arg3[%swap3A_129, %swap3A_130] : memref<10112x16xf32, #tpu.memory_space<vmem>>, vector<128x16xf32>
    tpu.vector_store %arg3[%swap3A_129, %swap3A_130], %broadcast_in_dim3A_128 {strides = array<i32>} : memref<10112x16xf32, #tpu.memory_space<vmem>>, vector<128x16xf32>,
    %slice3A_132 = vector.extract_strided_slice %dot_general3A_8 {offsets = [0, 9], sizes = [128, 1], strides = [1, 1]} : vector<128x128xf32> to vector<128x1xf32>
    %get3A_133 = arith.constant 1152 : index
    %get3A_134 = arith.constant 0 : index
    %get3A_135 = vector.load %arg0[%get3A_133, %get3A_134] : memref<10112x128xf32, #tpu.memory_space<vmem>>, vector<128x128xf32>
    %mul3A_136 = vector.broadcast %slice3A_132 : vector<128x1xf32> to vector<128x128xf32>
    %mul3A_137 = arith.mulf %get3A_135, %mul3A_136 : vector<128x128xf32>
    %swap3A_138 = arith.constant 1152 : index
    %swap3A_139 = arith.constant 0 : index
    %swap3A_140 = vector.load %arg2[%swap3A_138, %swap3A_139] : memref<10112x128xf32, #tpu.memory_space<vmem>>, vector<128x128xf32>
    tpu.vector_store %arg2[%swap3A_138, %swap3A_139], %mul3A_137 {strides = array<i32>} : memref<10112x128xf32, #tpu.memory_space<vmem>>, vector<128x128xf32>,
    %broadcast_in_dim3A_141 = vector.shape_cast %slice3A_132 : vector<128x1xf32> to vector<128x1xf32>
    %broadcast_in_dim3A_142 = vector.broadcast %broadcast_in_dim3A_141 : vector<128x1xf32> to vector<128x16xf32>
    %swap3A_143 = arith.constant 1152 : index
    %swap3A_144 = arith.constant 0 : index
    %swap3A_145 = vector.load %arg3[%swap3A_143, %swap3A_144] : memref<10112x16xf32, #tpu.memory_space<vmem>>, vector<128x16xf32>
    tpu.vector_store %arg3[%swap3A_143, %swap3A_144], %broadcast_in_dim3A_142 {strides = array<i32>} : memref<10112x16xf32, #tpu.memory_space<vmem>>, vector<128x16xf32>,
    %slice3A_146 = vector.extract_strided_slice %dot_general3A_8 {offsets = [0, 10], sizes = [128, 1], strides = [1, 1]} : vector<128x128xf32> to vector<128x1xf32>
    %get3A_147 = arith.constant 1280 : index
    %get3A_148 = arith.constant 0 : index
    %get3A_149 = vector.load %arg0[%get3A_147, %get3A_148] : memref<10112x128xf32, #tpu.memory_space<vmem>>, vector<128x128xf32>
    %mul3A_150 = vector.broadcast %slice3A_146 : vector<128x1xf32> to vector<128x128xf32>
    %mul3A_151 = arith.mulf %get3A_149, %mul3A_150 : vector<128x128xf32>
    %swap3A_152 = arith.constant 1280 : index
    %swap3A_153 = arith.constant 0 : index
    %swap3A_154 = vector.load %arg2[%swap3A_152, %swap3A_153] : memref<10112x128xf32, #tpu.memory_space<vmem>>, vector<128x128xf32>
    tpu.vector_store %arg2[%swap3A_152, %swap3A_153], %mul3A_151 {strides = array<i32>} : memref<10112x128xf32, #tpu.memory_space<vmem>>, vector<128x128xf32>,
    %broadcast_in_dim3A_155 = vector.shape_cast %slice3A_146 : vector<128x1xf32> to vector<128x1xf32>
    %broadcast_in_dim3A_156 = vector.broadcast %broadcast_in_dim3A_155 : vector<128x1xf32> to vector<128x16xf32>
    %swap3A_157 = arith.constant 1280 : index
    %swap3A_158 = arith.constant 0 : index
    %swap3A_159 = vector.load %arg3[%swap3A_157, %swap3A_158] : memref<10112x16xf32, #tpu.memory_space<vmem>>, vector<128x16xf32>
    tpu.vector_store %arg3[%swap3A_157, %swap3A_158], %broadcast_in_dim3A_156 {strides = array<i32>} : memref<10112x16xf32, #tpu.memory_space<vmem>>, vector<128x16xf32>,
    %slice3A_160 = vector.extract_strided_slice %dot_general3A_8 {offsets = [0, 11], sizes = [128, 1], strides = [1, 1]} : vector<128x128xf32> to vector<128x1xf32>
    %get3A_161 = arith.constant 1408 : index
    %get3A_162 = arith.constant 0 : index
    %get3A_163 = vector.load %arg0[%get3A_161, %get3A_162] : memref<10112x128xf32, #tpu.memory_space<vmem>>, vector<128x128xf32>
    %mul3A_164 = vector.broadcast %slice3A_160 : vector<128x1xf32> to vector<128x128xf32>
    %mul3A_165 = arith.mulf %get3A_163, %mul3A_164 : vector<128x128xf32>
    %swap3A_166 = arith.constant 1408 : index
    %swap3A_167 = arith.constant 0 : index
    %swap3A_168 = vector.load %arg2[%swap3A_166, %swap3A_167] : memref<10112x128xf32, #tpu.memory_space<vmem>>, vector<128x128xf32>
    tpu.vector_store %arg2[%swap3A_166, %swap3A_167], %mul3A_165 {strides = array<i32>} : memref<10112x128xf32, #tpu.memory_space<vmem>>, vector<128x128xf32>,
    %broadcast_in_dim3A_169 = vector.shape_cast %slice3A_160 : vector<128x1xf32> to vector<128x1xf32>
    %broadcast_in_dim3A_170 = vector.broadcast %broadcast_in_dim3A_169 : vector<128x1xf32> to vector<128x16xf32>
    %swap3A_171 = arith.constant 1408 : index
    %swap3A_172 = arith.constant 0 : index
    %swap3A_173 = vector.load %arg3[%swap3A_171, %swap3A_172] : memref<10112x16xf32, #tpu.memory_space<vmem>>, vector<128x16xf32>
    tpu.vector_store %arg3[%swap3A_171, %swap3A_172], %broadcast_in_dim3A_170 {strides = array<i32>} : memref<10112x16xf32, #tpu.memory_space<vmem>>, vector<128x16xf32>,
    %slice3A_174 = vector.extract_strided_slice %dot_general3A_8 {offsets = [0, 12], sizes = [128, 1], strides = [1, 1]} : vector<128x128xf32> to vector<128x1xf32>
    %get3A_175 = arith.constant 1536 : index
    %get3A_176 = arith.constant 0 : index
    %get3A_177 = vector.load %arg0[%get3A_175, %get3A_176] : memref<10112x128xf32, #tpu.memory_space<vmem>>, vector<128x128xf32>
    %mul3A_178 = vector.broadcast %slice3A_174 : vector<128x1xf32> to vector<128x128xf32>
    %mul3A_179 = arith.mulf %get3A_177, %mul3A_178 : vector<128x128xf32>
    %swap3A_180 = arith.constant 1536 : index
    %swap3A_181 = arith.constant 0 : index
    %swap3A_182 = vector.load %arg2[%swap3A_180, %swap3A_181] : memref<10112x128xf32, #tpu.memory_space<vmem>>, vector<128x128xf32>
    tpu.vector_store %arg2[%swap3A_180, %swap3A_181], %mul3A_179 {strides = array<i32>} : memref<10112x128xf32, #tpu.memory_space<vmem>>, vector<128x128xf32>,
    %broadcast_in_dim3A_183 = vector.shape_cast %slice3A_174 : vector<128x1xf32> to vector<128x1xf32>
    %broadcast_in_dim3A_184 = vector.broadcast %broadcast_in_dim3A_183 : vector<128x1xf32> to vector<128x16xf32>
    %swap3A_185 = arith.constant 1536 : index
    %swap3A_186 = arith.constant 0 : index
    %swap3A_187 = vector.load %arg3[%swap3A_185, %swap3A_186] : memref<10112x16xf32, #tpu.memory_space<vmem>>, vector<128x16xf32>
    tpu.vector_store %arg3[%swap3A_185, %swap3A_186], %broadcast_in_dim3A_184 {strides = array<i32>} : memref<10112x16xf32, #tpu.memory_space<vmem>>, vector<128x16xf32>,
    %slice3A_188 = vector.extract_strided_slice %dot_general3A_8 {offsets = [0, 13], sizes = [128, 1], strides = [1, 1]} : vector<128x128xf32> to vector<128x1xf32>
    %get3A_189 = arith.constant 1664 : index
    %get3A_190 = arith.constant 0 : index
    %get3A_191 = vector.load %arg0[%get3A_189, %get3A_190] : memref<10112x128xf32, #tpu.memory_space<vmem>>, vector<128x128xf32>
    %mul3A_192 = vector.broadcast %slice3A_188 : vector<128x1xf32> to vector<128x128xf32>
    %mul3A_193 = arith.mulf %get3A_191, %mul3A_192 : vector<128x128xf32>
    %swap3A_194 = arith.constant 1664 : index
    %swap3A_195 = arith.constant 0 : index
    %swap3A_196 = vector.load %arg2[%swap3A_194, %swap3A_195] : memref<10112x128xf32, #tpu.memory_space<vmem>>, vector<128x128xf32>
    tpu.vector_store %arg2[%swap3A_194, %swap3A_195], %mul3A_193 {strides = array<i32>} : memref<10112x128xf32, #tpu.memory_space<vmem>>, vector<128x128xf32>,
    %broadcast_in_dim3A_197 = vector.shape_cast %slice3A_188 : vector<128x1xf32> to vector<128x1xf32>
    %broadcast_in_dim3A_198 = vector.broadcast %broadcast_in_dim3A_197 : vector<128x1xf32> to vector<128x16xf32>
    %swap3A_199 = arith.constant 1664 : index
    %swap3A_200 = arith.constant 0 : index
    %swap3A_201 = vector.load %arg3[%swap3A_199, %swap3A_200] : memref<10112x16xf32, #tpu.memory_space<vmem>>, vector<128x16xf32>
    tpu.vector_store %arg3[%swap3A_199, %swap3A_200], %broadcast_in_dim3A_198 {strides = array<i32>} : memref<10112x16xf32, #tpu.memory_space<vmem>>, vector<128x16xf32>,
    %slice3A_202 = vector.extract_strided_slice %dot_general3A_8 {offsets = [0, 14], sizes = [128, 1], strides = [1, 1]} : vector<128x128xf32> to vector<128x1xf32>
    %get3A_203 = arith.constant 1792 : index
    %get3A_204 = arith.constant 0 : index
    %get3A_205 = vector.load %arg0[%get3A_203, %get3A_204] : memref<10112x128xf32, #tpu.memory_space<vmem>>, vector<128x128xf32>
    %mul3A_206 = vector.broadcast %slice3A_202 : vector<128x1xf32> to vector<128x128xf32>
    %mul3A_207 = arith.mulf %get3A_205, %mul3A_206 : vector<128x128xf32>
    %swap3A_208 = arith.constant 1792 : index
    %swap3A_209 = arith.constant 0 : index
    %swap3A_210 = vector.load %arg2[%swap3A_208, %swap3A_209] : memref<10112x128xf32, #tpu.memory_space<vmem>>, vector<128x128xf32>
    tpu.vector_store %arg2[%swap3A_208, %swap3A_209], %mul3A_207 {strides = array<i32>} : memref<10112x128xf32, #tpu.memory_space<vmem>>, vector<128x128xf32>,
    %broadcast_in_dim3A_211 = vector.shape_cast %slice3A_202 : vector<128x1xf32> to vector<128x1xf32>
    %broadcast_in_dim3A_212 = vector.broadcast %broadcast_in_dim3A_211 : vector<128x1xf32> to vector<128x16xf32>
    %swap3A_213 = arith.constant 1792 : index
    %swap3A_214 = arith.constant 0 : index
    %swap3A_215 = vector.load %arg3[%swap3A_213, %swap3A_214] : memref<10112x16xf32, #tpu.memory_space<vmem>>, vector<128x16xf32>
    tpu.vector_store %arg3[%swap3A_213, %swap3A_214], %broadcast_in_dim3A_212 {strides = array<i32>} : memref<10112x16xf32, #tpu.memory_space<vmem>>, vector<128x16xf32>,
    %slice3A_216 = vector.extract_strided_slice %dot_general3A_8 {offsets = [0, 15], sizes = [128, 1], strides = [1, 1]} : vector<128x128xf32> to vector<128x1xf32>
    %get3A_217 = arith.constant 1920 : index
    %get3A_218 = arith.constant 0 : index
    %get3A_219 = vector.load %arg0[%get3A_217, %get3A_218] : memref<10112x128xf32, #tpu.memory_space<vmem>>, vector<128x128xf32>
    %mul3A_220 = vector.broadcast %slice3A_216 : vector<128x1xf32> to vector<128x128xf32>
    %mul3A_221 = arith.mulf %get3A_219, %mul3A_220 : vector<128x128xf32>
    %swap3A_222 = arith.constant 1920 : index
    %swap3A_223 = arith.constant 0 : index
    %swap3A_224 = vector.load %arg2[%swap3A_222, %swap3A_223] : memref<10112x128xf32, #tpu.memory_space<vmem>>, vector<128x128xf32>
    tpu.vector_store %arg2[%swap3A_222, %swap3A_223], %mul3A_221 {strides = array<i32>} : memref<10112x128xf32, #tpu.memory_space<vmem>>, vector<128x128xf32>,
    %broadcast_in_dim3A_225 = vector.shape_cast %slice3A_216 : vector<128x1xf32> to vector<128x1xf32>
    %broadcast_in_dim3A_226 = vector.broadcast %broadcast_in_dim3A_225 : vector<128x1xf32> to vector<128x16xf32>
    %swap3A_227 = arith.constant 1920 : index
    %swap3A_228 = arith.constant 0 : index
    %swap3A_229 = vector.load %arg3[%swap3A_227, %swap3A_228] : memref<10112x16xf32, #tpu.memory_space<vmem>>, vector<128x16xf32>
    tpu.vector_store %arg3[%swap3A_227, %swap3A_228], %broadcast_in_dim3A_226 {strides = array<i32>} : memref<10112x16xf32, #tpu.memory_space<vmem>>, vector<128x16xf32>,
    %slice3A_230 = vector.extract_strided_slice %dot_general3A_8 {offsets = [0, 16], sizes = [128, 1], strides = [1, 1]} : vector<128x128xf32> to vector<128x1xf32>
    %get3A_231 = arith.constant 2048 : index
    %get3A_232 = arith.constant 0 : index
    %get3A_233 = vector.load %arg0[%get3A_231, %get3A_232] : memref<10112x128xf32, #tpu.memory_space<vmem>>, vector<128x128xf32>
    %mul3A_234 = vector.broadcast %slice3A_230 : vector<128x1xf32> to vector<128x128xf32>
    %mul3A_235 = arith.mulf %get3A_233, %mul3A_234 : vector<128x128xf32>
    %swap3A_236 = arith.constant 2048 : index
    %swap3A_237 = arith.constant 0 : index
    %swap3A_238 = vector.load %arg2[%swap3A_236, %swap3A_237] : memref<10112x128xf32, #tpu.memory_space<vmem>>, vector<128x128xf32>
    tpu.vector_store %arg2[%swap3A_236, %swap3A_237], %mul3A_235 {strides = array<i32>} : memref<10112x128xf32, #tpu.memory_space<vmem>>, vector<128x128xf32>,
    %broadcast_in_dim3A_239 = vector.shape_cast %slice3A_230 : vector<128x1xf32> to vector<128x1xf32>
    %broadcast_in_dim3A_240 = vector.broadcast %broadcast_in_dim3A_239 : vector<128x1xf32> to vector<128x16xf32>
    %swap3A_241 = arith.constant 2048 : index
    %swap3A_242 = arith.constant 0 : index
    %swap3A_243 = vector.load %arg3[%swap3A_241, %swap3A_242] : memref<10112x16xf32, #tpu.memory_space<vmem>>, vector<128x16xf32>
    tpu.vector_store %arg3[%swap3A_241, %swap3A_242], %broadcast_in_dim3A_240 {strides = array<i32>} : memref<10112x16xf32, #tpu.memory_space<vmem>>, vector<128x16xf32>,
    %slice3A_244 = vector.extract_strided_slice %dot_general3A_8 {offsets = [0, 17], sizes = [128, 1], strides = [1, 1]} : vector<128x128xf32> to vector<128x1xf32>
    %get3A_245 = arith.constant 2176 : index
    %get3A_246 = arith.constant 0 : index
    %get3A_247 = vector.load %arg0[%get3A_245, %get3A_246] : memref<10112x128xf32, #tpu.memory_space<vmem>>, vector<128x128xf32>
    %mul3A_248 = vector.broadcast %slice3A_244 : vector<128x1xf32> to vector<128x128xf32>
    %mul3A_249 = arith.mulf %get3A_247, %mul3A_248 : vector<128x128xf32>
    %swap3A_250 = arith.constant 2176 : index
    %swap3A_251 = arith.constant 0 : index
    %swap3A_252 = vector.load %arg2[%swap3A_250, %swap3A_251] : memref<10112x128xf32, #tpu.memory_space<vmem>>, vector<128x128xf32>
    tpu.vector_store %arg2[%swap3A_250, %swap3A_251], %mul3A_249 {strides = array<i32>} : memref<10112x128xf32, #tpu.memory_space<vmem>>, vector<128x128xf32>,
    %broadcast_in_dim3A_253 = vector.shape_cast %slice3A_244 : vector<128x1xf32> to vector<128x1xf32>
    %broadcast_in_dim3A_254 = vector.broadcast %broadcast_in_dim3A_253 : vector<128x1xf32> to vector<128x16xf32>
    %swap3A_255 = arith.constant 2176 : index
    %swap3A_256 = arith.constant 0 : index
    %swap3A_257 = vector.load %arg3[%swap3A_255, %swap3A_256] : memref<10112x16xf32, #tpu.memory_space<vmem>>, vector<128x16xf32>
    tpu.vector_store %arg3[%swap3A_255, %swap3A_256], %broadcast_in_dim3A_254 {strides = array<i32>} : memref<10112x16xf32, #tpu.memory_space<vmem>>, vector<128x16xf32>,
    %slice3A_258 = vector.extract_strided_slice %dot_general3A_8 {offsets = [0, 18], sizes = [128, 1], strides = [1, 1]} : vector<128x128xf32> to vector<128x1xf32>
    %get3A_259 = arith.constant 2304 : index
    %get3A_260 = arith.constant 0 : index
    %get3A_261 = vector.load %arg0[%get3A_259, %get3A_260] : memref<10112x128xf32, #tpu.memory_space<vmem>>, vector<128x128xf32>
    %mul3A_262 = vector.broadcast %slice3A_258 : vector<128x1xf32> to vector<128x128xf32>
    %mul3A_263 = arith.mulf %get3A_261, %mul3A_262 : vector<128x128xf32>
    %swap3A_264 = arith.constant 2304 : index
    %swap3A_265 = arith.constant 0 : index
    %swap3A_266 = vector.load %arg2[%swap3A_264, %swap3A_265] : memref<10112x128xf32, #tpu.memory_space<vmem>>, vector<128x128xf32>
    tpu.vector_store %arg2[%swap3A_264, %swap3A_265], %mul3A_263 {strides = array<i32>} : memref<10112x128xf32, #tpu.memory_space<vmem>>, vector<128x128xf32>,
    %broadcast_in_dim3A_267 = vector.shape_cast %slice3A_258 : vector<128x1xf32> to vector<128x1xf32>
    %broadcast_in_dim3A_268 = vector.broadcast %broadcast_in_dim3A_267 : vector<128x1xf32> to vector<128x16xf32>
    %swap3A_269 = arith.constant 2304 : index
    %swap3A_270 = arith.constant 0 : index
    %swap3A_271 = vector.load %arg3[%swap3A_269, %swap3A_270] : memref<10112x16xf32, #tpu.memory_space<vmem>>, vector<128x16xf32>
    tpu.vector_store %arg3[%swap3A_269, %swap3A_270], %broadcast_in_dim3A_268 {strides = array<i32>} : memref<10112x16xf32, #tpu.memory_space<vmem>>, vector<128x16xf32>,
    %slice3A_272 = vector.extract_strided_slice %dot_general3A_8 {offsets = [0, 19], sizes = [128, 1], strides = [1, 1]} : vector<128x128xf32> to vector<128x1xf32>
    %get3A_273 = arith.constant 2432 : index
    %get3A_274 = arith.constant 0 : index
    %get3A_275 = vector.load %arg0[%get3A_273, %get3A_274] : memref<10112x128xf32, #tpu.memory_space<vmem>>, vector<128x128xf32>
    %mul3A_276 = vector.broadcast %slice3A_272 : vector<128x1xf32> to vector<128x128xf32>
    %mul3A_277 = arith.mulf %get3A_275, %mul3A_276 : vector<128x128xf32>
    %swap3A_278 = arith.constant 2432 : index
    %swap3A_279 = arith.constant 0 : index
    %swap3A_280 = vector.load %arg2[%swap3A_278, %swap3A_279] : memref<10112x128xf32, #tpu.memory_space<vmem>>, vector<128x128xf32>
    tpu.vector_store %arg2[%swap3A_278, %swap3A_279], %mul3A_277 {strides = array<i32>} : memref<10112x128xf32, #tpu.memory_space<vmem>>, vector<128x128xf32>,
    %broadcast_in_dim3A_281 = vector.shape_cast %slice3A_272 : vector<128x1xf32> to vector<128x1xf32>
    %broadcast_in_dim3A_282 = vector.broadcast %broadcast_in_dim3A_281 : vector<128x1xf32> to vector<128x16xf32>
    %swap3A_283 = arith.constant 2432 : index
    %swap3A_284 = arith.constant 0 : index
    %swap3A_285 = vector.load %arg3[%swap3A_283, %swap3A_284] : memref<10112x16xf32, #tpu.memory_space<vmem>>, vector<128x16xf32>
    tpu.vector_store %arg3[%swap3A_283, %swap3A_284], %broadcast_in_dim3A_282 {strides = array<i32>} : memref<10112x16xf32, #tpu.memory_space<vmem>>, vector<128x16xf32>,
    %slice3A_286 = vector.extract_strided_slice %dot_general3A_8 {offsets = [0, 20], sizes = [128, 1], strides = [1, 1]} : vector<128x128xf32> to vector<128x1xf32>
    %get3A_287 = arith.constant 2560 : index
    %get3A_288 = arith.constant 0 : index
    %get3A_289 = vector.load %arg0[%get3A_287, %get3A_288] : memref<10112x128xf32, #tpu.memory_space<vmem>>, vector<128x128xf32>
    %mul3A_290 = vector.broadcast %slice3A_286 : vector<128x1xf32> to vector<128x128xf32>
    %mul3A_291 = arith.mulf %get3A_289, %mul3A_290 : vector<128x128xf32>
    %swap3A_292 = arith.constant 2560 : index
    %swap3A_293 = arith.constant 0 : index
    %swap3A_294 = vector.load %arg2[%swap3A_292, %swap3A_293] : memref<10112x128xf32, #tpu.memory_space<vmem>>, vector<128x128xf32>
    tpu.vector_store %arg2[%swap3A_292, %swap3A_293], %mul3A_291 {strides = array<i32>} : memref<10112x128xf32, #tpu.memory_space<vmem>>, vector<128x128xf32>,
    %broadcast_in_dim3A_295 = vector.shape_cast %slice3A_286 : vector<128x1xf32> to vector<128x1xf32>
    %broadcast_in_dim3A_296 = vector.broadcast %broadcast_in_dim3A_295 : vector<128x1xf32> to vector<128x16xf32>
    %swap3A_297 = arith.constant 2560 : index
    %swap3A_298 = arith.constant 0 : index
    %swap3A_299 = vector.load %arg3[%swap3A_297, %swap3A_298] : memref<10112x16xf32, #tpu.memory_space<vmem>>, vector<128x16xf32>
    tpu.vector_store %arg3[%swap3A_297, %swap3A_298], %broadcast_in_dim3A_296 {strides = array<i32>} : memref<10112x16xf32, #tpu.memory_space<vmem>>, vector<128x16xf32>,
    %slice3A_300 = vector.extract_strided_slice %dot_general3A_8 {offsets = [0, 21], sizes = [128, 1], strides = [1, 1]} : vector<128x128xf32> to vector<128x1xf32>
    %get3A_301 = arith.constant 2688 : index
    %get3A_302 = arith.constant 0 : index
    %get3A_303 = vector.load %arg0[%get3A_301, %get3A_302] : memref<10112x128xf32, #tpu.memory_space<vmem>>, vector<128x128xf32>
    %mul3A_304 = vector.broadcast %slice3A_300 : vector<128x1xf32> to vector<128x128xf32>
    %mul3A_305 = arith.mulf %get3A_303, %mul3A_304 : vector<128x128xf32>
    %swap3A_306 = arith.constant 2688 : index
    %swap3A_307 = arith.constant 0 : index
    %swap3A_308 = vector.load %arg2[%swap3A_306, %swap3A_307] : memref<10112x128xf32, #tpu.memory_space<vmem>>, vector<128x128xf32>
    tpu.vector_store %arg2[%swap3A_306, %swap3A_307], %mul3A_305 {strides = array<i32>} : memref<10112x128xf32, #tpu.memory_space<vmem>>, vector<128x128xf32>,
    %broadcast_in_dim3A_309 = vector.shape_cast %slice3A_300 : vector<128x1xf32> to vector<128x1xf32>
    %broadcast_in_dim3A_310 = vector.broadcast %broadcast_in_dim3A_309 : vector<128x1xf32> to vector<128x16xf32>
    %swap3A_311 = arith.constant 2688 : index
    %swap3A_312 = arith.constant 0 : index
    %swap3A_313 = vector.load %arg3[%swap3A_311, %swap3A_312] : memref<10112x16xf32, #tpu.memory_space<vmem>>, vector<128x16xf32>
    tpu.vector_store %arg3[%swap3A_311, %swap3A_312], %broadcast_in_dim3A_310 {strides = array<i32>} : memref<10112x16xf32, #tpu.memory_space<vmem>>, vector<128x16xf32>,
    %slice3A_314 = vector.extract_strided_slice %dot_general3A_8 {offsets = [0, 22], sizes = [128, 1], strides = [1, 1]} : vector<128x128xf32> to vector<128x1xf32>
    %get3A_315 = arith.constant 2816 : index
    %get3A_316 = arith.constant 0 : index
    %get3A_317 = vector.load %arg0[%get3A_315, %get3A_316] : memref<10112x128xf32, #tpu.memory_space<vmem>>, vector<128x128xf32>
    %mul3A_318 = vector.broadcast %slice3A_314 : vector<128x1xf32> to vector<128x128xf32>
    %mul3A_319 = arith.mulf %get3A_317, %mul3A_318 : vector<128x128xf32>
    %swap3A_320 = arith.constant 2816 : index
    %swap3A_321 = arith.constant 0 : index
    %swap3A_322 = vector.load %arg2[%swap3A_320, %swap3A_321] : memref<10112x128xf32, #tpu.memory_space<vmem>>, vector<128x128xf32>
    tpu.vector_store %arg2[%swap3A_320, %swap3A_321], %mul3A_319 {strides = array<i32>} : memref<10112x128xf32, #tpu.memory_space<vmem>>, vector<128x128xf32>,
    %broadcast_in_dim3A_323 = vector.shape_cast %slice3A_314 : vector<128x1xf32> to vector<128x1xf32>
    %broadcast_in_dim3A_324 = vector.broadcast %broadcast_in_dim3A_323 : vector<128x1xf32> to vector<128x16xf32>
    %swap3A_325 = arith.constant 2816 : index
    %swap3A_326 = arith.constant 0 : index
    %swap3A_327 = vector.load %arg3[%swap3A_325, %swap3A_326] : memref<10112x16xf32, #tpu.memory_space<vmem>>, vector<128x16xf32>
    tpu.vector_store %arg3[%swap3A_325, %swap3A_326], %broadcast_in_dim3A_324 {strides = array<i32>} : memref<10112x16xf32, #tpu.memory_space<vmem>>, vector<128x16xf32>,
    %slice3A_328 = vector.extract_strided_slice %dot_general3A_8 {offsets = [0, 23], sizes = [128, 1], strides = [1, 1]} : vector<128x128xf32> to vector<128x1xf32>
    %get3A_329 = arith.constant 2944 : index
    %get3A_330 = arith.constant 0 : index
    %get3A_331 = vector.load %arg0[%get3A_329, %get3A_330] : memref<10112x128xf32, #tpu.memory_space<vmem>>, vector<128x128xf32>
    %mul3A_332 = vector.broadcast %slice3A_328 : vector<128x1xf32> to vector<128x128xf32>
    %mul3A_333 = arith.mulf %get3A_331, %mul3A_332 : vector<128x128xf32>
    %swap3A_334 = arith.constant 2944 : index
    %swap3A_335 = arith.constant 0 : index
    %swap3A_336 = vector.load %arg2[%swap3A_334, %swap3A_335] : memref<10112x128xf32, #tpu.memory_space<vmem>>, vector<128x128xf32>
    tpu.vector_store %arg2[%swap3A_334, %swap3A_335], %mul3A_333 {strides = array<i32>} : memref<10112x128xf32, #tpu.memory_space<vmem>>, vector<128x128xf32>,
    %broadcast_in_dim3A_337 = vector.shape_cast %slice3A_328 : vector<128x1xf32> to vector<128x1xf32>
    %broadcast_in_dim3A_338 = vector.broadcast %broadcast_in_dim3A_337 : vector<128x1xf32> to vector<128x16xf32>
    %swap3A_339 = arith.constant 2944 : index
    %swap3A_340 = arith.constant 0 : index
    %swap3A_341 = vector.load %arg3[%swap3A_339, %swap3A_340] : memref<10112x16xf32, #tpu.memory_space<vmem>>, vector<128x16xf32>
    tpu.vector_store %arg3[%swap3A_339, %swap3A_340], %broadcast_in_dim3A_338 {strides = array<i32>} : memref<10112x16xf32, #tpu.memory_space<vmem>>, vector<128x16xf32>,
    %slice3A_342 = vector.extract_strided_slice %dot_general3A_8 {offsets = [0, 24], sizes = [128, 1], strides = [1, 1]} : vector<128x128xf32> to vector<128x1xf32>
    %get3A_343 = arith.constant 3072 : index
    %get3A_344 = arith.constant 0 : index
    %get3A_345 = vector.load %arg0[%get3A_343, %get3A_344] : memref<10112x128xf32, #tpu.memory_space<vmem>>, vector<128x128xf32>
    %mul3A_346 = vector.broadcast %slice3A_342 : vector<128x1xf32> to vector<128x128xf32>
    %mul3A_347 = arith.mulf %get3A_345, %mul3A_346 : vector<128x128xf32>
    %swap3A_348 = arith.constant 3072 : index
    %swap3A_349 = arith.constant 0 : index
    %swap3A_350 = vector.load %arg2[%swap3A_348, %swap3A_349] : memref<10112x128xf32, #tpu.memory_space<vmem>>, vector<128x128xf32>
    tpu.vector_store %arg2[%swap3A_348, %swap3A_349], %mul3A_347 {strides = array<i32>} : memref<10112x128xf32, #tpu.memory_space<vmem>>, vector<128x128xf32>,
    %broadcast_in_dim3A_351 = vector.shape_cast %slice3A_342 : vector<128x1xf32> to vector<128x1xf32>
    %broadcast_in_dim3A_352 = vector.broadcast %broadcast_in_dim3A_351 : vector<128x1xf32> to vector<128x16xf32>
    %swap3A_353 = arith.constant 3072 : index
    %swap3A_354 = arith.constant 0 : index
    %swap3A_355 = vector.load %arg3[%swap3A_353, %swap3A_354] : memref<10112x16xf32, #tpu.memory_space<vmem>>, vector<128x16xf32>
    tpu.vector_store %arg3[%swap3A_353, %swap3A_354], %broadcast_in_dim3A_352 {strides = array<i32>} : memref<10112x16xf32, #tpu.memory_space<vmem>>, vector<128x16xf32>,
    %slice3A_356 = vector.extract_strided_slice %dot_general3A_8 {offsets = [0, 25], sizes = [128, 1], strides = [1, 1]} : vector<128x128xf32> to vector<128x1xf32>
    %get3A_357 = arith.constant 3200 : index
    %get3A_358 = arith.constant 0 : index
    %get3A_359 = vector.load %arg0[%get3A_357, %get3A_358] : memref<10112x128xf32, #tpu.memory_space<vmem>>, vector<128x128xf32>
    %mul3A_360 = vector.broadcast %slice3A_356 : vector<128x1xf32> to vector<128x128xf32>
    %mul3A_361 = arith.mulf %get3A_359, %mul3A_360 : vector<128x128xf32>
    %swap3A_362 = arith.constant 3200 : index
    %swap3A_363 = arith.constant 0 : index
    %swap3A_364 = vector.load %arg2[%swap3A_362, %swap3A_363] : memref<10112x128xf32, #tpu.memory_space<vmem>>, vector<128x128xf32>
    tpu.vector_store %arg2[%swap3A_362, %swap3A_363], %mul3A_361 {strides = array<i32>} : memref<10112x128xf32, #tpu.memory_space<vmem>>, vector<128x128xf32>,
    %broadcast_in_dim3A_365 = vector.shape_cast %slice3A_356 : vector<128x1xf32> to vector<128x1xf32>
    %broadcast_in_dim3A_366 = vector.broadcast %broadcast_in_dim3A_365 : vector<128x1xf32> to vector<128x16xf32>
    %swap3A_367 = arith.constant 3200 : index
    %swap3A_368 = arith.constant 0 : index
    %swap3A_369 = vector.load %arg3[%swap3A_367, %swap3A_368] : memref<10112x16xf32, #tpu.memory_space<vmem>>, vector<128x16xf32>
    tpu.vector_store %arg3[%swap3A_367, %swap3A_368], %broadcast_in_dim3A_366 {strides = array<i32>} : memref<10112x16xf32, #tpu.memory_space<vmem>>, vector<128x16xf32>,
    %slice3A_370 = vector.extract_strided_slice %dot_general3A_8 {offsets = [0, 26], sizes = [128, 1], strides = [1, 1]} : vector<128x128xf32> to vector<128x1xf32>
    %get3A_371 = arith.constant 3328 : index
    %get3A_372 = arith.constant 0 : index
    %get3A_373 = vector.load %arg0[%get3A_371, %get3A_372] : memref<10112x128xf32, #tpu.memory_space<vmem>>, vector<128x128xf32>
    %mul3A_374 = vector.broadcast %slice3A_370 : vector<128x1xf32> to vector<128x128xf32>
    %mul3A_375 = arith.mulf %get3A_373, %mul3A_374 : vector<128x128xf32>
    %swap3A_376 = arith.constant 3328 : index
    %swap3A_377 = arith.constant 0 : index
    %swap3A_378 = vector.load %arg2[%swap3A_376, %swap3A_377] : memref<10112x128xf32, #tpu.memory_space<vmem>>, vector<128x128xf32>
    tpu.vector_store %arg2[%swap3A_376, %swap3A_377], %mul3A_375 {strides = array<i32>} : memref<10112x128xf32, #tpu.memory_space<vmem>>, vector<128x128xf32>,
    %broadcast_in_dim3A_379 = vector.shape_cast %slice3A_370 : vector<128x1xf32> to vector<128x1xf32>
    %broadcast_in_dim3A_380 = vector.broadcast %broadcast_in_dim3A_379 : vector<128x1xf32> to vector<128x16xf32>
    %swap3A_381 = arith.constant 3328 : index
    %swap3A_382 = arith.constant 0 : index
    %swap3A_383 = vector.load %arg3[%swap3A_381, %swap3A_382] : memref<10112x16xf32, #tpu.memory_space<vmem>>, vector<128x16xf32>
    tpu.vector_store %arg3[%swap3A_381, %swap3A_382], %broadcast_in_dim3A_380 {strides = array<i32>} : memref<10112x16xf32, #tpu.memory_space<vmem>>, vector<128x16xf32>,
    %slice3A_384 = vector.extract_strided_slice %dot_general3A_8 {offsets = [0, 27], sizes = [128, 1], strides = [1, 1]} : vector<128x128xf32> to vector<128x1xf32>
    %get3A_385 = arith.constant 3456 : index
    %get3A_386 = arith.constant 0 : index
    %get3A_387 = vector.load %arg0[%get3A_385, %get3A_386] : memref<10112x128xf32, #tpu.memory_space<vmem>>, vector<128x128xf32>
    %mul3A_388 = vector.broadcast %slice3A_384 : vector<128x1xf32> to vector<128x128xf32>
    %mul3A_389 = arith.mulf %get3A_387, %mul3A_388 : vector<128x128xf32>
    %swap3A_390 = arith.constant 3456 : index
    %swap3A_391 = arith.constant 0 : index
    %swap3A_392 = vector.load %arg2[%swap3A_390, %swap3A_391] : memref<10112x128xf32, #tpu.memory_space<vmem>>, vector<128x128xf32>
    tpu.vector_store %arg2[%swap3A_390, %swap3A_391], %mul3A_389 {strides = array<i32>} : memref<10112x128xf32, #tpu.memory_space<vmem>>, vector<128x128xf32>,
    %broadcast_in_dim3A_393 = vector.shape_cast %slice3A_384 : vector<128x1xf32> to vector<128x1xf32>
    %broadcast_in_dim3A_394 = vector.broadcast %broadcast_in_dim3A_393 : vector<128x1xf32> to vector<128x16xf32>
    %swap3A_395 = arith.constant 3456 : index
    %swap3A_396 = arith.constant 0 : index
    %swap3A_397 = vector.load %arg3[%swap3A_395, %swap3A_396] : memref<10112x16xf32, #tpu.memory_space<vmem>>, vector<128x16xf32>
    tpu.vector_store %arg3[%swap3A_395, %swap3A_396], %broadcast_in_dim3A_394 {strides = array<i32>} : memref<10112x16xf32, #tpu.memory_space<vmem>>, vector<128x16xf32>,
    %slice3A_398 = vector.extract_strided_slice %dot_general3A_8 {offsets = [0, 28], sizes = [128, 1], strides = [1, 1]} : vector<128x128xf32> to vector<128x1xf32>
    %get3A_399 = arith.constant 3584 : index
    %get3A_400 = arith.constant 0 : index
    %get3A_401 = vector.load %arg0[%get3A_399, %get3A_400] : memref<10112x128xf32, #tpu.memory_space<vmem>>, vector<128x128xf32>
    %mul3A_402 = vector.broadcast %slice3A_398 : vector<128x1xf32> to vector<128x128xf32>
    %mul3A_403 = arith.mulf %get3A_401, %mul3A_402 : vector<128x128xf32>
    %swap3A_404 = arith.constant 3584 : index
    %swap3A_405 = arith.constant 0 : index
    %swap3A_406 = vector.load %arg2[%swap3A_404, %swap3A_405] : memref<10112x128xf32, #tpu.memory_space<vmem>>, vector<128x128xf32>
    tpu.vector_store %arg2[%swap3A_404, %swap3A_405], %mul3A_403 {strides = array<i32>} : memref<10112x128xf32, #tpu.memory_space<vmem>>, vector<128x128xf32>,
    %broadcast_in_dim3A_407 = vector.shape_cast %slice3A_398 : vector<128x1xf32> to vector<128x1xf32>
    %broadcast_in_dim3A_408 = vector.broadcast %broadcast_in_dim3A_407 : vector<128x1xf32> to vector<128x16xf32>
    %swap3A_409 = arith.constant 3584 : index
    %swap3A_410 = arith.constant 0 : index
    %swap3A_411 = vector.load %arg3[%swap3A_409, %swap3A_410] : memref<10112x16xf32, #tpu.memory_space<vmem>>, vector<128x16xf32>
    tpu.vector_store %arg3[%swap3A_409, %swap3A_410], %broadcast_in_dim3A_408 {strides = array<i32>} : memref<10112x16xf32, #tpu.memory_space<vmem>>, vector<128x16xf32>,
    %slice3A_412 = vector.extract_strided_slice %dot_general3A_8 {offsets = [0, 29], sizes = [128, 1], strides = [1, 1]} : vector<128x128xf32> to vector<128x1xf32>
    %get3A_413 = arith.constant 3712 : index
    %get3A_414 = arith.constant 0 : index
    %get3A_415 = vector.load %arg0[%get3A_413, %get3A_414] : memref<10112x128xf32, #tpu.memory_space<vmem>>, vector<128x128xf32>
    %mul3A_416 = vector.broadcast %slice3A_412 : vector<128x1xf32> to vector<128x128xf32>
    %mul3A_417 = arith.mulf %get3A_415, %mul3A_416 : vector<128x128xf32>
    %swap3A_418 = arith.constant 3712 : index
    %swap3A_419 = arith.constant 0 : index
    %swap3A_420 = vector.load %arg2[%swap3A_418, %swap3A_419] : memref<10112x128xf32, #tpu.memory_space<vmem>>, vector<128x128xf32>
    tpu.vector_store %arg2[%swap3A_418, %swap3A_419], %mul3A_417 {strides = array<i32>} : memref<10112x128xf32, #tpu.memory_space<vmem>>, vector<128x128xf32>,
    %broadcast_in_dim3A_421 = vector.shape_cast %slice3A_412 : vector<128x1xf32> to vector<128x1xf32>
    %broadcast_in_dim3A_422 = vector.broadcast %broadcast_in_dim3A_421 : vector<128x1xf32> to vector<128x16xf32>
    %swap3A_423 = arith.constant 3712 : index
    %swap3A_424 = arith.constant 0 : index
    %swap3A_425 = vector.load %arg3[%swap3A_423, %swap3A_424] : memref<10112x16xf32, #tpu.memory_space<vmem>>, vector<128x16xf32>
    tpu.vector_store %arg3[%swap3A_423, %swap3A_424], %broadcast_in_dim3A_422 {strides = array<i32>} : memref<10112x16xf32, #tpu.memory_space<vmem>>, vector<128x16xf32>,
    %slice3A_426 = vector.extract_strided_slice %dot_general3A_8 {offsets = [0, 30], sizes = [128, 1], strides = [1, 1]} : vector<128x128xf32> to vector<128x1xf32>
    %get3A_427 = arith.constant 3840 : index
    %get3A_428 = arith.constant 0 : index
    %get3A_429 = vector.load %arg0[%get3A_427, %get3A_428] : memref<10112x128xf32, #tpu.memory_space<vmem>>, vector<128x128xf32>
    %mul3A_430 = vector.broadcast %slice3A_426 : vector<128x1xf32> to vector<128x128xf32>
    %mul3A_431 = arith.mulf %get3A_429, %mul3A_430 : vector<128x128xf32>
    %swap3A_432 = arith.constant 3840 : index
    %swap3A_433 = arith.constant 0 : index
    %swap3A_434 = vector.load %arg2[%swap3A_432, %swap3A_433] : memref<10112x128xf32, #tpu.memory_space<vmem>>, vector<128x128xf32>
    tpu.vector_store %arg2[%swap3A_432, %swap3A_433], %mul3A_431 {strides = array<i32>} : memref<10112x128xf32, #tpu.memory_space<vmem>>, vector<128x128xf32>,
    %broadcast_in_dim3A_435 = vector.shape_cast %slice3A_426 : vector<128x1xf32> to vector<128x1xf32>
    %broadcast_in_dim3A_436 = vector.broadcast %broadcast_in_dim3A_435 : vector<128x1xf32> to vector<128x16xf32>
    %swap3A_437 = arith.constant 3840 : index
    %swap3A_438 = arith.constant 0 : index
    %swap3A_439 = vector.load %arg3[%swap3A_437, %swap3A_438] : memref<10112x16xf32, #tpu.memory_space<vmem>>, vector<128x16xf32>
    tpu.vector_store %arg3[%swap3A_437, %swap3A_438], %broadcast_in_dim3A_436 {strides = array<i32>} : memref<10112x16xf32, #tpu.memory_space<vmem>>, vector<128x16xf32>,
    %slice3A_440 = vector.extract_strided_slice %dot_general3A_8 {offsets = [0, 31], sizes = [128, 1], strides = [1, 1]} : vector<128x128xf32> to vector<128x1xf32>
    %get3A_441 = arith.constant 3968 : index
    %get3A_442 = arith.constant 0 : index
    %get3A_443 = vector.load %arg0[%get3A_441, %get3A_442] : memref<10112x128xf32, #tpu.memory_space<vmem>>, vector<128x128xf32>
    %mul3A_444 = vector.broadcast %slice3A_440 : vector<128x1xf32> to vector<128x128xf32>
    %mul3A_445 = arith.mulf %get3A_443, %mul3A_444 : vector<128x128xf32>
    %swap3A_446 = arith.constant 3968 : index
    %swap3A_447 = arith.constant 0 : index
    %swap3A_448 = vector.load %arg2[%swap3A_446, %swap3A_447] : memref<10112x128xf32, #tpu.memory_space<vmem>>, vector<128x128xf32>
    tpu.vector_store %arg2[%swap3A_446, %swap3A_447], %mul3A_445 {strides = array<i32>} : memref<10112x128xf32, #tpu.memory_space<vmem>>, vector<128x128xf32>,
    %broadcast_in_dim3A_449 = vector.shape_cast %slice3A_440 : vector<128x1xf32> to vector<128x1xf32>
    %broadcast_in_dim3A_450 = vector.broadcast %broadcast_in_dim3A_449 : vector<128x1xf32> to vector<128x16xf32>
    %swap3A_451 = arith.constant 3968 : index
    %swap3A_452 = arith.constant 0 : index
    %swap3A_453 = vector.load %arg3[%swap3A_451, %swap3A_452] : memref<10112x16xf32, #tpu.memory_space<vmem>>, vector<128x16xf32>
    tpu.vector_store %arg3[%swap3A_451, %swap3A_452], %broadcast_in_dim3A_450 {strides = array<i32>} : memref<10112x16xf32, #tpu.memory_space<vmem>>, vector<128x16xf32>,
    %slice3A_454 = vector.extract_strided_slice %dot_general3A_8 {offsets = [0, 32], sizes = [128, 1], strides = [1, 1]} : vector<128x128xf32> to vector<128x1xf32>
    %get3A_455 = arith.constant 4096 : index
    %get3A_456 = arith.constant 0 : index
    %get3A_457 = vector.load %arg0[%get3A_455, %get3A_456] : memref<10112x128xf32, #tpu.memory_space<vmem>>, vector<128x128xf32>
    %mul3A_458 = vector.broadcast %slice3A_454 : vector<128x1xf32> to vector<128x128xf32>
    %mul3A_459 = arith.mulf %get3A_457, %mul3A_458 : vector<128x128xf32>
    %swap3A_460 = arith.constant 4096 : index
    %swap3A_461 = arith.constant 0 : index
    %swap3A_462 = vector.load %arg2[%swap3A_460, %swap3A_461] : memref<10112x128xf32, #tpu.memory_space<vmem>>, vector<128x128xf32>
    tpu.vector_store %arg2[%swap3A_460, %swap3A_461], %mul3A_459 {strides = array<i32>} : memref<10112x128xf32, #tpu.memory_space<vmem>>, vector<128x128xf32>,
    %broadcast_in_dim3A_463 = vector.shape_cast %slice3A_454 : vector<128x1xf32> to vector<128x1xf32>
    %broadcast_in_dim3A_464 = vector.broadcast %broadcast_in_dim3A_463 : vector<128x1xf32> to vector<128x16xf32>
    %swap3A_465 = arith.constant 4096 : index
    %swap3A_466 = arith.constant 0 : index
    %swap3A_467 = vector.load %arg3[%swap3A_465, %swap3A_466] : memref<10112x16xf32, #tpu.memory_space<vmem>>, vector<128x16xf32>
    tpu.vector_store %arg3[%swap3A_465, %swap3A_466], %broadcast_in_dim3A_464 {strides = array<i32>} : memref<10112x16xf32, #tpu.memory_space<vmem>>, vector<128x16xf32>,
    %slice3A_468 = vector.extract_strided_slice %dot_general3A_8 {offsets = [0, 33], sizes = [128, 1], strides = [1, 1]} : vector<128x128xf32> to vector<128x1xf32>
    %get3A_469 = arith.constant 4224 : index
    %get3A_470 = arith.constant 0 : index
    %get3A_471 = vector.load %arg0[%get3A_469, %get3A_470] : memref<10112x128xf32, #tpu.memory_space<vmem>>, vector<128x128xf32>
    %mul3A_472 = vector.broadcast %slice3A_468 : vector<128x1xf32> to vector<128x128xf32>
    %mul3A_473 = arith.mulf %get3A_471, %mul3A_472 : vector<128x128xf32>
    %swap3A_474 = arith.constant 4224 : index
    %swap3A_475 = arith.constant 0 : index
    %swap3A_476 = vector.load %arg2[%swap3A_474, %swap3A_475] : memref<10112x128xf32, #tpu.memory_space<vmem>>, vector<128x128xf32>
    tpu.vector_store %arg2[%swap3A_474, %swap3A_475], %mul3A_473 {strides = array<i32>} : memref<10112x128xf32, #tpu.memory_space<vmem>>, vector<128x128xf32>,
    %broadcast_in_dim3A_477 = vector.shape_cast %slice3A_468 : vector<128x1xf32> to vector<128x1xf32>
    %broadcast_in_dim3A_478 = vector.broadcast %broadcast_in_dim3A_477 : vector<128x1xf32> to vector<128x16xf32>
    %swap3A_479 = arith.constant 4224 : index
    %swap3A_480 = arith.constant 0 : index
    %swap3A_481 = vector.load %arg3[%swap3A_479, %swap3A_480] : memref<10112x16xf32, #tpu.memory_space<vmem>>, vector<128x16xf32>
    tpu.vector_store %arg3[%swap3A_479, %swap3A_480], %broadcast_in_dim3A_478 {strides = array<i32>} : memref<10112x16xf32, #tpu.memory_space<vmem>>, vector<128x16xf32>,
    %slice3A_482 = vector.extract_strided_slice %dot_general3A_8 {offsets = [0, 34], sizes = [128, 1], strides = [1, 1]} : vector<128x128xf32> to vector<128x1xf32>
    %get3A_483 = arith.constant 4352 : index
    %get3A_484 = arith.constant 0 : index
    %get3A_485 = vector.load %arg0[%get3A_483, %get3A_484] : memref<10112x128xf32, #tpu.memory_space<vmem>>, vector<128x128xf32>
    %mul3A_486 = vector.broadcast %slice3A_482 : vector<128x1xf32> to vector<128x128xf32>
    %mul3A_487 = arith.mulf %get3A_485, %mul3A_486 : vector<128x128xf32>
    %swap3A_488 = arith.constant 4352 : index
    %swap3A_489 = arith.constant 0 : index
    %swap3A_490 = vector.load %arg2[%swap3A_488, %swap3A_489] : memref<10112x128xf32, #tpu.memory_space<vmem>>, vector<128x128xf32>
    tpu.vector_store %arg2[%swap3A_488, %swap3A_489], %mul3A_487 {strides = array<i32>} : memref<10112x128xf32, #tpu.memory_space<vmem>>, vector<128x128xf32>,
    %broadcast_in_dim3A_491 = vector.shape_cast %slice3A_482 : vector<128x1xf32> to vector<128x1xf32>
    %broadcast_in_dim3A_492 = vector.broadcast %broadcast_in_dim3A_491 : vector<128x1xf32> to vector<128x16xf32>
    %swap3A_493 = arith.constant 4352 : index
    %swap3A_494 = arith.constant 0 : index
    %swap3A_495 = vector.load %arg3[%swap3A_493, %swap3A_494] : memref<10112x16xf32, #tpu.memory_space<vmem>>, vector<128x16xf32>
    tpu.vector_store %arg3[%swap3A_493, %swap3A_494], %broadcast_in_dim3A_492 {strides = array<i32>} : memref<10112x16xf32, #tpu.memory_space<vmem>>, vector<128x16xf32>,
    %slice3A_496 = vector.extract_strided_slice %dot_general3A_8 {offsets = [0, 35], sizes = [128, 1], strides = [1, 1]} : vector<128x128xf32> to vector<128x1xf32>
    %get3A_497 = arith.constant 4480 : index
    %get3A_498 = arith.constant 0 : index
    %get3A_499 = vector.load %arg0[%get3A_497, %get3A_498] : memref<10112x128xf32, #tpu.memory_space<vmem>>, vector<128x128xf32>
    %mul3A_500 = vector.broadcast %slice3A_496 : vector<128x1xf32> to vector<128x128xf32>
    %mul3A_501 = arith.mulf %get3A_499, %mul3A_500 : vector<128x128xf32>
    %swap3A_502 = arith.constant 4480 : index
    %swap3A_503 = arith.constant 0 : index
    %swap3A_504 = vector.load %arg2[%swap3A_502, %swap3A_503] : memref<10112x128xf32, #tpu.memory_space<vmem>>, vector<128x128xf32>
    tpu.vector_store %arg2[%swap3A_502, %swap3A_503], %mul3A_501 {strides = array<i32>} : memref<10112x128xf32, #tpu.memory_space<vmem>>, vector<128x128xf32>,
    %broadcast_in_dim3A_505 = vector.shape_cast %slice3A_496 : vector<128x1xf32> to vector<128x1xf32>
    %broadcast_in_dim3A_506 = vector.broadcast %broadcast_in_dim3A_505 : vector<128x1xf32> to vector<128x16xf32>
    %swap3A_507 = arith.constant 4480 : index
    %swap3A_508 = arith.constant 0 : index
    %swap3A_509 = vector.load %arg3[%swap3A_507, %swap3A_508] : memref<10112x16xf32, #tpu.memory_space<vmem>>, vector<128x16xf32>
    tpu.vector_store %arg3[%swap3A_507, %swap3A_508], %broadcast_in_dim3A_506 {strides = array<i32>} : memref<10112x16xf32, #tpu.memory_space<vmem>>, vector<128x16xf32>,
    %slice3A_510 = vector.extract_strided_slice %dot_general3A_8 {offsets = [0, 36], sizes = [128, 1], strides = [1, 1]} : vector<128x128xf32> to vector<128x1xf32>
    %get3A_511 = arith.constant 4608 : index
    %get3A_512 = arith.constant 0 : index
    %get3A_513 = vector.load %arg0[%get3A_511, %get3A_512] : memref<10112x128xf32, #tpu.memory_space<vmem>>, vector<128x128xf32>
    %mul3A_514 = vector.broadcast %slice3A_510 : vector<128x1xf32> to vector<128x128xf32>
    %mul3A_515 = arith.mulf %get3A_513, %mul3A_514 : vector<128x128xf32>
    %swap3A_516 = arith.constant 4608 : index
    %swap3A_517 = arith.constant 0 : index
    %swap3A_518 = vector.load %arg2[%swap3A_516, %swap3A_517] : memref<10112x128xf32, #tpu.memory_space<vmem>>, vector<128x128xf32>
    tpu.vector_store %arg2[%swap3A_516, %swap3A_517], %mul3A_515 {strides = array<i32>} : memref<10112x128xf32, #tpu.memory_space<vmem>>, vector<128x128xf32>,
    %broadcast_in_dim3A_519 = vector.shape_cast %slice3A_510 : vector<128x1xf32> to vector<128x1xf32>
    %broadcast_in_dim3A_520 = vector.broadcast %broadcast_in_dim3A_519 : vector<128x1xf32> to vector<128x16xf32>
    %swap3A_521 = arith.constant 4608 : index
    %swap3A_522 = arith.constant 0 : index
    %swap3A_523 = vector.load %arg3[%swap3A_521, %swap3A_522] : memref<10112x16xf32, #tpu.memory_space<vmem>>, vector<128x16xf32>
    tpu.vector_store %arg3[%swap3A_521, %swap3A_522], %broadcast_in_dim3A_520 {strides = array<i32>} : memref<10112x16xf32, #tpu.memory_space<vmem>>, vector<128x16xf32>,
    %slice3A_524 = vector.extract_strided_slice %dot_general3A_8 {offsets = [0, 37], sizes = [128, 1], strides = [1, 1]} : vector<128x128xf32> to vector<128x1xf32>
    %get3A_525 = arith.constant 4736 : index
    %get3A_526 = arith.constant 0 : index
    %get3A_527 = vector.load %arg0[%get3A_525, %get3A_526] : memref<10112x128xf32, #tpu.memory_space<vmem>>, vector<128x128xf32>
    %mul3A_528 = vector.broadcast %slice3A_524 : vector<128x1xf32> to vector<128x128xf32>
    %mul3A_529 = arith.mulf %get3A_527, %mul3A_528 : vector<128x128xf32>
    %swap3A_530 = arith.constant 4736 : index
    %swap3A_531 = arith.constant 0 : index
    %swap3A_532 = vector.load %arg2[%swap3A_530, %swap3A_531] : memref<10112x128xf32, #tpu.memory_space<vmem>>, vector<128x128xf32>
    tpu.vector_store %arg2[%swap3A_530, %swap3A_531], %mul3A_529 {strides = array<i32>} : memref<10112x128xf32, #tpu.memory_space<vmem>>, vector<128x128xf32>,
    %broadcast_in_dim3A_533 = vector.shape_cast %slice3A_524 : vector<128x1xf32> to vector<128x1xf32>
    %broadcast_in_dim3A_534 = vector.broadcast %broadcast_in_dim3A_533 : vector<128x1xf32> to vector<128x16xf32>
    %swap3A_535 = arith.constant 4736 : index
    %swap3A_536 = arith.constant 0 : index
    %swap3A_537 = vector.load %arg3[%swap3A_535, %swap3A_536] : memref<10112x16xf32, #tpu.memory_space<vmem>>, vector<128x16xf32>
    tpu.vector_store %arg3[%swap3A_535, %swap3A_536], %broadcast_in_dim3A_534 {strides = array<i32>} : memref<10112x16xf32, #tpu.memory_space<vmem>>, vector<128x16xf32>,
    %slice3A_538 = vector.extract_strided_slice %dot_general3A_8 {offsets = [0, 38], sizes = [128, 1], strides = [1, 1]} : vector<128x128xf32> to vector<128x1xf32>
    %get3A_539 = arith.constant 4864 : index
    %get3A_540 = arith.constant 0 : index
    %get3A_541 = vector.load %arg0[%get3A_539, %get3A_540] : memref<10112x128xf32, #tpu.memory_space<vmem>>, vector<128x128xf32>
    %mul3A_542 = vector.broadcast %slice3A_538 : vector<128x1xf32> to vector<128x128xf32>
    %mul3A_543 = arith.mulf %get3A_541, %mul3A_542 : vector<128x128xf32>
    %swap3A_544 = arith.constant 4864 : index
    %swap3A_545 = arith.constant 0 : index
    %swap3A_546 = vector.load %arg2[%swap3A_544, %swap3A_545] : memref<10112x128xf32, #tpu.memory_space<vmem>>, vector<128x128xf32>
    tpu.vector_store %arg2[%swap3A_544, %swap3A_545], %mul3A_543 {strides = array<i32>} : memref<10112x128xf32, #tpu.memory_space<vmem>>, vector<128x128xf32>,
    %broadcast_in_dim3A_547 = vector.shape_cast %slice3A_538 : vector<128x1xf32> to vector<128x1xf32>
    %broadcast_in_dim3A_548 = vector.broadcast %broadcast_in_dim3A_547 : vector<128x1xf32> to vector<128x16xf32>
    %swap3A_549 = arith.constant 4864 : index
    %swap3A_550 = arith.constant 0 : index
    %swap3A_551 = vector.load %arg3[%swap3A_549, %swap3A_550] : memref<10112x16xf32, #tpu.memory_space<vmem>>, vector<128x16xf32>
    tpu.vector_store %arg3[%swap3A_549, %swap3A_550], %broadcast_in_dim3A_548 {strides = array<i32>} : memref<10112x16xf32, #tpu.memory_space<vmem>>, vector<128x16xf32>,
    %slice3A_552 = vector.extract_strided_slice %dot_general3A_8 {offsets = [0, 39], sizes = [128, 1], strides = [1, 1]} : vector<128x128xf32> to vector<128x1xf32>
    %get3A_553 = arith.constant 4992 : index
    %get3A_554 = arith.constant 0 : index
    %get3A_555 = vector.load %arg0[%get3A_553, %get3A_554] : memref<10112x128xf32, #tpu.memory_space<vmem>>, vector<128x128xf32>
    %mul3A_556 = vector.broadcast %slice3A_552 : vector<128x1xf32> to vector<128x128xf32>
    %mul3A_557 = arith.mulf %get3A_555, %mul3A_556 : vector<128x128xf32>
    %swap3A_558 = arith.constant 4992 : index
    %swap3A_559 = arith.constant 0 : index
    %swap3A_560 = vector.load %arg2[%swap3A_558, %swap3A_559] : memref<10112x128xf32, #tpu.memory_space<vmem>>, vector<128x128xf32>
    tpu.vector_store %arg2[%swap3A_558, %swap3A_559], %mul3A_557 {strides = array<i32>} : memref<10112x128xf32, #tpu.memory_space<vmem>>, vector<128x128xf32>,
    %broadcast_in_dim3A_561 = vector.shape_cast %slice3A_552 : vector<128x1xf32> to vector<128x1xf32>
    %broadcast_in_dim3A_562 = vector.broadcast %broadcast_in_dim3A_561 : vector<128x1xf32> to vector<128x16xf32>
    %swap3A_563 = arith.constant 4992 : index
    %swap3A_564 = arith.constant 0 : index
    %swap3A_565 = vector.load %arg3[%swap3A_563, %swap3A_564] : memref<10112x16xf32, #tpu.memory_space<vmem>>, vector<128x16xf32>
    tpu.vector_store %arg3[%swap3A_563, %swap3A_564], %broadcast_in_dim3A_562 {strides = array<i32>} : memref<10112x16xf32, #tpu.memory_space<vmem>>, vector<128x16xf32>,
    %slice3A_566 = vector.extract_strided_slice %dot_general3A_8 {offsets = [0, 40], sizes = [128, 1], strides = [1, 1]} : vector<128x128xf32> to vector<128x1xf32>
    %get3A_567 = arith.constant 5120 : index
    %get3A_568 = arith.constant 0 : index
    %get3A_569 = vector.load %arg0[%get3A_567, %get3A_568] : memref<10112x128xf32, #tpu.memory_space<vmem>>, vector<128x128xf32>
    %mul3A_570 = vector.broadcast %slice3A_566 : vector<128x1xf32> to vector<128x128xf32>
    %mul3A_571 = arith.mulf %get3A_569, %mul3A_570 : vector<128x128xf32>
    %swap3A_572 = arith.constant 5120 : index
    %swap3A_573 = arith.constant 0 : index
    %swap3A_574 = vector.load %arg2[%swap3A_572, %swap3A_573] : memref<10112x128xf32, #tpu.memory_space<vmem>>, vector<128x128xf32>
    tpu.vector_store %arg2[%swap3A_572, %swap3A_573], %mul3A_571 {strides = array<i32>} : memref<10112x128xf32, #tpu.memory_space<vmem>>, vector<128x128xf32>,
    %broadcast_in_dim3A_575 = vector.shape_cast %slice3A_566 : vector<128x1xf32> to vector<128x1xf32>
    %broadcast_in_dim3A_576 = vector.broadcast %broadcast_in_dim3A_575 : vector<128x1xf32> to vector<128x16xf32>
    %swap3A_577 = arith.constant 5120 : index
    %swap3A_578 = arith.constant 0 : index
    %swap3A_579 = vector.load %arg3[%swap3A_577, %swap3A_578] : memref<10112x16xf32, #tpu.memory_space<vmem>>, vector<128x16xf32>
    tpu.vector_store %arg3[%swap3A_577, %swap3A_578], %broadcast_in_dim3A_576 {strides = array<i32>} : memref<10112x16xf32, #tpu.memory_space<vmem>>, vector<128x16xf32>,
    %slice3A_580 = vector.extract_strided_slice %dot_general3A_8 {offsets = [0, 41], sizes = [128, 1], strides = [1, 1]} : vector<128x128xf32> to vector<128x1xf32>
    %get3A_581 = arith.constant 5248 : index
    %get3A_582 = arith.constant 0 : index
    %get3A_583 = vector.load %arg0[%get3A_581, %get3A_582] : memref<10112x128xf32, #tpu.memory_space<vmem>>, vector<128x128xf32>
    %mul3A_584 = vector.broadcast %slice3A_580 : vector<128x1xf32> to vector<128x128xf32>
    %mul3A_585 = arith.mulf %get3A_583, %mul3A_584 : vector<128x128xf32>
    %swap3A_586 = arith.constant 5248 : index
    %swap3A_587 = arith.constant 0 : index
    %swap3A_588 = vector.load %arg2[%swap3A_586, %swap3A_587] : memref<10112x128xf32, #tpu.memory_space<vmem>>, vector<128x128xf32>
    tpu.vector_store %arg2[%swap3A_586, %swap3A_587], %mul3A_585 {strides = array<i32>} : memref<10112x128xf32, #tpu.memory_space<vmem>>, vector<128x128xf32>,
    %broadcast_in_dim3A_589 = vector.shape_cast %slice3A_580 : vector<128x1xf32> to vector<128x1xf32>
    %broadcast_in_dim3A_590 = vector.broadcast %broadcast_in_dim3A_589 : vector<128x1xf32> to vector<128x16xf32>
    %swap3A_591 = arith.constant 5248 : index
    %swap3A_592 = arith.constant 0 : index
    %swap3A_593 = vector.load %arg3[%swap3A_591, %swap3A_592] : memref<10112x16xf32, #tpu.memory_space<vmem>>, vector<128x16xf32>
    tpu.vector_store %arg3[%swap3A_591, %swap3A_592], %broadcast_in_dim3A_590 {strides = array<i32>} : memref<10112x16xf32, #tpu.memory_space<vmem>>, vector<128x16xf32>,
    %slice3A_594 = vector.extract_strided_slice %dot_general3A_8 {offsets = [0, 42], sizes = [128, 1], strides = [1, 1]} : vector<128x128xf32> to vector<128x1xf32>
    %get3A_595 = arith.constant 5376 : index
    %get3A_596 = arith.constant 0 : index
    %get3A_597 = vector.load %arg0[%get3A_595, %get3A_596] : memref<10112x128xf32, #tpu.memory_space<vmem>>, vector<128x128xf32>
    %mul3A_598 = vector.broadcast %slice3A_594 : vector<128x1xf32> to vector<128x128xf32>
    %mul3A_599 = arith.mulf %get3A_597, %mul3A_598 : vector<128x128xf32>
    %swap3A_600 = arith.constant 5376 : index
    %swap3A_601 = arith.constant 0 : index
    %swap3A_602 = vector.load %arg2[%swap3A_600, %swap3A_601] : memref<10112x128xf32, #tpu.memory_space<vmem>>, vector<128x128xf32>
    tpu.vector_store %arg2[%swap3A_600, %swap3A_601], %mul3A_599 {strides = array<i32>} : memref<10112x128xf32, #tpu.memory_space<vmem>>, vector<128x128xf32>,
    %broadcast_in_dim3A_603 = vector.shape_cast %slice3A_594 : vector<128x1xf32> to vector<128x1xf32>
    %broadcast_in_dim3A_604 = vector.broadcast %broadcast_in_dim3A_603 : vector<128x1xf32> to vector<128x16xf32>
    %swap3A_605 = arith.constant 5376 : index
    %swap3A_606 = arith.constant 0 : index
    %swap3A_607 = vector.load %arg3[%swap3A_605, %swap3A_606] : memref<10112x16xf32, #tpu.memory_space<vmem>>, vector<128x16xf32>
    tpu.vector_store %arg3[%swap3A_605, %swap3A_606], %broadcast_in_dim3A_604 {strides = array<i32>} : memref<10112x16xf32, #tpu.memory_space<vmem>>, vector<128x16xf32>,
    %slice3A_608 = vector.extract_strided_slice %dot_general3A_8 {offsets = [0, 43], sizes = [128, 1], strides = [1, 1]} : vector<128x128xf32> to vector<128x1xf32>
    %get3A_609 = arith.constant 5504 : index
    %get3A_610 = arith.constant 0 : index
    %get3A_611 = vector.load %arg0[%get3A_609, %get3A_610] : memref<10112x128xf32, #tpu.memory_space<vmem>>, vector<128x128xf32>
    %mul3A_612 = vector.broadcast %slice3A_608 : vector<128x1xf32> to vector<128x128xf32>
    %mul3A_613 = arith.mulf %get3A_611, %mul3A_612 : vector<128x128xf32>
    %swap3A_614 = arith.constant 5504 : index
    %swap3A_615 = arith.constant 0 : index
    %swap3A_616 = vector.load %arg2[%swap3A_614, %swap3A_615] : memref<10112x128xf32, #tpu.memory_space<vmem>>, vector<128x128xf32>
    tpu.vector_store %arg2[%swap3A_614, %swap3A_615], %mul3A_613 {strides = array<i32>} : memref<10112x128xf32, #tpu.memory_space<vmem>>, vector<128x128xf32>,
    %broadcast_in_dim3A_617 = vector.shape_cast %slice3A_608 : vector<128x1xf32> to vector<128x1xf32>
    %broadcast_in_dim3A_618 = vector.broadcast %broadcast_in_dim3A_617 : vector<128x1xf32> to vector<128x16xf32>
    %swap3A_619 = arith.constant 5504 : index
    %swap3A_620 = arith.constant 0 : index
    %swap3A_621 = vector.load %arg3[%swap3A_619, %swap3A_620] : memref<10112x16xf32, #tpu.memory_space<vmem>>, vector<128x16xf32>
    tpu.vector_store %arg3[%swap3A_619, %swap3A_620], %broadcast_in_dim3A_618 {strides = array<i32>} : memref<10112x16xf32, #tpu.memory_space<vmem>>, vector<128x16xf32>,
    %slice3A_622 = vector.extract_strided_slice %dot_general3A_8 {offsets = [0, 44], sizes = [128, 1], strides = [1, 1]} : vector<128x128xf32> to vector<128x1xf32>
    %get3A_623 = arith.constant 5632 : index
    %get3A_624 = arith.constant 0 : index
    %get3A_625 = vector.load %arg0[%get3A_623, %get3A_624] : memref<10112x128xf32, #tpu.memory_space<vmem>>, vector<128x128xf32>
    %mul3A_626 = vector.broadcast %slice3A_622 : vector<128x1xf32> to vector<128x128xf32>
    %mul3A_627 = arith.mulf %get3A_625, %mul3A_626 : vector<128x128xf32>
    %swap3A_628 = arith.constant 5632 : index
    %swap3A_629 = arith.constant 0 : index
    %swap3A_630 = vector.load %arg2[%swap3A_628, %swap3A_629] : memref<10112x128xf32, #tpu.memory_space<vmem>>, vector<128x128xf32>
    tpu.vector_store %arg2[%swap3A_628, %swap3A_629], %mul3A_627 {strides = array<i32>} : memref<10112x128xf32, #tpu.memory_space<vmem>>, vector<128x128xf32>,
    %broadcast_in_dim3A_631 = vector.shape_cast %slice3A_622 : vector<128x1xf32> to vector<128x1xf32>
    %broadcast_in_dim3A_632 = vector.broadcast %broadcast_in_dim3A_631 : vector<128x1xf32> to vector<128x16xf32>
    %swap3A_633 = arith.constant 5632 : index
    %swap3A_634 = arith.constant 0 : index
    %swap3A_635 = vector.load %arg3[%swap3A_633, %swap3A_634] : memref<10112x16xf32, #tpu.memory_space<vmem>>, vector<128x16xf32>
    tpu.vector_store %arg3[%swap3A_633, %swap3A_634], %broadcast_in_dim3A_632 {strides = array<i32>} : memref<10112x16xf32, #tpu.memory_space<vmem>>, vector<128x16xf32>,
    %slice3A_636 = vector.extract_strided_slice %dot_general3A_8 {offsets = [0, 45], sizes = [128, 1], strides = [1, 1]} : vector<128x128xf32> to vector<128x1xf32>
    %get3A_637 = arith.constant 5760 : index
    %get3A_638 = arith.constant 0 : index
    %get3A_639 = vector.load %arg0[%get3A_637, %get3A_638] : memref<10112x128xf32, #tpu.memory_space<vmem>>, vector<128x128xf32>
    %mul3A_640 = vector.broadcast %slice3A_636 : vector<128x1xf32> to vector<128x128xf32>
    %mul3A_641 = arith.mulf %get3A_639, %mul3A_640 : vector<128x128xf32>
    %swap3A_642 = arith.constant 5760 : index
    %swap3A_643 = arith.constant 0 : index
    %swap3A_644 = vector.load %arg2[%swap3A_642, %swap3A_643] : memref<10112x128xf32, #tpu.memory_space<vmem>>, vector<128x128xf32>
    tpu.vector_store %arg2[%swap3A_642, %swap3A_643], %mul3A_641 {strides = array<i32>} : memref<10112x128xf32, #tpu.memory_space<vmem>>, vector<128x128xf32>,
    %broadcast_in_dim3A_645 = vector.shape_cast %slice3A_636 : vector<128x1xf32> to vector<128x1xf32>
    %broadcast_in_dim3A_646 = vector.broadcast %broadcast_in_dim3A_645 : vector<128x1xf32> to vector<128x16xf32>
    %swap3A_647 = arith.constant 5760 : index
    %swap3A_648 = arith.constant 0 : index
    %swap3A_649 = vector.load %arg3[%swap3A_647, %swap3A_648] : memref<10112x16xf32, #tpu.memory_space<vmem>>, vector<128x16xf32>
    tpu.vector_store %arg3[%swap3A_647, %swap3A_648], %broadcast_in_dim3A_646 {strides = array<i32>} : memref<10112x16xf32, #tpu.memory_space<vmem>>, vector<128x16xf32>,
    %slice3A_650 = vector.extract_strided_slice %dot_general3A_8 {offsets = [0, 46], sizes = [128, 1], strides = [1, 1]} : vector<128x128xf32> to vector<128x1xf32>
    %get3A_651 = arith.constant 5888 : index
    %get3A_652 = arith.constant 0 : index
    %get3A_653 = vector.load %arg0[%get3A_651, %get3A_652] : memref<10112x128xf32, #tpu.memory_space<vmem>>, vector<128x128xf32>
    %mul3A_654 = vector.broadcast %slice3A_650 : vector<128x1xf32> to vector<128x128xf32>
    %mul3A_655 = arith.mulf %get3A_653, %mul3A_654 : vector<128x128xf32>
    %swap3A_656 = arith.constant 5888 : index
    %swap3A_657 = arith.constant 0 : index
    %swap3A_658 = vector.load %arg2[%swap3A_656, %swap3A_657] : memref<10112x128xf32, #tpu.memory_space<vmem>>, vector<128x128xf32>
    tpu.vector_store %arg2[%swap3A_656, %swap3A_657], %mul3A_655 {strides = array<i32>} : memref<10112x128xf32, #tpu.memory_space<vmem>>, vector<128x128xf32>,
    %broadcast_in_dim3A_659 = vector.shape_cast %slice3A_650 : vector<128x1xf32> to vector<128x1xf32>
    %broadcast_in_dim3A_660 = vector.broadcast %broadcast_in_dim3A_659 : vector<128x1xf32> to vector<128x16xf32>
    %swap3A_661 = arith.constant 5888 : index
    %swap3A_662 = arith.constant 0 : index
    %swap3A_663 = vector.load %arg3[%swap3A_661, %swap3A_662] : memref<10112x16xf32, #tpu.memory_space<vmem>>, vector<128x16xf32>
    tpu.vector_store %arg3[%swap3A_661, %swap3A_662], %broadcast_in_dim3A_660 {strides = array<i32>} : memref<10112x16xf32, #tpu.memory_space<vmem>>, vector<128x16xf32>,
    %slice3A_664 = vector.extract_strided_slice %dot_general3A_8 {offsets = [0, 47], sizes = [128, 1], strides = [1, 1]} : vector<128x128xf32> to vector<128x1xf32>
    %get3A_665 = arith.constant 6016 : index
    %get3A_666 = arith.constant 0 : index
    %get3A_667 = vector.load %arg0[%get3A_665, %get3A_666] : memref<10112x128xf32, #tpu.memory_space<vmem>>, vector<128x128xf32>
    %mul3A_668 = vector.broadcast %slice3A_664 : vector<128x1xf32> to vector<128x128xf32>
    %mul3A_669 = arith.mulf %get3A_667, %mul3A_668 : vector<128x128xf32>
    %swap3A_670 = arith.constant 6016 : index
    %swap3A_671 = arith.constant 0 : index
    %swap3A_672 = vector.load %arg2[%swap3A_670, %swap3A_671] : memref<10112x128xf32, #tpu.memory_space<vmem>>, vector<128x128xf32>
    tpu.vector_store %arg2[%swap3A_670, %swap3A_671], %mul3A_669 {strides = array<i32>} : memref<10112x128xf32, #tpu.memory_space<vmem>>, vector<128x128xf32>,
    %broadcast_in_dim3A_673 = vector.shape_cast %slice3A_664 : vector<128x1xf32> to vector<128x1xf32>
    %broadcast_in_dim3A_674 = vector.broadcast %broadcast_in_dim3A_673 : vector<128x1xf32> to vector<128x16xf32>
    %swap3A_675 = arith.constant 6016 : index
    %swap3A_676 = arith.constant 0 : index
    %swap3A_677 = vector.load %arg3[%swap3A_675, %swap3A_676] : memref<10112x16xf32, #tpu.memory_space<vmem>>, vector<128x16xf32>
    tpu.vector_store %arg3[%swap3A_675, %swap3A_676], %broadcast_in_dim3A_674 {strides = array<i32>} : memref<10112x16xf32, #tpu.memory_space<vmem>>, vector<128x16xf32>,
    %slice3A_678 = vector.extract_strided_slice %dot_general3A_8 {offsets = [0, 48], sizes = [128, 1], strides = [1, 1]} : vector<128x128xf32> to vector<128x1xf32>
    %get3A_679 = arith.constant 6144 : index
    %get3A_680 = arith.constant 0 : index
    %get3A_681 = vector.load %arg0[%get3A_679, %get3A_680] : memref<10112x128xf32, #tpu.memory_space<vmem>>, vector<128x128xf32>
    %mul3A_682 = vector.broadcast %slice3A_678 : vector<128x1xf32> to vector<128x128xf32>
    %mul3A_683 = arith.mulf %get3A_681, %mul3A_682 : vector<128x128xf32>
    %swap3A_684 = arith.constant 6144 : index
    %swap3A_685 = arith.constant 0 : index
    %swap3A_686 = vector.load %arg2[%swap3A_684, %swap3A_685] : memref<10112x128xf32, #tpu.memory_space<vmem>>, vector<128x128xf32>
    tpu.vector_store %arg2[%swap3A_684, %swap3A_685], %mul3A_683 {strides = array<i32>} : memref<10112x128xf32, #tpu.memory_space<vmem>>, vector<128x128xf32>,
    %broadcast_in_dim3A_687 = vector.shape_cast %slice3A_678 : vector<128x1xf32> to vector<128x1xf32>
    %broadcast_in_dim3A_688 = vector.broadcast %broadcast_in_dim3A_687 : vector<128x1xf32> to vector<128x16xf32>
    %swap3A_689 = arith.constant 6144 : index
    %swap3A_690 = arith.constant 0 : index
    %swap3A_691 = vector.load %arg3[%swap3A_689, %swap3A_690] : memref<10112x16xf32, #tpu.memory_space<vmem>>, vector<128x16xf32>
    tpu.vector_store %arg3[%swap3A_689, %swap3A_690], %broadcast_in_dim3A_688 {strides = array<i32>} : memref<10112x16xf32, #tpu.memory_space<vmem>>, vector<128x16xf32>,
    %slice3A_692 = vector.extract_strided_slice %dot_general3A_8 {offsets = [0, 49], sizes = [128, 1], strides = [1, 1]} : vector<128x128xf32> to vector<128x1xf32>
    %get3A_693 = arith.constant 6272 : index
    %get3A_694 = arith.constant 0 : index
    %get3A_695 = vector.load %arg0[%get3A_693, %get3A_694] : memref<10112x128xf32, #tpu.memory_space<vmem>>, vector<128x128xf32>
    %mul3A_696 = vector.broadcast %slice3A_692 : vector<128x1xf32> to vector<128x128xf32>
    %mul3A_697 = arith.mulf %get3A_695, %mul3A_696 : vector<128x128xf32>
    %swap3A_698 = arith.constant 6272 : index
    %swap3A_699 = arith.constant 0 : index
    %swap3A_700 = vector.load %arg2[%swap3A_698, %swap3A_699] : memref<10112x128xf32, #tpu.memory_space<vmem>>, vector<128x128xf32>
    tpu.vector_store %arg2[%swap3A_698, %swap3A_699], %mul3A_697 {strides = array<i32>} : memref<10112x128xf32, #tpu.memory_space<vmem>>, vector<128x128xf32>,
    %broadcast_in_dim3A_701 = vector.shape_cast %slice3A_692 : vector<128x1xf32> to vector<128x1xf32>
    %broadcast_in_dim3A_702 = vector.broadcast %broadcast_in_dim3A_701 : vector<128x1xf32> to vector<128x16xf32>
    %swap3A_703 = arith.constant 6272 : index
    %swap3A_704 = arith.constant 0 : index
    %swap3A_705 = vector.load %arg3[%swap3A_703, %swap3A_704] : memref<10112x16xf32, #tpu.memory_space<vmem>>, vector<128x16xf32>
    tpu.vector_store %arg3[%swap3A_703, %swap3A_704], %broadcast_in_dim3A_702 {strides = array<i32>} : memref<10112x16xf32, #tpu.memory_space<vmem>>, vector<128x16xf32>,
    %slice3A_706 = vector.extract_strided_slice %dot_general3A_8 {offsets = [0, 50], sizes = [128, 1], strides = [1, 1]} : vector<128x128xf32> to vector<128x1xf32>
    %get3A_707 = arith.constant 6400 : index
    %get3A_708 = arith.constant 0 : index
    %get3A_709 = vector.load %arg0[%get3A_707, %get3A_708] : memref<10112x128xf32, #tpu.memory_space<vmem>>, vector<128x128xf32>
    %mul3A_710 = vector.broadcast %slice3A_706 : vector<128x1xf32> to vector<128x128xf32>
    %mul3A_711 = arith.mulf %get3A_709, %mul3A_710 : vector<128x128xf32>
    %swap3A_712 = arith.constant 6400 : index
    %swap3A_713 = arith.constant 0 : index
    %swap3A_714 = vector.load %arg2[%swap3A_712, %swap3A_713] : memref<10112x128xf32, #tpu.memory_space<vmem>>, vector<128x128xf32>
    tpu.vector_store %arg2[%swap3A_712, %swap3A_713], %mul3A_711 {strides = array<i32>} : memref<10112x128xf32, #tpu.memory_space<vmem>>, vector<128x128xf32>,
    %broadcast_in_dim3A_715 = vector.shape_cast %slice3A_706 : vector<128x1xf32> to vector<128x1xf32>
    %broadcast_in_dim3A_716 = vector.broadcast %broadcast_in_dim3A_715 : vector<128x1xf32> to vector<128x16xf32>
    %swap3A_717 = arith.constant 6400 : index
    %swap3A_718 = arith.constant 0 : index
    %swap3A_719 = vector.load %arg3[%swap3A_717, %swap3A_718] : memref<10112x16xf32, #tpu.memory_space<vmem>>, vector<128x16xf32>
    tpu.vector_store %arg3[%swap3A_717, %swap3A_718], %broadcast_in_dim3A_716 {strides = array<i32>} : memref<10112x16xf32, #tpu.memory_space<vmem>>, vector<128x16xf32>,
    %slice3A_720 = vector.extract_strided_slice %dot_general3A_8 {offsets = [0, 51], sizes = [128, 1], strides = [1, 1]} : vector<128x128xf32> to vector<128x1xf32>
    %get3A_721 = arith.constant 6528 : index
    %get3A_722 = arith.constant 0 : index
    %get3A_723 = vector.load %arg0[%get3A_721, %get3A_722] : memref<10112x128xf32, #tpu.memory_space<vmem>>, vector<128x128xf32>
    %mul3A_724 = vector.broadcast %slice3A_720 : vector<128x1xf32> to vector<128x128xf32>
    %mul3A_725 = arith.mulf %get3A_723, %mul3A_724 : vector<128x128xf32>
    %swap3A_726 = arith.constant 6528 : index
    %swap3A_727 = arith.constant 0 : index
    %swap3A_728 = vector.load %arg2[%swap3A_726, %swap3A_727] : memref<10112x128xf32, #tpu.memory_space<vmem>>, vector<128x128xf32>
    tpu.vector_store %arg2[%swap3A_726, %swap3A_727], %mul3A_725 {strides = array<i32>} : memref<10112x128xf32, #tpu.memory_space<vmem>>, vector<128x128xf32>,
    %broadcast_in_dim3A_729 = vector.shape_cast %slice3A_720 : vector<128x1xf32> to vector<128x1xf32>
    %broadcast_in_dim3A_730 = vector.broadcast %broadcast_in_dim3A_729 : vector<128x1xf32> to vector<128x16xf32>
    %swap3A_731 = arith.constant 6528 : index
    %swap3A_732 = arith.constant 0 : index
    %swap3A_733 = vector.load %arg3[%swap3A_731, %swap3A_732] : memref<10112x16xf32, #tpu.memory_space<vmem>>, vector<128x16xf32>
    tpu.vector_store %arg3[%swap3A_731, %swap3A_732], %broadcast_in_dim3A_730 {strides = array<i32>} : memref<10112x16xf32, #tpu.memory_space<vmem>>, vector<128x16xf32>,
    %slice3A_734 = vector.extract_strided_slice %dot_general3A_8 {offsets = [0, 52], sizes = [128, 1], strides = [1, 1]} : vector<128x128xf32> to vector<128x1xf32>
    %get3A_735 = arith.constant 6656 : index
    %get3A_736 = arith.constant 0 : index
    %get3A_737 = vector.load %arg0[%get3A_735, %get3A_736] : memref<10112x128xf32, #tpu.memory_space<vmem>>, vector<128x128xf32>
    %mul3A_738 = vector.broadcast %slice3A_734 : vector<128x1xf32> to vector<128x128xf32>
    %mul3A_739 = arith.mulf %get3A_737, %mul3A_738 : vector<128x128xf32>
    %swap3A_740 = arith.constant 6656 : index
    %swap3A_741 = arith.constant 0 : index
    %swap3A_742 = vector.load %arg2[%swap3A_740, %swap3A_741] : memref<10112x128xf32, #tpu.memory_space<vmem>>, vector<128x128xf32>
    tpu.vector_store %arg2[%swap3A_740, %swap3A_741], %mul3A_739 {strides = array<i32>} : memref<10112x128xf32, #tpu.memory_space<vmem>>, vector<128x128xf32>,
    %broadcast_in_dim3A_743 = vector.shape_cast %slice3A_734 : vector<128x1xf32> to vector<128x1xf32>
    %broadcast_in_dim3A_744 = vector.broadcast %broadcast_in_dim3A_743 : vector<128x1xf32> to vector<128x16xf32>
    %swap3A_745 = arith.constant 6656 : index
    %swap3A_746 = arith.constant 0 : index
    %swap3A_747 = vector.load %arg3[%swap3A_745, %swap3A_746] : memref<10112x16xf32, #tpu.memory_space<vmem>>, vector<128x16xf32>
    tpu.vector_store %arg3[%swap3A_745, %swap3A_746], %broadcast_in_dim3A_744 {strides = array<i32>} : memref<10112x16xf32, #tpu.memory_space<vmem>>, vector<128x16xf32>,
    %slice3A_748 = vector.extract_strided_slice %dot_general3A_8 {offsets = [0, 53], sizes = [128, 1], strides = [1, 1]} : vector<128x128xf32> to vector<128x1xf32>
    %get3A_749 = arith.constant 6784 : index
    %get3A_750 = arith.constant 0 : index
    %get3A_751 = vector.load %arg0[%get3A_749, %get3A_750] : memref<10112x128xf32, #tpu.memory_space<vmem>>, vector<128x128xf32>
    %mul3A_752 = vector.broadcast %slice3A_748 : vector<128x1xf32> to vector<128x128xf32>
    %mul3A_753 = arith.mulf %get3A_751, %mul3A_752 : vector<128x128xf32>
    %swap3A_754 = arith.constant 6784 : index
    %swap3A_755 = arith.constant 0 : index
    %swap3A_756 = vector.load %arg2[%swap3A_754, %swap3A_755] : memref<10112x128xf32, #tpu.memory_space<vmem>>, vector<128x128xf32>
    tpu.vector_store %arg2[%swap3A_754, %swap3A_755], %mul3A_753 {strides = array<i32>} : memref<10112x128xf32, #tpu.memory_space<vmem>>, vector<128x128xf32>,
    %broadcast_in_dim3A_757 = vector.shape_cast %slice3A_748 : vector<128x1xf32> to vector<128x1xf32>
    %broadcast_in_dim3A_758 = vector.broadcast %broadcast_in_dim3A_757 : vector<128x1xf32> to vector<128x16xf32>
    %swap3A_759 = arith.constant 6784 : index
    %swap3A_760 = arith.constant 0 : index
    %swap3A_761 = vector.load %arg3[%swap3A_759, %swap3A_760] : memref<10112x16xf32, #tpu.memory_space<vmem>>, vector<128x16xf32>
    tpu.vector_store %arg3[%swap3A_759, %swap3A_760], %broadcast_in_dim3A_758 {strides = array<i32>} : memref<10112x16xf32, #tpu.memory_space<vmem>>, vector<128x16xf32>,
    %slice3A_762 = vector.extract_strided_slice %dot_general3A_8 {offsets = [0, 54], sizes = [128, 1], strides = [1, 1]} : vector<128x128xf32> to vector<128x1xf32>
    %get3A_763 = arith.constant 6912 : index
    %get3A_764 = arith.constant 0 : index
    %get3A_765 = vector.load %arg0[%get3A_763, %get3A_764] : memref<10112x128xf32, #tpu.memory_space<vmem>>, vector<128x128xf32>
    %mul3A_766 = vector.broadcast %slice3A_762 : vector<128x1xf32> to vector<128x128xf32>
    %mul3A_767 = arith.mulf %get3A_765, %mul3A_766 : vector<128x128xf32>
    %swap3A_768 = arith.constant 6912 : index
    %swap3A_769 = arith.constant 0 : index
    %swap3A_770 = vector.load %arg2[%swap3A_768, %swap3A_769] : memref<10112x128xf32, #tpu.memory_space<vmem>>, vector<128x128xf32>
    tpu.vector_store %arg2[%swap3A_768, %swap3A_769], %mul3A_767 {strides = array<i32>} : memref<10112x128xf32, #tpu.memory_space<vmem>>, vector<128x128xf32>,
    %broadcast_in_dim3A_771 = vector.shape_cast %slice3A_762 : vector<128x1xf32> to vector<128x1xf32>
    %broadcast_in_dim3A_772 = vector.broadcast %broadcast_in_dim3A_771 : vector<128x1xf32> to vector<128x16xf32>
    %swap3A_773 = arith.constant 6912 : index
    %swap3A_774 = arith.constant 0 : index
    %swap3A_775 = vector.load %arg3[%swap3A_773, %swap3A_774] : memref<10112x16xf32, #tpu.memory_space<vmem>>, vector<128x16xf32>
    tpu.vector_store %arg3[%swap3A_773, %swap3A_774], %broadcast_in_dim3A_772 {strides = array<i32>} : memref<10112x16xf32, #tpu.memory_space<vmem>>, vector<128x16xf32>,
    %slice3A_776 = vector.extract_strided_slice %dot_general3A_8 {offsets = [0, 55], sizes = [128, 1], strides = [1, 1]} : vector<128x128xf32> to vector<128x1xf32>
    %get3A_777 = arith.constant 7040 : index
    %get3A_778 = arith.constant 0 : index
    %get3A_779 = vector.load %arg0[%get3A_777, %get3A_778] : memref<10112x128xf32, #tpu.memory_space<vmem>>, vector<128x128xf32>
    %mul3A_780 = vector.broadcast %slice3A_776 : vector<128x1xf32> to vector<128x128xf32>
    %mul3A_781 = arith.mulf %get3A_779, %mul3A_780 : vector<128x128xf32>
    %swap3A_782 = arith.constant 7040 : index
    %swap3A_783 = arith.constant 0 : index
    %swap3A_784 = vector.load %arg2[%swap3A_782, %swap3A_783] : memref<10112x128xf32, #tpu.memory_space<vmem>>, vector<128x128xf32>
    tpu.vector_store %arg2[%swap3A_782, %swap3A_783], %mul3A_781 {strides = array<i32>} : memref<10112x128xf32, #tpu.memory_space<vmem>>, vector<128x128xf32>,
    %broadcast_in_dim3A_785 = vector.shape_cast %slice3A_776 : vector<128x1xf32> to vector<128x1xf32>
    %broadcast_in_dim3A_786 = vector.broadcast %broadcast_in_dim3A_785 : vector<128x1xf32> to vector<128x16xf32>
    %swap3A_787 = arith.constant 7040 : index
    %swap3A_788 = arith.constant 0 : index
    %swap3A_789 = vector.load %arg3[%swap3A_787, %swap3A_788] : memref<10112x16xf32, #tpu.memory_space<vmem>>, vector<128x16xf32>
    tpu.vector_store %arg3[%swap3A_787, %swap3A_788], %broadcast_in_dim3A_786 {strides = array<i32>} : memref<10112x16xf32, #tpu.memory_space<vmem>>, vector<128x16xf32>,
    %slice3A_790 = vector.extract_strided_slice %dot_general3A_8 {offsets = [0, 56], sizes = [128, 1], strides = [1, 1]} : vector<128x128xf32> to vector<128x1xf32>
    %get3A_791 = arith.constant 7168 : index
    %get3A_792 = arith.constant 0 : index
    %get3A_793 = vector.load %arg0[%get3A_791, %get3A_792] : memref<10112x128xf32, #tpu.memory_space<vmem>>, vector<128x128xf32>
    %mul3A_794 = vector.broadcast %slice3A_790 : vector<128x1xf32> to vector<128x128xf32>
    %mul3A_795 = arith.mulf %get3A_793, %mul3A_794 : vector<128x128xf32>
    %swap3A_796 = arith.constant 7168 : index
    %swap3A_797 = arith.constant 0 : index
    %swap3A_798 = vector.load %arg2[%swap3A_796, %swap3A_797] : memref<10112x128xf32, #tpu.memory_space<vmem>>, vector<128x128xf32>
    tpu.vector_store %arg2[%swap3A_796, %swap3A_797], %mul3A_795 {strides = array<i32>} : memref<10112x128xf32, #tpu.memory_space<vmem>>, vector<128x128xf32>,
    %broadcast_in_dim3A_799 = vector.shape_cast %slice3A_790 : vector<128x1xf32> to vector<128x1xf32>
    %broadcast_in_dim3A_800 = vector.broadcast %broadcast_in_dim3A_799 : vector<128x1xf32> to vector<128x16xf32>
    %swap3A_801 = arith.constant 7168 : index
    %swap3A_802 = arith.constant 0 : index
    %swap3A_803 = vector.load %arg3[%swap3A_801, %swap3A_802] : memref<10112x16xf32, #tpu.memory_space<vmem>>, vector<128x16xf32>
    tpu.vector_store %arg3[%swap3A_801, %swap3A_802], %broadcast_in_dim3A_800 {strides = array<i32>} : memref<10112x16xf32, #tpu.memory_space<vmem>>, vector<128x16xf32>,
    %slice3A_804 = vector.extract_strided_slice %dot_general3A_8 {offsets = [0, 57], sizes = [128, 1], strides = [1, 1]} : vector<128x128xf32> to vector<128x1xf32>
    %get3A_805 = arith.constant 7296 : index
    %get3A_806 = arith.constant 0 : index
    %get3A_807 = vector.load %arg0[%get3A_805, %get3A_806] : memref<10112x128xf32, #tpu.memory_space<vmem>>, vector<128x128xf32>
    %mul3A_808 = vector.broadcast %slice3A_804 : vector<128x1xf32> to vector<128x128xf32>
    %mul3A_809 = arith.mulf %get3A_807, %mul3A_808 : vector<128x128xf32>
    %swap3A_810 = arith.constant 7296 : index
    %swap3A_811 = arith.constant 0 : index
    %swap3A_812 = vector.load %arg2[%swap3A_810, %swap3A_811] : memref<10112x128xf32, #tpu.memory_space<vmem>>, vector<128x128xf32>
    tpu.vector_store %arg2[%swap3A_810, %swap3A_811], %mul3A_809 {strides = array<i32>} : memref<10112x128xf32, #tpu.memory_space<vmem>>, vector<128x128xf32>,
    %broadcast_in_dim3A_813 = vector.shape_cast %slice3A_804 : vector<128x1xf32> to vector<128x1xf32>
    %broadcast_in_dim3A_814 = vector.broadcast %broadcast_in_dim3A_813 : vector<128x1xf32> to vector<128x16xf32>
    %swap3A_815 = arith.constant 7296 : index
    %swap3A_816 = arith.constant 0 : index
    %swap3A_817 = vector.load %arg3[%swap3A_815, %swap3A_816] : memref<10112x16xf32, #tpu.memory_space<vmem>>, vector<128x16xf32>
    tpu.vector_store %arg3[%swap3A_815, %swap3A_816], %broadcast_in_dim3A_814 {strides = array<i32>} : memref<10112x16xf32, #tpu.memory_space<vmem>>, vector<128x16xf32>,
    %slice3A_818 = vector.extract_strided_slice %dot_general3A_8 {offsets = [0, 58], sizes = [128, 1], strides = [1, 1]} : vector<128x128xf32> to vector<128x1xf32>
    %get3A_819 = arith.constant 7424 : index
    %get3A_820 = arith.constant 0 : index
    %get3A_821 = vector.load %arg0[%get3A_819, %get3A_820] : memref<10112x128xf32, #tpu.memory_space<vmem>>, vector<128x128xf32>
    %mul3A_822 = vector.broadcast %slice3A_818 : vector<128x1xf32> to vector<128x128xf32>
    %mul3A_823 = arith.mulf %get3A_821, %mul3A_822 : vector<128x128xf32>
    %swap3A_824 = arith.constant 7424 : index
    %swap3A_825 = arith.constant 0 : index
    %swap3A_826 = vector.load %arg2[%swap3A_824, %swap3A_825] : memref<10112x128xf32, #tpu.memory_space<vmem>>, vector<128x128xf32>
    tpu.vector_store %arg2[%swap3A_824, %swap3A_825], %mul3A_823 {strides = array<i32>} : memref<10112x128xf32, #tpu.memory_space<vmem>>, vector<128x128xf32>,
    %broadcast_in_dim3A_827 = vector.shape_cast %slice3A_818 : vector<128x1xf32> to vector<128x1xf32>
    %broadcast_in_dim3A_828 = vector.broadcast %broadcast_in_dim3A_827 : vector<128x1xf32> to vector<128x16xf32>
    %swap3A_829 = arith.constant 7424 : index
    %swap3A_830 = arith.constant 0 : index
    %swap3A_831 = vector.load %arg3[%swap3A_829, %swap3A_830] : memref<10112x16xf32, #tpu.memory_space<vmem>>, vector<128x16xf32>
    tpu.vector_store %arg3[%swap3A_829, %swap3A_830], %broadcast_in_dim3A_828 {strides = array<i32>} : memref<10112x16xf32, #tpu.memory_space<vmem>>, vector<128x16xf32>,
    %slice3A_832 = vector.extract_strided_slice %dot_general3A_8 {offsets = [0, 59], sizes = [128, 1], strides = [1, 1]} : vector<128x128xf32> to vector<128x1xf32>
    %get3A_833 = arith.constant 7552 : index
    %get3A_834 = arith.constant 0 : index
    %get3A_835 = vector.load %arg0[%get3A_833, %get3A_834] : memref<10112x128xf32, #tpu.memory_space<vmem>>, vector<128x128xf32>
    %mul3A_836 = vector.broadcast %slice3A_832 : vector<128x1xf32> to vector<128x128xf32>
    %mul3A_837 = arith.mulf %get3A_835, %mul3A_836 : vector<128x128xf32>
    %swap3A_838 = arith.constant 7552 : index
    %swap3A_839 = arith.constant 0 : index
    %swap3A_840 = vector.load %arg2[%swap3A_838, %swap3A_839] : memref<10112x128xf32, #tpu.memory_space<vmem>>, vector<128x128xf32>
    tpu.vector_store %arg2[%swap3A_838, %swap3A_839], %mul3A_837 {strides = array<i32>} : memref<10112x128xf32, #tpu.memory_space<vmem>>, vector<128x128xf32>,
    %broadcast_in_dim3A_841 = vector.shape_cast %slice3A_832 : vector<128x1xf32> to vector<128x1xf32>
    %broadcast_in_dim3A_842 = vector.broadcast %broadcast_in_dim3A_841 : vector<128x1xf32> to vector<128x16xf32>
    %swap3A_843 = arith.constant 7552 : index
    %swap3A_844 = arith.constant 0 : index
    %swap3A_845 = vector.load %arg3[%swap3A_843, %swap3A_844] : memref<10112x16xf32, #tpu.memory_space<vmem>>, vector<128x16xf32>
    tpu.vector_store %arg3[%swap3A_843, %swap3A_844], %broadcast_in_dim3A_842 {strides = array<i32>} : memref<10112x16xf32, #tpu.memory_space<vmem>>, vector<128x16xf32>,
    %slice3A_846 = vector.extract_strided_slice %dot_general3A_8 {offsets = [0, 60], sizes = [128, 1], strides = [1, 1]} : vector<128x128xf32> to vector<128x1xf32>
    %get3A_847 = arith.constant 7680 : index
    %get3A_848 = arith.constant 0 : index
    %get3A_849 = vector.load %arg0[%get3A_847, %get3A_848] : memref<10112x128xf32, #tpu.memory_space<vmem>>, vector<128x128xf32>
    %mul3A_850 = vector.broadcast %slice3A_846 : vector<128x1xf32> to vector<128x128xf32>
    %mul3A_851 = arith.mulf %get3A_849, %mul3A_850 : vector<128x128xf32>
    %swap3A_852 = arith.constant 7680 : index
    %swap3A_853 = arith.constant 0 : index
    %swap3A_854 = vector.load %arg2[%swap3A_852, %swap3A_853] : memref<10112x128xf32, #tpu.memory_space<vmem>>, vector<128x128xf32>
    tpu.vector_store %arg2[%swap3A_852, %swap3A_853], %mul3A_851 {strides = array<i32>} : memref<10112x128xf32, #tpu.memory_space<vmem>>, vector<128x128xf32>,
    %broadcast_in_dim3A_855 = vector.shape_cast %slice3A_846 : vector<128x1xf32> to vector<128x1xf32>
    %broadcast_in_dim3A_856 = vector.broadcast %broadcast_in_dim3A_855 : vector<128x1xf32> to vector<128x16xf32>
    %swap3A_857 = arith.constant 7680 : index
    %swap3A_858 = arith.constant 0 : index
    %swap3A_859 = vector.load %arg3[%swap3A_857, %swap3A_858] : memref<10112x16xf32, #tpu.memory_space<vmem>>, vector<128x16xf32>
    tpu.vector_store %arg3[%swap3A_857, %swap3A_858], %broadcast_in_dim3A_856 {strides = array<i32>} : memref<10112x16xf32, #tpu.memory_space<vmem>>, vector<128x16xf32>,
    %slice3A_860 = vector.extract_strided_slice %dot_general3A_8 {offsets = [0, 61], sizes = [128, 1], strides = [1, 1]} : vector<128x128xf32> to vector<128x1xf32>
    %get3A_861 = arith.constant 7808 : index
    %get3A_862 = arith.constant 0 : index
    %get3A_863 = vector.load %arg0[%get3A_861, %get3A_862] : memref<10112x128xf32, #tpu.memory_space<vmem>>, vector<128x128xf32>
    %mul3A_864 = vector.broadcast %slice3A_860 : vector<128x1xf32> to vector<128x128xf32>
    %mul3A_865 = arith.mulf %get3A_863, %mul3A_864 : vector<128x128xf32>
    %swap3A_866 = arith.constant 7808 : index
    %swap3A_867 = arith.constant 0 : index
    %swap3A_868 = vector.load %arg2[%swap3A_866, %swap3A_867] : memref<10112x128xf32, #tpu.memory_space<vmem>>, vector<128x128xf32>
    tpu.vector_store %arg2[%swap3A_866, %swap3A_867], %mul3A_865 {strides = array<i32>} : memref<10112x128xf32, #tpu.memory_space<vmem>>, vector<128x128xf32>,
    %broadcast_in_dim3A_869 = vector.shape_cast %slice3A_860 : vector<128x1xf32> to vector<128x1xf32>
    %broadcast_in_dim3A_870 = vector.broadcast %broadcast_in_dim3A_869 : vector<128x1xf32> to vector<128x16xf32>
    %swap3A_871 = arith.constant 7808 : index
    %swap3A_872 = arith.constant 0 : index
    %swap3A_873 = vector.load %arg3[%swap3A_871, %swap3A_872] : memref<10112x16xf32, #tpu.memory_space<vmem>>, vector<128x16xf32>
    tpu.vector_store %arg3[%swap3A_871, %swap3A_872], %broadcast_in_dim3A_870 {strides = array<i32>} : memref<10112x16xf32, #tpu.memory_space<vmem>>, vector<128x16xf32>,
    %slice3A_874 = vector.extract_strided_slice %dot_general3A_8 {offsets = [0, 62], sizes = [128, 1], strides = [1, 1]} : vector<128x128xf32> to vector<128x1xf32>
    %get3A_875 = arith.constant 7936 : index
    %get3A_876 = arith.constant 0 : index
    %get3A_877 = vector.load %arg0[%get3A_875, %get3A_876] : memref<10112x128xf32, #tpu.memory_space<vmem>>, vector<128x128xf32>
    %mul3A_878 = vector.broadcast %slice3A_874 : vector<128x1xf32> to vector<128x128xf32>
    %mul3A_879 = arith.mulf %get3A_877, %mul3A_878 : vector<128x128xf32>
    %swap3A_880 = arith.constant 7936 : index
    %swap3A_881 = arith.constant 0 : index
    %swap3A_882 = vector.load %arg2[%swap3A_880, %swap3A_881] : memref<10112x128xf32, #tpu.memory_space<vmem>>, vector<128x128xf32>
    tpu.vector_store %arg2[%swap3A_880, %swap3A_881], %mul3A_879 {strides = array<i32>} : memref<10112x128xf32, #tpu.memory_space<vmem>>, vector<128x128xf32>,
    %broadcast_in_dim3A_883 = vector.shape_cast %slice3A_874 : vector<128x1xf32> to vector<128x1xf32>
    %broadcast_in_dim3A_884 = vector.broadcast %broadcast_in_dim3A_883 : vector<128x1xf32> to vector<128x16xf32>
    %swap3A_885 = arith.constant 7936 : index
    %swap3A_886 = arith.constant 0 : index
    %swap3A_887 = vector.load %arg3[%swap3A_885, %swap3A_886] : memref<10112x16xf32, #tpu.memory_space<vmem>>, vector<128x16xf32>
    tpu.vector_store %arg3[%swap3A_885, %swap3A_886], %broadcast_in_dim3A_884 {strides = array<i32>} : memref<10112x16xf32, #tpu.memory_space<vmem>>, vector<128x16xf32>,
    %slice3A_888 = vector.extract_strided_slice %dot_general3A_8 {offsets = [0, 63], sizes = [128, 1], strides = [1, 1]} : vector<128x128xf32> to vector<128x1xf32>
    %get3A_889 = arith.constant 8064 : index
    %get3A_890 = arith.constant 0 : index
    %get3A_891 = vector.load %arg0[%get3A_889, %get3A_890] : memref<10112x128xf32, #tpu.memory_space<vmem>>, vector<128x128xf32>
    %mul3A_892 = vector.broadcast %slice3A_888 : vector<128x1xf32> to vector<128x128xf32>
    %mul3A_893 = arith.mulf %get3A_891, %mul3A_892 : vector<128x128xf32>
    %swap3A_894 = arith.constant 8064 : index
    %swap3A_895 = arith.constant 0 : index
    %swap3A_896 = vector.load %arg2[%swap3A_894, %swap3A_895] : memref<10112x128xf32, #tpu.memory_space<vmem>>, vector<128x128xf32>
    tpu.vector_store %arg2[%swap3A_894, %swap3A_895], %mul3A_893 {strides = array<i32>} : memref<10112x128xf32, #tpu.memory_space<vmem>>, vector<128x128xf32>,
    %broadcast_in_dim3A_897 = vector.shape_cast %slice3A_888 : vector<128x1xf32> to vector<128x1xf32>
    %broadcast_in_dim3A_898 = vector.broadcast %broadcast_in_dim3A_897 : vector<128x1xf32> to vector<128x16xf32>
    %swap3A_899 = arith.constant 8064 : index
    %swap3A_900 = arith.constant 0 : index
    %swap3A_901 = vector.load %arg3[%swap3A_899, %swap3A_900] : memref<10112x16xf32, #tpu.memory_space<vmem>>, vector<128x16xf32>
    tpu.vector_store %arg3[%swap3A_899, %swap3A_900], %broadcast_in_dim3A_898 {strides = array<i32>} : memref<10112x16xf32, #tpu.memory_space<vmem>>, vector<128x16xf32>,
    %slice3A_902 = vector.extract_strided_slice %dot_general3A_8 {offsets = [0, 64], sizes = [128, 1], strides = [1, 1]} : vector<128x128xf32> to vector<128x1xf32>
    %get3A_903 = arith.constant 8192 : index
    %get3A_904 = arith.constant 0 : index
    %get3A_905 = vector.load %arg0[%get3A_903, %get3A_904] : memref<10112x128xf32, #tpu.memory_space<vmem>>, vector<128x128xf32>
    %mul3A_906 = vector.broadcast %slice3A_902 : vector<128x1xf32> to vector<128x128xf32>
    %mul3A_907 = arith.mulf %get3A_905, %mul3A_906 : vector<128x128xf32>
    %swap3A_908 = arith.constant 8192 : index
    %swap3A_909 = arith.constant 0 : index
    %swap3A_910 = vector.load %arg2[%swap3A_908, %swap3A_909] : memref<10112x128xf32, #tpu.memory_space<vmem>>, vector<128x128xf32>
    tpu.vector_store %arg2[%swap3A_908, %swap3A_909], %mul3A_907 {strides = array<i32>} : memref<10112x128xf32, #tpu.memory_space<vmem>>, vector<128x128xf32>,
    %broadcast_in_dim3A_911 = vector.shape_cast %slice3A_902 : vector<128x1xf32> to vector<128x1xf32>
    %broadcast_in_dim3A_912 = vector.broadcast %broadcast_in_dim3A_911 : vector<128x1xf32> to vector<128x16xf32>
    %swap3A_913 = arith.constant 8192 : index
    %swap3A_914 = arith.constant 0 : index
    %swap3A_915 = vector.load %arg3[%swap3A_913, %swap3A_914] : memref<10112x16xf32, #tpu.memory_space<vmem>>, vector<128x16xf32>
    tpu.vector_store %arg3[%swap3A_913, %swap3A_914], %broadcast_in_dim3A_912 {strides = array<i32>} : memref<10112x16xf32, #tpu.memory_space<vmem>>, vector<128x16xf32>,
    %slice3A_916 = vector.extract_strided_slice %dot_general3A_8 {offsets = [0, 65], sizes = [128, 1], strides = [1, 1]} : vector<128x128xf32> to vector<128x1xf32>
    %get3A_917 = arith.constant 8320 : index
    %get3A_918 = arith.constant 0 : index
    %get3A_919 = vector.load %arg0[%get3A_917, %get3A_918] : memref<10112x128xf32, #tpu.memory_space<vmem>>, vector<128x128xf32>
    %mul3A_920 = vector.broadcast %slice3A_916 : vector<128x1xf32> to vector<128x128xf32>
    %mul3A_921 = arith.mulf %get3A_919, %mul3A_920 : vector<128x128xf32>
    %swap3A_922 = arith.constant 8320 : index
    %swap3A_923 = arith.constant 0 : index
    %swap3A_924 = vector.load %arg2[%swap3A_922, %swap3A_923] : memref<10112x128xf32, #tpu.memory_space<vmem>>, vector<128x128xf32>
    tpu.vector_store %arg2[%swap3A_922, %swap3A_923], %mul3A_921 {strides = array<i32>} : memref<10112x128xf32, #tpu.memory_space<vmem>>, vector<128x128xf32>,
    %broadcast_in_dim3A_925 = vector.shape_cast %slice3A_916 : vector<128x1xf32> to vector<128x1xf32>
    %broadcast_in_dim3A_926 = vector.broadcast %broadcast_in_dim3A_925 : vector<128x1xf32> to vector<128x16xf32>
    %swap3A_927 = arith.constant 8320 : index
    %swap3A_928 = arith.constant 0 : index
    %swap3A_929 = vector.load %arg3[%swap3A_927, %swap3A_928] : memref<10112x16xf32, #tpu.memory_space<vmem>>, vector<128x16xf32>
    tpu.vector_store %arg3[%swap3A_927, %swap3A_928], %broadcast_in_dim3A_926 {strides = array<i32>} : memref<10112x16xf32, #tpu.memory_space<vmem>>, vector<128x16xf32>,
    %slice3A_930 = vector.extract_strided_slice %dot_general3A_8 {offsets = [0, 66], sizes = [128, 1], strides = [1, 1]} : vector<128x128xf32> to vector<128x1xf32>
    %get3A_931 = arith.constant 8448 : index
    %get3A_932 = arith.constant 0 : index
    %get3A_933 = vector.load %arg0[%get3A_931, %get3A_932] : memref<10112x128xf32, #tpu.memory_space<vmem>>, vector<128x128xf32>
    %mul3A_934 = vector.broadcast %slice3A_930 : vector<128x1xf32> to vector<128x128xf32>
    %mul3A_935 = arith.mulf %get3A_933, %mul3A_934 : vector<128x128xf32>
    %swap3A_936 = arith.constant 8448 : index
    %swap3A_937 = arith.constant 0 : index
    %swap3A_938 = vector.load %arg2[%swap3A_936, %swap3A_937] : memref<10112x128xf32, #tpu.memory_space<vmem>>, vector<128x128xf32>
    tpu.vector_store %arg2[%swap3A_936, %swap3A_937], %mul3A_935 {strides = array<i32>} : memref<10112x128xf32, #tpu.memory_space<vmem>>, vector<128x128xf32>,
    %broadcast_in_dim3A_939 = vector.shape_cast %slice3A_930 : vector<128x1xf32> to vector<128x1xf32>
    %broadcast_in_dim3A_940 = vector.broadcast %broadcast_in_dim3A_939 : vector<128x1xf32> to vector<128x16xf32>
    %swap3A_941 = arith.constant 8448 : index
    %swap3A_942 = arith.constant 0 : index
    %swap3A_943 = vector.load %arg3[%swap3A_941, %swap3A_942] : memref<10112x16xf32, #tpu.memory_space<vmem>>, vector<128x16xf32>
    tpu.vector_store %arg3[%swap3A_941, %swap3A_942], %broadcast_in_dim3A_940 {strides = array<i32>} : memref<10112x16xf32, #tpu.memory_space<vmem>>, vector<128x16xf32>,
    %slice3A_944 = vector.extract_strided_slice %dot_general3A_8 {offsets = [0, 67], sizes = [128, 1], strides = [1, 1]} : vector<128x128xf32> to vector<128x1xf32>
    %get3A_945 = arith.constant 8576 : index
    %get3A_946 = arith.constant 0 : index
    %get3A_947 = vector.load %arg0[%get3A_945, %get3A_946] : memref<10112x128xf32, #tpu.memory_space<vmem>>, vector<128x128xf32>
    %mul3A_948 = vector.broadcast %slice3A_944 : vector<128x1xf32> to vector<128x128xf32>
    %mul3A_949 = arith.mulf %get3A_947, %mul3A_948 : vector<128x128xf32>
    %swap3A_950 = arith.constant 8576 : index
    %swap3A_951 = arith.constant 0 : index
    %swap3A_952 = vector.load %arg2[%swap3A_950, %swap3A_951] : memref<10112x128xf32, #tpu.memory_space<vmem>>, vector<128x128xf32>
    tpu.vector_store %arg2[%swap3A_950, %swap3A_951], %mul3A_949 {strides = array<i32>} : memref<10112x128xf32, #tpu.memory_space<vmem>>, vector<128x128xf32>,
    %broadcast_in_dim3A_953 = vector.shape_cast %slice3A_944 : vector<128x1xf32> to vector<128x1xf32>
    %broadcast_in_dim3A_954 = vector.broadcast %broadcast_in_dim3A_953 : vector<128x1xf32> to vector<128x16xf32>
    %swap3A_955 = arith.constant 8576 : index
    %swap3A_956 = arith.constant 0 : index
    %swap3A_957 = vector.load %arg3[%swap3A_955, %swap3A_956] : memref<10112x16xf32, #tpu.memory_space<vmem>>, vector<128x16xf32>
    tpu.vector_store %arg3[%swap3A_955, %swap3A_956], %broadcast_in_dim3A_954 {strides = array<i32>} : memref<10112x16xf32, #tpu.memory_space<vmem>>, vector<128x16xf32>,
    %slice3A_958 = vector.extract_strided_slice %dot_general3A_8 {offsets = [0, 68], sizes = [128, 1], strides = [1, 1]} : vector<128x128xf32> to vector<128x1xf32>
    %get3A_959 = arith.constant 8704 : index
    %get3A_960 = arith.constant 0 : index
    %get3A_961 = vector.load %arg0[%get3A_959, %get3A_960] : memref<10112x128xf32, #tpu.memory_space<vmem>>, vector<128x128xf32>
    %mul3A_962 = vector.broadcast %slice3A_958 : vector<128x1xf32> to vector<128x128xf32>
    %mul3A_963 = arith.mulf %get3A_961, %mul3A_962 : vector<128x128xf32>
    %swap3A_964 = arith.constant 8704 : index
    %swap3A_965 = arith.constant 0 : index
    %swap3A_966 = vector.load %arg2[%swap3A_964, %swap3A_965] : memref<10112x128xf32, #tpu.memory_space<vmem>>, vector<128x128xf32>
    tpu.vector_store %arg2[%swap3A_964, %swap3A_965], %mul3A_963 {strides = array<i32>} : memref<10112x128xf32, #tpu.memory_space<vmem>>, vector<128x128xf32>,
    %broadcast_in_dim3A_967 = vector.shape_cast %slice3A_958 : vector<128x1xf32> to vector<128x1xf32>
    %broadcast_in_dim3A_968 = vector.broadcast %broadcast_in_dim3A_967 : vector<128x1xf32> to vector<128x16xf32>
    %swap3A_969 = arith.constant 8704 : index
    %swap3A_970 = arith.constant 0 : index
    %swap3A_971 = vector.load %arg3[%swap3A_969, %swap3A_970] : memref<10112x16xf32, #tpu.memory_space<vmem>>, vector<128x16xf32>
    tpu.vector_store %arg3[%swap3A_969, %swap3A_970], %broadcast_in_dim3A_968 {strides = array<i32>} : memref<10112x16xf32, #tpu.memory_space<vmem>>, vector<128x16xf32>,
    %slice3A_972 = vector.extract_strided_slice %dot_general3A_8 {offsets = [0, 69], sizes = [128, 1], strides = [1, 1]} : vector<128x128xf32> to vector<128x1xf32>
    %get3A_973 = arith.constant 8832 : index
    %get3A_974 = arith.constant 0 : index
    %get3A_975 = vector.load %arg0[%get3A_973, %get3A_974] : memref<10112x128xf32, #tpu.memory_space<vmem>>, vector<128x128xf32>
    %mul3A_976 = vector.broadcast %slice3A_972 : vector<128x1xf32> to vector<128x128xf32>
    %mul3A_977 = arith.mulf %get3A_975, %mul3A_976 : vector<128x128xf32>
    %swap3A_978 = arith.constant 8832 : index
    %swap3A_979 = arith.constant 0 : index
    %swap3A_980 = vector.load %arg2[%swap3A_978, %swap3A_979] : memref<10112x128xf32, #tpu.memory_space<vmem>>, vector<128x128xf32>
    tpu.vector_store %arg2[%swap3A_978, %swap3A_979], %mul3A_977 {strides = array<i32>} : memref<10112x128xf32, #tpu.memory_space<vmem>>, vector<128x128xf32>,
    %broadcast_in_dim3A_981 = vector.shape_cast %slice3A_972 : vector<128x1xf32> to vector<128x1xf32>
    %broadcast_in_dim3A_982 = vector.broadcast %broadcast_in_dim3A_981 : vector<128x1xf32> to vector<128x16xf32>
    %swap3A_983 = arith.constant 8832 : index
    %swap3A_984 = arith.constant 0 : index
    %swap3A_985 = vector.load %arg3[%swap3A_983, %swap3A_984] : memref<10112x16xf32, #tpu.memory_space<vmem>>, vector<128x16xf32>
    tpu.vector_store %arg3[%swap3A_983, %swap3A_984], %broadcast_in_dim3A_982 {strides = array<i32>} : memref<10112x16xf32, #tpu.memory_space<vmem>>, vector<128x16xf32>,
    %slice3A_986 = vector.extract_strided_slice %dot_general3A_8 {offsets = [0, 70], sizes = [128, 1], strides = [1, 1]} : vector<128x128xf32> to vector<128x1xf32>
    %get3A_987 = arith.constant 8960 : index
    %get3A_988 = arith.constant 0 : index
    %get3A_989 = vector.load %arg0[%get3A_987, %get3A_988] : memref<10112x128xf32, #tpu.memory_space<vmem>>, vector<128x128xf32>
    %mul3A_990 = vector.broadcast %slice3A_986 : vector<128x1xf32> to vector<128x128xf32>
    %mul3A_991 = arith.mulf %get3A_989, %mul3A_990 : vector<128x128xf32>
    %swap3A_992 = arith.constant 8960 : index
    %swap3A_993 = arith.constant 0 : index
    %swap3A_994 = vector.load %arg2[%swap3A_992, %swap3A_993] : memref<10112x128xf32, #tpu.memory_space<vmem>>, vector<128x128xf32>
    tpu.vector_store %arg2[%swap3A_992, %swap3A_993], %mul3A_991 {strides = array<i32>} : memref<10112x128xf32, #tpu.memory_space<vmem>>, vector<128x128xf32>,
    %broadcast_in_dim3A_995 = vector.shape_cast %slice3A_986 : vector<128x1xf32> to vector<128x1xf32>
    %broadcast_in_dim3A_996 = vector.broadcast %broadcast_in_dim3A_995 : vector<128x1xf32> to vector<128x16xf32>
    %swap3A_997 = arith.constant 8960 : index
    %swap3A_998 = arith.constant 0 : index
    %swap3A_999 = vector.load %arg3[%swap3A_997, %swap3A_998] : memref<10112x16xf32, #tpu.memory_space<vmem>>, vector<128x16xf32>
    tpu.vector_store %arg3[%swap3A_997, %swap3A_998], %broadcast_in_dim3A_996 {strides = array<i32>} : memref<10112x16xf32, #tpu.memory_space<vmem>>, vector<128x16xf32>,
    %slice3A_1000 = vector.extract_strided_slice %dot_general3A_8 {offsets = [0, 71], sizes = [128, 1], strides = [1, 1]} : vector<128x128xf32> to vector<128x1xf32>
    %get3A_1001 = arith.constant 9088 : index
    %get3A_1002 = arith.constant 0 : index
    %get3A_1003 = vector.load %arg0[%get3A_1001, %get3A_1002] : memref<10112x128xf32, #tpu.memory_space<vmem>>, vector<128x128xf32>
    %mul3A_1004 = vector.broadcast %slice3A_1000 : vector<128x1xf32> to vector<128x128xf32>
    %mul3A_1005 = arith.mulf %get3A_1003, %mul3A_1004 : vector<128x128xf32>
    %swap3A_1006 = arith.constant 9088 : index
    %swap3A_1007 = arith.constant 0 : index
    %swap3A_1008 = vector.load %arg2[%swap3A_1006, %swap3A_1007] : memref<10112x128xf32, #tpu.memory_space<vmem>>, vector<128x128xf32>
    tpu.vector_store %arg2[%swap3A_1006, %swap3A_1007], %mul3A_1005 {strides = array<i32>} : memref<10112x128xf32, #tpu.memory_space<vmem>>, vector<128x128xf32>,
    %broadcast_in_dim3A_1009 = vector.shape_cast %slice3A_1000 : vector<128x1xf32> to vector<128x1xf32>
    %broadcast_in_dim3A_1010 = vector.broadcast %broadcast_in_dim3A_1009 : vector<128x1xf32> to vector<128x16xf32>
    %swap3A_1011 = arith.constant 9088 : index
    %swap3A_1012 = arith.constant 0 : index
    %swap3A_1013 = vector.load %arg3[%swap3A_1011, %swap3A_1012] : memref<10112x16xf32, #tpu.memory_space<vmem>>, vector<128x16xf32>
    tpu.vector_store %arg3[%swap3A_1011, %swap3A_1012], %broadcast_in_dim3A_1010 {strides = array<i32>} : memref<10112x16xf32, #tpu.memory_space<vmem>>, vector<128x16xf32>,
    %slice3A_1014 = vector.extract_strided_slice %dot_general3A_8 {offsets = [0, 72], sizes = [128, 1], strides = [1, 1]} : vector<128x128xf32> to vector<128x1xf32>
    %get3A_1015 = arith.constant 9216 : index
    %get3A_1016 = arith.constant 0 : index
    %get3A_1017 = vector.load %arg0[%get3A_1015, %get3A_1016] : memref<10112x128xf32, #tpu.memory_space<vmem>>, vector<128x128xf32>
    %mul3A_1018 = vector.broadcast %slice3A_1014 : vector<128x1xf32> to vector<128x128xf32>
    %mul3A_1019 = arith.mulf %get3A_1017, %mul3A_1018 : vector<128x128xf32>
    %swap3A_1020 = arith.constant 9216 : index
    %swap3A_1021 = arith.constant 0 : index
    %swap3A_1022 = vector.load %arg2[%swap3A_1020, %swap3A_1021] : memref<10112x128xf32, #tpu.memory_space<vmem>>, vector<128x128xf32>
    tpu.vector_store %arg2[%swap3A_1020, %swap3A_1021], %mul3A_1019 {strides = array<i32>} : memref<10112x128xf32, #tpu.memory_space<vmem>>, vector<128x128xf32>,
    %broadcast_in_dim3A_1023 = vector.shape_cast %slice3A_1014 : vector<128x1xf32> to vector<128x1xf32>
    %broadcast_in_dim3A_1024 = vector.broadcast %broadcast_in_dim3A_1023 : vector<128x1xf32> to vector<128x16xf32>
    %swap3A_1025 = arith.constant 9216 : index
    %swap3A_1026 = arith.constant 0 : index
    %swap3A_1027 = vector.load %arg3[%swap3A_1025, %swap3A_1026] : memref<10112x16xf32, #tpu.memory_space<vmem>>, vector<128x16xf32>
    tpu.vector_store %arg3[%swap3A_1025, %swap3A_1026], %broadcast_in_dim3A_1024 {strides = array<i32>} : memref<10112x16xf32, #tpu.memory_space<vmem>>, vector<128x16xf32>,
    %slice3A_1028 = vector.extract_strided_slice %dot_general3A_8 {offsets = [0, 73], sizes = [128, 1], strides = [1, 1]} : vector<128x128xf32> to vector<128x1xf32>
    %get3A_1029 = arith.constant 9344 : index
    %get3A_1030 = arith.constant 0 : index
    %get3A_1031 = vector.load %arg0[%get3A_1029, %get3A_1030] : memref<10112x128xf32, #tpu.memory_space<vmem>>, vector<128x128xf32>
    %mul3A_1032 = vector.broadcast %slice3A_1028 : vector<128x1xf32> to vector<128x128xf32>
    %mul3A_1033 = arith.mulf %get3A_1031, %mul3A_1032 : vector<128x128xf32>
    %swap3A_1034 = arith.constant 9344 : index
    %swap3A_1035 = arith.constant 0 : index
    %swap3A_1036 = vector.load %arg2[%swap3A_1034, %swap3A_1035] : memref<10112x128xf32, #tpu.memory_space<vmem>>, vector<128x128xf32>
    tpu.vector_store %arg2[%swap3A_1034, %swap3A_1035], %mul3A_1033 {strides = array<i32>} : memref<10112x128xf32, #tpu.memory_space<vmem>>, vector<128x128xf32>,
    %broadcast_in_dim3A_1037 = vector.shape_cast %slice3A_1028 : vector<128x1xf32> to vector<128x1xf32>
    %broadcast_in_dim3A_1038 = vector.broadcast %broadcast_in_dim3A_1037 : vector<128x1xf32> to vector<128x16xf32>
    %swap3A_1039 = arith.constant 9344 : index
    %swap3A_1040 = arith.constant 0 : index
    %swap3A_1041 = vector.load %arg3[%swap3A_1039, %swap3A_1040] : memref<10112x16xf32, #tpu.memory_space<vmem>>, vector<128x16xf32>
    tpu.vector_store %arg3[%swap3A_1039, %swap3A_1040], %broadcast_in_dim3A_1038 {strides = array<i32>} : memref<10112x16xf32, #tpu.memory_space<vmem>>, vector<128x16xf32>,
    %slice3A_1042 = vector.extract_strided_slice %dot_general3A_8 {offsets = [0, 74], sizes = [128, 1], strides = [1, 1]} : vector<128x128xf32> to vector<128x1xf32>
    %get3A_1043 = arith.constant 9472 : index
    %get3A_1044 = arith.constant 0 : index
    %get3A_1045 = vector.load %arg0[%get3A_1043, %get3A_1044] : memref<10112x128xf32, #tpu.memory_space<vmem>>, vector<128x128xf32>
    %mul3A_1046 = vector.broadcast %slice3A_1042 : vector<128x1xf32> to vector<128x128xf32>
    %mul3A_1047 = arith.mulf %get3A_1045, %mul3A_1046 : vector<128x128xf32>
    %swap3A_1048 = arith.constant 9472 : index
    %swap3A_1049 = arith.constant 0 : index
    %swap3A_1050 = vector.load %arg2[%swap3A_1048, %swap3A_1049] : memref<10112x128xf32, #tpu.memory_space<vmem>>, vector<128x128xf32>
    tpu.vector_store %arg2[%swap3A_1048, %swap3A_1049], %mul3A_1047 {strides = array<i32>} : memref<10112x128xf32, #tpu.memory_space<vmem>>, vector<128x128xf32>,
    %broadcast_in_dim3A_1051 = vector.shape_cast %slice3A_1042 : vector<128x1xf32> to vector<128x1xf32>
    %broadcast_in_dim3A_1052 = vector.broadcast %broadcast_in_dim3A_1051 : vector<128x1xf32> to vector<128x16xf32>
    %swap3A_1053 = arith.constant 9472 : index
    %swap3A_1054 = arith.constant 0 : index
    %swap3A_1055 = vector.load %arg3[%swap3A_1053, %swap3A_1054] : memref<10112x16xf32, #tpu.memory_space<vmem>>, vector<128x16xf32>
    tpu.vector_store %arg3[%swap3A_1053, %swap3A_1054], %broadcast_in_dim3A_1052 {strides = array<i32>} : memref<10112x16xf32, #tpu.memory_space<vmem>>, vector<128x16xf32>,
    %slice3A_1056 = vector.extract_strided_slice %dot_general3A_8 {offsets = [0, 75], sizes = [128, 1], strides = [1, 1]} : vector<128x128xf32> to vector<128x1xf32>
    %get3A_1057 = arith.constant 9600 : index
    %get3A_1058 = arith.constant 0 : index
    %get3A_1059 = vector.load %arg0[%get3A_1057, %get3A_1058] : memref<10112x128xf32, #tpu.memory_space<vmem>>, vector<128x128xf32>
    %mul3A_1060 = vector.broadcast %slice3A_1056 : vector<128x1xf32> to vector<128x128xf32>
    %mul3A_1061 = arith.mulf %get3A_1059, %mul3A_1060 : vector<128x128xf32>
    %swap3A_1062 = arith.constant 9600 : index
    %swap3A_1063 = arith.constant 0 : index
    %swap3A_1064 = vector.load %arg2[%swap3A_1062, %swap3A_1063] : memref<10112x128xf32, #tpu.memory_space<vmem>>, vector<128x128xf32>
    tpu.vector_store %arg2[%swap3A_1062, %swap3A_1063], %mul3A_1061 {strides = array<i32>} : memref<10112x128xf32, #tpu.memory_space<vmem>>, vector<128x128xf32>,
    %broadcast_in_dim3A_1065 = vector.shape_cast %slice3A_1056 : vector<128x1xf32> to vector<128x1xf32>
    %broadcast_in_dim3A_1066 = vector.broadcast %broadcast_in_dim3A_1065 : vector<128x1xf32> to vector<128x16xf32>
    %swap3A_1067 = arith.constant 9600 : index
    %swap3A_1068 = arith.constant 0 : index
    %swap3A_1069 = vector.load %arg3[%swap3A_1067, %swap3A_1068] : memref<10112x16xf32, #tpu.memory_space<vmem>>, vector<128x16xf32>
    tpu.vector_store %arg3[%swap3A_1067, %swap3A_1068], %broadcast_in_dim3A_1066 {strides = array<i32>} : memref<10112x16xf32, #tpu.memory_space<vmem>>, vector<128x16xf32>,
    %slice3A_1070 = vector.extract_strided_slice %dot_general3A_8 {offsets = [0, 76], sizes = [128, 1], strides = [1, 1]} : vector<128x128xf32> to vector<128x1xf32>
    %get3A_1071 = arith.constant 9728 : index
    %get3A_1072 = arith.constant 0 : index
    %get3A_1073 = vector.load %arg0[%get3A_1071, %get3A_1072] : memref<10112x128xf32, #tpu.memory_space<vmem>>, vector<128x128xf32>
    %mul3A_1074 = vector.broadcast %slice3A_1070 : vector<128x1xf32> to vector<128x128xf32>
    %mul3A_1075 = arith.mulf %get3A_1073, %mul3A_1074 : vector<128x128xf32>
    %swap3A_1076 = arith.constant 9728 : index
    %swap3A_1077 = arith.constant 0 : index
    %swap3A_1078 = vector.load %arg2[%swap3A_1076, %swap3A_1077] : memref<10112x128xf32, #tpu.memory_space<vmem>>, vector<128x128xf32>
    tpu.vector_store %arg2[%swap3A_1076, %swap3A_1077], %mul3A_1075 {strides = array<i32>} : memref<10112x128xf32, #tpu.memory_space<vmem>>, vector<128x128xf32>,
    %broadcast_in_dim3A_1079 = vector.shape_cast %slice3A_1070 : vector<128x1xf32> to vector<128x1xf32>
    %broadcast_in_dim3A_1080 = vector.broadcast %broadcast_in_dim3A_1079 : vector<128x1xf32> to vector<128x16xf32>
    %swap3A_1081 = arith.constant 9728 : index
    %swap3A_1082 = arith.constant 0 : index
    %swap3A_1083 = vector.load %arg3[%swap3A_1081, %swap3A_1082] : memref<10112x16xf32, #tpu.memory_space<vmem>>, vector<128x16xf32>
    tpu.vector_store %arg3[%swap3A_1081, %swap3A_1082], %broadcast_in_dim3A_1080 {strides = array<i32>} : memref<10112x16xf32, #tpu.memory_space<vmem>>, vector<128x16xf32>,
    %slice3A_1084 = vector.extract_strided_slice %dot_general3A_8 {offsets = [0, 77], sizes = [128, 1], strides = [1, 1]} : vector<128x128xf32> to vector<128x1xf32>
    %get3A_1085 = arith.constant 9856 : index
    %get3A_1086 = arith.constant 0 : index
    %get3A_1087 = vector.load %arg0[%get3A_1085, %get3A_1086] : memref<10112x128xf32, #tpu.memory_space<vmem>>, vector<128x128xf32>
    %mul3A_1088 = vector.broadcast %slice3A_1084 : vector<128x1xf32> to vector<128x128xf32>
    %mul3A_1089 = arith.mulf %get3A_1087, %mul3A_1088 : vector<128x128xf32>
    %swap3A_1090 = arith.constant 9856 : index
    %swap3A_1091 = arith.constant 0 : index
    %swap3A_1092 = vector.load %arg2[%swap3A_1090, %swap3A_1091] : memref<10112x128xf32, #tpu.memory_space<vmem>>, vector<128x128xf32>
    tpu.vector_store %arg2[%swap3A_1090, %swap3A_1091], %mul3A_1089 {strides = array<i32>} : memref<10112x128xf32, #tpu.memory_space<vmem>>, vector<128x128xf32>,
    %broadcast_in_dim3A_1093 = vector.shape_cast %slice3A_1084 : vector<128x1xf32> to vector<128x1xf32>
    %broadcast_in_dim3A_1094 = vector.broadcast %broadcast_in_dim3A_1093 : vector<128x1xf32> to vector<128x16xf32>
    %swap3A_1095 = arith.constant 9856 : index
    %swap3A_1096 = arith.constant 0 : index
    %swap3A_1097 = vector.load %arg3[%swap3A_1095, %swap3A_1096] : memref<10112x16xf32, #tpu.memory_space<vmem>>, vector<128x16xf32>
    tpu.vector_store %arg3[%swap3A_1095, %swap3A_1096], %broadcast_in_dim3A_1094 {strides = array<i32>} : memref<10112x16xf32, #tpu.memory_space<vmem>>, vector<128x16xf32>,
    %slice3A_1098 = vector.extract_strided_slice %dot_general3A_8 {offsets = [0, 78], sizes = [128, 1], strides = [1, 1]} : vector<128x128xf32> to vector<128x1xf32>
    %get3A_1099 = arith.constant 9984 : index
    %get3A_1100 = arith.constant 0 : index
    %get3A_1101 = vector.load %arg0[%get3A_1099, %get3A_1100] : memref<10112x128xf32, #tpu.memory_space<vmem>>, vector<128x128xf32>
    %mul3A_1102 = vector.broadcast %slice3A_1098 : vector<128x1xf32> to vector<128x128xf32>
    %mul3A_1103 = arith.mulf %get3A_1101, %mul3A_1102 : vector<128x128xf32>
    %swap3A_1104 = arith.constant 9984 : index
    %swap3A_1105 = arith.constant 0 : index
    %swap3A_1106 = vector.load %arg2[%swap3A_1104, %swap3A_1105] : memref<10112x128xf32, #tpu.memory_space<vmem>>, vector<128x128xf32>
    tpu.vector_store %arg2[%swap3A_1104, %swap3A_1105], %mul3A_1103 {strides = array<i32>} : memref<10112x128xf32, #tpu.memory_space<vmem>>, vector<128x128xf32>,
    %broadcast_in_dim3A_1107 = vector.shape_cast %slice3A_1098 : vector<128x1xf32> to vector<128x1xf32>
    %broadcast_in_dim3A_1108 = vector.broadcast %broadcast_in_dim3A_1107 : vector<128x1xf32> to vector<128x16xf32>
    %swap3A_1109 = arith.constant 9984 : index
    %swap3A_1110 = arith.constant 0 : index
    %swap3A_1111 = vector.load %arg3[%swap3A_1109, %swap3A_1110] : memref<10112x16xf32, #tpu.memory_space<vmem>>, vector<128x16xf32>
    tpu.vector_store %arg3[%swap3A_1109, %swap3A_1110], %broadcast_in_dim3A_1108 {strides = array<i32>} : memref<10112x16xf32, #tpu.memory_space<vmem>>, vector<128x16xf32>,
    return
  }
}

module attributes {stable_mosaic.version = 14 : i64} {
  func.func @_layer2_body(%arg0: memref<10112x128xf32, #tpu.memory_space<vmem>>, %arg1: memref<20224x128xf32, #tpu.memory_space<vmem>>, %arg2: memref<10112x16xf32, #tpu.memory_space<vmem>>, %arg3: memref<1x128xf32, #tpu.memory_space<vmem>>, %arg4: memref<128x128xf32, #tpu.memory_space<vmem>>, %arg5: memref<10112x128xf32, #tpu.memory_space<vmem>>) attributes {dimension_semantics = [], scalar_prefetch = 0 : i64, scratch_operands = 0 : i64, tpu.core_type = #tpu.core_type<tc>} {
    %get3A = arith.constant 0 : index
    %get3A_0 = arith.constant 0 : index
    %get3A_1 = vector.load %arg2[%get3A, %get3A_0] : memref<10112x16xf32, #tpu.memory_space<vmem>>, vector<10112x16xf32>
    %slice3A = vector.extract_strided_slice %get3A_1 {offsets = [0, 0], sizes = [10112, 1], strides = [1, 1]} : vector<10112x16xf32> to vector<10112x1xf32>
    %get3A_2 = arith.constant 0 : index
    %get3A_3 = arith.constant 0 : index
    %get3A_4 = vector.load %arg0[%get3A_2, %get3A_3] : memref<10112x128xf32, #tpu.memory_space<vmem>>, vector<10112x128xf32>
    %get3A_5 = arith.constant 0 : index
    %get3A_6 = arith.constant 0 : index
    %get3A_7 = vector.load %arg1[%get3A_5, %get3A_6] : memref<20224x128xf32, #tpu.memory_space<vmem>>, vector<10112x128xf32>
    %add3A = arith.addf %get3A_4, %get3A_7 : vector<10112x128xf32>
    %get3A_8 = arith.constant 10112 : index
    %get3A_9 = arith.constant 0 : index
    %get3A_10 = vector.load %arg1[%get3A_8, %get3A_9] : memref<20224x128xf32, #tpu.memory_space<vmem>>, vector<10112x128xf32>
    %add3A_11 = arith.addf %add3A, %get3A_10 : vector<10112x128xf32>
    %mul3A = vector.broadcast %slice3A : vector<10112x1xf32> to vector<10112x128xf32>
    %mul3A_12 = arith.mulf %add3A_11, %mul3A : vector<10112x128xf32>
    %get3A_13 = arith.constant 0 : index
    %get3A_14 = arith.constant 0 : index
    %get3A_15 = vector.load %arg3[%get3A_13, %get3A_14] : memref<1x128xf32, #tpu.memory_space<vmem>>, vector<1x128xf32>
    %add3A_16 = vector.broadcast %get3A_15 : vector<1x128xf32> to vector<10112x128xf32>
    %add3A_17 = arith.addf %mul3A_12, %add3A_16 : vector<10112x128xf32>
    %max3A = arith.constant 0.000000e+00 : f32
    %max3A_18 = vector.broadcast %max3A : f32 to vector<10112x128xf32>
    %max3A_19 = arith.maximumf %add3A_17, %max3A_18 : vector<10112x128xf32>
    %get3A_20 = arith.constant 0 : index
    %get3A_21 = arith.constant 0 : index
    %get3A_22 = vector.load %arg4[%get3A_20, %get3A_21] : memref<128x128xf32, #tpu.memory_space<vmem>>, vector<128x128xf32>
    %dot_general3A = arith.constant dense<0.000000e+00> : vector<10112x128xf32>
    %dot_general3A_23 = tpu.matmul %max3A_19, %get3A_22, %dot_general3A {dimension_numbers = #tpu.dot_dimension_numbers<[1], [0], [0], [1], [0, 0, 1, 1], [], []>, transpose_lhs_hint = false} : vector<10112x128xf32>, vector<128x128xf32>, vector<10112x128xf32> -> vector<10112x128xf32>
    %mul3A_24 = vector.broadcast %slice3A : vector<10112x1xf32> to vector<10112x128xf32>
    %mul3A_25 = arith.mulf %dot_general3A_23, %mul3A_24 : vector<10112x128xf32>
    %swap3A = arith.constant 0 : index
    %swap3A_26 = arith.constant 0 : index
    %swap3A_27 = vector.load %arg5[%swap3A, %swap3A_26] : memref<10112x128xf32, #tpu.memory_space<vmem>>, vector<10112x128xf32>
    tpu.vector_store %arg5[%swap3A, %swap3A_26], %mul3A_25 {strides = array<i32>} : memref<10112x128xf32, #tpu.memory_space<vmem>>, vector<10112x128xf32>,
    return
  }
}

module attributes {stable_mosaic.version = 14 : i64} {
  func.func @_final_body(%arg0: memref<10112x128xf32, #tpu.memory_space<vmem>>, %arg1: memref<20224x128xf32, #tpu.memory_space<vmem>>, %arg2: memref<10112x16xf32, #tpu.memory_space<vmem>>, %arg3: memref<1x128xf32, #tpu.memory_space<vmem>>, %arg4: memref<10112x1xi32, #tpu.memory_space<vmem>>, %arg5: memref<128x64xf32, #tpu.memory_space<vmem>>, %arg6: memref<1x64xf32, #tpu.memory_space<vmem>>, %arg7: memref<64x64xf32, #tpu.memory_space<vmem>>) attributes {dimension_semantics = [], scalar_prefetch = 0 : i64, scratch_operands = 0 : i64, tpu.core_type = #tpu.core_type<tc>} {
    %get3A = arith.constant 0 : index
    %get3A_0 = arith.constant 0 : index
    %get3A_1 = vector.load %arg2[%get3A, %get3A_0] : memref<10112x16xf32, #tpu.memory_space<vmem>>, vector<10112x16xf32>
    %slice3A = vector.extract_strided_slice %get3A_1 {offsets = [0, 0], sizes = [10112, 1], strides = [1, 1]} : vector<10112x16xf32> to vector<10112x1xf32>
    %get3A_2 = arith.constant 0 : index
    %get3A_3 = arith.constant 0 : index
    %get3A_4 = vector.load %arg0[%get3A_2, %get3A_3] : memref<10112x128xf32, #tpu.memory_space<vmem>>, vector<10112x128xf32>
    %get3A_5 = arith.constant 0 : index
    %get3A_6 = arith.constant 0 : index
    %get3A_7 = vector.load %arg1[%get3A_5, %get3A_6] : memref<20224x128xf32, #tpu.memory_space<vmem>>, vector<10112x128xf32>
    %add3A = arith.addf %get3A_4, %get3A_7 : vector<10112x128xf32>
    %get3A_8 = arith.constant 10112 : index
    %get3A_9 = arith.constant 0 : index
    %get3A_10 = vector.load %arg1[%get3A_8, %get3A_9] : memref<20224x128xf32, #tpu.memory_space<vmem>>, vector<10112x128xf32>
    %add3A_11 = arith.addf %add3A, %get3A_10 : vector<10112x128xf32>
    %mul3A = vector.broadcast %slice3A : vector<10112x1xf32> to vector<10112x128xf32>
    %mul3A_12 = arith.mulf %add3A_11, %mul3A : vector<10112x128xf32>
    %get3A_13 = arith.constant 0 : index
    %get3A_14 = arith.constant 0 : index
    %get3A_15 = vector.load %arg3[%get3A_13, %get3A_14] : memref<1x128xf32, #tpu.memory_space<vmem>>, vector<1x128xf32>
    %add3A_16 = vector.broadcast %get3A_15 : vector<1x128xf32> to vector<10112x128xf32>
    %add3A_17 = arith.addf %mul3A_12, %add3A_16 : vector<10112x128xf32>
    %iota3A = tpu.iota {dimensions = array<i32: 1>} : vector<1x64xi32>
    %get3A_18 = arith.constant 0 : index
    %get3A_19 = arith.constant 0 : index
    %get3A_20 = vector.load %arg4[%get3A_18, %get3A_19] : memref<10112x1xi32, #tpu.memory_space<vmem>>, vector<10112x1xi32>
    %eq3A = vector.broadcast %get3A_20 : vector<10112x1xi32> to vector<10112x64xi32>
    %eq3A_21 = vector.broadcast %iota3A : vector<1x64xi32> to vector<10112x64xi32>
    %eq3A_22 = arith.cmpi eq, %eq3A, %eq3A_21 : vector<10112x64xi32>
    %convert_element_type3A = arith.extui %eq3A_22 : vector<10112x64xi1> to vector<10112x64xi32>
    %convert_element_type3A_23 = arith.sitofp %convert_element_type3A : vector<10112x64xi32> to vector<10112x64xf32>
    %dot_general3A = arith.constant dense<0.000000e+00> : vector<64x128xf32>
    %dot_general3A_24 = tpu.matmul %convert_element_type3A_23, %add3A_17, %dot_general3A {dimension_numbers = #tpu.dot_dimension_numbers<[0], [0], [1], [1], [0, 1, 1, 1], [], []>, transpose_lhs_hint = false} : vector<10112x64xf32>, vector<10112x128xf32>, vector<64x128xf32> -> vector<64x128xf32>
    %broadcast_in_dim3A = arith.constant 1.000000e+00 : f32
    %broadcast_in_dim3A_25 = vector.broadcast %broadcast_in_dim3A : f32 to vector<10112x1xf32>
    %dot_general3A_26 = arith.constant dense<0.000000e+00> : vector<64x1xf32>
    %dot_general3A_27 = tpu.matmul %convert_element_type3A_23, %broadcast_in_dim3A_25, %dot_general3A_26 {dimension_numbers = #tpu.dot_dimension_numbers<[0], [0], [1], [1], [0, 1, 1, 1], [], []>, transpose_lhs_hint = false} : vector<10112x64xf32>, vector<10112x1xf32>, vector<64x1xf32> -> vector<64x1xf32>
    %max3A = arith.constant 1.000000e+00 : f32
    %max3A_28 = vector.broadcast %max3A : f32 to vector<64x1xf32>
    %max3A_29 = arith.maximumf %dot_general3A_27, %max3A_28 : vector<64x1xf32>
    %div3A = vector.broadcast %max3A_29 : vector<64x1xf32> to vector<64x128xf32>
    %div3A_30 = arith.divf %dot_general3A_24, %div3A : vector<64x128xf32>
    %get3A_31 = arith.constant 0 : index
    %get3A_32 = arith.constant 0 : index
    %get3A_33 = vector.load %arg5[%get3A_31, %get3A_32] : memref<128x64xf32, #tpu.memory_space<vmem>>, vector<128x64xf32>
    %dot_general3A_34 = arith.constant dense<0.000000e+00> : vector<64x64xf32>
    %dot_general3A_35 = tpu.matmul %div3A_30, %get3A_33, %dot_general3A_34 {dimension_numbers = #tpu.dot_dimension_numbers<[1], [0], [0], [1], [0, 0, 1, 1], [], []>, transpose_lhs_hint = false} : vector<64x128xf32>, vector<128x64xf32>, vector<64x64xf32> -> vector<64x64xf32>
    %get3A_36 = arith.constant 0 : index
    %get3A_37 = arith.constant 0 : index
    %get3A_38 = vector.load %arg6[%get3A_36, %get3A_37] : memref<1x64xf32, #tpu.memory_space<vmem>>, vector<1x64xf32>
    %add3A_39 = vector.broadcast %get3A_38 : vector<1x64xf32> to vector<64x64xf32>
    %add3A_40 = arith.addf %dot_general3A_35, %add3A_39 : vector<64x64xf32>
    %swap3A = arith.constant 0 : index
    %swap3A_41 = arith.constant 0 : index
    %swap3A_42 = vector.load %arg7[%swap3A, %swap3A_41] : memref<64x64xf32, #tpu.memory_space<vmem>>, vector<64x64xf32>
    tpu.vector_store %arg7[%swap3A, %swap3A_41], %add3A_40 {strides = array<i32>} : memref<64x64xf32, #tpu.memory_space<vmem>>, vector<64x64xf32>,
    return
  }
}

</mosaic_0001>

<sc_bundles>
// kernel: kernel.12.cloned.1.call-start
scs
__scs_entry_jumppad:
0x0: {  	(pc) =	sbr.rel $0x88, $3  }
0x1: {  	(tag) =	ssettag $0x0;
	lr =	simm.s32 $0x1  }
0x2: {  	[smem:$0x3F98] =	sst lr;
	_ =	strace $0xD0000000  }
0x3: {  	_ = 	snop  }
0x4: {  	_ = 	snop  }
0x5: {  	_ = 	snop  }
0x6: {  	_ = 	snop  }
0x7: {  	_ = 	snop  }
__scs_overlays_trampoline_lowered:
0x8: {  	[smem:$0x3FA7] =	sst s0  }
0x9: {  	[smem:$0x3FA8] =	sst s1  }
0xa: {  	[smem:$0x3FA9] =	sst s2  }
0xb: {  	[smem:$0x3FAA] =	sst s3  }
0xc: {  	[smem:$0x3FAB] =	sst s4  }
0xd: {  	[smem:$0x3FAC] =	sst s5  }
0xe: {  	[smem:$0x3FAD] =	sst s6  }
0xf: {  	[smem:$0x3FAE] =	sst s7  }
0x10: {  	[smem:$0x3FAF] =	sst s8  }
0x11: {  	[smem:$0x3FB0] =	sst s9;
	s0 =	simm.s32 @!p0 $0x0  }
0x12: {  	s1 =	sld [smem:$0x3F96];
	s0 =	simm.s32 @p0 $0x1  }
0x13: {  	[smem:$0x3FB1] =	sst s0;
	s0 =	simm.s32 @!p1 $0x0  }
0x14: {  	s2 =	sld [smem:$0x3F95];
	s0 =	simm.s32 @p1 $0x1  }
0x15: {  	[smem:$0x3FB2] =	sst s0;
	s0 =	simm.s32 @!p2 $0x0  }
0x16: {  	s3 =	sld [smem:$0x3FDB];
	s0 =	simm.s32 @p2 $0x1  }
0x17: {  	s4 =	simm.s32 $0x1BF5;
	[smem:$0x3FB4] =	sst s0  }
0x18: {  	s0 =	sld [smem:$0x3F97];
	_ =	swait.ge [sflag:s4], $0x0  }
0x19: {  	s7 =	sld [smem:$0x3F98]  }
0x1a: {  	s8 =	sadd.s32 $0xFFFFE003, lr  }
0x1b: {  	s9 =	sadd.s32 $0xFFFFFEF7, lr;
	s5 =	simm.s32 $0xFFFFFFFF;
	p2 =	slt.u32 s8, $0xFFFFF086  }
0x1c: {  	p1 =	slt.u32 s9, $0xF7A;
	s5 =	simm.s32 @!p2 $0x0  }
0x1d: {  	s5 =	simm.s32 @p1 $0x1;
	p0 =	seq.s32 s7, s2  }
0x1e: {  	s7 =	smul.u32 @!p0 $0xF7A, s2;
	p2 =	seq.s32 @!p0 s5, $0x0  }
0x1f: {  	s9 =	smul.u32 $0xF7A, s1;
	s8 =	simm.s32 @!p0 $0x1BF5;
	p2 =	por !p2, p0  }
0x20: {  	[sflag:s8] =	ssyncset.s32 @!p0 $0xFFFFF086;
	s6 =	sadd.s32 @!p0 s3, s7;
	s7 =	simm.s32 @!p0 $0x108  }
0x21: {  	s3 =	sadd.s32 s3, s9;
	s6 =	sadd.s32 @!p0 $0x88, s6;
	s7 =	simm.s32 @p2 $0x1082  }
0x22: {  	[simem:s7], [sflag:s8] =	dma.local @!p0 [hbm:s6], $0xF7A  }
0x23: {  	s9 =	sor.u32 $0xD0000000, s2;
	s6 =	simm.s32 $0x108;
	_ =	swait.ge @!p0 [sflag:s8], $0x0  }
0x24: {  	s3 =	sadd.s32 $0x88, s3;
	s6 =	simm.s32 @!p1 $0x1082;
	[sflag:s4] =	ssyncset.s32 $0xFFFFF086  }
0x25: {  	[simem:s6], [sflag:s4] =	dma.local [hbm:s3], $0xF7A  }
0x26: {  	[smem:$0x3F98] =	sst s1;
	(tag) =	ssettag s2;
	_ =	strace s9  }
0x27: {  	s1 =	sld [smem:$0x3FA8]  }
0x28: {  	s2 =	sld [smem:$0x3FA9]  }
0x29: {  	s4 =	sld [smem:$0x3FAB]  }
0x2a: {  	p0 =	seq.s32 s5, $0x0;
	s5 =	sld [smem:$0x3FAC]  }
0x2b: {  	s6 =	sld [smem:$0x3FAD]  }
0x2c: {  	s7 =	sld [smem:$0x3FAE]  }
0x2d: {  	s3 =	simm.s32 $0x108;
	s8 =	sld [smem:$0x3FAF]  }
0x2e: {  	s3 =	simm.s32 @!p0 $0x1082;
	s9 =	sld [smem:$0x3FB0]  }
0x2f: {  	lr =	sadd.s32 s0, s3;
	s0 =	sld [smem:$0x3FA7]  }
0x30: {  	s3 =	sld [smem:$0x3FAA]  }
0x31: {  	[smem:$0x3FB3] =	sst s10  }
0x32: {  	s10 =	sld [smem:$0x3FB1];
	_ =	sdelay $0x3  }
0x33: {  	p0 =	seq.s32 s10, $0x1;
	s10 =	sld [smem:$0x3FB3];
	_ =	sdelay $0x3  }
0x34: {  	[smem:$0x3FB3] =	sst s10  }
0x35: {  	s10 =	sld [smem:$0x3FB2];
	_ =	sdelay $0x3  }
0x36: {  	p1 =	seq.s32 s10, $0x1;
	s10 =	sld [smem:$0x3FB3];
	_ =	sdelay $0x3  }
0x37: {  	[smem:$0x3FB3] =	sst s10  }
0x38: {  	s10 =	sld [smem:$0x3FB4]  }
0x39: {  	_ = 	snop;
	(pc) =	sbr.ind lr, $3  }
0x3a: {  	_ = 	snop  }
0x3b: {  	_ = 	snop  }
0x3c: {  	p2 =	seq.s32 s10, $0x1;
	s10 =	sld [smem:$0x3FB3]  }
0x3d: {  	_ =	shalt  }
0x3e: {  	_ =	shalt  }
0x3f: {  	_ =	shalt  }
0x40: {  	_ =	shalt  }
0x41: {  	_ =	shalt  }
0x42: {  	_ =	shalt  }
0x43: {  	_ =	shalt  }
0x44: {  	_ =	shalt  }
0x45: {  	_ =	shalt  }
0x46: {  	_ =	shalt  }
0x47: {  	_ =	shalt  }
0x48: {  	_ =	shalt  }
0x49: {  	_ =	shalt  }
0x4a: {  	_ =	shalt  }
0x4b: {  	_ =	shalt  }
0x4c: {  	_ =	shalt  }
0x4d: {  	_ =	shalt  }
0x4e: {  	_ =	shalt  }
0x4f: {  	_ =	shalt  }
0x50: {  	_ =	shalt  }
0x51: {  	_ =	shalt  }
0x52: {  	_ =	shalt  }
0x53: {  	_ =	shalt  }
0x54: {  	_ =	shalt  }
0x55: {  	_ =	shalt  }
0x56: {  	_ =	shalt  }
0x57: {  	_ =	shalt  }
0x58: {  	_ =	shalt  }
0x59: {  	_ =	shalt  }
0x5a: {  	_ =	shalt  }
0x5b: {  	_ =	shalt  }
0x5c: {  	_ =	shalt  }
0x5d: {  	_ =	shalt  }
0x5e: {  	_ =	shalt  }
0x5f: {  	_ =	shalt  }
0x60: {  	_ =	shalt  }
0x61: {  	_ =	shalt  }
0x62: {  	_ =	shalt  }
0x63: {  	_ =	shalt  }
0x64: {  	_ =	shalt  }
0x65: {  	_ =	shalt  }
0x66: {  	_ =	shalt  }
0x67: {  	_ =	shalt  }
0x68: {  	_ =	shalt  }
0x69: {  	_ =	shalt  }
0x6a: {  	_ =	shalt  }
0x6b: {  	_ =	shalt  }
0x6c: {  	_ =	shalt  }
0x6d: {  	_ =	shalt  }
0x6e: {  	_ =	shalt  }
0x6f: {  	_ =	shalt  }
0x70: {  	_ =	shalt  }
0x71: {  	_ =	shalt  }
0x72: {  	_ =	shalt  }
0x73: {  	_ =	shalt  }
0x74: {  	_ =	shalt  }
0x75: {  	_ =	shalt  }
0x76: {  	_ =	shalt  }
0x77: {  	_ =	shalt  }
0x78: {  	_ =	shalt  }
0x79: {  	_ =	shalt  }
0x7a: {  	_ =	shalt  }
0x7b: {  	_ =	shalt  }
0x7c: {  	_ =	shalt  }
0x7d: {  	_ =	shalt  }
0x7e: {  	_ =	shalt  }
0x7f: {  	_ =	shalt  }
0x80: {  	_ =	shalt  }
0x81: {  	_ =	shalt  }
0x82: {  	_ =	shalt  }
0x83: {  	_ =	shalt  }
0x84: {  	_ =	shalt  }
0x85: {  	_ =	shalt  }
0x86: {  	_ =	shalt  }
0x87: {  	_ =	shalt  }
.Lfunc_end0:
.L_simem_size_0:
called_computation.1_lowered:
.L_overlay_start_0:
0x88: {  	s2 =	sld [smem:$0x3FD9]  }
0x89: {  	s3 =	sld [smem:$0x3FFE];
	_ =	sdelay $0x1  }
0x8a: {  	s1 =	srdreg.scid  }
0x8b: {  	s0 =	sand.u32 $0x1, s1  }
0x8c: {  	s16 =	sshll.u32 s0, $0xA;
	s2 =	sadd.s32 s3, s2  }
0x8d: {  	s2 =	sadd.s32 s2, s16  }
0x8e: {  	[smem:$0x3FBF] =	sst s2  }
0x8f: {  	_ = 	snop  }
0x90: {  	(tm) =	ssettm $0x1  }
0x91: {  	s17 =	sld [smem:$0x3FFB];
	_ =	sdelay $0x3  }
0x92: {  	_ =	strace s17  }
0x93: {  	s2 =	sld [smem:$0x3FFC];
	_ =	sdelay $0x3  }
0x94: {  	_ =	strace s2  }
0x95: {  	s2 =	sld [smem:$0x3FFD];
	_ =	sdelay $0x3  }
0x96: {  	_ =	strace s2  }
0x97: {  	_ =	strace $0x8FFFFFFF  }
0x98: {  	s18 =	sld [smem:$0x3FDB];
	_ =	sdelay $0x1  }
0x99: {  	s19 =	simm.s32 $_scs_section_size  }
0x9a: {  	s4 =	simm.s32 $_size__tile_overlayer_lowered;
	s5 =	simm.s32 $_tile_overlayer_lowered  }
0x9b: {  	s22 =	simm.s32 $0x1BFF;
	s21 =	sshll.u32 s5, $0x1;
	s2 =	sadd.s32 s19, s18  }
0x9c: {  	s6 =	simm.s32 $0x0;
	s20 =	sshll.u32 s4, $0x1;
	s4 =	sadd.s32 s21, s2  }
0x9d: {  	[timem:s6], [sflag:s22] =	dma.local [hbm:s4], s20  }
0x9e: {  	_ =	swait.ge [sflag:s22], s20  }
0x9f: {  	s3 =	ssub.s32 $0x0, s20;
	[sflag:s22] =	ssyncset.done $0x0  }
0xa0: {  	[sflag:s22] =	ssyncadd.s32 s3;
	_ =	sdelay $0x1  }
0xa1: {  	s23 =	simm.s32 $0x1B8B  }
0xa2: {  	_ =	swait.ge [sflag:s23], $0x1  }
0xa3: {  	[sflag:s23] =	ssyncset.done $0x0  }
0xa4: {  	s25 =	simm.s32 $0x1B8E;
	s24 =	sld [smem:$0x3FFE];
	[sflag:s23] =	ssyncadd.s32 $0xFFFFFFFF  }
0xa5: {  	s26 =	simm.s32 $execute0_lowered;
	[smem:$0x3FD2] =	sst s25  }
0xa6: {  	s4 =	sshll.u32 s26, $0x1;
	_ =	strace $0x80000049;
	[dreg:$0x1] =	wrdreg $0xFFFFFFFF  }
0xa7: {  	s28 =	simm.s32 $_size_execute0_lowered;
	s2 =	sadd.s32 s2, s4;
	[dreg:$0x0] =	wrdreg $0x0  }
0xa8: {  	s4 =	sshll.u32 s28, $0x1;
	[dreg:$0x2] =	wrdreg s2  }
0xa9: {  	[dreg:$0x3] =	wrdreg s4  }
0xaa: {  	[dreg:$0x4] =	wrdreg $0xC0  }
0xab: {  	_ =	task [dreg:s6], $0x5FFFF  }
0xac: {  	[dreg:$0x1] =	wrdreg $0xFFFFFFFF  }
0xad: {  	[dreg:$0x0] =	wrdreg $0x60  }
0xae: {  	[dreg:$0x2] =	wrdreg s24  }
0xaf: {  	[dreg:$0x3] =	wrdreg $0xA8000  }
0xb0: {  	[dreg:$0x4] =	wrdreg $0x9  }
0xb1: {  	_ =	task.clear_ibuf [dreg:s6], $0x5FFFF;
	_ =	strace $0x90000049  }
0xb2: {  	s29 =	simm.s32 $0x9;
	_ =	strace $0x8000004B  }
0xb3: {  	_ =	swait.ge [sflag:s29], $0x1  }
0xb4: {  	[sflag:s29] =	ssyncadd.s32 $0xFFFFFFFF  }
0xb5: {  	_ =	strace $0x9000004B  }
0xb6: {  	_ =	sfence  }
0xb7: {  	s30 =	sld [smem:$0x0];
	_ =	sdelay $0x2  }
0xb8: {  	s31 =	sshll.u32 s1, $0xD;
	s1 =	sshrl.u32 s1, $0x2  }
0xb9: {  	s3 =	sand.u32 $0x4000, s31;
	s1 =	sadd.s32 s1, s30  }
0xba: {  	s0 =	sor.u32 s3, s0;
	s1 =	sshll.u32 s1, $0x11  }
0xbb: {  	s0 =	sor.u32 s1, s0  }
0xbc: {  	s0 =	sadd.s32 $0x8F2B, s0  }
0xbd: {  	[sflag:s0] =	ssyncadd.remote.s32 $0x1  }
0xbe: {  	_ =	sfence.sel $0xFFFF  }
0xbf: {  	[dreg:$0x0] =	wrdreg $0xFFFFFFFF;
	(pc) =	sbr.abs _section_cstart, $3  }
0xc0: {  	[dreg:$0x1] =	wrdreg $0xFFFFFFFF  }
0xc1: {  	_ =	task.clear_ibuf [dreg:s6], $0x2FFFF;
	_ =	strace $0x9FFFFFFF  }
0xc2: {  	(tm) =	ssettm $0x7FFFFFFF  }
0xc3: {  	_ =	shalt  }
tec
execute0_lowered:
.L_overlay_start_1:
0x0: {  	(tag) =	ssettag $0x1  }
0x1: {  	s5 =	rddreg [dreg:$0x0]  }
0x2: {  	s2 =	rddreg [dreg:$0x1]  }
0x3: {  	s0 =	rddreg [dreg:$0x2];
	s3 =	simm.s32 $0x0;
	s4 =	srdreg.scid  }
0x4: {  	s1 =	stileid.u32;
	s17 =	simm.s32 $0x3;
	s18 =	simm.s32 $0x1400  }
0x5: {  	s19 =	simm.s32 $0x80;
	s20 =	simm.s32 $0x6800;
	s21 =	simm.s32 $0x1  }
0x6: {  	s22 =	simm.s32 $0x2;
	s23 =	simm.s32 $0x1380;
	s24 =	simm.s32 $0x2700  }
0x7: {  	s25 =	simm.s32 $0x2780;
	[smem:$0x7FF] =	sst s3;
	s6 =	smul.u32 $0x2780, s1  }
0x8: {  	s10 =	sand.u32 $0x1, s4;
	s4 =	sadd.s32 $0x17400, s5;
	s8 =	smul.u32 $0x4F000, s1  }
0x9: {  	s14 =	sadd.s32 $0x3400, s5;
	s15 =	sadd.s32 $0xD400, s5;
	s13 =	smul.u32 $0x500, s1  }
0xa: {  	_ =	strace $0x8000004A;
	s7 =	smul.u32 $0x27800, s10;
	s29 =	ssub.s32 $0x2, s10  }
0xb: {  	p0 =	seq.s32 s10, $0x0;
	s30 =	sshrl.u32 s29, $0x1;
	s31 =	sshrl.u32 s8, $0x2  }
0xc: {  	s16 =	sadd.s32 $0x5000, s13;
	s6 =	sadd.s32 s6, s7;
	s12 =	ssub.s32 s29, s30  }
0xd: {  	s16 =	smov.u32 @p0 s13;
	s11 =	sadd.s32 s6, s5;
	s5 =	sadd.s32 s31, s2  }
0xe: {  	s13 =	sadd.s32 s15, s16;
	s6 =	sadd.s32 $0x4000, s5;
	s7 =	sadd.s32 $0x8000, s5  }
0xf: {  	s8 =	sadd.s32 $0xC000, s5;
	s9 =	sadd.s32 $0x10000, s5;
	s10 =	sadd.s32 $0x3EC00, s11  }
0x10: {  	s11 =	smax.u32 s12, $0x1;
	s12 =	sadd.s32 s14, s16;
	s16 =	sadd.s32 $0x280, s16  }
0x11: {  	v0 =	vimm.f32 $0.0e+00;
	s14 =	sadd.s32 s14, s16;
	s15 =	sadd.s32 s15, s16;
	s16 =	simm.s32 $0x2800  }
.LBB2_1:
0x12: {  	s26 =	simm.s32 $0x0;
	s28 =	simm.s32 $0x200  }
.LBB2_2:
0x13: {  	p0 =	sne.s32 s28, $0xFE00;
	[tilespmem:s26+$0x2870] =	vst v0  }
0x14: {  	[tilespmem:s26+$0x2800] =	vst v0  }
0x15: {  	[tilespmem:s26+$0x2810] =	vst v0  }
.Ltmp0:
0x16: {  	[tilespmem:s26+$0x2820] =	vst v0;
	(pc) =	sbr.rel @p0 .LBB2_2-.Ltmp0, $4  }
0x17: {  	[tilespmem:s26+$0x2830] =	vst v0  }
0x18: {  	[tilespmem:s26+$0x2840] =	vst v0  }
0x19: {  	[tilespmem:s26+$0x2850] =	vst v0  }
0x1a: {  	[tilespmem:s26+$0x2860] =	vst v0;
	s26 =	sshra.s32 s28, $0x2;
	s28 =	sadd.s32 $0x200, s28  }
0x1b: {  	[tilespmem:s26+$0x2870] =	vst v0  }
0x1c: {  	[tilespmem:s26+$0x2800] =	vst v0  }
0x1d: {  	[tilespmem:s26+$0x2810] =	vst v0  }
0x1e: {  	[tilespmem:s26+$0x2820] =	vst v0  }
0x1f: {  	[tilespmem:s26+$0x2830] =	vst v0  }
0x20: {  	[tilespmem:s26+$0x2840] =	vst v0  }
0x21: {  	[tilespmem:s26+$0x2850] =	vst v0  }
0x22: {  	[tilespmem:s26+$0x2860] =	vst v0  }
0x23: {  	[spmem:s5] =	stream.linear.scatter [tilespmem:s16], [sflag:$0x3], $0x4000, $0x38;
	[tilespmem:$0x1E400] =	vst v63  }
0x24: {  	_ =	swait.ge [sflag:s17], $0x4000  }
0x25: {  	[sflag:s17] =	ssyncset.done $0x0  }
0x26: {  	[sflag:s17] =	ssyncadd.s32 $0xFFFFC000  }
0x27: {  	[spmem:s6] =	stream.linear.scatter [tilespmem:s16], [sflag:$0x3], $0x4000, $0x38;
	[tilespmem:$0x1E400] =	vst v63  }
0x28: {  	_ =	swait.ge [sflag:s17], $0x4000  }
0x29: {  	[sflag:s17] =	ssyncset.done $0x0  }
0x2a: {  	[sflag:s17] =	ssyncadd.s32 $0xFFFFC000  }
0x2b: {  	[spmem:s7] =	stream.linear.scatter [tilespmem:s16], [sflag:$0x3], $0x4000, $0x38;
	[tilespmem:$0x1E400] =	vst v63  }
0x2c: {  	_ =	swait.ge [sflag:s17], $0x4000  }
0x2d: {  	[sflag:s17] =	ssyncset.done $0x0  }
0x2e: {  	[sflag:s17] =	ssyncadd.s32 $0xFFFFC000  }
0x2f: {  	[spmem:s8] =	stream.linear.scatter [tilespmem:s16], [sflag:$0x3], $0x4000, $0x38;
	[tilespmem:$0x1E400] =	vst v63  }
0x30: {  	_ =	swait.ge [sflag:s17], $0x4000  }
0x31: {  	[sflag:s17] =	ssyncset.done $0x0  }
0x32: {  	[sflag:s17] =	ssyncadd.s32 $0xFFFFC000  }
0x33: {  	[spmem:s9] =	stream.linear.scatter [tilespmem:s16], [sflag:$0x3], $0x3C00, $0x38;
	[tilespmem:$0x1E400] =	vst v63  }
0x34: {  	_ =	swait.ge [sflag:s17], $0x3C00  }
0x35: {  	[sflag:s17] =	ssyncset.done $0x0  }
0x36: {  	[sflag:s17] =	ssyncadd.s32 $0xFFFFC400  }
0x37: {  	s30 =	simm.s32 $0x0;
	[bflag:$0x0] =	sbarrier.arrive $0xFFFF  }
0x38: {  	[tilespmem:s30], [sflag:$0x3] =	stream.linear.gather [hbm4b:s12+s30], $0x1400, $0x38;
	[tilespmem:$0x1E400] =	vst v63  }
0x39: {  	_ =	swait.ge [sflag:s17], $0x1400  }
0x3a: {  	[sflag:s17] =	ssyncset.done $0x0  }
0x3b: {  	[sflag:s17] =	ssyncadd.s32 $0xFFFFEC00  }
0x3c: {  	[tilespmem:s18], [sflag:$0x3] =	stream.linear.gather [hbm4b:s13+s30], $0x1400, $0x38;
	[tilespmem:$0x1E400] =	vst v63  }
0x3d: {  	_ =	swait.ge [sflag:s17], $0x1400  }
0x3e: {  	[sflag:s17] =	ssyncset.done $0x0  }
0x3f: {  	[sflag:s17] =	ssyncadd.s32 $0xFFFFEC00  }
0x40: {  	[tilespmem:s16], [sflag:$0x1] =	stream.indirect.gather [hbm4b:s4+s19], $0x80, s30, s19, $0xb8;
	[tilespmem:$0x1E400] =	vst v63  }
0x41: {  	s31 =	simm.s32 $0x80  }
0x42: {  	[tilespmem:s20], [sflag:$0x2] =	stream.indirect.gather [hbm4b:s4+s19], $0x80, s31, s19, $0xb8;
	[tilespmem:$0x1E400] =	vst v63  }
0x43: {  	_ =	swait.ge [sflag:s21], $0x4000  }
0x44: {  	[sflag:s21] =	ssyncset.done $0x0  }
0x45: {  	s29 =	simm.s32 $0x1400;
	[sflag:s21] =	ssyncadd.s32 $0xFFFFC000  }
0x46: {  	[spmem:s2] =	stream.indirect.scatter.add.f32 [tilespmem:s16], [sflag:$0x3], $0x80, s29, s19, $0xb8;
	[tilespmem:$0x1E400] =	vst v63  }
0x47: {  	_ =	swait.ge [sflag:s17], $0x4000  }
0x48: {  	[sflag:s17] =	ssyncset.done $0x0  }
0x49: {  	s30 =	simm.s32 $0x100;
	[sflag:s17] =	ssyncadd.s32 $0xFFFFC000  }
0x4a: {  	[tilespmem:s16], [sflag:$0x1] =	stream.indirect.gather [hbm4b:s4+s19], $0x80, s30, s19, $0xb8;
	[tilespmem:$0x1E400] =	vst v63  }
0x4b: {  	_ =	swait.ge [sflag:s22], $0x4000  }
0x4c: {  	[sflag:s22] =	ssyncset.done $0x0  }
0x4d: {  	s31 =	simm.s32 $0x1480;
	[sflag:s22] =	ssyncadd.s32 $0xFFFFC000  }
0x4e: {  	[spmem:s2] =	stream.indirect.scatter.add.f32 [tilespmem:s20], [sflag:$0x3], $0x80, s31, s19, $0xb8;
	[tilespmem:$0x1E400] =	vst v63  }
0x4f: {  	_ =	swait.ge [sflag:s17], $0x4000  }
0x50: {  	s28 =	simm.s32 $0x800;
	s26 =	simm.s32 $0x100;
	[sflag:s17] =	ssyncset.done $0x0  }
.LBB2_4:
0x51: {  	s29 =	sadd.s32 $0x80, s26  }
0x52: {  	[sflag:s17] =	ssyncadd.s32 $0xFFFFC000;
	s30 =	smov.u32 s28;
	s31 =	sadd.s32 $0x400, s28  }
0x53: {  	[tilespmem:s20], [sflag:$0x2] =	stream.indirect.gather [hbm4b:s4+s19], $0x80, s29, s19, $0xb8;
	[tilespmem:$0x1E400] =	vst v63  }
0x54: {  	p0 =	sne.s32 s28, $0x4800;
	_ =	swait.ge [sflag:s21], $0x4000  }
0x55: {  	[sflag:s21] =	ssyncset.done $0x0  }
0x56: {  	s28 =	sadd.s32 $0x1400, s26;
	[sflag:s21] =	ssyncadd.s32 $0xFFFFC000  }
0x57: {  	[spmem:s2] =	stream.indirect.scatter.add.f32 [tilespmem:s16], [sflag:$0x3], $0x80, s28, s19, $0xb8;
	[tilespmem:$0x1E400] =	vst v63  }
0x58: {  	_ =	swait.ge [sflag:s17], $0x4000  }
0x59: {  	[sflag:s17] =	ssyncset.done $0x0  }
0x5a: {  	s28 =	sadd.s32 $0x100, s26;
	[sflag:s17] =	ssyncadd.s32 $0xFFFFC000  }
0x5b: {  	[tilespmem:s16], [sflag:$0x1] =	stream.indirect.gather [hbm4b:s4+s19], $0x80, s28, s19, $0xb8;
	[tilespmem:$0x1E400] =	vst v63  }
0x5c: {  	_ =	swait.ge [sflag:s22], $0x4000  }
.Ltmp1:
0x5d: {  	[sflag:s22] =	ssyncset.done $0x0;
	(pc) =	sbr.rel @p0 .LBB2_4-.Ltmp1, $4  }
0x5e: {  	s26 =	sadd.s32 $0x1480, s26;
	[sflag:s22] =	ssyncadd.s32 $0xFFFFC000  }
0x5f: {  	[spmem:s2] =	stream.indirect.scatter.add.f32 [tilespmem:s20], [sflag:$0x3], $0x80, s26, s19, $0xb8;
	[tilespmem:$0x1E400] =	vst v63  }
0x60: {  	_ =	swait.ge [sflag:s17], $0x4000  }
0x61: {  	s28 =	smov.u32 s31;
	s26 =	sshra.s32 s30, $0x2;
	[sflag:s17] =	ssyncset.done $0x0  }
0x62: {  	s28 =	sadd.s32 $0x80, s26;
	[sflag:s17] =	ssyncadd.s32 $0xFFFFC000  }
0x63: {  	[tilespmem:s20], [sflag:$0x2] =	stream.indirect.gather [hbm4b:s4+s19], $0x80, s28, s19, $0xb8;
	[tilespmem:$0x1E400] =	vst v63  }
0x64: {  	_ =	swait.ge [sflag:s21], $0x4000  }
0x65: {  	[sflag:s21] =	ssyncset.done $0x0  }
0x66: {  	s28 =	sadd.s32 $0x1400, s26;
	[sflag:s21] =	ssyncadd.s32 $0xFFFFC000  }
0x67: {  	[spmem:s2] =	stream.indirect.scatter.add.f32 [tilespmem:s16], [sflag:$0x3], $0x80, s28, s19, $0xb8;
	[tilespmem:$0x1E400] =	vst v63  }
0x68: {  	_ =	swait.ge [sflag:s17], $0x4000  }
0x69: {  	[sflag:s17] =	ssyncset.done $0x0  }
0x6a: {  	s28 =	sadd.s32 $0x100, s26;
	[sflag:s17] =	ssyncadd.s32 $0xFFFFC000  }
0x6b: {  	[tilespmem:s16], [sflag:$0x1] =	stream.indirect.gather [hbm4b:s4+s19], $0x80, s28, s19, $0xb8;
	[tilespmem:$0x1E400] =	vst v63  }
0x6c: {  	_ =	swait.ge [sflag:s22], $0x4000  }
0x6d: {  	[sflag:s22] =	ssyncset.done $0x0  }
0x6e: {  	s29 =	sadd.s32 $0x1480, s26;
	[sflag:s22] =	ssyncadd.s32 $0xFFFFC000  }
0x6f: {  	[spmem:s2] =	stream.indirect.scatter.add.f32 [tilespmem:s20], [sflag:$0x3], $0x80, s29, s19, $0xb8;
	[tilespmem:$0x1E400] =	vst v63  }
0x70: {  	_ =	swait.ge [sflag:s17], $0x4000  }
0x71: {  	[sflag:s17] =	ssyncset.done $0x0  }
0x72: {  	[sflag:s17] =	ssyncadd.s32 $0xFFFFC000  }
0x73: {  	[tilespmem:s20], [sflag:$0x2] =	stream.indirect.gather [hbm4b:s4+s19], $0x80, s23, s19, $0xb8;
	[tilespmem:$0x1E400] =	vst v63  }
0x74: {  	_ =	swait.ge [sflag:s21], $0x4000  }
0x75: {  	[sflag:s21] =	ssyncset.done $0x0  }
0x76: {  	[sflag:s21] =	ssyncadd.s32 $0xFFFFC000  }
0x77: {  	[spmem:s2] =	stream.indirect.scatter.add.f32 [tilespmem:s16], [sflag:$0x3], $0x80, s24, s19, $0xb8;
	[tilespmem:$0x1E400] =	vst v63  }
0x78: {  	_ =	swait.ge [sflag:s17], $0x4000  }
0x79: {  	[sflag:s17] =	ssyncset.done $0x0  }
0x7a: {  	[sflag:s17] =	ssyncadd.s32 $0xFFFFC000  }
0x7b: {  	_ =	swait.ge [sflag:s22], $0x4000  }
0x7c: {  	[sflag:s22] =	ssyncset.done $0x0  }
0x7d: {  	[sflag:s22] =	ssyncadd.s32 $0xFFFFC000  }
0x7e: {  	[spmem:s2] =	stream.indirect.scatter.add.f32 [tilespmem:s20], [sflag:$0x3], $0x80, s25, s19, $0xb8;
	[tilespmem:$0x1E400] =	vst v63  }
0x7f: {  	_ =	swait.ge [sflag:s17], $0x4000  }
0x80: {  	[sflag:s17] =	ssyncset.done $0x0  }
0x81: {  	s30 =	simm.s32 $0x0;
	[sflag:s17] =	ssyncadd.s32 $0xFFFFC000  }
0x82: {  	[tilespmem:s30], [sflag:$0x3] =	stream.linear.gather [hbm4b:s14+s30], $0x1400, $0x38;
	[tilespmem:$0x1E400] =	vst v63  }
0x83: {  	_ =	swait.ge [sflag:s17], $0x1400  }
0x84: {  	[sflag:s17] =	ssyncset.done $0x0  }
0x85: {  	[sflag:s17] =	ssyncadd.s32 $0xFFFFEC00  }
0x86: {  	[tilespmem:s18], [sflag:$0x3] =	stream.linear.gather [hbm4b:s15+s30], $0x1400, $0x38;
	[tilespmem:$0x1E400] =	vst v63  }
0x87: {  	_ =	swait.ge [sflag:s17], $0x1400  }
0x88: {  	[sflag:s17] =	ssyncset.done $0x0  }
0x89: {  	[sflag:s17] =	ssyncadd.s32 $0xFFFFEC00  }
0x8a: {  	[tilespmem:s16], [sflag:$0x1] =	stream.indirect.gather [hbm4b:s4+s19], $0x80, s30, s19, $0xb8;
	[tilespmem:$0x1E400] =	vst v63  }
0x8b: {  	s31 =	simm.s32 $0x80  }
0x8c: {  	[tilespmem:s20], [sflag:$0x2] =	stream.indirect.gather [hbm4b:s4+s19], $0x80, s31, s19, $0xb8;
	[tilespmem:$0x1E400] =	vst v63  }
0x8d: {  	_ =	swait.ge [sflag:s21], $0x4000  }
0x8e: {  	[sflag:s21] =	ssyncset.done $0x0  }
0x8f: {  	s29 =	simm.s32 $0x1400;
	[sflag:s21] =	ssyncadd.s32 $0xFFFFC000  }
0x90: {  	[spmem:s2] =	stream.indirect.scatter.add.f32 [tilespmem:s16], [sflag:$0x3], $0x80, s29, s19, $0xb8;
	[tilespmem:$0x1E400] =	vst v63  }
0x91: {  	_ =	swait.ge [sflag:s17], $0x4000  }
0x92: {  	[sflag:s17] =	ssyncset.done $0x0  }
0x93: {  	s30 =	simm.s32 $0x100;
	[sflag:s17] =	ssyncadd.s32 $0xFFFFC000  }
0x94: {  	[tilespmem:s16], [sflag:$0x1] =	stream.indirect.gather [hbm4b:s4+s19], $0x80, s30, s19, $0xb8;
	[tilespmem:$0x1E400] =	vst v63  }
0x95: {  	_ =	swait.ge [sflag:s22], $0x4000  }
0x96: {  	[sflag:s22] =	ssyncset.done $0x0  }
0x97: {  	s31 =	simm.s32 $0x1480;
	[sflag:s22] =	ssyncadd.s32 $0xFFFFC000  }
0x98: {  	[spmem:s2] =	stream.indirect.scatter.add.f32 [tilespmem:s20], [sflag:$0x3], $0x80, s31, s19, $0xb8;
	[tilespmem:$0x1E400] =	vst v63  }
0x99: {  	_ =	swait.ge [sflag:s17], $0x4000  }
0x9a: {  	s26 =	simm.s32 $0x100;
	s28 =	simm.s32 $0x800;
	[sflag:s17] =	ssyncset.done $0x0  }
.LBB2_6:
0x9b: {  	s29 =	sadd.s32 $0x80, s26  }
0x9c: {  	[sflag:s17] =	ssyncadd.s32 $0xFFFFC000;
	s30 =	smov.u32 s28;
	s31 =	sadd.s32 $0x400, s28  }
0x9d: {  	[tilespmem:s20], [sflag:$0x2] =	stream.indirect.gather [hbm4b:s4+s19], $0x80, s29, s19, $0xb8;
	[tilespmem:$0x1E400] =	vst v63  }
0x9e: {  	p0 =	sne.s32 s28, $0x4800;
	_ =	swait.ge [sflag:s21], $0x4000  }
0x9f: {  	[sflag:s21] =	ssyncset.done $0x0  }
0xa0: {  	s28 =	sadd.s32 $0x1400, s26;
	[sflag:s21] =	ssyncadd.s32 $0xFFFFC000  }
0xa1: {  	[spmem:s2] =	stream.indirect.scatter.add.f32 [tilespmem:s16], [sflag:$0x3], $0x80, s28, s19, $0xb8;
	[tilespmem:$0x1E400] =	vst v63  }
0xa2: {  	_ =	swait.ge [sflag:s17], $0x4000  }
0xa3: {  	[sflag:s17] =	ssyncset.done $0x0  }
0xa4: {  	s28 =	sadd.s32 $0x100, s26;
	[sflag:s17] =	ssyncadd.s32 $0xFFFFC000  }
0xa5: {  	[tilespmem:s16], [sflag:$0x1] =	stream.indirect.gather [hbm4b:s4+s19], $0x80, s28, s19, $0xb8;
	[tilespmem:$0x1E400] =	vst v63  }
0xa6: {  	_ =	swait.ge [sflag:s22], $0x4000  }
.Ltmp2:
0xa7: {  	[sflag:s22] =	ssyncset.done $0x0;
	(pc) =	sbr.rel @p0 .LBB2_6-.Ltmp2, $4  }
0xa8: {  	s26 =	sadd.s32 $0x1480, s26;
	[sflag:s22] =	ssyncadd.s32 $0xFFFFC000  }
0xa9: {  	[spmem:s2] =	stream.indirect.scatter.add.f32 [tilespmem:s20], [sflag:$0x3], $0x80, s26, s19, $0xb8;
	[tilespmem:$0x1E400] =	vst v63  }
0xaa: {  	_ =	swait.ge [sflag:s17], $0x4000  }
0xab: {  	s28 =	smov.u32 s31;
	s26 =	sshra.s32 s30, $0x2;
	[sflag:s17] =	ssyncset.done $0x0  }
0xac: {  	s28 =	sadd.s32 $0x80, s26;
	[sflag:s17] =	ssyncadd.s32 $0xFFFFC000  }
0xad: {  	[tilespmem:s20], [sflag:$0x2] =	stream.indirect.gather [hbm4b:s4+s19], $0x80, s28, s19, $0xb8;
	[tilespmem:$0x1E400] =	vst v63  }
0xae: {  	_ =	swait.ge [sflag:s21], $0x4000  }
0xaf: {  	[sflag:s21] =	ssyncset.done $0x0  }
0xb0: {  	s30 =	sadd.s32 $0x1400, s26;
	[sflag:s21] =	ssyncadd.s32 $0xFFFFC000  }
0xb1: {  	[spmem:s2] =	stream.indirect.scatter.add.f32 [tilespmem:s16], [sflag:$0x3], $0x80, s30, s19, $0xb8;
	[tilespmem:$0x1E400] =	vst v63  }
0xb2: {  	_ =	swait.ge [sflag:s17], $0x4000  }
0xb3: {  	[sflag:s17] =	ssyncset.done $0x0  }
0xb4: {  	s31 =	sadd.s32 $0x100, s26;
	[sflag:s17] =	ssyncadd.s32 $0xFFFFC000  }
0xb5: {  	[tilespmem:s16], [sflag:$0x1] =	stream.indirect.gather [hbm4b:s4+s19], $0x80, s31, s19, $0xb8;
	[tilespmem:$0x1E400] =	vst v63  }
0xb6: {  	_ =	swait.ge [sflag:s22], $0x4000  }
0xb7: {  	[sflag:s22] =	ssyncset.done $0x0  }
0xb8: {  	s29 =	sadd.s32 $0x1480, s26;
	[sflag:s22] =	ssyncadd.s32 $0xFFFFC000  }
0xb9: {  	[spmem:s2] =	stream.indirect.scatter.add.f32 [tilespmem:s20], [sflag:$0x3], $0x80, s29, s19, $0xb8;
	[tilespmem:$0x1E400] =	vst v63  }
0xba: {  	_ =	swait.ge [sflag:s17], $0x4000  }
0xbb: {  	[sflag:s17] =	ssyncset.done $0x0  }
0xbc: {  	[sflag:s17] =	ssyncadd.s32 $0xFFFFC000  }
0xbd: {  	[tilespmem:s20], [sflag:$0x2] =	stream.indirect.gather [hbm4b:s4+s19], $0x80, s23, s19, $0xb8;
	[tilespmem:$0x1E400] =	vst v63  }
0xbe: {  	_ =	swait.ge [sflag:s21], $0x4000  }
0xbf: {  	[sflag:s21] =	ssyncset.done $0x0  }
0xc0: {  	[sflag:s21] =	ssyncadd.s32 $0xFFFFC000  }
0xc1: {  	[spmem:s2] =	stream.indirect.scatter.add.f32 [tilespmem:s16], [sflag:$0x3], $0x80, s24, s19, $0xb8;
	[tilespmem:$0x1E400] =	vst v63  }
0xc2: {  	_ =	swait.ge [sflag:s17], $0x4000  }
0xc3: {  	[sflag:s17] =	ssyncset.done $0x0  }
0xc4: {  	[sflag:s17] =	ssyncadd.s32 $0xFFFFC000  }
0xc5: {  	_ =	swait.ge [sflag:s22], $0x4000  }
0xc6: {  	[sflag:s22] =	ssyncset.done $0x0  }
0xc7: {  	[sflag:s22] =	ssyncadd.s32 $0xFFFFC000  }
0xc8: {  	[spmem:s2] =	stream.indirect.scatter.add.f32 [tilespmem:s20], [sflag:$0x3], $0x80, s25, s19, $0xb8;
	[tilespmem:$0x1E400] =	vst v63  }
0xc9: {  	_ =	swait.ge [sflag:s17], $0x4000  }
0xca: {  	s3 =	sadd.s32 $0x1, s3;
	s30 =	sshll.u32 s1, $0x6;
	[sflag:s17] =	ssyncset.done $0x0  }
0xcb: {  	p0 =	sne.s32 s3, s11;
	s26 =	sor.u32 $0x1C03, s30;
	[sflag:s17] =	ssyncadd.s32 $0xFFFFC000  }
.Ltmp3:
0xcc: {  	s31 =	sshrl.u32 s5, $0x3;
	[bflag:$0x0] =	sbarrier.arrive $0xFFFF;
	(pc) =	sbr.rel @p0 .LBB2_1-.Ltmp3, $4  }
0xcd: {  	[hbm:s10], [sflag:s26] =	dma.local [spmem:s31], $0x2780  }
0xce: {  	_ =	swait.ge [sflag:s17], $0x2780  }
0xcf: {  	[sflag:s17] =	ssyncset.done $0x0  }
0xd0: {  	[sflag:s17] =	ssyncadd.s32 $0xFFFFD880  }
0xd1: {  	_ =	sfence.sel $0x180000  }
0xd2: {  	[bflag:$0x0] =	sbarrier.arrive $0xFFFF  }
0xd3: {  	p0 =	sne.s32 s1, $0x0;
	_ =	strace $0x9000004A  }
0xd4: {  	s0 =	sadd.s32 @!p0 $0x100000, s0;
	[bflag:$0x2] =	sbarrier.arrive $0xFFFF  }
0xd5: {  	[sflag:s0] =	ssyncadd.tile.s32 @!p0 $0x1;
	_ =	shalt  }
.Lfunc_end2:
_tile_overlayer_lowered:
.L_overlay_start_2:
0xd6: {  	(tag) =	ssettag $0x2  }
0xd7: {  	s0 =	rddreg [dreg:$0x0];
	s2 =	stileid.u32  }
0xd8: {  	s1 =	rddreg [dreg:$0x1];
	p0 =	sne.s32 s2, $0x0  }
0xd9: {  	s3 =	rddreg [dreg:$0x2];
	[bflag:$0x3] =	sbarrier.arrive $0xFFFF;
	s2 =	simm.s32 @!p0 $0x1C03  }
0xda: {  	[timem:s3], [sflag:s2] =	dma.local @!p0 [hbm:s0], s1  }
0xdb: {  	s0 =	simm.s32 @!p0 $0x3  }
0xdc: {  	_ =	swait.ge @!p0 [sflag:s0], s1  }
0xdd: {  	s1 =	ssub.s32 @!p0 $0x0, s1;
	[sflag:s0] =	ssyncset.done @!p0 $0x0  }
0xde: {  	[sflag:s0] =	ssyncadd.s32 @!p0 s1  }
0xdf: {  	[bflag:$0x3] =	sbarrier.arrive $0xFFFF  }
0xe0: {  	_ =	shalt  }

// kernel: kernel.15.cloned.1.call-start
scs
__scs_entry_jumppad:
0x0: {  	(pc) =	sbr.rel $0x88, $3  }
0x1: {  	(tag) =	ssettag $0x0;
	lr =	simm.s32 $0x1  }
0x2: {  	[smem:$0x3F98] =	sst lr;
	_ =	strace $0xD0000000  }
0x3: {  	_ = 	snop  }
0x4: {  	_ = 	snop  }
0x5: {  	_ = 	snop  }
0x6: {  	_ = 	snop  }
0x7: {  	_ = 	snop  }
__scs_overlays_trampoline_lowered:
0x8: {  	[smem:$0x3FA7] =	sst s0  }
0x9: {  	[smem:$0x3FA8] =	sst s1  }
0xa: {  	[smem:$0x3FA9] =	sst s2  }
0xb: {  	[smem:$0x3FAA] =	sst s3  }
0xc: {  	[smem:$0x3FAB] =	sst s4  }
0xd: {  	[smem:$0x3FAC] =	sst s5  }
0xe: {  	[smem:$0x3FAD] =	sst s6  }
0xf: {  	[smem:$0x3FAE] =	sst s7  }
0x10: {  	[smem:$0x3FAF] =	sst s8  }
0x11: {  	[smem:$0x3FB0] =	sst s9;
	s0 =	simm.s32 @!p0 $0x0  }
0x12: {  	s1 =	sld [smem:$0x3F96];
	s0 =	simm.s32 @p0 $0x1  }
0x13: {  	[smem:$0x3FB1] =	sst s0;
	s0 =	simm.s32 @!p1 $0x0  }
0x14: {  	s2 =	sld [smem:$0x3F95];
	s0 =	simm.s32 @p1 $0x1  }
0x15: {  	[smem:$0x3FB2] =	sst s0;
	s0 =	simm.s32 @!p2 $0x0  }
0x16: {  	s3 =	sld [smem:$0x3FDB];
	s0 =	simm.s32 @p2 $0x1  }
0x17: {  	s4 =	simm.s32 $0x1BF5;
	[smem:$0x3FB4] =	sst s0  }
0x18: {  	s0 =	sld [smem:$0x3F97];
	_ =	swait.ge [sflag:s4], $0x0  }
0x19: {  	s7 =	sld [smem:$0x3F98]  }
0x1a: {  	s8 =	sadd.s32 $0xFFFFE003, lr  }
0x1b: {  	s9 =	sadd.s32 $0xFFFFFEF7, lr;
	s5 =	simm.s32 $0xFFFFFFFF;
	p2 =	slt.u32 s8, $0xFFFFF086  }
0x1c: {  	p1 =	slt.u32 s9, $0xF7A;
	s5 =	simm.s32 @!p2 $0x0  }
0x1d: {  	s5 =	simm.s32 @p1 $0x1;
	p0 =	seq.s32 s7, s2  }
0x1e: {  	s7 =	smul.u32 @!p0 $0xF7A, s2;
	p2 =	seq.s32 @!p0 s5, $0x0  }
0x1f: {  	s9 =	smul.u32 $0xF7A, s1;
	s8 =	simm.s32 @!p0 $0x1BF5;
	p2 =	por !p2, p0  }
0x20: {  	[sflag:s8] =	ssyncset.s32 @!p0 $0xFFFFF086;
	s6 =	sadd.s32 @!p0 s3, s7;
	s7 =	simm.s32 @!p0 $0x108  }
0x21: {  	s3 =	sadd.s32 s3, s9;
	s6 =	sadd.s32 @!p0 $0x88, s6;
	s7 =	simm.s32 @p2 $0x1082  }
0x22: {  	[simem:s7], [sflag:s8] =	dma.local @!p0 [hbm:s6], $0xF7A  }
0x23: {  	s9 =	sor.u32 $0xD0000000, s2;
	s6 =	simm.s32 $0x108;
	_ =	swait.ge @!p0 [sflag:s8], $0x0  }
0x24: {  	s3 =	sadd.s32 $0x88, s3;
	s6 =	simm.s32 @!p1 $0x1082;
	[sflag:s4] =	ssyncset.s32 $0xFFFFF086  }
0x25: {  	[simem:s6], [sflag:s4] =	dma.local [hbm:s3], $0xF7A  }
0x26: {  	[smem:$0x3F98] =	sst s1;
	(tag) =	ssettag s2;
	_ =	strace s9  }
0x27: {  	s1 =	sld [smem:$0x3FA8]  }
0x28: {  	s2 =	sld [smem:$0x3FA9]  }
0x29: {  	s4 =	sld [smem:$0x3FAB]  }
0x2a: {  	p0 =	seq.s32 s5, $0x0;
	s5 =	sld [smem:$0x3FAC]  }
0x2b: {  	s6 =	sld [smem:$0x3FAD]  }
0x2c: {  	s7 =	sld [smem:$0x3FAE]  }
0x2d: {  	s3 =	simm.s32 $0x108;
	s8 =	sld [smem:$0x3FAF]  }
0x2e: {  	s3 =	simm.s32 @!p0 $0x1082;
	s9 =	sld [smem:$0x3FB0]  }
0x2f: {  	lr =	sadd.s32 s0, s3;
	s0 =	sld [smem:$0x3FA7]  }
0x30: {  	s3 =	sld [smem:$0x3FAA]  }
0x31: {  	[smem:$0x3FB3] =	sst s10  }
0x32: {  	s10 =	sld [smem:$0x3FB1];
	_ =	sdelay $0x3  }
0x33: {  	p0 =	seq.s32 s10, $0x1;
	s10 =	sld [smem:$0x3FB3];
	_ =	sdelay $0x3  }
0x34: {  	[smem:$0x3FB3] =	sst s10  }
0x35: {  	s10 =	sld [smem:$0x3FB2];
	_ =	sdelay $0x3  }
0x36: {  	p1 =	seq.s32 s10, $0x1;
	s10 =	sld [smem:$0x3FB3];
	_ =	sdelay $0x3  }
0x37: {  	[smem:$0x3FB3] =	sst s10  }
0x38: {  	s10 =	sld [smem:$0x3FB4]  }
0x39: {  	_ = 	snop;
	(pc) =	sbr.ind lr, $3  }
0x3a: {  	_ = 	snop  }
0x3b: {  	_ = 	snop  }
0x3c: {  	p2 =	seq.s32 s10, $0x1;
	s10 =	sld [smem:$0x3FB3]  }
0x3d: {  	_ =	shalt  }
0x3e: {  	_ =	shalt  }
0x3f: {  	_ =	shalt  }
0x40: {  	_ =	shalt  }
0x41: {  	_ =	shalt  }
0x42: {  	_ =	shalt  }
0x43: {  	_ =	shalt  }
0x44: {  	_ =	shalt  }
0x45: {  	_ =	shalt  }
0x46: {  	_ =	shalt  }
0x47: {  	_ =	shalt  }
0x48: {  	_ =	shalt  }
0x49: {  	_ =	shalt  }
0x4a: {  	_ =	shalt  }
0x4b: {  	_ =	shalt  }
0x4c: {  	_ =	shalt  }
0x4d: {  	_ =	shalt  }
0x4e: {  	_ =	shalt  }
0x4f: {  	_ =	shalt  }
0x50: {  	_ =	shalt  }
0x51: {  	_ =	shalt  }
0x52: {  	_ =	shalt  }
0x53: {  	_ =	shalt  }
0x54: {  	_ =	shalt  }
0x55: {  	_ =	shalt  }
0x56: {  	_ =	shalt  }
0x57: {  	_ =	shalt  }
0x58: {  	_ =	shalt  }
0x59: {  	_ =	shalt  }
0x5a: {  	_ =	shalt  }
0x5b: {  	_ =	shalt  }
0x5c: {  	_ =	shalt  }
0x5d: {  	_ =	shalt  }
0x5e: {  	_ =	shalt  }
0x5f: {  	_ =	shalt  }
0x60: {  	_ =	shalt  }
0x61: {  	_ =	shalt  }
0x62: {  	_ =	shalt  }
0x63: {  	_ =	shalt  }
0x64: {  	_ =	shalt  }
0x65: {  	_ =	shalt  }
0x66: {  	_ =	shalt  }
0x67: {  	_ =	shalt  }
0x68: {  	_ =	shalt  }
0x69: {  	_ =	shalt  }
0x6a: {  	_ =	shalt  }
0x6b: {  	_ =	shalt  }
0x6c: {  	_ =	shalt  }
0x6d: {  	_ =	shalt  }
0x6e: {  	_ =	shalt  }
0x6f: {  	_ =	shalt  }
0x70: {  	_ =	shalt  }
0x71: {  	_ =	shalt  }
0x72: {  	_ =	shalt  }
0x73: {  	_ =	shalt  }
0x74: {  	_ =	shalt  }
0x75: {  	_ =	shalt  }
0x76: {  	_ =	shalt  }
0x77: {  	_ =	shalt  }
0x78: {  	_ =	shalt  }
0x79: {  	_ =	shalt  }
0x7a: {  	_ =	shalt  }
0x7b: {  	_ =	shalt  }
0x7c: {  	_ =	shalt  }
0x7d: {  	_ =	shalt  }
0x7e: {  	_ =	shalt  }
0x7f: {  	_ =	shalt  }
0x80: {  	_ =	shalt  }
0x81: {  	_ =	shalt  }
0x82: {  	_ =	shalt  }
0x83: {  	_ =	shalt  }
0x84: {  	_ =	shalt  }
0x85: {  	_ =	shalt  }
0x86: {  	_ =	shalt  }
0x87: {  	_ =	shalt  }
.Lfunc_end0:
.L_simem_size_0:
called_computation.2_lowered:
.L_overlay_start_0:
0x88: {  	s2 =	sld [smem:$0x3FD9]  }
0x89: {  	s3 =	sld [smem:$0x3FFE];
	_ =	sdelay $0x1  }
0x8a: {  	s1 =	srdreg.scid  }
0x8b: {  	s0 =	sand.u32 $0x1, s1  }
0x8c: {  	s16 =	sshll.u32 s0, $0xA;
	s2 =	sadd.s32 s3, s2  }
0x8d: {  	s2 =	sadd.s32 s2, s16  }
0x8e: {  	[smem:$0x3FBF] =	sst s2  }
0x8f: {  	_ = 	snop  }
0x90: {  	(tm) =	ssettm $0x1  }
0x91: {  	s17 =	sld [smem:$0x3FFB];
	_ =	sdelay $0x3  }
0x92: {  	_ =	strace s17  }
0x93: {  	s2 =	sld [smem:$0x3FFC];
	_ =	sdelay $0x3  }
0x94: {  	_ =	strace s2  }
0x95: {  	s2 =	sld [smem:$0x3FFD];
	_ =	sdelay $0x3  }
0x96: {  	_ =	strace s2  }
0x97: {  	_ =	strace $0x8FFFFFFF  }
0x98: {  	s18 =	sld [smem:$0x3FDB];
	_ =	sdelay $0x1  }
0x99: {  	s19 =	simm.s32 $_scs_section_size  }
0x9a: {  	s4 =	simm.s32 $_size__tile_overlayer_lowered;
	s5 =	simm.s32 $_tile_overlayer_lowered  }
0x9b: {  	s22 =	simm.s32 $0x1BFF;
	s21 =	sshll.u32 s5, $0x1;
	s2 =	sadd.s32 s19, s18  }
0x9c: {  	s6 =	simm.s32 $0x0;
	s20 =	sshll.u32 s4, $0x1;
	s4 =	sadd.s32 s21, s2  }
0x9d: {  	[timem:s6], [sflag:s22] =	dma.local [hbm:s4], s20  }
0x9e: {  	_ =	swait.ge [sflag:s22], s20  }
0x9f: {  	s3 =	ssub.s32 $0x0, s20;
	[sflag:s22] =	ssyncset.done $0x0  }
0xa0: {  	[sflag:s22] =	ssyncadd.s32 s3;
	_ =	sdelay $0x1  }
0xa1: {  	s23 =	simm.s32 $0x1B8B  }
0xa2: {  	_ =	swait.ge [sflag:s23], $0x1  }
0xa3: {  	[sflag:s23] =	ssyncset.done $0x0  }
0xa4: {  	s25 =	simm.s32 $0x1B8E;
	s24 =	sld [smem:$0x3FFE];
	[sflag:s23] =	ssyncadd.s32 $0xFFFFFFFF  }
0xa5: {  	s26 =	simm.s32 $execute0_lowered;
	[smem:$0x3FD2] =	sst s25  }
0xa6: {  	s4 =	sshll.u32 s26, $0x1;
	_ =	strace $0x8000004C;
	[dreg:$0x1] =	wrdreg $0xFFFFFFFF  }
0xa7: {  	s28 =	simm.s32 $_size_execute0_lowered;
	s2 =	sadd.s32 s2, s4;
	[dreg:$0x0] =	wrdreg $0x0  }
0xa8: {  	s4 =	sshll.u32 s28, $0x1;
	[dreg:$0x2] =	wrdreg s2  }
0xa9: {  	[dreg:$0x3] =	wrdreg s4  }
0xaa: {  	[dreg:$0x4] =	wrdreg $0xC0  }
0xab: {  	_ =	task [dreg:s6], $0x5FFFF  }
0xac: {  	[dreg:$0x1] =	wrdreg $0xFFFFFFFF  }
0xad: {  	[dreg:$0x0] =	wrdreg $0x60  }
0xae: {  	[dreg:$0x2] =	wrdreg s24  }
0xaf: {  	[dreg:$0x3] =	wrdreg $0xA8000  }
0xb0: {  	[dreg:$0x4] =	wrdreg $0x9  }
0xb1: {  	_ =	task.clear_ibuf [dreg:s6], $0x5FFFF;
	_ =	strace $0x9000004C  }
0xb2: {  	s29 =	simm.s32 $0x9;
	_ =	strace $0x8000004E  }
0xb3: {  	_ =	swait.ge [sflag:s29], $0x1  }
0xb4: {  	[sflag:s29] =	ssyncadd.s32 $0xFFFFFFFF  }
0xb5: {  	_ =	strace $0x9000004E  }
0xb6: {  	_ =	sfence  }
0xb7: {  	s30 =	sld [smem:$0x0];
	_ =	sdelay $0x2  }
0xb8: {  	s31 =	sshll.u32 s1, $0xD;
	s1 =	sshrl.u32 s1, $0x2  }
0xb9: {  	s3 =	sand.u32 $0x4000, s31;
	s1 =	sadd.s32 s1, s30  }
0xba: {  	s0 =	sor.u32 s3, s0;
	s1 =	sshll.u32 s1, $0x11  }
0xbb: {  	s0 =	sor.u32 s1, s0  }
0xbc: {  	s0 =	sadd.s32 $0x8F2B, s0  }
0xbd: {  	[sflag:s0] =	ssyncadd.remote.s32 $0x1  }
0xbe: {  	_ =	sfence.sel $0xFFFF  }
0xbf: {  	[dreg:$0x0] =	wrdreg $0xFFFFFFFF;
	(pc) =	sbr.abs _section_cstart, $3  }
0xc0: {  	[dreg:$0x1] =	wrdreg $0xFFFFFFFF  }
0xc1: {  	_ =	task.clear_ibuf [dreg:s6], $0x2FFFF;
	_ =	strace $0x9FFFFFFF  }
0xc2: {  	(tm) =	ssettm $0x7FFFFFFF  }
0xc3: {  	_ =	shalt  }
tec
execute0_lowered:
.L_overlay_start_1:
0x0: {  	(tag) =	ssettag $0x1  }
0x1: {  	s5 =	rddreg [dreg:$0x0]  }
0x2: {  	s2 =	rddreg [dreg:$0x1]  }
0x3: {  	s0 =	rddreg [dreg:$0x2];
	s3 =	simm.s32 $0x0;
	s4 =	srdreg.scid  }
0x4: {  	s1 =	stileid.u32;
	s17 =	simm.s32 $0x3;
	s18 =	simm.s32 $0x1400  }
0x5: {  	s19 =	simm.s32 $0x80;
	s20 =	simm.s32 $0x6800;
	s21 =	simm.s32 $0x1  }
0x6: {  	s22 =	simm.s32 $0x2;
	s23 =	simm.s32 $0x1380;
	s24 =	simm.s32 $0x2700  }
0x7: {  	s25 =	simm.s32 $0x2780;
	[smem:$0x7FF] =	sst s3;
	s6 =	smul.u32 $0x2780, s1  }
0x8: {  	s10 =	sand.u32 $0x1, s4;
	s4 =	sadd.s32 $0x17400, s5;
	s8 =	smul.u32 $0x4F000, s1  }
0x9: {  	s14 =	sadd.s32 $0x3400, s5;
	s15 =	sadd.s32 $0xD400, s5;
	s13 =	smul.u32 $0x500, s1  }
0xa: {  	_ =	strace $0x8000004D;
	s7 =	smul.u32 $0x27800, s10;
	s29 =	ssub.s32 $0x2, s10  }
0xb: {  	p0 =	seq.s32 s10, $0x0;
	s30 =	sshrl.u32 s29, $0x1;
	s31 =	sshrl.u32 s8, $0x2  }
0xc: {  	s16 =	sadd.s32 $0x5000, s13;
	s6 =	sadd.s32 s6, s7;
	s12 =	ssub.s32 s29, s30  }
0xd: {  	s16 =	smov.u32 @p0 s13;
	s11 =	sadd.s32 s6, s5;
	s5 =	sadd.s32 s31, s2  }
0xe: {  	s13 =	sadd.s32 s15, s16;
	s6 =	sadd.s32 $0x4000, s5;
	s7 =	sadd.s32 $0x8000, s5  }
0xf: {  	s8 =	sadd.s32 $0xC000, s5;
	s9 =	sadd.s32 $0x10000, s5;
	s10 =	sadd.s32 $0x3EC00, s11  }
0x10: {  	s11 =	smax.u32 s12, $0x1;
	s12 =	sadd.s32 s14, s16;
	s16 =	sadd.s32 $0x280, s16  }
0x11: {  	v0 =	vimm.f32 $0.0e+00;
	s14 =	sadd.s32 s14, s16;
	s15 =	sadd.s32 s15, s16;
	s16 =	simm.s32 $0x2800  }
.LBB2_1:
0x12: {  	s26 =	simm.s32 $0x0;
	s28 =	simm.s32 $0x200  }
.LBB2_2:
0x13: {  	p0 =	sne.s32 s28, $0xFE00;
	[tilespmem:s26+$0x2870] =	vst v0  }
0x14: {  	[tilespmem:s26+$0x2800] =	vst v0  }
0x15: {  	[tilespmem:s26+$0x2810] =	vst v0  }
.Ltmp0:
0x16: {  	[tilespmem:s26+$0x2820] =	vst v0;
	(pc) =	sbr.rel @p0 .LBB2_2-.Ltmp0, $4  }
0x17: {  	[tilespmem:s26+$0x2830] =	vst v0  }
0x18: {  	[tilespmem:s26+$0x2840] =	vst v0  }
0x19: {  	[tilespmem:s26+$0x2850] =	vst v0  }
0x1a: {  	[tilespmem:s26+$0x2860] =	vst v0;
	s26 =	sshra.s32 s28, $0x2;
	s28 =	sadd.s32 $0x200, s28  }
0x1b: {  	[tilespmem:s26+$0x2870] =	vst v0  }
0x1c: {  	[tilespmem:s26+$0x2800] =	vst v0  }
0x1d: {  	[tilespmem:s26+$0x2810] =	vst v0  }
0x1e: {  	[tilespmem:s26+$0x2820] =	vst v0  }
0x1f: {  	[tilespmem:s26+$0x2830] =	vst v0  }
0x20: {  	[tilespmem:s26+$0x2840] =	vst v0  }
0x21: {  	[tilespmem:s26+$0x2850] =	vst v0  }
0x22: {  	[tilespmem:s26+$0x2860] =	vst v0  }
0x23: {  	[spmem:s5] =	stream.linear.scatter [tilespmem:s16], [sflag:$0x3], $0x4000, $0x38;
	[tilespmem:$0x1E400] =	vst v63  }
0x24: {  	_ =	swait.ge [sflag:s17], $0x4000  }
0x25: {  	[sflag:s17] =	ssyncset.done $0x0  }
0x26: {  	[sflag:s17] =	ssyncadd.s32 $0xFFFFC000  }
0x27: {  	[spmem:s6] =	stream.linear.scatter [tilespmem:s16], [sflag:$0x3], $0x4000, $0x38;
	[tilespmem:$0x1E400] =	vst v63  }
0x28: {  	_ =	swait.ge [sflag:s17], $0x4000  }
0x29: {  	[sflag:s17] =	ssyncset.done $0x0  }
0x2a: {  	[sflag:s17] =	ssyncadd.s32 $0xFFFFC000  }
0x2b: {  	[spmem:s7] =	stream.linear.scatter [tilespmem:s16], [sflag:$0x3], $0x4000, $0x38;
	[tilespmem:$0x1E400] =	vst v63  }
0x2c: {  	_ =	swait.ge [sflag:s17], $0x4000  }
0x2d: {  	[sflag:s17] =	ssyncset.done $0x0  }
0x2e: {  	[sflag:s17] =	ssyncadd.s32 $0xFFFFC000  }
0x2f: {  	[spmem:s8] =	stream.linear.scatter [tilespmem:s16], [sflag:$0x3], $0x4000, $0x38;
	[tilespmem:$0x1E400] =	vst v63  }
0x30: {  	_ =	swait.ge [sflag:s17], $0x4000  }
0x31: {  	[sflag:s17] =	ssyncset.done $0x0  }
0x32: {  	[sflag:s17] =	ssyncadd.s32 $0xFFFFC000  }
0x33: {  	[spmem:s9] =	stream.linear.scatter [tilespmem:s16], [sflag:$0x3], $0x3C00, $0x38;
	[tilespmem:$0x1E400] =	vst v63  }
0x34: {  	_ =	swait.ge [sflag:s17], $0x3C00  }
0x35: {  	[sflag:s17] =	ssyncset.done $0x0  }
0x36: {  	[sflag:s17] =	ssyncadd.s32 $0xFFFFC400  }
0x37: {  	s30 =	simm.s32 $0x0;
	[bflag:$0x0] =	sbarrier.arrive $0xFFFF  }
0x38: {  	[tilespmem:s30], [sflag:$0x3] =	stream.linear.gather [hbm4b:s12+s30], $0x1400, $0x38;
	[tilespmem:$0x1E400] =	vst v63  }
0x39: {  	_ =	swait.ge [sflag:s17], $0x1400  }
0x3a: {  	[sflag:s17] =	ssyncset.done $0x0  }
0x3b: {  	[sflag:s17] =	ssyncadd.s32 $0xFFFFEC00  }
0x3c: {  	[tilespmem:s18], [sflag:$0x3] =	stream.linear.gather [hbm4b:s13+s30], $0x1400, $0x38;
	[tilespmem:$0x1E400] =	vst v63  }
0x3d: {  	_ =	swait.ge [sflag:s17], $0x1400  }
0x3e: {  	[sflag:s17] =	ssyncset.done $0x0  }
0x3f: {  	[sflag:s17] =	ssyncadd.s32 $0xFFFFEC00  }
0x40: {  	[tilespmem:s16], [sflag:$0x1] =	stream.indirect.gather [hbm4b:s4+s19], $0x80, s30, s19, $0xb8;
	[tilespmem:$0x1E400] =	vst v63  }
0x41: {  	s31 =	simm.s32 $0x80  }
0x42: {  	[tilespmem:s20], [sflag:$0x2] =	stream.indirect.gather [hbm4b:s4+s19], $0x80, s31, s19, $0xb8;
	[tilespmem:$0x1E400] =	vst v63  }
0x43: {  	_ =	swait.ge [sflag:s21], $0x4000  }
0x44: {  	[sflag:s21] =	ssyncset.done $0x0  }
0x45: {  	s29 =	simm.s32 $0x1400;
	[sflag:s21] =	ssyncadd.s32 $0xFFFFC000  }
0x46: {  	[spmem:s2] =	stream.indirect.scatter.add.f32 [tilespmem:s16], [sflag:$0x3], $0x80, s29, s19, $0xb8;
	[tilespmem:$0x1E400] =	vst v63  }
0x47: {  	_ =	swait.ge [sflag:s17], $0x4000  }
0x48: {  	[sflag:s17] =	ssyncset.done $0x0  }
0x49: {  	s30 =	simm.s32 $0x100;
	[sflag:s17] =	ssyncadd.s32 $0xFFFFC000  }
0x4a: {  	[tilespmem:s16], [sflag:$0x1] =	stream.indirect.gather [hbm4b:s4+s19], $0x80, s30, s19, $0xb8;
	[tilespmem:$0x1E400] =	vst v63  }
0x4b: {  	_ =	swait.ge [sflag:s22], $0x4000  }
0x4c: {  	[sflag:s22] =	ssyncset.done $0x0  }
0x4d: {  	s31 =	simm.s32 $0x1480;
	[sflag:s22] =	ssyncadd.s32 $0xFFFFC000  }
0x4e: {  	[spmem:s2] =	stream.indirect.scatter.add.f32 [tilespmem:s20], [sflag:$0x3], $0x80, s31, s19, $0xb8;
	[tilespmem:$0x1E400] =	vst v63  }
0x4f: {  	_ =	swait.ge [sflag:s17], $0x4000  }
0x50: {  	s28 =	simm.s32 $0x800;
	s26 =	simm.s32 $0x100;
	[sflag:s17] =	ssyncset.done $0x0  }
.LBB2_4:
0x51: {  	s29 =	sadd.s32 $0x80, s26  }
0x52: {  	[sflag:s17] =	ssyncadd.s32 $0xFFFFC000;
	s30 =	smov.u32 s28;
	s31 =	sadd.s32 $0x400, s28  }
0x53: {  	[tilespmem:s20], [sflag:$0x2] =	stream.indirect.gather [hbm4b:s4+s19], $0x80, s29, s19, $0xb8;
	[tilespmem:$0x1E400] =	vst v63  }
0x54: {  	p0 =	sne.s32 s28, $0x4800;
	_ =	swait.ge [sflag:s21], $0x4000  }
0x55: {  	[sflag:s21] =	ssyncset.done $0x0  }
0x56: {  	s28 =	sadd.s32 $0x1400, s26;
	[sflag:s21] =	ssyncadd.s32 $0xFFFFC000  }
0x57: {  	[spmem:s2] =	stream.indirect.scatter.add.f32 [tilespmem:s16], [sflag:$0x3], $0x80, s28, s19, $0xb8;
	[tilespmem:$0x1E400] =	vst v63  }
0x58: {  	_ =	swait.ge [sflag:s17], $0x4000  }
0x59: {  	[sflag:s17] =	ssyncset.done $0x0  }
0x5a: {  	s28 =	sadd.s32 $0x100, s26;
	[sflag:s17] =	ssyncadd.s32 $0xFFFFC000  }
0x5b: {  	[tilespmem:s16], [sflag:$0x1] =	stream.indirect.gather [hbm4b:s4+s19], $0x80, s28, s19, $0xb8;
	[tilespmem:$0x1E400] =	vst v63  }
0x5c: {  	_ =	swait.ge [sflag:s22], $0x4000  }
.Ltmp1:
0x5d: {  	[sflag:s22] =	ssyncset.done $0x0;
	(pc) =	sbr.rel @p0 .LBB2_4-.Ltmp1, $4  }
0x5e: {  	s26 =	sadd.s32 $0x1480, s26;
	[sflag:s22] =	ssyncadd.s32 $0xFFFFC000  }
0x5f: {  	[spmem:s2] =	stream.indirect.scatter.add.f32 [tilespmem:s20], [sflag:$0x3], $0x80, s26, s19, $0xb8;
	[tilespmem:$0x1E400] =	vst v63  }
0x60: {  	_ =	swait.ge [sflag:s17], $0x4000  }
0x61: {  	s28 =	smov.u32 s31;
	s26 =	sshra.s32 s30, $0x2;
	[sflag:s17] =	ssyncset.done $0x0  }
0x62: {  	s28 =	sadd.s32 $0x80, s26;
	[sflag:s17] =	ssyncadd.s32 $0xFFFFC000  }
0x63: {  	[tilespmem:s20], [sflag:$0x2] =	stream.indirect.gather [hbm4b:s4+s19], $0x80, s28, s19, $0xb8;
	[tilespmem:$0x1E400] =	vst v63  }
0x64: {  	_ =	swait.ge [sflag:s21], $0x4000  }
0x65: {  	[sflag:s21] =	ssyncset.done $0x0  }
0x66: {  	s28 =	sadd.s32 $0x1400, s26;
	[sflag:s21] =	ssyncadd.s32 $0xFFFFC000  }
0x67: {  	[spmem:s2] =	stream.indirect.scatter.add.f32 [tilespmem:s16], [sflag:$0x3], $0x80, s28, s19, $0xb8;
	[tilespmem:$0x1E400] =	vst v63  }
0x68: {  	_ =	swait.ge [sflag:s17], $0x4000  }
0x69: {  	[sflag:s17] =	ssyncset.done $0x0  }
0x6a: {  	s28 =	sadd.s32 $0x100, s26;
	[sflag:s17] =	ssyncadd.s32 $0xFFFFC000  }
0x6b: {  	[tilespmem:s16], [sflag:$0x1] =	stream.indirect.gather [hbm4b:s4+s19], $0x80, s28, s19, $0xb8;
	[tilespmem:$0x1E400] =	vst v63  }
0x6c: {  	_ =	swait.ge [sflag:s22], $0x4000  }
0x6d: {  	[sflag:s22] =	ssyncset.done $0x0  }
0x6e: {  	s29 =	sadd.s32 $0x1480, s26;
	[sflag:s22] =	ssyncadd.s32 $0xFFFFC000  }
0x6f: {  	[spmem:s2] =	stream.indirect.scatter.add.f32 [tilespmem:s20], [sflag:$0x3], $0x80, s29, s19, $0xb8;
	[tilespmem:$0x1E400] =	vst v63  }
0x70: {  	_ =	swait.ge [sflag:s17], $0x4000  }
0x71: {  	[sflag:s17] =	ssyncset.done $0x0  }
0x72: {  	[sflag:s17] =	ssyncadd.s32 $0xFFFFC000  }
0x73: {  	[tilespmem:s20], [sflag:$0x2] =	stream.indirect.gather [hbm4b:s4+s19], $0x80, s23, s19, $0xb8;
	[tilespmem:$0x1E400] =	vst v63  }
0x74: {  	_ =	swait.ge [sflag:s21], $0x4000  }
0x75: {  	[sflag:s21] =	ssyncset.done $0x0  }
0x76: {  	[sflag:s21] =	ssyncadd.s32 $0xFFFFC000  }
0x77: {  	[spmem:s2] =	stream.indirect.scatter.add.f32 [tilespmem:s16], [sflag:$0x3], $0x80, s24, s19, $0xb8;
	[tilespmem:$0x1E400] =	vst v63  }
0x78: {  	_ =	swait.ge [sflag:s17], $0x4000  }
0x79: {  	[sflag:s17] =	ssyncset.done $0x0  }
0x7a: {  	[sflag:s17] =	ssyncadd.s32 $0xFFFFC000  }
0x7b: {  	_ =	swait.ge [sflag:s22], $0x4000  }
0x7c: {  	[sflag:s22] =	ssyncset.done $0x0  }
0x7d: {  	[sflag:s22] =	ssyncadd.s32 $0xFFFFC000  }
0x7e: {  	[spmem:s2] =	stream.indirect.scatter.add.f32 [tilespmem:s20], [sflag:$0x3], $0x80, s25, s19, $0xb8;
	[tilespmem:$0x1E400] =	vst v63  }
0x7f: {  	_ =	swait.ge [sflag:s17], $0x4000  }
0x80: {  	[sflag:s17] =	ssyncset.done $0x0  }
0x81: {  	s30 =	simm.s32 $0x0;
	[sflag:s17] =	ssyncadd.s32 $0xFFFFC000  }
0x82: {  	[tilespmem:s30], [sflag:$0x3] =	stream.linear.gather [hbm4b:s14+s30], $0x1400, $0x38;
	[tilespmem:$0x1E400] =	vst v63  }
0x83: {  	_ =	swait.ge [sflag:s17], $0x1400  }
0x84: {  	[sflag:s17] =	ssyncset.done $0x0  }
0x85: {  	[sflag:s17] =	ssyncadd.s32 $0xFFFFEC00  }
0x86: {  	[tilespmem:s18], [sflag:$0x3] =	stream.linear.gather [hbm4b:s15+s30], $0x1400, $0x38;
	[tilespmem:$0x1E400] =	vst v63  }
0x87: {  	_ =	swait.ge [sflag:s17], $0x1400  }
0x88: {  	[sflag:s17] =	ssyncset.done $0x0  }
0x89: {  	[sflag:s17] =	ssyncadd.s32 $0xFFFFEC00  }
0x8a: {  	[tilespmem:s16], [sflag:$0x1] =	stream.indirect.gather [hbm4b:s4+s19], $0x80, s30, s19, $0xb8;
	[tilespmem:$0x1E400] =	vst v63  }
0x8b: {  	s31 =	simm.s32 $0x80  }
0x8c: {  	[tilespmem:s20], [sflag:$0x2] =	stream.indirect.gather [hbm4b:s4+s19], $0x80, s31, s19, $0xb8;
	[tilespmem:$0x1E400] =	vst v63  }
0x8d: {  	_ =	swait.ge [sflag:s21], $0x4000  }
0x8e: {  	[sflag:s21] =	ssyncset.done $0x0  }
0x8f: {  	s29 =	simm.s32 $0x1400;
	[sflag:s21] =	ssyncadd.s32 $0xFFFFC000  }
0x90: {  	[spmem:s2] =	stream.indirect.scatter.add.f32 [tilespmem:s16], [sflag:$0x3], $0x80, s29, s19, $0xb8;
	[tilespmem:$0x1E400] =	vst v63  }
0x91: {  	_ =	swait.ge [sflag:s17], $0x4000  }
0x92: {  	[sflag:s17] =	ssyncset.done $0x0  }
0x93: {  	s30 =	simm.s32 $0x100;
	[sflag:s17] =	ssyncadd.s32 $0xFFFFC000  }
0x94: {  	[tilespmem:s16], [sflag:$0x1] =	stream.indirect.gather [hbm4b:s4+s19], $0x80, s30, s19, $0xb8;
	[tilespmem:$0x1E400] =	vst v63  }
0x95: {  	_ =	swait.ge [sflag:s22], $0x4000  }
0x96: {  	[sflag:s22] =	ssyncset.done $0x0  }
0x97: {  	s31 =	simm.s32 $0x1480;
	[sflag:s22] =	ssyncadd.s32 $0xFFFFC000  }
0x98: {  	[spmem:s2] =	stream.indirect.scatter.add.f32 [tilespmem:s20], [sflag:$0x3], $0x80, s31, s19, $0xb8;
	[tilespmem:$0x1E400] =	vst v63  }
0x99: {  	_ =	swait.ge [sflag:s17], $0x4000  }
0x9a: {  	s26 =	simm.s32 $0x100;
	s28 =	simm.s32 $0x800;
	[sflag:s17] =	ssyncset.done $0x0  }
.LBB2_6:
0x9b: {  	s29 =	sadd.s32 $0x80, s26  }
0x9c: {  	[sflag:s17] =	ssyncadd.s32 $0xFFFFC000;
	s30 =	smov.u32 s28;
	s31 =	sadd.s32 $0x400, s28  }
0x9d: {  	[tilespmem:s20], [sflag:$0x2] =	stream.indirect.gather [hbm4b:s4+s19], $0x80, s29, s19, $0xb8;
	[tilespmem:$0x1E400] =	vst v63  }
0x9e: {  	p0 =	sne.s32 s28, $0x4800;
	_ =	swait.ge [sflag:s21], $0x4000  }
0x9f: {  	[sflag:s21] =	ssyncset.done $0x0  }
0xa0: {  	s28 =	sadd.s32 $0x1400, s26;
	[sflag:s21] =	ssyncadd.s32 $0xFFFFC000  }
0xa1: {  	[spmem:s2] =	stream.indirect.scatter.add.f32 [tilespmem:s16], [sflag:$0x3], $0x80, s28, s19, $0xb8;
	[tilespmem:$0x1E400] =	vst v63  }
0xa2: {  	_ =	swait.ge [sflag:s17], $0x4000  }
0xa3: {  	[sflag:s17] =	ssyncset.done $0x0  }
0xa4: {  	s28 =	sadd.s32 $0x100, s26;
	[sflag:s17] =	ssyncadd.s32 $0xFFFFC000  }
0xa5: {  	[tilespmem:s16], [sflag:$0x1] =	stream.indirect.gather [hbm4b:s4+s19], $0x80, s28, s19, $0xb8;
	[tilespmem:$0x1E400] =	vst v63  }
0xa6: {  	_ =	swait.ge [sflag:s22], $0x4000  }
.Ltmp2:
0xa7: {  	[sflag:s22] =	ssyncset.done $0x0;
	(pc) =	sbr.rel @p0 .LBB2_6-.Ltmp2, $4  }
0xa8: {  	s26 =	sadd.s32 $0x1480, s26;
	[sflag:s22] =	ssyncadd.s32 $0xFFFFC000  }
0xa9: {  	[spmem:s2] =	stream.indirect.scatter.add.f32 [tilespmem:s20], [sflag:$0x3], $0x80, s26, s19, $0xb8;
	[tilespmem:$0x1E400] =	vst v63  }
0xaa: {  	_ =	swait.ge [sflag:s17], $0x4000  }
0xab: {  	s28 =	smov.u32 s31;
	s26 =	sshra.s32 s30, $0x2;
	[sflag:s17] =	ssyncset.done $0x0  }
0xac: {  	s28 =	sadd.s32 $0x80, s26;
	[sflag:s17] =	ssyncadd.s32 $0xFFFFC000  }
0xad: {  	[tilespmem:s20], [sflag:$0x2] =	stream.indirect.gather [hbm4b:s4+s19], $0x80, s28, s19, $0xb8;
	[tilespmem:$0x1E400] =	vst v63  }
0xae: {  	_ =	swait.ge [sflag:s21], $0x4000  }
0xaf: {  	[sflag:s21] =	ssyncset.done $0x0  }
0xb0: {  	s30 =	sadd.s32 $0x1400, s26;
	[sflag:s21] =	ssyncadd.s32 $0xFFFFC000  }
0xb1: {  	[spmem:s2] =	stream.indirect.scatter.add.f32 [tilespmem:s16], [sflag:$0x3], $0x80, s30, s19, $0xb8;
	[tilespmem:$0x1E400] =	vst v63  }
0xb2: {  	_ =	swait.ge [sflag:s17], $0x4000  }
0xb3: {  	[sflag:s17] =	ssyncset.done $0x0  }
0xb4: {  	s31 =	sadd.s32 $0x100, s26;
	[sflag:s17] =	ssyncadd.s32 $0xFFFFC000  }
0xb5: {  	[tilespmem:s16], [sflag:$0x1] =	stream.indirect.gather [hbm4b:s4+s19], $0x80, s31, s19, $0xb8;
	[tilespmem:$0x1E400] =	vst v63  }
0xb6: {  	_ =	swait.ge [sflag:s22], $0x4000  }
0xb7: {  	[sflag:s22] =	ssyncset.done $0x0  }
0xb8: {  	s29 =	sadd.s32 $0x1480, s26;
	[sflag:s22] =	ssyncadd.s32 $0xFFFFC000  }
0xb9: {  	[spmem:s2] =	stream.indirect.scatter.add.f32 [tilespmem:s20], [sflag:$0x3], $0x80, s29, s19, $0xb8;
	[tilespmem:$0x1E400] =	vst v63  }
0xba: {  	_ =	swait.ge [sflag:s17], $0x4000  }
0xbb: {  	[sflag:s17] =	ssyncset.done $0x0  }
0xbc: {  	[sflag:s17] =	ssyncadd.s32 $0xFFFFC000  }
0xbd: {  	[tilespmem:s20], [sflag:$0x2] =	stream.indirect.gather [hbm4b:s4+s19], $0x80, s23, s19, $0xb8;
	[tilespmem:$0x1E400] =	vst v63  }
0xbe: {  	_ =	swait.ge [sflag:s21], $0x4000  }
0xbf: {  	[sflag:s21] =	ssyncset.done $0x0  }
0xc0: {  	[sflag:s21] =	ssyncadd.s32 $0xFFFFC000  }
0xc1: {  	[spmem:s2] =	stream.indirect.scatter.add.f32 [tilespmem:s16], [sflag:$0x3], $0x80, s24, s19, $0xb8;
	[tilespmem:$0x1E400] =	vst v63  }
0xc2: {  	_ =	swait.ge [sflag:s17], $0x4000  }
0xc3: {  	[sflag:s17] =	ssyncset.done $0x0  }
0xc4: {  	[sflag:s17] =	ssyncadd.s32 $0xFFFFC000  }
0xc5: {  	_ =	swait.ge [sflag:s22], $0x4000  }
0xc6: {  	[sflag:s22] =	ssyncset.done $0x0  }
0xc7: {  	[sflag:s22] =	ssyncadd.s32 $0xFFFFC000  }
0xc8: {  	[spmem:s2] =	stream.indirect.scatter.add.f32 [tilespmem:s20], [sflag:$0x3], $0x80, s25, s19, $0xb8;
	[tilespmem:$0x1E400] =	vst v63  }
0xc9: {  	_ =	swait.ge [sflag:s17], $0x4000  }
0xca: {  	s3 =	sadd.s32 $0x1, s3;
	s30 =	sshll.u32 s1, $0x6;
	[sflag:s17] =	ssyncset.done $0x0  }
0xcb: {  	p0 =	sne.s32 s3, s11;
	s26 =	sor.u32 $0x1C03, s30;
	[sflag:s17] =	ssyncadd.s32 $0xFFFFC000  }
.Ltmp3:
0xcc: {  	s31 =	sshrl.u32 s5, $0x3;
	[bflag:$0x0] =	sbarrier.arrive $0xFFFF;
	(pc) =	sbr.rel @p0 .LBB2_1-.Ltmp3, $4  }
0xcd: {  	[hbm:s10], [sflag:s26] =	dma.local [spmem:s31], $0x2780  }
0xce: {  	_ =	swait.ge [sflag:s17], $0x2780  }
0xcf: {  	[sflag:s17] =	ssyncset.done $0x0  }
0xd0: {  	[sflag:s17] =	ssyncadd.s32 $0xFFFFD880  }
0xd1: {  	_ =	sfence.sel $0x180000  }
0xd2: {  	[bflag:$0x0] =	sbarrier.arrive $0xFFFF  }
0xd3: {  	p0 =	sne.s32 s1, $0x0;
	_ =	strace $0x9000004D  }
0xd4: {  	s0 =	sadd.s32 @!p0 $0x100000, s0;
	[bflag:$0x2] =	sbarrier.arrive $0xFFFF  }
0xd5: {  	[sflag:s0] =	ssyncadd.tile.s32 @!p0 $0x1;
	_ =	shalt  }
.Lfunc_end2:
_tile_overlayer_lowered:
.L_overlay_start_2:
0xd6: {  	(tag) =	ssettag $0x2  }
0xd7: {  	s0 =	rddreg [dreg:$0x0];
	s2 =	stileid.u32  }
0xd8: {  	s1 =	rddreg [dreg:$0x1];
	p0 =	sne.s32 s2, $0x0  }
0xd9: {  	s3 =	rddreg [dreg:$0x2];
	[bflag:$0x3] =	sbarrier.arrive $0xFFFF;
	s2 =	simm.s32 @!p0 $0x1C03  }
0xda: {  	[timem:s3], [sflag:s2] =	dma.local @!p0 [hbm:s0], s1  }
0xdb: {  	s0 =	simm.s32 @!p0 $0x3  }
0xdc: {  	_ =	swait.ge @!p0 [sflag:s0], s1  }
0xdd: {  	s1 =	ssub.s32 @!p0 $0x0, s1;
	[sflag:s0] =	ssyncset.done @!p0 $0x0  }
0xde: {  	[sflag:s0] =	ssyncadd.s32 @!p0 s1  }
0xdf: {  	[bflag:$0x3] =	sbarrier.arrive $0xFFFF  }
0xe0: {  	_ =	shalt  }

// kernel: kernel.9.cloned.1.call-start
scs
__scs_entry_jumppad:
0x0: {  	(pc) =	sbr.rel $0x88, $3  }
0x1: {  	(tag) =	ssettag $0x0;
	lr =	simm.s32 $0x1  }
0x2: {  	[smem:$0x3F98] =	sst lr;
	_ =	strace $0xD0000000  }
0x3: {  	_ = 	snop  }
0x4: {  	_ = 	snop  }
0x5: {  	_ = 	snop  }
0x6: {  	_ = 	snop  }
0x7: {  	_ = 	snop  }
__scs_overlays_trampoline_lowered:
0x8: {  	[smem:$0x3FA7] =	sst s0  }
0x9: {  	[smem:$0x3FA8] =	sst s1  }
0xa: {  	[smem:$0x3FA9] =	sst s2  }
0xb: {  	[smem:$0x3FAA] =	sst s3  }
0xc: {  	[smem:$0x3FAB] =	sst s4  }
0xd: {  	[smem:$0x3FAC] =	sst s5  }
0xe: {  	[smem:$0x3FAD] =	sst s6  }
0xf: {  	[smem:$0x3FAE] =	sst s7  }
0x10: {  	[smem:$0x3FAF] =	sst s8  }
0x11: {  	[smem:$0x3FB0] =	sst s9;
	s0 =	simm.s32 @!p0 $0x0  }
0x12: {  	s1 =	sld [smem:$0x3F96];
	s0 =	simm.s32 @p0 $0x1  }
0x13: {  	[smem:$0x3FB1] =	sst s0;
	s0 =	simm.s32 @!p1 $0x0  }
0x14: {  	s2 =	sld [smem:$0x3F95];
	s0 =	simm.s32 @p1 $0x1  }
0x15: {  	[smem:$0x3FB2] =	sst s0;
	s0 =	simm.s32 @!p2 $0x0  }
0x16: {  	s3 =	sld [smem:$0x3FDB];
	s0 =	simm.s32 @p2 $0x1  }
0x17: {  	s4 =	simm.s32 $0x1BF5;
	[smem:$0x3FB4] =	sst s0  }
0x18: {  	s0 =	sld [smem:$0x3F97];
	_ =	swait.ge [sflag:s4], $0x0  }
0x19: {  	s7 =	sld [smem:$0x3F98]  }
0x1a: {  	s8 =	sadd.s32 $0xFFFFE003, lr  }
0x1b: {  	s9 =	sadd.s32 $0xFFFFFEF7, lr;
	s5 =	simm.s32 $0xFFFFFFFF;
	p2 =	slt.u32 s8, $0xFFFFF086  }
0x1c: {  	p1 =	slt.u32 s9, $0xF7A;
	s5 =	simm.s32 @!p2 $0x0  }
0x1d: {  	s5 =	simm.s32 @p1 $0x1;
	p0 =	seq.s32 s7, s2  }
0x1e: {  	s7 =	smul.u32 @!p0 $0xF7A, s2;
	p2 =	seq.s32 @!p0 s5, $0x0  }
0x1f: {  	s9 =	smul.u32 $0xF7A, s1;
	s8 =	simm.s32 @!p0 $0x1BF5;
	p2 =	por !p2, p0  }
0x20: {  	[sflag:s8] =	ssyncset.s32 @!p0 $0xFFFFF086;
	s6 =	sadd.s32 @!p0 s3, s7;
	s7 =	simm.s32 @!p0 $0x108  }
0x21: {  	s3 =	sadd.s32 s3, s9;
	s6 =	sadd.s32 @!p0 $0x88, s6;
	s7 =	simm.s32 @p2 $0x1082  }
0x22: {  	[simem:s7], [sflag:s8] =	dma.local @!p0 [hbm:s6], $0xF7A  }
0x23: {  	s9 =	sor.u32 $0xD0000000, s2;
	s6 =	simm.s32 $0x108;
	_ =	swait.ge @!p0 [sflag:s8], $0x0  }
0x24: {  	s3 =	sadd.s32 $0x88, s3;
	s6 =	simm.s32 @!p1 $0x1082;
	[sflag:s4] =	ssyncset.s32 $0xFFFFF086  }
0x25: {  	[simem:s6], [sflag:s4] =	dma.local [hbm:s3], $0xF7A  }
0x26: {  	[smem:$0x3F98] =	sst s1;
	(tag) =	ssettag s2;
	_ =	strace s9  }
0x27: {  	s1 =	sld [smem:$0x3FA8]  }
0x28: {  	s2 =	sld [smem:$0x3FA9]  }
0x29: {  	s4 =	sld [smem:$0x3FAB]  }
0x2a: {  	p0 =	seq.s32 s5, $0x0;
	s5 =	sld [smem:$0x3FAC]  }
0x2b: {  	s6 =	sld [smem:$0x3FAD]  }
0x2c: {  	s7 =	sld [smem:$0x3FAE]  }
0x2d: {  	s3 =	simm.s32 $0x108;
	s8 =	sld [smem:$0x3FAF]  }
0x2e: {  	s3 =	simm.s32 @!p0 $0x1082;
	s9 =	sld [smem:$0x3FB0]  }
0x2f: {  	lr =	sadd.s32 s0, s3;
	s0 =	sld [smem:$0x3FA7]  }
0x30: {  	s3 =	sld [smem:$0x3FAA]  }
0x31: {  	[smem:$0x3FB3] =	sst s10  }
0x32: {  	s10 =	sld [smem:$0x3FB1];
	_ =	sdelay $0x3  }
0x33: {  	p0 =	seq.s32 s10, $0x1;
	s10 =	sld [smem:$0x3FB3];
	_ =	sdelay $0x3  }
0x34: {  	[smem:$0x3FB3] =	sst s10  }
0x35: {  	s10 =	sld [smem:$0x3FB2];
	_ =	sdelay $0x3  }
0x36: {  	p1 =	seq.s32 s10, $0x1;
	s10 =	sld [smem:$0x3FB3];
	_ =	sdelay $0x3  }
0x37: {  	[smem:$0x3FB3] =	sst s10  }
0x38: {  	s10 =	sld [smem:$0x3FB4]  }
0x39: {  	_ = 	snop;
	(pc) =	sbr.ind lr, $3  }
0x3a: {  	_ = 	snop  }
0x3b: {  	_ = 	snop  }
0x3c: {  	p2 =	seq.s32 s10, $0x1;
	s10 =	sld [smem:$0x3FB3]  }
0x3d: {  	_ =	shalt  }
0x3e: {  	_ =	shalt  }
0x3f: {  	_ =	shalt  }
0x40: {  	_ =	shalt  }
0x41: {  	_ =	shalt  }
0x42: {  	_ =	shalt  }
0x43: {  	_ =	shalt  }
0x44: {  	_ =	shalt  }
0x45: {  	_ =	shalt  }
0x46: {  	_ =	shalt  }
0x47: {  	_ =	shalt  }
0x48: {  	_ =	shalt  }
0x49: {  	_ =	shalt  }
0x4a: {  	_ =	shalt  }
0x4b: {  	_ =	shalt  }
0x4c: {  	_ =	shalt  }
0x4d: {  	_ =	shalt  }
0x4e: {  	_ =	shalt  }
0x4f: {  	_ =	shalt  }
0x50: {  	_ =	shalt  }
0x51: {  	_ =	shalt  }
0x52: {  	_ =	shalt  }
0x53: {  	_ =	shalt  }
0x54: {  	_ =	shalt  }
0x55: {  	_ =	shalt  }
0x56: {  	_ =	shalt  }
0x57: {  	_ =	shalt  }
0x58: {  	_ =	shalt  }
0x59: {  	_ =	shalt  }
0x5a: {  	_ =	shalt  }
0x5b: {  	_ =	shalt  }
0x5c: {  	_ =	shalt  }
0x5d: {  	_ =	shalt  }
0x5e: {  	_ =	shalt  }
0x5f: {  	_ =	shalt  }
0x60: {  	_ =	shalt  }
0x61: {  	_ =	shalt  }
0x62: {  	_ =	shalt  }
0x63: {  	_ =	shalt  }
0x64: {  	_ =	shalt  }
0x65: {  	_ =	shalt  }
0x66: {  	_ =	shalt  }
0x67: {  	_ =	shalt  }
0x68: {  	_ =	shalt  }
0x69: {  	_ =	shalt  }
0x6a: {  	_ =	shalt  }
0x6b: {  	_ =	shalt  }
0x6c: {  	_ =	shalt  }
0x6d: {  	_ =	shalt  }
0x6e: {  	_ =	shalt  }
0x6f: {  	_ =	shalt  }
0x70: {  	_ =	shalt  }
0x71: {  	_ =	shalt  }
0x72: {  	_ =	shalt  }
0x73: {  	_ =	shalt  }
0x74: {  	_ =	shalt  }
0x75: {  	_ =	shalt  }
0x76: {  	_ =	shalt  }
0x77: {  	_ =	shalt  }
0x78: {  	_ =	shalt  }
0x79: {  	_ =	shalt  }
0x7a: {  	_ =	shalt  }
0x7b: {  	_ =	shalt  }
0x7c: {  	_ =	shalt  }
0x7d: {  	_ =	shalt  }
0x7e: {  	_ =	shalt  }
0x7f: {  	_ =	shalt  }
0x80: {  	_ =	shalt  }
0x81: {  	_ =	shalt  }
0x82: {  	_ =	shalt  }
0x83: {  	_ =	shalt  }
0x84: {  	_ =	shalt  }
0x85: {  	_ =	shalt  }
0x86: {  	_ =	shalt  }
0x87: {  	_ =	shalt  }
.Lfunc_end0:
.L_simem_size_0:
called_computation_lowered:
.L_overlay_start_0:
0x88: {  	s2 =	sld [smem:$0x3FD9]  }
0x89: {  	s3 =	sld [smem:$0x3FFE];
	_ =	sdelay $0x1  }
0x8a: {  	s1 =	srdreg.scid  }
0x8b: {  	s0 =	sand.u32 $0x1, s1  }
0x8c: {  	s16 =	sshll.u32 s0, $0xA;
	s2 =	sadd.s32 s3, s2  }
0x8d: {  	s2 =	sadd.s32 s2, s16  }
0x8e: {  	[smem:$0x3FBF] =	sst s2  }
0x8f: {  	_ = 	snop  }
0x90: {  	(tm) =	ssettm $0x1  }
0x91: {  	s17 =	sld [smem:$0x3FFB];
	_ =	sdelay $0x3  }
0x92: {  	_ =	strace s17  }
0x93: {  	s2 =	sld [smem:$0x3FFC];
	_ =	sdelay $0x3  }
0x94: {  	_ =	strace s2  }
0x95: {  	s2 =	sld [smem:$0x3FFD];
	_ =	sdelay $0x3  }
0x96: {  	_ =	strace s2  }
0x97: {  	_ =	strace $0x8FFFFFFF  }
0x98: {  	s18 =	sld [smem:$0x3FDB];
	_ =	sdelay $0x1  }
0x99: {  	s19 =	simm.s32 $_scs_section_size  }
0x9a: {  	s4 =	simm.s32 $_size__tile_overlayer_lowered;
	s5 =	simm.s32 $_tile_overlayer_lowered  }
0x9b: {  	s22 =	simm.s32 $0x1BFF;
	s21 =	sshll.u32 s5, $0x1;
	s2 =	sadd.s32 s19, s18  }
0x9c: {  	s6 =	simm.s32 $0x0;
	s20 =	sshll.u32 s4, $0x1;
	s4 =	sadd.s32 s21, s2  }
0x9d: {  	[timem:s6], [sflag:s22] =	dma.local [hbm:s4], s20  }
0x9e: {  	_ =	swait.ge [sflag:s22], s20  }
0x9f: {  	s3 =	ssub.s32 $0x0, s20;
	[sflag:s22] =	ssyncset.done $0x0  }
0xa0: {  	[sflag:s22] =	ssyncadd.s32 s3;
	_ =	sdelay $0x1  }
0xa1: {  	s23 =	simm.s32 $0x1B8B  }
0xa2: {  	_ =	swait.ge [sflag:s23], $0x1  }
0xa3: {  	[sflag:s23] =	ssyncset.done $0x0  }
0xa4: {  	s25 =	simm.s32 $0x1B8E;
	s24 =	sld [smem:$0x3FFE];
	[sflag:s23] =	ssyncadd.s32 $0xFFFFFFFF  }
0xa5: {  	s26 =	simm.s32 $execute0_lowered;
	[smem:$0x3FD2] =	sst s25  }
0xa6: {  	s4 =	sshll.u32 s26, $0x1;
	_ =	strace $0x80000046;
	[dreg:$0x1] =	wrdreg $0xFFFFFFFF  }
0xa7: {  	s28 =	simm.s32 $_size_execute0_lowered;
	s2 =	sadd.s32 s2, s4;
	[dreg:$0x0] =	wrdreg $0x0  }
0xa8: {  	s4 =	sshll.u32 s28, $0x1;
	[dreg:$0x2] =	wrdreg s2  }
0xa9: {  	[dreg:$0x3] =	wrdreg s4  }
0xaa: {  	[dreg:$0x4] =	wrdreg $0xC0  }
0xab: {  	_ =	task [dreg:s6], $0x5FFFF  }
0xac: {  	[dreg:$0x1] =	wrdreg $0xFFFFFFFF  }
0xad: {  	[dreg:$0x0] =	wrdreg $0x60  }
0xae: {  	[dreg:$0x2] =	wrdreg s24  }
0xaf: {  	[dreg:$0x3] =	wrdreg $0x68800  }
0xb0: {  	[dreg:$0x4] =	wrdreg $0x9  }
0xb1: {  	_ =	task.clear_ibuf [dreg:s6], $0x5FFFF;
	_ =	strace $0x90000046  }
0xb2: {  	s29 =	simm.s32 $0x9;
	_ =	strace $0x80000048  }
0xb3: {  	_ =	swait.ge [sflag:s29], $0x1  }
0xb4: {  	[sflag:s29] =	ssyncadd.s32 $0xFFFFFFFF  }
0xb5: {  	_ =	strace $0x90000048  }
0xb6: {  	_ =	sfence  }
0xb7: {  	s30 =	sld [smem:$0x0];
	_ =	sdelay $0x2  }
0xb8: {  	s31 =	sshll.u32 s1, $0xD;
	s1 =	sshrl.u32 s1, $0x2  }
0xb9: {  	s3 =	sand.u32 $0x4000, s31;
	s1 =	sadd.s32 s1, s30  }
0xba: {  	s0 =	sor.u32 s3, s0;
	s1 =	sshll.u32 s1, $0x11  }
0xbb: {  	s0 =	sor.u32 s1, s0  }
0xbc: {  	s0 =	sadd.s32 $0x8F2B, s0  }
0xbd: {  	[sflag:s0] =	ssyncadd.remote.s32 $0x1  }
0xbe: {  	_ =	sfence.sel $0xFFFF  }
0xbf: {  	[dreg:$0x0] =	wrdreg $0xFFFFFFFF;
	(pc) =	sbr.abs _section_cstart, $3  }
0xc0: {  	[dreg:$0x1] =	wrdreg $0xFFFFFFFF  }
0xc1: {  	_ =	task.clear_ibuf [dreg:s6], $0x2FFFF;
	_ =	strace $0x9FFFFFFF  }
0xc2: {  	(tm) =	ssettm $0x7FFFFFFF  }
0xc3: {  	_ =	shalt  }
tec
execute0_lowered:
.L_overlay_start_1:
0x0: {  	(tag) =	ssettag $0x1  }
0x1: {  	s0 =	srdreg.scid;
	s4 =	rddreg [dreg:$0x0]  }
0x2: {  	s2 =	rddreg [dreg:$0x1];
	s1 =	stileid.u32;
	s3 =	simm.s32 $0x0  }
0x3: {  	s10 =	simm.s32 $0x80;
	s5 =	sand.u32 $0x1, s0;
	s0 =	rddreg [dreg:$0x2]  }
0x4: {  	s11 =	simm.s32 $0x6800;
	[smem:$0x7FF] =	sst s3;
	s7 =	sshll.u32 s1, $0x7  }
0x5: {  	s30 =	sshll.u32 s1, $0xA;
	s12 =	sshll.u32 s1, $0x6;
	s6 =	sshll.u32 s5, $0x4  }
0x6: {  	_ =	strace $0x80000047;
	s8 =	ssub.s32 $0x2, s5;
	s7 =	sadd.s32 s7, s4  }
0x7: {  	s9 =	sshll.u32 s5, $0xB;
	s6 =	sor.u32 s1, s6;
	s29 =	sshrl.u32 s8, $0x1  }
0x8: {  	v0 =	vlaneseq.u32;
	s12 =	sor.u32 $0x1C01, s12;
	s6 =	smul.u32 $0x500, s6;
	s8 =	ssub.s32 s8, s29  }
0x9: {  	v1 =	vimm.f32 $0.0e+00;
	v9 =	vimm.f32 $1.000000000e+00;
	v2 =	vor.u32 $0x10, v0;
	s31 =	sadd.s32 s9, s7;
	s9 =	simm.s32 $0x1;
	s7 =	smax.u32 s8, $0x1  }
0xa: {  	v3 =	vor.u32 $0x20, v0;
	v4 =	vor.u32 $0x30, v0;
	v5 =	vor.u32 $0x40, v0;
	s8 =	simm.s32 $0x2800;
	s6 =	sadd.s32 s6, s4;
	s4 =	sadd.s32 s30, s2  }
0xb: {  	v6 =	vor.u32 $0x50, v0;
	v7 =	vor.u32 $0x60, v0;
	v8 =	vor.u32 $0x70, v0;
	s5 =	sadd.s32 $0xD400, s6;
	s6 =	sadd.s32 $0x17400, s31;
	s13 =	sshrl.u32 s4, $0x3  }
.LBB2_1:
0xc: {  	s14 =	simm.s32 $0x0;
	s15 =	simm.s32 $0x200  }
.LBB2_2:
0xd: {  	p0 =	sne.s32 s15, $0xFE00;
	[tilespmem:s14+$0x2870] =	vst v1  }
0xe: {  	[tilespmem:s14+$0x2800] =	vst v1  }
0xf: {  	[tilespmem:s14+$0x2810] =	vst v1  }
.Ltmp0:
0x10: {  	[tilespmem:s14+$0x2820] =	vst v1;
	(pc) =	sbr.rel @p0 .LBB2_2-.Ltmp0, $4  }
0x11: {  	[tilespmem:s14+$0x2830] =	vst v1  }
0x12: {  	[tilespmem:s14+$0x2840] =	vst v1  }
0x13: {  	[tilespmem:s14+$0x2850] =	vst v1  }
0x14: {  	[tilespmem:s14+$0x2860] =	vst v1;
	s14 =	sshra.s32 s15, $0x2;
	s15 =	sadd.s32 $0x200, s15  }
0x15: {  	[tilespmem:s14+$0x2870] =	vst v1  }
0x16: {  	[tilespmem:s14+$0x2800] =	vst v1  }
0x17: {  	[tilespmem:s14+$0x2810] =	vst v1  }
0x18: {  	[tilespmem:s14+$0x2820] =	vst v1  }
0x19: {  	[tilespmem:s14+$0x2830] =	vst v1  }
0x1a: {  	[tilespmem:s14+$0x2840] =	vst v1  }
0x1b: {  	[tilespmem:s14+$0x2850] =	vst v1  }
0x1c: {  	[tilespmem:s14+$0x2860] =	vst v1  }
0x1d: {  	[tilespmem:$0x6800] =	vst v0  }
0x1e: {  	[tilespmem:$0x6810] =	vst v2  }
0x1f: {  	[tilespmem:$0x6820] =	vst v3  }
0x20: {  	[tilespmem:$0x6830] =	vst v4  }
0x21: {  	[tilespmem:$0x6840] =	vst v5  }
0x22: {  	[tilespmem:$0x6850] =	vst v6  }
0x23: {  	[tilespmem:$0x6860] =	vst v7  }
0x24: {  	[tilespmem:$0x6870] =	vst v8  }
0x25: {  	[spmem:s4] =	stream.linear.scatter [tilespmem:s8], [sflag:$0x1], $0x400, $0x38;
	[tilespmem:$0x6C80] =	vst v63  }
0x26: {  	_ =	swait.ge [sflag:s9], $0x400  }
0x27: {  	[sflag:s9] =	ssyncset.done $0x0  }
0x28: {  	s14 =	simm.s32 $0x0;
	[sflag:s9] =	ssyncadd.s32 $0xFFFFFC00  }
0x29: {  	[tilespmem:s14], [sflag:$0x1] =	stream.linear.gather [hbm4b:s5+s14], $0x2800, $0x38;
	[tilespmem:$0x6C80] =	vst v63  }
0x2a: {  	_ =	swait.ge [sflag:s9], $0x2800  }
0x2b: {  	[sflag:s9] =	ssyncset.done $0x0  }
0x2c: {  	[sflag:s9] =	ssyncadd.s32 $0xFFFFD800  }
.LBB2_4:
0x2d: {  	s15 =	sshra.s32 s14, $0x2  }
0x2e: {  	v10 =	vld [tilespmem:s15+$0x0];
	_ =	sdelay $0x7  }
0x2f: {  	[tilespmem:v10+s8+$0x0] =	vst.idx.add.f32.msk $0xffff, v9  }
0x30: {  	v10 =	vld [tilespmem:s15+$0x10];
	_ =	sdelay $0x7  }
0x31: {  	[tilespmem:v10+s8+$0x0] =	vst.idx.add.f32.msk $0xffff, v9  }
0x32: {  	v10 =	vld [tilespmem:s15+$0x20];
	_ =	sdelay $0x7  }
0x33: {  	[tilespmem:v10+s8+$0x0] =	vst.idx.add.f32.msk $0xffff, v9  }
0x34: {  	v10 =	vld [tilespmem:s15+$0x30];
	_ =	sdelay $0x7  }
0x35: {  	[tilespmem:v10+s8+$0x0] =	vst.idx.add.f32.msk $0xffff, v9  }
0x36: {  	v10 =	vld [tilespmem:s15+$0x40];
	_ =	sdelay $0x7  }
0x37: {  	[tilespmem:v10+s8+$0x0] =	vst.idx.add.f32.msk $0xffff, v9  }
0x38: {  	v10 =	vld [tilespmem:s15+$0x50];
	_ =	sdelay $0x7  }
0x39: {  	[tilespmem:v10+s8+$0x0] =	vst.idx.add.f32.msk $0xffff, v9  }
0x3a: {  	v10 =	vld [tilespmem:s15+$0x60];
	_ =	sdelay $0x7  }
0x3b: {  	[tilespmem:v10+s8+$0x0] =	vst.idx.add.f32.msk $0xffff, v9  }
0x3c: {  	v10 =	vld [tilespmem:s15+$0x70];
	_ =	sdelay $0x2  }
0x3d: {  	p0 =	sne.s32 s14, $0x9E00  }
.Ltmp1:
0x3e: {  	_ = 	snop;
	(pc) =	sbr.rel @p0 .LBB2_4-.Ltmp1, $2  }
0x3f: {  	_ =	sdelay $0x2  }
0x40: {  	s14 =	sadd.s32 $0x200, s14;
	[tilespmem:v10+s8+$0x0] =	vst.idx.add.f32.msk $0xffff, v9  }
0x41: {  	[bflag:$0x0] =	sbarrier.arrive $0xFFFF  }
0x42: {  	[spmem:s2] =	stream.indirect.scatter.add.f32 [tilespmem:s8], [sflag:$0x1], $0x80, s11, s10, $0xb8;
	[tilespmem:$0x6C80] =	vst v63  }
0x43: {  	_ =	swait.ge [sflag:s9], $0x4000  }
0x44: {  	s3 =	sadd.s32 $0x1, s3;
	[sflag:s9] =	ssyncset.done $0x0  }
0x45: {  	p0 =	sne.s32 s3, s7;
	[sflag:s9] =	ssyncadd.s32 $0xFFFFC000  }
.Ltmp2:
0x46: {  	[bflag:$0x0] =	sbarrier.arrive $0xFFFF;
	(pc) =	sbr.rel @p0 .LBB2_1-.Ltmp2, $4  }
0x47: {  	[hbm:s6], [sflag:s12] =	dma.local [spmem:s13], $0x80  }
0x48: {  	_ =	swait.ge [sflag:s9], $0x80  }
0x49: {  	[sflag:s9] =	ssyncset.done $0x0  }
0x4a: {  	[sflag:s9] =	ssyncadd.s32 $0xFFFFFF80  }
0x4b: {  	_ =	sfence.sel $0x180000  }
0x4c: {  	[bflag:$0x0] =	sbarrier.arrive $0xFFFF  }
0x4d: {  	p0 =	sne.s32 s1, $0x0;
	_ =	strace $0x90000047  }
0x4e: {  	s0 =	sadd.s32 @!p0 $0x100000, s0;
	[bflag:$0x2] =	sbarrier.arrive $0xFFFF  }
0x4f: {  	[sflag:s0] =	ssyncadd.tile.s32 @!p0 $0x1;
	_ =	shalt  }
.Lfunc_end2:
_tile_overlayer_lowered:
.L_overlay_start_2:
0x50: {  	(tag) =	ssettag $0x2  }
0x51: {  	s0 =	rddreg [dreg:$0x0];
	s2 =	stileid.u32  }
0x52: {  	s1 =	rddreg [dreg:$0x1];
	p0 =	sne.s32 s2, $0x0  }
0x53: {  	s3 =	rddreg [dreg:$0x2];
	[bflag:$0x3] =	sbarrier.arrive $0xFFFF;
	s2 =	simm.s32 @!p0 $0x1C01  }
0x54: {  	[timem:s3], [sflag:s2] =	dma.local @!p0 [hbm:s0], s1  }
0x55: {  	s0 =	simm.s32 @!p0 $0x1  }
0x56: {  	_ =	swait.ge @!p0 [sflag:s0], s1  }
0x57: {  	s1 =	ssub.s32 @!p0 $0x0, s1;
	[sflag:s0] =	ssyncset.done @!p0 $0x0  }
0x58: {  	[sflag:s0] =	ssyncadd.s32 @!p0 s1  }
0x59: {  	[bflag:$0x3] =	sbarrier.arrive $0xFFFF  }
0x5a: {  	_ =	shalt  }

</sc_bundles>
